<compile_context>
chip_gen: v7x
topology: tpu7x:2x2x1
jax: 0.10.2.dev20260603
libtpu: 0.0.44.dev20260713+nightly
codegen_flags: <defaults>
</compile_context>

<pallas_src>
import functools

import jax
import jax.numpy as jnp
from jax import lax
from jax.experimental import pallas as pl
from jax.experimental.pallas import tpu as pltpu
from jax.experimental.pallas import tpu_sc as plsc

N = 10000
NPAD = 10240
D = 128
E = 320000
ET = E + N
NC = 2
NS = 16
CHUNK = 128
CPT = 81
CAP = NC * NS * CPT * CHUNK
ROWS_PER_TILE_PAD = NPAD // NS
ALPHA = 0.1
K = 10
RB = 2000

_f32 = jnp.float32



def _sc_mesh():
    return plsc.VectorSubcoreMesh(core_axis_name="c", subcore_axis_name="s")


def _make_propagate():

    @functools.partial(
        pl.kernel,
        mesh=_sc_mesh(),
        out_type=jax.ShapeDtypeStruct((NC, NPAD, D), _f32),
        scratch_types=[
            pltpu.VMEM((CHUNK,), jnp.int32),
            pltpu.VMEM((CHUNK,), jnp.int32),
            pltpu.VMEM((CHUNK, D), _f32),
            pltpu.VMEM_SHARED((NPAD, D), _f32),
            pltpu.SemaphoreType.DMA,
        ],
    )
    def propagate(g_hbm, rows_hbm, cols_hbm, zeros_hbm, acc_hbm,
                  idx_v, cidx_v, buf_v, acc_sh, sem):
        cid = lax.axis_index("c")
        sid = lax.axis_index("s")
        pltpu.sync_copy(zeros_hbm,
                        acc_sh.at[pl.ds(sid * ROWS_PER_TILE_PAD,
                                        ROWS_PER_TILE_PAD)])
        plsc.subcore_barrier()

        def body(c, carry):
            pltpu.sync_copy(rows_hbm.at[cid, sid, c], idx_v)
            h = pltpu.async_copy(g_hbm.at[idx_v], buf_v, sem)
            pltpu.sync_copy(cols_hbm.at[cid, sid, c], cidx_v)
            h.wait()
            pltpu.sync_copy(buf_v, acc_sh.at[cidx_v], add=True)
            return carry

        lax.fori_loop(0, CPT, body, 0)
        plsc.subcore_barrier()
        pltpu.sync_copy(
            acc_sh.at[pl.ds(sid * ROWS_PER_TILE_PAD, ROWS_PER_TILE_PAD)],
            acc_hbm.at[cid, pl.ds(sid * ROWS_PER_TILE_PAD,
                                  ROWS_PER_TILE_PAD)])

    return propagate


def _make_degree():

    @functools.partial(
        pl.kernel,
        mesh=_sc_mesh(),
        out_type=jax.ShapeDtypeStruct((NC, NPAD, 16), _f32),
        scratch_types=[
            pltpu.VMEM((CHUNK,), jnp.int32),
            pltpu.VMEM((CHUNK, 16), _f32),
            pltpu.VMEM_SHARED((NPAD, 16), _f32),
        ],
    )
    def degree(cols_hbm, ones_hbm, zeros_hbm, deg_hbm,
               cidx_v, ones_v, deg_sh):
        cid = lax.axis_index("c")
        sid = lax.axis_index("s")
        pltpu.sync_copy(ones_hbm, ones_v)
        pltpu.sync_copy(zeros_hbm,
                        deg_sh.at[pl.ds(sid * ROWS_PER_TILE_PAD,
                                        ROWS_PER_TILE_PAD)])
        plsc.subcore_barrier()

        def body(c, carry):
            pltpu.sync_copy(cols_hbm.at[cid, sid, c], cidx_v)
            pltpu.sync_copy(ones_v, deg_sh.at[cidx_v], add=True)
            return carry

        lax.fori_loop(0, CPT, body, 0)
        plsc.subcore_barrier()
        pltpu.sync_copy(
            deg_sh.at[pl.ds(sid * ROWS_PER_TILE_PAD, ROWS_PER_TILE_PAD)],
            deg_hbm.at[cid, pl.ds(sid * ROWS_PER_TILE_PAD,
                                  ROWS_PER_TILE_PAD)])

    return degree



def _mlp_call(x, w1t, b1r, w2t, b2r, degp):
    def body(x_ref, w1_ref, b1_ref, w2_ref, b2_ref, dg_ref, h0_ref, g0_ref):
        h1 = jnp.dot(x_ref[...], w1_ref[...],
                     preferred_element_type=_f32) + b1_ref[...]
        h1 = jnp.maximum(h1, 0.0)
        h2 = jnp.dot(h1, w2_ref[...],
                     preferred_element_type=_f32) + b2_ref[...]
        deg = dg_ref[0, :, 0:1] + dg_ref[1, :, 0:1]
        h0_ref[...] = h2
        g0_ref[...] = h2 * lax.rsqrt(deg)

    return pl.pallas_call(
        body,
        grid=(N // RB,),
        in_specs=[
            pl.BlockSpec((RB, D), lambda i: (i, 0)),
            pl.BlockSpec((D, D), lambda i: (0, 0)),
            pl.BlockSpec((1, D), lambda i: (0, 0)),
            pl.BlockSpec((D, D), lambda i: (0, 0)),
            pl.BlockSpec((1, D), lambda i: (0, 0)),
            pl.BlockSpec((NC, RB, 16), lambda i: (0, i, 0)),
        ],
        out_specs=[pl.BlockSpec((RB, D), lambda i: (i, 0)),
                   pl.BlockSpec((RB, D), lambda i: (i, 0))],
        out_shape=[jax.ShapeDtypeStruct((N, D), _f32),
                   jax.ShapeDtypeStruct((N, D), _f32)],
    )(x, w1t, b1r, w2t, b2r, degp)


def _update_call(acc, degp, g0):
    def body(acc_ref, dg_ref, g0_ref, g_ref):
        deg = dg_ref[0, :, 0:1] + dg_ref[1, :, 0:1]
        s = acc_ref[0] + acc_ref[1]
        g_ref[...] = ((1.0 - ALPHA) / deg) * s + ALPHA * g0_ref[...]

    return pl.pallas_call(
        body,
        grid=(N // RB,),
        in_specs=[
            pl.BlockSpec((NC, RB, D), lambda i: (0, i, 0)),
            pl.BlockSpec((NC, RB, 16), lambda i: (0, i, 0)),
            pl.BlockSpec((RB, D), lambda i: (i, 0)),
        ],
        out_specs=pl.BlockSpec((RB, D), lambda i: (i, 0)),
        out_shape=jax.ShapeDtypeStruct((N, D), _f32),
    )(acc, degp, g0)


def _final_call(acc, degp, h0):
    def body(acc_ref, dg_ref, h0_ref, o_ref):
        deg = dg_ref[0, :, 0:1] + dg_ref[1, :, 0:1]
        s = acc_ref[0] + acc_ref[1]
        h = (1.0 - ALPHA) * lax.rsqrt(deg) * s + ALPHA * h0_ref[...]
        m = jnp.max(h, axis=1, keepdims=True)
        ex = jnp.exp(h - m)
        o_ref[...] = h - m - jnp.log(jnp.sum(ex, axis=1, keepdims=True))

    return pl.pallas_call(
        body,
        grid=(N // RB,),
        in_specs=[
            pl.BlockSpec((NC, RB, D), lambda i: (0, i, 0)),
            pl.BlockSpec((NC, RB, 16), lambda i: (0, i, 0)),
            pl.BlockSpec((RB, D), lambda i: (i, 0)),
        ],
        out_specs=pl.BlockSpec((RB, D), lambda i: (i, 0)),
        out_shape=jax.ShapeDtypeStruct((N, D), _f32),
    )(acc, degp, h0)



def kernel(x, edge_index, W1, b1, W2, b2):
    row = edge_index[0]
    col = edge_index[1]
    loop = jnp.arange(N, dtype=jnp.int32)
    rows = jnp.concatenate([row, loop,
                            jnp.zeros((CAP - ET,), jnp.int32)])
    cols = jnp.concatenate([col, loop,
                            jnp.full((CAP - ET,), N, jnp.int32)])
    rows_a = rows.reshape(NC, NS, CPT, CHUNK)
    cols_a = cols.reshape(NC, NS, CPT, CHUNK)

    zeros_d = jnp.zeros((ROWS_PER_TILE_PAD, D), _f32)
    zeros16 = jnp.zeros((ROWS_PER_TILE_PAD, 16), _f32)
    ones16 = jnp.ones((CHUNK, 16), _f32)

    degree = _make_degree()
    propagate = _make_propagate()

    degp = degree(cols_a, ones16, zeros16)
    h0, g0 = _mlp_call(x, W1.T, b1.reshape(1, D), W2.T, b2.reshape(1, D),
                       degp)

    g = g0
    for _ in range(K - 1):
        acc = propagate(g, rows_a, cols_a, zeros_d)
        g = _update_call(acc, degp, g0)
    acc = propagate(g, rows_a, cols_a, zeros_d)
    return _final_call(acc, degp, h0)

# --- scband reference (transcript-rebuilt; emitter-appended) ---
"""Pipeline reference for scband-appnp-16286515986694 (READ-ONLY COPY).

The authoritative reference and input builder live on the scoring server;
editing this copy changes nothing except your own understanding.
"""

import jax, jax.numpy as jnp
import numpy as np

N = 10000
E = 320000
D_IN = 128
D_HID = 128
D_OUT = 128
K = 10
ALPHA = 0.1


def setup_inputs(seed: int = 0) -> dict:
    key = jax.random.key(seed)
    k1, k2, k3, k4, k5, k6 = jax.random.split(key, 6)
    x = jax.random.normal(k1, (N, D_IN), dtype=jnp.float32)
    edge_index = jax.random.randint(k2, (2, E), 0, N, dtype=jnp.int32)
    # Linear layer params (torch Linear: y = x @ W.T + b), kaiming-ish init
    W1 = jax.random.normal(k3, (D_HID, D_IN), dtype=jnp.float32) * (1.0 / np.sqrt(D_IN))
    b1 = jax.random.normal(k4, (D_HID,), dtype=jnp.float32) * 0.01
    W2 = jax.random.normal(k5, (D_OUT, D_HID), dtype=jnp.float32) * (1.0 / np.sqrt(D_HID))
    b2 = jax.random.normal(k6, (D_OUT,), dtype=jnp.float32) * 0.01
    return {"x": x, "edge_index": edge_index, "W1": W1, "b1": b1, "W2": W2, "b2": b2}


def reference(x, edge_index, W1, b1, W2, b2):
    # eval mode: dropout is identity
    h = jax.nn.relu(x @ W1.T + b1)
    h = h @ W2.T + b2
    # APPNP propagation with GCN normalization (add self loops, symmetric norm)
    row = edge_index[0]
    col = edge_index[1]
    loop = jnp.arange(N, dtype=edge_index.dtype)
    row = jnp.concatenate([row, loop])
    col = jnp.concatenate([col, loop])
    w = jnp.ones(row.shape[0], dtype=h.dtype)
    deg = jnp.zeros((N,), dtype=h.dtype).at[col].add(w)
    dinv = jnp.where(deg > 0, 1.0 / jnp.sqrt(deg), 0.0)
    norm = dinv[row] * dinv[col]
    h0 = h
    for _ in range(K):
        msg = h[row] * norm[:, None]
        agg = jnp.zeros((N, h.shape[1]), dtype=h.dtype).at[col].add(msg)
        h = (1.0 - ALPHA) * agg + ALPHA * h0
    return jax.nn.log_softmax(h, axis=1)

if __name__ == "__main__":
    import jax
    _d = setup_inputs()
    print(jax.jit(kernel)(*tuple(_d.values())))

</pallas_src>

<mosaic_0001>
#map = affine_map<(d0, d1) -> (0, 0)>
#map1 = affine_map<(d0, d1) -> (0, 0, 0, 0)>
#map2 = affine_map<(d0, d1) -> (0, 0, 0)>
module attributes {stable_mosaic.version = 14 : i64} {
  func.func @propagate(%arg0: i32, %arg1: i32, %arg2: memref<10000x128xf32, #tpu.memory_space<hbm>>, %arg3: memref<2x16x81x128xi32, #tpu.memory_space<hbm>>, %arg4: memref<2x16x81x128xi32, #tpu.memory_space<hbm>>, %arg5: memref<640x128xf32, #tpu.memory_space<hbm>>, %arg6: memref<2x10240x128xf32, #tpu.memory_space<hbm>>, %arg7: memref<128xi32, #tpu.memory_space<vmem>>, %arg8: memref<128xi32, #tpu.memory_space<vmem>>, %arg9: memref<128x128xf32, #tpu.memory_space<vmem>>, %arg10: memref<10240x128xf32, #tpu.memory_space<vmem_shared>>, %arg11: memref<!tpu.dma_semaphore, #tpu.memory_space<semaphore_mem>>) attributes {dimension_semantics = [#tpu.dimension_semantics<core_parallel>, #tpu.dimension_semantics<subcore_parallel>], iteration_bounds = array<i64: 2, 16>, scalar_prefetch = 0 : i64, scratch_operands = 5 : i64, tpu.core_type = #tpu.core_type<sc_vector_subcore>, window_params = [{transform_indices = #map}, {transform_indices = #map1}, {transform_indices = #map1}, {transform_indices = #map}, {transform_indices = #map2}]} {
    %mul3A = arith.constant 640 : i32
    %mul3A_0 = arith.muli %arg1, %mul3A : i32
    "tpu.region"() ({
      %run_scoped3A = tpu.sem_alloc : memref<!tpu.dma_semaphore, #tpu.memory_space<semaphore_mem>>
      %dma_start3A = arith.constant 0 : i32
      %dma_start3A_11 = tpu.memref_slice %arg10[%mul3A_0, %dma_start3A] : memref<10240x128xf32, #tpu.memory_space<vmem_shared>> -> memref<640x128xf32, #tpu.memory_space<vmem_shared>>
      tpu.enqueue_dma source(%arg5 : memref<640x128xf32, #tpu.memory_space<hbm>>) target(%dma_start3A_11 : memref<640x128xf32, #tpu.memory_space<vmem_shared>>) target_semaphore(%run_scoped3A : memref<!tpu.dma_semaphore, #tpu.memory_space<semaphore_mem>>)
      %dma_wait3A = arith.constant 0 : i32
      %dma_wait3A_12 = tpu.memref_slice %arg10[%mul3A_0, %dma_wait3A] : memref<10240x128xf32, #tpu.memory_space<vmem_shared>> -> memref<640x128xf32, #tpu.memory_space<vmem_shared>>
      tpu.wait_dma2 semaphore(%run_scoped3A : memref<!tpu.dma_semaphore, #tpu.memory_space<semaphore_mem>>) src(%arg5 : memref<640x128xf32, #tpu.memory_space<hbm>>) dst(%dma_wait3A_12 : memref<640x128xf32, #tpu.memory_space<vmem_shared>>)
      tpu.yield
    }) : () -> ()
    %barrier3A = arith.constant 0 : index
    tpu.barrier barrier_id(%barrier3A)
    %scan3A = arith.constant 0 : i32
    %scan3A_1 = arith.constant 0 : i32
    %scan3A_2 = arith.constant 81 : i32
    %scan3A_3 = arith.addi %scan3A_1, %scan3A_2 : i32
    %scan3A_4 = arith.constant 1 : i32
    scf.for %scan3A_11 = %scan3A_1 to %scan3A_3 step %scan3A_4  : i32 {
      "tpu.region"() ({
        %run_scoped3A = tpu.sem_alloc : memref<!tpu.dma_semaphore, #tpu.memory_space<semaphore_mem>>
        %dma_start3A_16 = arith.constant 0 : i32
        %dma_start3A_17 = tpu.memref_slice %arg3[%arg0, %arg1, %scan3A_11, %dma_start3A_16] : memref<2x16x81x128xi32, #tpu.memory_space<hbm>> -> memref<1x1x1x128xi32, #tpu.memory_space<hbm>>
        %dma_start3A_18 = tpu.memref_squeeze %dma_start3A_17 : memref<1x1x1x128xi32, #tpu.memory_space<hbm>> -> memref<128xi32, #tpu.memory_space<hbm>>
        %dma_start3A_19 = arith.constant 0 : i32
        %dma_start3A_20 = tpu.memref_slice %arg3[%arg0, %arg1, %scan3A_11, %dma_start3A_19] : memref<2x16x81x128xi32, #tpu.memory_space<hbm>> -> memref<1x1x1x128xi32, #tpu.memory_space<hbm>>
        %dma_start3A_21 = tpu.memref_squeeze %dma_start3A_20 : memref<1x1x1x128xi32, #tpu.memory_space<hbm>> -> memref<128xi32, #tpu.memory_space<hbm>>
        tpu.enqueue_dma source(%dma_start3A_21 : memref<128xi32, #tpu.memory_space<hbm>>) target(%arg7 : memref<128xi32, #tpu.memory_space<vmem>>) target_semaphore(%run_scoped3A : memref<!tpu.dma_semaphore, #tpu.memory_space<semaphore_mem>>)
        %dma_wait3A_22 = arith.constant 0 : i32
        %dma_wait3A_23 = tpu.memref_slice %arg3[%arg0, %arg1, %scan3A_11, %dma_wait3A_22] : memref<2x16x81x128xi32, #tpu.memory_space<hbm>> -> memref<1x1x1x128xi32, #tpu.memory_space<hbm>>
        %dma_wait3A_24 = tpu.memref_squeeze %dma_wait3A_23 : memref<1x1x1x128xi32, #tpu.memory_space<hbm>> -> memref<128xi32, #tpu.memory_space<hbm>>
        %dma_wait3A_25 = arith.constant 0 : i32
        %dma_wait3A_26 = tpu.memref_slice %arg3[%arg0, %arg1, %scan3A_11, %dma_wait3A_25] : memref<2x16x81x128xi32, #tpu.memory_space<hbm>> -> memref<1x1x1x128xi32, #tpu.memory_space<hbm>>
        %dma_wait3A_27 = tpu.memref_squeeze %dma_wait3A_26 : memref<1x1x1x128xi32, #tpu.memory_space<hbm>> -> memref<128xi32, #tpu.memory_space<hbm>>
        tpu.wait_dma2 semaphore(%run_scoped3A : memref<!tpu.dma_semaphore, #tpu.memory_space<semaphore_mem>>) src(%dma_wait3A_27 : memref<128xi32, #tpu.memory_space<hbm>>) dst(%arg7 : memref<128xi32, #tpu.memory_space<vmem>>)
        tpu.yield
      }) : () -> ()
      %dma_start3A = arith.constant 0 : i32
      %dma_start3A_12 = arith.constant 0 : i32
      %dma_start3A_13 = tpu.memref_slice %arg2[%dma_start3A, %dma_start3A_12] : memref<10000x128xf32, #tpu.memory_space<hbm>> -> memref<10000x128xf32, #tpu.memory_space<hbm>>
      tpu.enqueue_indirect_dma source(%dma_start3A_13 : memref<10000x128xf32, #tpu.memory_space<hbm>>) target(%arg9 : memref<128x128xf32, #tpu.memory_space<vmem>>) offsets(%arg7 : memref<128xi32, #tpu.memory_space<vmem>>) semaphore(%arg11 : memref<!tpu.dma_semaphore, #tpu.memory_space<semaphore_mem>>)
      "tpu.region"() ({
        %run_scoped3A = tpu.sem_alloc : memref<!tpu.dma_semaphore, #tpu.memory_space<semaphore_mem>>
        %dma_start3A_16 = arith.constant 0 : i32
        %dma_start3A_17 = tpu.memref_slice %arg4[%arg0, %arg1, %scan3A_11, %dma_start3A_16] : memref<2x16x81x128xi32, #tpu.memory_space<hbm>> -> memref<1x1x1x128xi32, #tpu.memory_space<hbm>>
        %dma_start3A_18 = tpu.memref_squeeze %dma_start3A_17 : memref<1x1x1x128xi32, #tpu.memory_space<hbm>> -> memref<128xi32, #tpu.memory_space<hbm>>
        %dma_start3A_19 = arith.constant 0 : i32
        %dma_start3A_20 = tpu.memref_slice %arg4[%arg0, %arg1, %scan3A_11, %dma_start3A_19] : memref<2x16x81x128xi32, #tpu.memory_space<hbm>> -> memref<1x1x1x128xi32, #tpu.memory_space<hbm>>
        %dma_start3A_21 = tpu.memref_squeeze %dma_start3A_20 : memref<1x1x1x128xi32, #tpu.memory_space<hbm>> -> memref<128xi32, #tpu.memory_space<hbm>>
        tpu.enqueue_dma source(%dma_start3A_21 : memref<128xi32, #tpu.memory_space<hbm>>) target(%arg8 : memref<128xi32, #tpu.memory_space<vmem>>) target_semaphore(%run_scoped3A : memref<!tpu.dma_semaphore, #tpu.memory_space<semaphore_mem>>)
        %dma_wait3A_22 = arith.constant 0 : i32
        %dma_wait3A_23 = tpu.memref_slice %arg4[%arg0, %arg1, %scan3A_11, %dma_wait3A_22] : memref<2x16x81x128xi32, #tpu.memory_space<hbm>> -> memref<1x1x1x128xi32, #tpu.memory_space<hbm>>
        %dma_wait3A_24 = tpu.memref_squeeze %dma_wait3A_23 : memref<1x1x1x128xi32, #tpu.memory_space<hbm>> -> memref<128xi32, #tpu.memory_space<hbm>>
        %dma_wait3A_25 = arith.constant 0 : i32
        %dma_wait3A_26 = tpu.memref_slice %arg4[%arg0, %arg1, %scan3A_11, %dma_wait3A_25] : memref<2x16x81x128xi32, #tpu.memory_space<hbm>> -> memref<1x1x1x128xi32, #tpu.memory_space<hbm>>
        %dma_wait3A_27 = tpu.memref_squeeze %dma_wait3A_26 : memref<1x1x1x128xi32, #tpu.memory_space<hbm>> -> memref<128xi32, #tpu.memory_space<hbm>>
        tpu.wait_dma2 semaphore(%run_scoped3A : memref<!tpu.dma_semaphore, #tpu.memory_space<semaphore_mem>>) src(%dma_wait3A_27 : memref<128xi32, #tpu.memory_space<hbm>>) dst(%arg8 : memref<128xi32, #tpu.memory_space<vmem>>)
        tpu.yield
      }) : () -> ()
      %dma_wait3A = arith.constant 0 : i32
      %dma_wait3A_14 = arith.constant 0 : i32
      %dma_wait3A_15 = tpu.memref_slice %arg2[%dma_wait3A, %dma_wait3A_14] : memref<10000x128xf32, #tpu.memory_space<hbm>> -> memref<10000x128xf32, #tpu.memory_space<hbm>>
      tpu.wait_indirect_dma semaphore(%arg11 : memref<!tpu.dma_semaphore, #tpu.memory_space<semaphore_mem>>) src(%dma_wait3A_15 : memref<10000x128xf32, #tpu.memory_space<hbm>>) dst(%arg9 : memref<128x128xf32, #tpu.memory_space<vmem>>)
      "tpu.region"() ({
        %run_scoped3A = tpu.sem_alloc : memref<!tpu.dma_semaphore, #tpu.memory_space<semaphore_mem>>
        %dma_start3A_16 = arith.constant 0 : i32
        %dma_start3A_17 = arith.constant 0 : i32
        %dma_start3A_18 = tpu.memref_slice %arg10[%dma_start3A_16, %dma_start3A_17] : memref<10240x128xf32, #tpu.memory_space<vmem_shared>> -> memref<10240x128xf32, #tpu.memory_space<vmem_shared>>
        tpu.enqueue_indirect_dma source(%arg9 : memref<128x128xf32, #tpu.memory_space<vmem>>) target(%dma_start3A_18 : memref<10240x128xf32, #tpu.memory_space<vmem_shared>>) offsets(%arg8 : memref<128xi32, #tpu.memory_space<vmem>>) semaphore(%run_scoped3A : memref<!tpu.dma_semaphore, #tpu.memory_space<semaphore_mem>>) {add = true}
        %dma_wait3A_19 = arith.constant 0 : i32
        %dma_wait3A_20 = arith.constant 0 : i32
        %dma_wait3A_21 = tpu.memref_slice %arg10[%dma_wait3A_19, %dma_wait3A_20] : memref<10240x128xf32, #tpu.memory_space<vmem_shared>> -> memref<10240x128xf32, #tpu.memory_space<vmem_shared>>
        tpu.wait_indirect_dma semaphore(%run_scoped3A : memref<!tpu.dma_semaphore, #tpu.memory_space<semaphore_mem>>) src(%arg9 : memref<128x128xf32, #tpu.memory_space<vmem>>) dst(%dma_wait3A_21 : memref<10240x128xf32, #tpu.memory_space<vmem_shared>>)
        tpu.yield
      }) : () -> ()
    }
    %scan3A_5 = arith.constant 81 : i32
    %barrier3A_6 = arith.constant 0 : index
    tpu.barrier barrier_id(%barrier3A_6)
    %mul3A_7 = arith.constant 640 : i32
    %mul3A_8 = arith.muli %arg1, %mul3A_7 : i32
    %mul3A_9 = arith.constant 640 : i32
    %mul3A_10 = arith.muli %arg1, %mul3A_9 : i32
    "tpu.region"() ({
      %run_scoped3A = tpu.sem_alloc : memref<!tpu.dma_semaphore, #tpu.memory_space<semaphore_mem>>
      %dma_start3A = arith.constant 0 : i32
      %dma_start3A_11 = tpu.memref_slice %arg6[%arg0, %mul3A_10, %dma_start3A] : memref<2x10240x128xf32, #tpu.memory_space<hbm>> -> memref<1x640x128xf32, #tpu.memory_space<hbm>>
      %dma_start3A_12 = tpu.memref_squeeze %dma_start3A_11 : memref<1x640x128xf32, #tpu.memory_space<hbm>> -> memref<640x128xf32, #tpu.memory_space<hbm>>
      %dma_start3A_13 = arith.constant 0 : i32
      %dma_start3A_14 = tpu.memref_slice %arg10[%mul3A_8, %dma_start3A_13] : memref<10240x128xf32, #tpu.memory_space<vmem_shared>> -> memref<640x128xf32, #tpu.memory_space<vmem_shared>>
      tpu.enqueue_dma source(%dma_start3A_14 : memref<640x128xf32, #tpu.memory_space<vmem_shared>>) target(%dma_start3A_12 : memref<640x128xf32, #tpu.memory_space<hbm>>) target_semaphore(%run_scoped3A : memref<!tpu.dma_semaphore, #tpu.memory_space<semaphore_mem>>)
      %dma_wait3A = arith.constant 0 : i32
      %dma_wait3A_15 = tpu.memref_slice %arg6[%arg0, %mul3A_10, %dma_wait3A] : memref<2x10240x128xf32, #tpu.memory_space<hbm>> -> memref<1x640x128xf32, #tpu.memory_space<hbm>>
      %dma_wait3A_16 = tpu.memref_squeeze %dma_wait3A_15 : memref<1x640x128xf32, #tpu.memory_space<hbm>> -> memref<640x128xf32, #tpu.memory_space<hbm>>
      %dma_wait3A_17 = arith.constant 0 : i32
      %dma_wait3A_18 = tpu.memref_slice %arg10[%mul3A_8, %dma_wait3A_17] : memref<10240x128xf32, #tpu.memory_space<vmem_shared>> -> memref<640x128xf32, #tpu.memory_space<vmem_shared>>
      tpu.wait_dma2 semaphore(%run_scoped3A : memref<!tpu.dma_semaphore, #tpu.memory_space<semaphore_mem>>) src(%dma_wait3A_18 : memref<640x128xf32, #tpu.memory_space<vmem_shared>>) dst(%dma_wait3A_16 : memref<640x128xf32, #tpu.memory_space<hbm>>)
      tpu.yield
    }) : () -> ()
    return
  }
}

#map = affine_map<(d0, d1) -> (0, 0, 0, 0)>
#map1 = affine_map<(d0, d1) -> (0, 0)>
#map2 = affine_map<(d0, d1) -> (0, 0, 0)>
module attributes {stable_mosaic.version = 14 : i64} {
  func.func @degree(%arg0: i32, %arg1: i32, %arg2: memref<2x16x81x128xi32, #tpu.memory_space<hbm>>, %arg3: memref<128x16xf32, #tpu.memory_space<hbm>>, %arg4: memref<640x16xf32, #tpu.memory_space<hbm>>, %arg5: memref<2x10240x16xf32, #tpu.memory_space<hbm>>, %arg6: memref<128xi32, #tpu.memory_space<vmem>>, %arg7: memref<128x16xf32, #tpu.memory_space<vmem>>, %arg8: memref<10240x16xf32, #tpu.memory_space<vmem_shared>>) attributes {dimension_semantics = [#tpu.dimension_semantics<core_parallel>, #tpu.dimension_semantics<subcore_parallel>], iteration_bounds = array<i64: 2, 16>, scalar_prefetch = 0 : i64, scratch_operands = 3 : i64, tpu.core_type = #tpu.core_type<sc_vector_subcore>, window_params = [{transform_indices = #map}, {transform_indices = #map1}, {transform_indices = #map1}, {transform_indices = #map2}]} {
    "tpu.region"() ({
      %run_scoped3A = tpu.sem_alloc : memref<!tpu.dma_semaphore, #tpu.memory_space<semaphore_mem>>
      tpu.enqueue_dma source(%arg3 : memref<128x16xf32, #tpu.memory_space<hbm>>) target(%arg7 : memref<128x16xf32, #tpu.memory_space<vmem>>) target_semaphore(%run_scoped3A : memref<!tpu.dma_semaphore, #tpu.memory_space<semaphore_mem>>)
      tpu.wait_dma2 semaphore(%run_scoped3A : memref<!tpu.dma_semaphore, #tpu.memory_space<semaphore_mem>>) src(%arg3 : memref<128x16xf32, #tpu.memory_space<hbm>>) dst(%arg7 : memref<128x16xf32, #tpu.memory_space<vmem>>)
      tpu.yield
    }) : () -> ()
    %mul3A = arith.constant 640 : i32
    %mul3A_0 = arith.muli %arg1, %mul3A : i32
    "tpu.region"() ({
      %run_scoped3A = tpu.sem_alloc : memref<!tpu.dma_semaphore, #tpu.memory_space<semaphore_mem>>
      %dma_start3A = arith.constant 0 : i32
      %dma_start3A_11 = tpu.memref_slice %arg8[%mul3A_0, %dma_start3A] : memref<10240x16xf32, #tpu.memory_space<vmem_shared>> -> memref<640x16xf32, #tpu.memory_space<vmem_shared>>
      tpu.enqueue_dma source(%arg4 : memref<640x16xf32, #tpu.memory_space<hbm>>) target(%dma_start3A_11 : memref<640x16xf32, #tpu.memory_space<vmem_shared>>) target_semaphore(%run_scoped3A : memref<!tpu.dma_semaphore, #tpu.memory_space<semaphore_mem>>)
      %dma_wait3A = arith.constant 0 : i32
      %dma_wait3A_12 = tpu.memref_slice %arg8[%mul3A_0, %dma_wait3A] : memref<10240x16xf32, #tpu.memory_space<vmem_shared>> -> memref<640x16xf32, #tpu.memory_space<vmem_shared>>
      tpu.wait_dma2 semaphore(%run_scoped3A : memref<!tpu.dma_semaphore, #tpu.memory_space<semaphore_mem>>) src(%arg4 : memref<640x16xf32, #tpu.memory_space<hbm>>) dst(%dma_wait3A_12 : memref<640x16xf32, #tpu.memory_space<vmem_shared>>)
      tpu.yield
    }) : () -> ()
    %barrier3A = arith.constant 0 : index
    tpu.barrier barrier_id(%barrier3A)
    %scan3A = arith.constant 0 : i32
    %scan3A_1 = arith.constant 0 : i32
    %scan3A_2 = arith.constant 81 : i32
    %scan3A_3 = arith.addi %scan3A_1, %scan3A_2 : i32
    %scan3A_4 = arith.constant 1 : i32
    scf.for %scan3A_11 = %scan3A_1 to %scan3A_3 step %scan3A_4  : i32 {
      "tpu.region"() ({
        %run_scoped3A = tpu.sem_alloc : memref<!tpu.dma_semaphore, #tpu.memory_space<semaphore_mem>>
        %dma_start3A = arith.constant 0 : i32
        %dma_start3A_12 = tpu.memref_slice %arg2[%arg0, %arg1, %scan3A_11, %dma_start3A] : memref<2x16x81x128xi32, #tpu.memory_space<hbm>> -> memref<1x1x1x128xi32, #tpu.memory_space<hbm>>
        %dma_start3A_13 = tpu.memref_squeeze %dma_start3A_12 : memref<1x1x1x128xi32, #tpu.memory_space<hbm>> -> memref<128xi32, #tpu.memory_space<hbm>>
        %dma_start3A_14 = arith.constant 0 : i32
        %dma_start3A_15 = tpu.memref_slice %arg2[%arg0, %arg1, %scan3A_11, %dma_start3A_14] : memref<2x16x81x128xi32, #tpu.memory_space<hbm>> -> memref<1x1x1x128xi32, #tpu.memory_space<hbm>>
        %dma_start3A_16 = tpu.memref_squeeze %dma_start3A_15 : memref<1x1x1x128xi32, #tpu.memory_space<hbm>> -> memref<128xi32, #tpu.memory_space<hbm>>
        tpu.enqueue_dma source(%dma_start3A_16 : memref<128xi32, #tpu.memory_space<hbm>>) target(%arg6 : memref<128xi32, #tpu.memory_space<vmem>>) target_semaphore(%run_scoped3A : memref<!tpu.dma_semaphore, #tpu.memory_space<semaphore_mem>>)
        %dma_wait3A = arith.constant 0 : i32
        %dma_wait3A_17 = tpu.memref_slice %arg2[%arg0, %arg1, %scan3A_11, %dma_wait3A] : memref<2x16x81x128xi32, #tpu.memory_space<hbm>> -> memref<1x1x1x128xi32, #tpu.memory_space<hbm>>
        %dma_wait3A_18 = tpu.memref_squeeze %dma_wait3A_17 : memref<1x1x1x128xi32, #tpu.memory_space<hbm>> -> memref<128xi32, #tpu.memory_space<hbm>>
        %dma_wait3A_19 = arith.constant 0 : i32
        %dma_wait3A_20 = tpu.memref_slice %arg2[%arg0, %arg1, %scan3A_11, %dma_wait3A_19] : memref<2x16x81x128xi32, #tpu.memory_space<hbm>> -> memref<1x1x1x128xi32, #tpu.memory_space<hbm>>
        %dma_wait3A_21 = tpu.memref_squeeze %dma_wait3A_20 : memref<1x1x1x128xi32, #tpu.memory_space<hbm>> -> memref<128xi32, #tpu.memory_space<hbm>>
        tpu.wait_dma2 semaphore(%run_scoped3A : memref<!tpu.dma_semaphore, #tpu.memory_space<semaphore_mem>>) src(%dma_wait3A_21 : memref<128xi32, #tpu.memory_space<hbm>>) dst(%arg6 : memref<128xi32, #tpu.memory_space<vmem>>)
        tpu.yield
      }) : () -> ()
      "tpu.region"() ({
        %run_scoped3A = tpu.sem_alloc : memref<!tpu.dma_semaphore, #tpu.memory_space<semaphore_mem>>
        %dma_start3A = arith.constant 0 : i32
        %dma_start3A_12 = arith.constant 0 : i32
        %dma_start3A_13 = tpu.memref_slice %arg8[%dma_start3A, %dma_start3A_12] : memref<10240x16xf32, #tpu.memory_space<vmem_shared>> -> memref<10240x16xf32, #tpu.memory_space<vmem_shared>>
        tpu.enqueue_indirect_dma source(%arg7 : memref<128x16xf32, #tpu.memory_space<vmem>>) target(%dma_start3A_13 : memref<10240x16xf32, #tpu.memory_space<vmem_shared>>) offsets(%arg6 : memref<128xi32, #tpu.memory_space<vmem>>) semaphore(%run_scoped3A : memref<!tpu.dma_semaphore, #tpu.memory_space<semaphore_mem>>) {add = true}
        %dma_wait3A = arith.constant 0 : i32
        %dma_wait3A_14 = arith.constant 0 : i32
        %dma_wait3A_15 = tpu.memref_slice %arg8[%dma_wait3A, %dma_wait3A_14] : memref<10240x16xf32, #tpu.memory_space<vmem_shared>> -> memref<10240x16xf32, #tpu.memory_space<vmem_shared>>
        tpu.wait_indirect_dma semaphore(%run_scoped3A : memref<!tpu.dma_semaphore, #tpu.memory_space<semaphore_mem>>) src(%arg7 : memref<128x16xf32, #tpu.memory_space<vmem>>) dst(%dma_wait3A_15 : memref<10240x16xf32, #tpu.memory_space<vmem_shared>>)
        tpu.yield
      }) : () -> ()
    }
    %scan3A_5 = arith.constant 81 : i32
    %barrier3A_6 = arith.constant 0 : index
    tpu.barrier barrier_id(%barrier3A_6)
    %mul3A_7 = arith.constant 640 : i32
    %mul3A_8 = arith.muli %arg1, %mul3A_7 : i32
    %mul3A_9 = arith.constant 640 : i32
    %mul3A_10 = arith.muli %arg1, %mul3A_9 : i32
    "tpu.region"() ({
      %run_scoped3A = tpu.sem_alloc : memref<!tpu.dma_semaphore, #tpu.memory_space<semaphore_mem>>
      %dma_start3A = arith.constant 0 : i32
      %dma_start3A_11 = tpu.memref_slice %arg5[%arg0, %mul3A_10, %dma_start3A] : memref<2x10240x16xf32, #tpu.memory_space<hbm>> -> memref<1x640x16xf32, #tpu.memory_space<hbm>>
      %dma_start3A_12 = tpu.memref_squeeze %dma_start3A_11 : memref<1x640x16xf32, #tpu.memory_space<hbm>> -> memref<640x16xf32, #tpu.memory_space<hbm>>
      %dma_start3A_13 = arith.constant 0 : i32
      %dma_start3A_14 = tpu.memref_slice %arg8[%mul3A_8, %dma_start3A_13] : memref<10240x16xf32, #tpu.memory_space<vmem_shared>> -> memref<640x16xf32, #tpu.memory_space<vmem_shared>>
      tpu.enqueue_dma source(%dma_start3A_14 : memref<640x16xf32, #tpu.memory_space<vmem_shared>>) target(%dma_start3A_12 : memref<640x16xf32, #tpu.memory_space<hbm>>) target_semaphore(%run_scoped3A : memref<!tpu.dma_semaphore, #tpu.memory_space<semaphore_mem>>)
      %dma_wait3A = arith.constant 0 : i32
      %dma_wait3A_15 = tpu.memref_slice %arg5[%arg0, %mul3A_10, %dma_wait3A] : memref<2x10240x16xf32, #tpu.memory_space<hbm>> -> memref<1x640x16xf32, #tpu.memory_space<hbm>>
      %dma_wait3A_16 = tpu.memref_squeeze %dma_wait3A_15 : memref<1x640x16xf32, #tpu.memory_space<hbm>> -> memref<640x16xf32, #tpu.memory_space<hbm>>
      %dma_wait3A_17 = arith.constant 0 : i32
      %dma_wait3A_18 = tpu.memref_slice %arg8[%mul3A_8, %dma_wait3A_17] : memref<10240x16xf32, #tpu.memory_space<vmem_shared>> -> memref<640x16xf32, #tpu.memory_space<vmem_shared>>
      tpu.wait_dma2 semaphore(%run_scoped3A : memref<!tpu.dma_semaphore, #tpu.memory_space<semaphore_mem>>) src(%dma_wait3A_18 : memref<640x16xf32, #tpu.memory_space<vmem_shared>>) dst(%dma_wait3A_16 : memref<640x16xf32, #tpu.memory_space<hbm>>)
      tpu.yield
    }) : () -> ()
    return
  }
}

#map = affine_map<(d0, d1) -> (0, 0)>
#map1 = affine_map<(d0, d1) -> (0, 0, 0, 0)>
#map2 = affine_map<(d0, d1) -> (0, 0, 0)>
module attributes {stable_mosaic.version = 14 : i64} {
  func.func @propagate(%arg0: i32, %arg1: i32, %arg2: memref<10000x128xf32, #tpu.memory_space<hbm>>, %arg3: memref<2x16x81x128xi32, #tpu.memory_space<hbm>>, %arg4: memref<2x16x81x128xi32, #tpu.memory_space<hbm>>, %arg5: memref<640x128xf32, #tpu.memory_space<hbm>>, %arg6: memref<2x10240x128xf32, #tpu.memory_space<hbm>>, %arg7: memref<128xi32, #tpu.memory_space<vmem>>, %arg8: memref<128xi32, #tpu.memory_space<vmem>>, %arg9: memref<128x128xf32, #tpu.memory_space<vmem>>, %arg10: memref<10240x128xf32, #tpu.memory_space<vmem_shared>>, %arg11: memref<!tpu.dma_semaphore, #tpu.memory_space<semaphore_mem>>) attributes {dimension_semantics = [#tpu.dimension_semantics<core_parallel>, #tpu.dimension_semantics<subcore_parallel>], iteration_bounds = array<i64: 2, 16>, scalar_prefetch = 0 : i64, scratch_operands = 5 : i64, tpu.core_type = #tpu.core_type<sc_vector_subcore>, window_params = [{transform_indices = #map}, {transform_indices = #map1}, {transform_indices = #map1}, {transform_indices = #map}, {transform_indices = #map2}]} {
    %mul3A = arith.constant 640 : i32
    %mul3A_0 = arith.muli %arg1, %mul3A : i32
    "tpu.region"() ({
      %run_scoped3A = tpu.sem_alloc : memref<!tpu.dma_semaphore, #tpu.memory_space<semaphore_mem>>
      %dma_start3A = arith.constant 0 : i32
      %dma_start3A_11 = tpu.memref_slice %arg10[%mul3A_0, %dma_start3A] : memref<10240x128xf32, #tpu.memory_space<vmem_shared>> -> memref<640x128xf32, #tpu.memory_space<vmem_shared>>
      tpu.enqueue_dma source(%arg5 : memref<640x128xf32, #tpu.memory_space<hbm>>) target(%dma_start3A_11 : memref<640x128xf32, #tpu.memory_space<vmem_shared>>) target_semaphore(%run_scoped3A : memref<!tpu.dma_semaphore, #tpu.memory_space<semaphore_mem>>)
      %dma_wait3A = arith.constant 0 : i32
      %dma_wait3A_12 = tpu.memref_slice %arg10[%mul3A_0, %dma_wait3A] : memref<10240x128xf32, #tpu.memory_space<vmem_shared>> -> memref<640x128xf32, #tpu.memory_space<vmem_shared>>
      tpu.wait_dma2 semaphore(%run_scoped3A : memref<!tpu.dma_semaphore, #tpu.memory_space<semaphore_mem>>) src(%arg5 : memref<640x128xf32, #tpu.memory_space<hbm>>) dst(%dma_wait3A_12 : memref<640x128xf32, #tpu.memory_space<vmem_shared>>)
      tpu.yield
    }) : () -> ()
    %barrier3A = arith.constant 0 : index
    tpu.barrier barrier_id(%barrier3A)
    %scan3A = arith.constant 0 : i32
    %scan3A_1 = arith.constant 0 : i32
    %scan3A_2 = arith.constant 81 : i32
    %scan3A_3 = arith.addi %scan3A_1, %scan3A_2 : i32
    %scan3A_4 = arith.constant 1 : i32
    scf.for %scan3A_11 = %scan3A_1 to %scan3A_3 step %scan3A_4  : i32 {
      "tpu.region"() ({
        %run_scoped3A = tpu.sem_alloc : memref<!tpu.dma_semaphore, #tpu.memory_space<semaphore_mem>>
        %dma_start3A_16 = arith.constant 0 : i32
        %dma_start3A_17 = tpu.memref_slice %arg3[%arg0, %arg1, %scan3A_11, %dma_start3A_16] : memref<2x16x81x128xi32, #tpu.memory_space<hbm>> -> memref<1x1x1x128xi32, #tpu.memory_space<hbm>>
        %dma_start3A_18 = tpu.memref_squeeze %dma_start3A_17 : memref<1x1x1x128xi32, #tpu.memory_space<hbm>> -> memref<128xi32, #tpu.memory_space<hbm>>
        %dma_start3A_19 = arith.constant 0 : i32
        %dma_start3A_20 = tpu.memref_slice %arg3[%arg0, %arg1, %scan3A_11, %dma_start3A_19] : memref<2x16x81x128xi32, #tpu.memory_space<hbm>> -> memref<1x1x1x128xi32, #tpu.memory_space<hbm>>
        %dma_start3A_21 = tpu.memref_squeeze %dma_start3A_20 : memref<1x1x1x128xi32, #tpu.memory_space<hbm>> -> memref<128xi32, #tpu.memory_space<hbm>>
        tpu.enqueue_dma source(%dma_start3A_21 : memref<128xi32, #tpu.memory_space<hbm>>) target(%arg7 : memref<128xi32, #tpu.memory_space<vmem>>) target_semaphore(%run_scoped3A : memref<!tpu.dma_semaphore, #tpu.memory_space<semaphore_mem>>)
        %dma_wait3A_22 = arith.constant 0 : i32
        %dma_wait3A_23 = tpu.memref_slice %arg3[%arg0, %arg1, %scan3A_11, %dma_wait3A_22] : memref<2x16x81x128xi32, #tpu.memory_space<hbm>> -> memref<1x1x1x128xi32, #tpu.memory_space<hbm>>
        %dma_wait3A_24 = tpu.memref_squeeze %dma_wait3A_23 : memref<1x1x1x128xi32, #tpu.memory_space<hbm>> -> memref<128xi32, #tpu.memory_space<hbm>>
        %dma_wait3A_25 = arith.constant 0 : i32
        %dma_wait3A_26 = tpu.memref_slice %arg3[%arg0, %arg1, %scan3A_11, %dma_wait3A_25] : memref<2x16x81x128xi32, #tpu.memory_space<hbm>> -> memref<1x1x1x128xi32, #tpu.memory_space<hbm>>
        %dma_wait3A_27 = tpu.memref_squeeze %dma_wait3A_26 : memref<1x1x1x128xi32, #tpu.memory_space<hbm>> -> memref<128xi32, #tpu.memory_space<hbm>>
        tpu.wait_dma2 semaphore(%run_scoped3A : memref<!tpu.dma_semaphore, #tpu.memory_space<semaphore_mem>>) src(%dma_wait3A_27 : memref<128xi32, #tpu.memory_space<hbm>>) dst(%arg7 : memref<128xi32, #tpu.memory_space<vmem>>)
        tpu.yield
      }) : () -> ()
      %dma_start3A = arith.constant 0 : i32
      %dma_start3A_12 = arith.constant 0 : i32
      %dma_start3A_13 = tpu.memref_slice %arg2[%dma_start3A, %dma_start3A_12] : memref<10000x128xf32, #tpu.memory_space<hbm>> -> memref<10000x128xf32, #tpu.memory_space<hbm>>
      tpu.enqueue_indirect_dma source(%dma_start3A_13 : memref<10000x128xf32, #tpu.memory_space<hbm>>) target(%arg9 : memref<128x128xf32, #tpu.memory_space<vmem>>) offsets(%arg7 : memref<128xi32, #tpu.memory_space<vmem>>) semaphore(%arg11 : memref<!tpu.dma_semaphore, #tpu.memory_space<semaphore_mem>>)
      "tpu.region"() ({
        %run_scoped3A = tpu.sem_alloc : memref<!tpu.dma_semaphore, #tpu.memory_space<semaphore_mem>>
        %dma_start3A_16 = arith.constant 0 : i32
        %dma_start3A_17 = tpu.memref_slice %arg4[%arg0, %arg1, %scan3A_11, %dma_start3A_16] : memref<2x16x81x128xi32, #tpu.memory_space<hbm>> -> memref<1x1x1x128xi32, #tpu.memory_space<hbm>>
        %dma_start3A_18 = tpu.memref_squeeze %dma_start3A_17 : memref<1x1x1x128xi32, #tpu.memory_space<hbm>> -> memref<128xi32, #tpu.memory_space<hbm>>
        %dma_start3A_19 = arith.constant 0 : i32
        %dma_start3A_20 = tpu.memref_slice %arg4[%arg0, %arg1, %scan3A_11, %dma_start3A_19] : memref<2x16x81x128xi32, #tpu.memory_space<hbm>> -> memref<1x1x1x128xi32, #tpu.memory_space<hbm>>
        %dma_start3A_21 = tpu.memref_squeeze %dma_start3A_20 : memref<1x1x1x128xi32, #tpu.memory_space<hbm>> -> memref<128xi32, #tpu.memory_space<hbm>>
        tpu.enqueue_dma source(%dma_start3A_21 : memref<128xi32, #tpu.memory_space<hbm>>) target(%arg8 : memref<128xi32, #tpu.memory_space<vmem>>) target_semaphore(%run_scoped3A : memref<!tpu.dma_semaphore, #tpu.memory_space<semaphore_mem>>)
        %dma_wait3A_22 = arith.constant 0 : i32
        %dma_wait3A_23 = tpu.memref_slice %arg4[%arg0, %arg1, %scan3A_11, %dma_wait3A_22] : memref<2x16x81x128xi32, #tpu.memory_space<hbm>> -> memref<1x1x1x128xi32, #tpu.memory_space<hbm>>
        %dma_wait3A_24 = tpu.memref_squeeze %dma_wait3A_23 : memref<1x1x1x128xi32, #tpu.memory_space<hbm>> -> memref<128xi32, #tpu.memory_space<hbm>>
        %dma_wait3A_25 = arith.constant 0 : i32
        %dma_wait3A_26 = tpu.memref_slice %arg4[%arg0, %arg1, %scan3A_11, %dma_wait3A_25] : memref<2x16x81x128xi32, #tpu.memory_space<hbm>> -> memref<1x1x1x128xi32, #tpu.memory_space<hbm>>
        %dma_wait3A_27 = tpu.memref_squeeze %dma_wait3A_26 : memref<1x1x1x128xi32, #tpu.memory_space<hbm>> -> memref<128xi32, #tpu.memory_space<hbm>>
        tpu.wait_dma2 semaphore(%run_scoped3A : memref<!tpu.dma_semaphore, #tpu.memory_space<semaphore_mem>>) src(%dma_wait3A_27 : memref<128xi32, #tpu.memory_space<hbm>>) dst(%arg8 : memref<128xi32, #tpu.memory_space<vmem>>)
        tpu.yield
      }) : () -> ()
      %dma_wait3A = arith.constant 0 : i32
      %dma_wait3A_14 = arith.constant 0 : i32
      %dma_wait3A_15 = tpu.memref_slice %arg2[%dma_wait3A, %dma_wait3A_14] : memref<10000x128xf32, #tpu.memory_space<hbm>> -> memref<10000x128xf32, #tpu.memory_space<hbm>>
      tpu.wait_indirect_dma semaphore(%arg11 : memref<!tpu.dma_semaphore, #tpu.memory_space<semaphore_mem>>) src(%dma_wait3A_15 : memref<10000x128xf32, #tpu.memory_space<hbm>>) dst(%arg9 : memref<128x128xf32, #tpu.memory_space<vmem>>)
      "tpu.region"() ({
        %run_scoped3A = tpu.sem_alloc : memref<!tpu.dma_semaphore, #tpu.memory_space<semaphore_mem>>
        %dma_start3A_16 = arith.constant 0 : i32
        %dma_start3A_17 = arith.constant 0 : i32
        %dma_start3A_18 = tpu.memref_slice %arg10[%dma_start3A_16, %dma_start3A_17] : memref<10240x128xf32, #tpu.memory_space<vmem_shared>> -> memref<10240x128xf32, #tpu.memory_space<vmem_shared>>
        tpu.enqueue_indirect_dma source(%arg9 : memref<128x128xf32, #tpu.memory_space<vmem>>) target(%dma_start3A_18 : memref<10240x128xf32, #tpu.memory_space<vmem_shared>>) offsets(%arg8 : memref<128xi32, #tpu.memory_space<vmem>>) semaphore(%run_scoped3A : memref<!tpu.dma_semaphore, #tpu.memory_space<semaphore_mem>>) {add = true}
        %dma_wait3A_19 = arith.constant 0 : i32
        %dma_wait3A_20 = arith.constant 0 : i32
        %dma_wait3A_21 = tpu.memref_slice %arg10[%dma_wait3A_19, %dma_wait3A_20] : memref<10240x128xf32, #tpu.memory_space<vmem_shared>> -> memref<10240x128xf32, #tpu.memory_space<vmem_shared>>
        tpu.wait_indirect_dma semaphore(%run_scoped3A : memref<!tpu.dma_semaphore, #tpu.memory_space<semaphore_mem>>) src(%arg9 : memref<128x128xf32, #tpu.memory_space<vmem>>) dst(%dma_wait3A_21 : memref<10240x128xf32, #tpu.memory_space<vmem_shared>>)
        tpu.yield
      }) : () -> ()
    }
    %scan3A_5 = arith.constant 81 : i32
    %barrier3A_6 = arith.constant 0 : index
    tpu.barrier barrier_id(%barrier3A_6)
    %mul3A_7 = arith.constant 640 : i32
    %mul3A_8 = arith.muli %arg1, %mul3A_7 : i32
    %mul3A_9 = arith.constant 640 : i32
    %mul3A_10 = arith.muli %arg1, %mul3A_9 : i32
    "tpu.region"() ({
      %run_scoped3A = tpu.sem_alloc : memref<!tpu.dma_semaphore, #tpu.memory_space<semaphore_mem>>
      %dma_start3A = arith.constant 0 : i32
      %dma_start3A_11 = tpu.memref_slice %arg6[%arg0, %mul3A_10, %dma_start3A] : memref<2x10240x128xf32, #tpu.memory_space<hbm>> -> memref<1x640x128xf32, #tpu.memory_space<hbm>>
      %dma_start3A_12 = tpu.memref_squeeze %dma_start3A_11 : memref<1x640x128xf32, #tpu.memory_space<hbm>> -> memref<640x128xf32, #tpu.memory_space<hbm>>
      %dma_start3A_13 = arith.constant 0 : i32
      %dma_start3A_14 = tpu.memref_slice %arg10[%mul3A_8, %dma_start3A_13] : memref<10240x128xf32, #tpu.memory_space<vmem_shared>> -> memref<640x128xf32, #tpu.memory_space<vmem_shared>>
      tpu.enqueue_dma source(%dma_start3A_14 : memref<640x128xf32, #tpu.memory_space<vmem_shared>>) target(%dma_start3A_12 : memref<640x128xf32, #tpu.memory_space<hbm>>) target_semaphore(%run_scoped3A : memref<!tpu.dma_semaphore, #tpu.memory_space<semaphore_mem>>)
      %dma_wait3A = arith.constant 0 : i32
      %dma_wait3A_15 = tpu.memref_slice %arg6[%arg0, %mul3A_10, %dma_wait3A] : memref<2x10240x128xf32, #tpu.memory_space<hbm>> -> memref<1x640x128xf32, #tpu.memory_space<hbm>>
      %dma_wait3A_16 = tpu.memref_squeeze %dma_wait3A_15 : memref<1x640x128xf32, #tpu.memory_space<hbm>> -> memref<640x128xf32, #tpu.memory_space<hbm>>
      %dma_wait3A_17 = arith.constant 0 : i32
      %dma_wait3A_18 = tpu.memref_slice %arg10[%mul3A_8, %dma_wait3A_17] : memref<10240x128xf32, #tpu.memory_space<vmem_shared>> -> memref<640x128xf32, #tpu.memory_space<vmem_shared>>
      tpu.wait_dma2 semaphore(%run_scoped3A : memref<!tpu.dma_semaphore, #tpu.memory_space<semaphore_mem>>) src(%dma_wait3A_18 : memref<640x128xf32, #tpu.memory_space<vmem_shared>>) dst(%dma_wait3A_16 : memref<640x128xf32, #tpu.memory_space<hbm>>)
      tpu.yield
    }) : () -> ()
    return
  }
}

#map = affine_map<(d0, d1) -> (0, 0)>
#map1 = affine_map<(d0, d1) -> (0, 0, 0, 0)>
#map2 = affine_map<(d0, d1) -> (0, 0, 0)>
module attributes {stable_mosaic.version = 14 : i64} {
  func.func @propagate(%arg0: i32, %arg1: i32, %arg2: memref<10000x128xf32, #tpu.memory_space<hbm>>, %arg3: memref<2x16x81x128xi32, #tpu.memory_space<hbm>>, %arg4: memref<2x16x81x128xi32, #tpu.memory_space<hbm>>, %arg5: memref<640x128xf32, #tpu.memory_space<hbm>>, %arg6: memref<2x10240x128xf32, #tpu.memory_space<hbm>>, %arg7: memref<128xi32, #tpu.memory_space<vmem>>, %arg8: memref<128xi32, #tpu.memory_space<vmem>>, %arg9: memref<128x128xf32, #tpu.memory_space<vmem>>, %arg10: memref<10240x128xf32, #tpu.memory_space<vmem_shared>>, %arg11: memref<!tpu.dma_semaphore, #tpu.memory_space<semaphore_mem>>) attributes {dimension_semantics = [#tpu.dimension_semantics<core_parallel>, #tpu.dimension_semantics<subcore_parallel>], iteration_bounds = array<i64: 2, 16>, scalar_prefetch = 0 : i64, scratch_operands = 5 : i64, tpu.core_type = #tpu.core_type<sc_vector_subcore>, window_params = [{transform_indices = #map}, {transform_indices = #map1}, {transform_indices = #map1}, {transform_indices = #map}, {transform_indices = #map2}]} {
    %mul3A = arith.constant 640 : i32
    %mul3A_0 = arith.muli %arg1, %mul3A : i32
    "tpu.region"() ({
      %run_scoped3A = tpu.sem_alloc : memref<!tpu.dma_semaphore, #tpu.memory_space<semaphore_mem>>
      %dma_start3A = arith.constant 0 : i32
      %dma_start3A_11 = tpu.memref_slice %arg10[%mul3A_0, %dma_start3A] : memref<10240x128xf32, #tpu.memory_space<vmem_shared>> -> memref<640x128xf32, #tpu.memory_space<vmem_shared>>
      tpu.enqueue_dma source(%arg5 : memref<640x128xf32, #tpu.memory_space<hbm>>) target(%dma_start3A_11 : memref<640x128xf32, #tpu.memory_space<vmem_shared>>) target_semaphore(%run_scoped3A : memref<!tpu.dma_semaphore, #tpu.memory_space<semaphore_mem>>)
      %dma_wait3A = arith.constant 0 : i32
      %dma_wait3A_12 = tpu.memref_slice %arg10[%mul3A_0, %dma_wait3A] : memref<10240x128xf32, #tpu.memory_space<vmem_shared>> -> memref<640x128xf32, #tpu.memory_space<vmem_shared>>
      tpu.wait_dma2 semaphore(%run_scoped3A : memref<!tpu.dma_semaphore, #tpu.memory_space<semaphore_mem>>) src(%arg5 : memref<640x128xf32, #tpu.memory_space<hbm>>) dst(%dma_wait3A_12 : memref<640x128xf32, #tpu.memory_space<vmem_shared>>)
      tpu.yield
    }) : () -> ()
    %barrier3A = arith.constant 0 : index
    tpu.barrier barrier_id(%barrier3A)
    %scan3A = arith.constant 0 : i32
    %scan3A_1 = arith.constant 0 : i32
    %scan3A_2 = arith.constant 81 : i32
    %scan3A_3 = arith.addi %scan3A_1, %scan3A_2 : i32
    %scan3A_4 = arith.constant 1 : i32
    scf.for %scan3A_11 = %scan3A_1 to %scan3A_3 step %scan3A_4  : i32 {
      "tpu.region"() ({
        %run_scoped3A = tpu.sem_alloc : memref<!tpu.dma_semaphore, #tpu.memory_space<semaphore_mem>>
        %dma_start3A_16 = arith.constant 0 : i32
        %dma_start3A_17 = tpu.memref_slice %arg3[%arg0, %arg1, %scan3A_11, %dma_start3A_16] : memref<2x16x81x128xi32, #tpu.memory_space<hbm>> -> memref<1x1x1x128xi32, #tpu.memory_space<hbm>>
        %dma_start3A_18 = tpu.memref_squeeze %dma_start3A_17 : memref<1x1x1x128xi32, #tpu.memory_space<hbm>> -> memref<128xi32, #tpu.memory_space<hbm>>
        %dma_start3A_19 = arith.constant 0 : i32
        %dma_start3A_20 = tpu.memref_slice %arg3[%arg0, %arg1, %scan3A_11, %dma_start3A_19] : memref<2x16x81x128xi32, #tpu.memory_space<hbm>> -> memref<1x1x1x128xi32, #tpu.memory_space<hbm>>
        %dma_start3A_21 = tpu.memref_squeeze %dma_start3A_20 : memref<1x1x1x128xi32, #tpu.memory_space<hbm>> -> memref<128xi32, #tpu.memory_space<hbm>>
        tpu.enqueue_dma source(%dma_start3A_21 : memref<128xi32, #tpu.memory_space<hbm>>) target(%arg7 : memref<128xi32, #tpu.memory_space<vmem>>) target_semaphore(%run_scoped3A : memref<!tpu.dma_semaphore, #tpu.memory_space<semaphore_mem>>)
        %dma_wait3A_22 = arith.constant 0 : i32
        %dma_wait3A_23 = tpu.memref_slice %arg3[%arg0, %arg1, %scan3A_11, %dma_wait3A_22] : memref<2x16x81x128xi32, #tpu.memory_space<hbm>> -> memref<1x1x1x128xi32, #tpu.memory_space<hbm>>
        %dma_wait3A_24 = tpu.memref_squeeze %dma_wait3A_23 : memref<1x1x1x128xi32, #tpu.memory_space<hbm>> -> memref<128xi32, #tpu.memory_space<hbm>>
        %dma_wait3A_25 = arith.constant 0 : i32
        %dma_wait3A_26 = tpu.memref_slice %arg3[%arg0, %arg1, %scan3A_11, %dma_wait3A_25] : memref<2x16x81x128xi32, #tpu.memory_space<hbm>> -> memref<1x1x1x128xi32, #tpu.memory_space<hbm>>
        %dma_wait3A_27 = tpu.memref_squeeze %dma_wait3A_26 : memref<1x1x1x128xi32, #tpu.memory_space<hbm>> -> memref<128xi32, #tpu.memory_space<hbm>>
        tpu.wait_dma2 semaphore(%run_scoped3A : memref<!tpu.dma_semaphore, #tpu.memory_space<semaphore_mem>>) src(%dma_wait3A_27 : memref<128xi32, #tpu.memory_space<hbm>>) dst(%arg7 : memref<128xi32, #tpu.memory_space<vmem>>)
        tpu.yield
      }) : () -> ()
      %dma_start3A = arith.constant 0 : i32
      %dma_start3A_12 = arith.constant 0 : i32
      %dma_start3A_13 = tpu.memref_slice %arg2[%dma_start3A, %dma_start3A_12] : memref<10000x128xf32, #tpu.memory_space<hbm>> -> memref<10000x128xf32, #tpu.memory_space<hbm>>
      tpu.enqueue_indirect_dma source(%dma_start3A_13 : memref<10000x128xf32, #tpu.memory_space<hbm>>) target(%arg9 : memref<128x128xf32, #tpu.memory_space<vmem>>) offsets(%arg7 : memref<128xi32, #tpu.memory_space<vmem>>) semaphore(%arg11 : memref<!tpu.dma_semaphore, #tpu.memory_space<semaphore_mem>>)
      "tpu.region"() ({
        %run_scoped3A = tpu.sem_alloc : memref<!tpu.dma_semaphore, #tpu.memory_space<semaphore_mem>>
        %dma_start3A_16 = arith.constant 0 : i32
        %dma_start3A_17 = tpu.memref_slice %arg4[%arg0, %arg1, %scan3A_11, %dma_start3A_16] : memref<2x16x81x128xi32, #tpu.memory_space<hbm>> -> memref<1x1x1x128xi32, #tpu.memory_space<hbm>>
        %dma_start3A_18 = tpu.memref_squeeze %dma_start3A_17 : memref<1x1x1x128xi32, #tpu.memory_space<hbm>> -> memref<128xi32, #tpu.memory_space<hbm>>
        %dma_start3A_19 = arith.constant 0 : i32
        %dma_start3A_20 = tpu.memref_slice %arg4[%arg0, %arg1, %scan3A_11, %dma_start3A_19] : memref<2x16x81x128xi32, #tpu.memory_space<hbm>> -> memref<1x1x1x128xi32, #tpu.memory_space<hbm>>
        %dma_start3A_21 = tpu.memref_squeeze %dma_start3A_20 : memref<1x1x1x128xi32, #tpu.memory_space<hbm>> -> memref<128xi32, #tpu.memory_space<hbm>>
        tpu.enqueue_dma source(%dma_start3A_21 : memref<128xi32, #tpu.memory_space<hbm>>) target(%arg8 : memref<128xi32, #tpu.memory_space<vmem>>) target_semaphore(%run_scoped3A : memref<!tpu.dma_semaphore, #tpu.memory_space<semaphore_mem>>)
        %dma_wait3A_22 = arith.constant 0 : i32
        %dma_wait3A_23 = tpu.memref_slice %arg4[%arg0, %arg1, %scan3A_11, %dma_wait3A_22] : memref<2x16x81x128xi32, #tpu.memory_space<hbm>> -> memref<1x1x1x128xi32, #tpu.memory_space<hbm>>
        %dma_wait3A_24 = tpu.memref_squeeze %dma_wait3A_23 : memref<1x1x1x128xi32, #tpu.memory_space<hbm>> -> memref<128xi32, #tpu.memory_space<hbm>>
        %dma_wait3A_25 = arith.constant 0 : i32
        %dma_wait3A_26 = tpu.memref_slice %arg4[%arg0, %arg1, %scan3A_11, %dma_wait3A_25] : memref<2x16x81x128xi32, #tpu.memory_space<hbm>> -> memref<1x1x1x128xi32, #tpu.memory_space<hbm>>
        %dma_wait3A_27 = tpu.memref_squeeze %dma_wait3A_26 : memref<1x1x1x128xi32, #tpu.memory_space<hbm>> -> memref<128xi32, #tpu.memory_space<hbm>>
        tpu.wait_dma2 semaphore(%run_scoped3A : memref<!tpu.dma_semaphore, #tpu.memory_space<semaphore_mem>>) src(%dma_wait3A_27 : memref<128xi32, #tpu.memory_space<hbm>>) dst(%arg8 : memref<128xi32, #tpu.memory_space<vmem>>)
        tpu.yield
      }) : () -> ()
      %dma_wait3A = arith.constant 0 : i32
      %dma_wait3A_14 = arith.constant 0 : i32
      %dma_wait3A_15 = tpu.memref_slice %arg2[%dma_wait3A, %dma_wait3A_14] : memref<10000x128xf32, #tpu.memory_space<hbm>> -> memref<10000x128xf32, #tpu.memory_space<hbm>>
      tpu.wait_indirect_dma semaphore(%arg11 : memref<!tpu.dma_semaphore, #tpu.memory_space<semaphore_mem>>) src(%dma_wait3A_15 : memref<10000x128xf32, #tpu.memory_space<hbm>>) dst(%arg9 : memref<128x128xf32, #tpu.memory_space<vmem>>)
      "tpu.region"() ({
        %run_scoped3A = tpu.sem_alloc : memref<!tpu.dma_semaphore, #tpu.memory_space<semaphore_mem>>
        %dma_start3A_16 = arith.constant 0 : i32
        %dma_start3A_17 = arith.constant 0 : i32
        %dma_start3A_18 = tpu.memref_slice %arg10[%dma_start3A_16, %dma_start3A_17] : memref<10240x128xf32, #tpu.memory_space<vmem_shared>> -> memref<10240x128xf32, #tpu.memory_space<vmem_shared>>
        tpu.enqueue_indirect_dma source(%arg9 : memref<128x128xf32, #tpu.memory_space<vmem>>) target(%dma_start3A_18 : memref<10240x128xf32, #tpu.memory_space<vmem_shared>>) offsets(%arg8 : memref<128xi32, #tpu.memory_space<vmem>>) semaphore(%run_scoped3A : memref<!tpu.dma_semaphore, #tpu.memory_space<semaphore_mem>>) {add = true}
        %dma_wait3A_19 = arith.constant 0 : i32
        %dma_wait3A_20 = arith.constant 0 : i32
        %dma_wait3A_21 = tpu.memref_slice %arg10[%dma_wait3A_19, %dma_wait3A_20] : memref<10240x128xf32, #tpu.memory_space<vmem_shared>> -> memref<10240x128xf32, #tpu.memory_space<vmem_shared>>
        tpu.wait_indirect_dma semaphore(%run_scoped3A : memref<!tpu.dma_semaphore, #tpu.memory_space<semaphore_mem>>) src(%arg9 : memref<128x128xf32, #tpu.memory_space<vmem>>) dst(%dma_wait3A_21 : memref<10240x128xf32, #tpu.memory_space<vmem_shared>>)
        tpu.yield
      }) : () -> ()
    }
    %scan3A_5 = arith.constant 81 : i32
    %barrier3A_6 = arith.constant 0 : index
    tpu.barrier barrier_id(%barrier3A_6)
    %mul3A_7 = arith.constant 640 : i32
    %mul3A_8 = arith.muli %arg1, %mul3A_7 : i32
    %mul3A_9 = arith.constant 640 : i32
    %mul3A_10 = arith.muli %arg1, %mul3A_9 : i32
    "tpu.region"() ({
      %run_scoped3A = tpu.sem_alloc : memref<!tpu.dma_semaphore, #tpu.memory_space<semaphore_mem>>
      %dma_start3A = arith.constant 0 : i32
      %dma_start3A_11 = tpu.memref_slice %arg6[%arg0, %mul3A_10, %dma_start3A] : memref<2x10240x128xf32, #tpu.memory_space<hbm>> -> memref<1x640x128xf32, #tpu.memory_space<hbm>>
      %dma_start3A_12 = tpu.memref_squeeze %dma_start3A_11 : memref<1x640x128xf32, #tpu.memory_space<hbm>> -> memref<640x128xf32, #tpu.memory_space<hbm>>
      %dma_start3A_13 = arith.constant 0 : i32
      %dma_start3A_14 = tpu.memref_slice %arg10[%mul3A_8, %dma_start3A_13] : memref<10240x128xf32, #tpu.memory_space<vmem_shared>> -> memref<640x128xf32, #tpu.memory_space<vmem_shared>>
      tpu.enqueue_dma source(%dma_start3A_14 : memref<640x128xf32, #tpu.memory_space<vmem_shared>>) target(%dma_start3A_12 : memref<640x128xf32, #tpu.memory_space<hbm>>) target_semaphore(%run_scoped3A : memref<!tpu.dma_semaphore, #tpu.memory_space<semaphore_mem>>)
      %dma_wait3A = arith.constant 0 : i32
      %dma_wait3A_15 = tpu.memref_slice %arg6[%arg0, %mul3A_10, %dma_wait3A] : memref<2x10240x128xf32, #tpu.memory_space<hbm>> -> memref<1x640x128xf32, #tpu.memory_space<hbm>>
      %dma_wait3A_16 = tpu.memref_squeeze %dma_wait3A_15 : memref<1x640x128xf32, #tpu.memory_space<hbm>> -> memref<640x128xf32, #tpu.memory_space<hbm>>
      %dma_wait3A_17 = arith.constant 0 : i32
      %dma_wait3A_18 = tpu.memref_slice %arg10[%mul3A_8, %dma_wait3A_17] : memref<10240x128xf32, #tpu.memory_space<vmem_shared>> -> memref<640x128xf32, #tpu.memory_space<vmem_shared>>
      tpu.wait_dma2 semaphore(%run_scoped3A : memref<!tpu.dma_semaphore, #tpu.memory_space<semaphore_mem>>) src(%dma_wait3A_18 : memref<640x128xf32, #tpu.memory_space<vmem_shared>>) dst(%dma_wait3A_16 : memref<640x128xf32, #tpu.memory_space<hbm>>)
      tpu.yield
    }) : () -> ()
    return
  }
}

#map = affine_map<(d0, d1) -> (0, 0)>
#map1 = affine_map<(d0, d1) -> (0, 0, 0, 0)>
#map2 = affine_map<(d0, d1) -> (0, 0, 0)>
module attributes {stable_mosaic.version = 14 : i64} {
  func.func @propagate(%arg0: i32, %arg1: i32, %arg2: memref<10000x128xf32, #tpu.memory_space<hbm>>, %arg3: memref<2x16x81x128xi32, #tpu.memory_space<hbm>>, %arg4: memref<2x16x81x128xi32, #tpu.memory_space<hbm>>, %arg5: memref<640x128xf32, #tpu.memory_space<hbm>>, %arg6: memref<2x10240x128xf32, #tpu.memory_space<hbm>>, %arg7: memref<128xi32, #tpu.memory_space<vmem>>, %arg8: memref<128xi32, #tpu.memory_space<vmem>>, %arg9: memref<128x128xf32, #tpu.memory_space<vmem>>, %arg10: memref<10240x128xf32, #tpu.memory_space<vmem_shared>>, %arg11: memref<!tpu.dma_semaphore, #tpu.memory_space<semaphore_mem>>) attributes {dimension_semantics = [#tpu.dimension_semantics<core_parallel>, #tpu.dimension_semantics<subcore_parallel>], iteration_bounds = array<i64: 2, 16>, scalar_prefetch = 0 : i64, scratch_operands = 5 : i64, tpu.core_type = #tpu.core_type<sc_vector_subcore>, window_params = [{transform_indices = #map}, {transform_indices = #map1}, {transform_indices = #map1}, {transform_indices = #map}, {transform_indices = #map2}]} {
    %mul3A = arith.constant 640 : i32
    %mul3A_0 = arith.muli %arg1, %mul3A : i32
    "tpu.region"() ({
      %run_scoped3A = tpu.sem_alloc : memref<!tpu.dma_semaphore, #tpu.memory_space<semaphore_mem>>
      %dma_start3A = arith.constant 0 : i32
      %dma_start3A_11 = tpu.memref_slice %arg10[%mul3A_0, %dma_start3A] : memref<10240x128xf32, #tpu.memory_space<vmem_shared>> -> memref<640x128xf32, #tpu.memory_space<vmem_shared>>
      tpu.enqueue_dma source(%arg5 : memref<640x128xf32, #tpu.memory_space<hbm>>) target(%dma_start3A_11 : memref<640x128xf32, #tpu.memory_space<vmem_shared>>) target_semaphore(%run_scoped3A : memref<!tpu.dma_semaphore, #tpu.memory_space<semaphore_mem>>)
      %dma_wait3A = arith.constant 0 : i32
      %dma_wait3A_12 = tpu.memref_slice %arg10[%mul3A_0, %dma_wait3A] : memref<10240x128xf32, #tpu.memory_space<vmem_shared>> -> memref<640x128xf32, #tpu.memory_space<vmem_shared>>
      tpu.wait_dma2 semaphore(%run_scoped3A : memref<!tpu.dma_semaphore, #tpu.memory_space<semaphore_mem>>) src(%arg5 : memref<640x128xf32, #tpu.memory_space<hbm>>) dst(%dma_wait3A_12 : memref<640x128xf32, #tpu.memory_space<vmem_shared>>)
      tpu.yield
    }) : () -> ()
    %barrier3A = arith.constant 0 : index
    tpu.barrier barrier_id(%barrier3A)
    %scan3A = arith.constant 0 : i32
    %scan3A_1 = arith.constant 0 : i32
    %scan3A_2 = arith.constant 81 : i32
    %scan3A_3 = arith.addi %scan3A_1, %scan3A_2 : i32
    %scan3A_4 = arith.constant 1 : i32
    scf.for %scan3A_11 = %scan3A_1 to %scan3A_3 step %scan3A_4  : i32 {
      "tpu.region"() ({
        %run_scoped3A = tpu.sem_alloc : memref<!tpu.dma_semaphore, #tpu.memory_space<semaphore_mem>>
        %dma_start3A_16 = arith.constant 0 : i32
        %dma_start3A_17 = tpu.memref_slice %arg3[%arg0, %arg1, %scan3A_11, %dma_start3A_16] : memref<2x16x81x128xi32, #tpu.memory_space<hbm>> -> memref<1x1x1x128xi32, #tpu.memory_space<hbm>>
        %dma_start3A_18 = tpu.memref_squeeze %dma_start3A_17 : memref<1x1x1x128xi32, #tpu.memory_space<hbm>> -> memref<128xi32, #tpu.memory_space<hbm>>
        %dma_start3A_19 = arith.constant 0 : i32
        %dma_start3A_20 = tpu.memref_slice %arg3[%arg0, %arg1, %scan3A_11, %dma_start3A_19] : memref<2x16x81x128xi32, #tpu.memory_space<hbm>> -> memref<1x1x1x128xi32, #tpu.memory_space<hbm>>
        %dma_start3A_21 = tpu.memref_squeeze %dma_start3A_20 : memref<1x1x1x128xi32, #tpu.memory_space<hbm>> -> memref<128xi32, #tpu.memory_space<hbm>>
        tpu.enqueue_dma source(%dma_start3A_21 : memref<128xi32, #tpu.memory_space<hbm>>) target(%arg7 : memref<128xi32, #tpu.memory_space<vmem>>) target_semaphore(%run_scoped3A : memref<!tpu.dma_semaphore, #tpu.memory_space<semaphore_mem>>)
        %dma_wait3A_22 = arith.constant 0 : i32
        %dma_wait3A_23 = tpu.memref_slice %arg3[%arg0, %arg1, %scan3A_11, %dma_wait3A_22] : memref<2x16x81x128xi32, #tpu.memory_space<hbm>> -> memref<1x1x1x128xi32, #tpu.memory_space<hbm>>
        %dma_wait3A_24 = tpu.memref_squeeze %dma_wait3A_23 : memref<1x1x1x128xi32, #tpu.memory_space<hbm>> -> memref<128xi32, #tpu.memory_space<hbm>>
        %dma_wait3A_25 = arith.constant 0 : i32
        %dma_wait3A_26 = tpu.memref_slice %arg3[%arg0, %arg1, %scan3A_11, %dma_wait3A_25] : memref<2x16x81x128xi32, #tpu.memory_space<hbm>> -> memref<1x1x1x128xi32, #tpu.memory_space<hbm>>
        %dma_wait3A_27 = tpu.memref_squeeze %dma_wait3A_26 : memref<1x1x1x128xi32, #tpu.memory_space<hbm>> -> memref<128xi32, #tpu.memory_space<hbm>>
        tpu.wait_dma2 semaphore(%run_scoped3A : memref<!tpu.dma_semaphore, #tpu.memory_space<semaphore_mem>>) src(%dma_wait3A_27 : memref<128xi32, #tpu.memory_space<hbm>>) dst(%arg7 : memref<128xi32, #tpu.memory_space<vmem>>)
        tpu.yield
      }) : () -> ()
      %dma_start3A = arith.constant 0 : i32
      %dma_start3A_12 = arith.constant 0 : i32
      %dma_start3A_13 = tpu.memref_slice %arg2[%dma_start3A, %dma_start3A_12] : memref<10000x128xf32, #tpu.memory_space<hbm>> -> memref<10000x128xf32, #tpu.memory_space<hbm>>
      tpu.enqueue_indirect_dma source(%dma_start3A_13 : memref<10000x128xf32, #tpu.memory_space<hbm>>) target(%arg9 : memref<128x128xf32, #tpu.memory_space<vmem>>) offsets(%arg7 : memref<128xi32, #tpu.memory_space<vmem>>) semaphore(%arg11 : memref<!tpu.dma_semaphore, #tpu.memory_space<semaphore_mem>>)
      "tpu.region"() ({
        %run_scoped3A = tpu.sem_alloc : memref<!tpu.dma_semaphore, #tpu.memory_space<semaphore_mem>>
        %dma_start3A_16 = arith.constant 0 : i32
        %dma_start3A_17 = tpu.memref_slice %arg4[%arg0, %arg1, %scan3A_11, %dma_start3A_16] : memref<2x16x81x128xi32, #tpu.memory_space<hbm>> -> memref<1x1x1x128xi32, #tpu.memory_space<hbm>>
        %dma_start3A_18 = tpu.memref_squeeze %dma_start3A_17 : memref<1x1x1x128xi32, #tpu.memory_space<hbm>> -> memref<128xi32, #tpu.memory_space<hbm>>
        %dma_start3A_19 = arith.constant 0 : i32
        %dma_start3A_20 = tpu.memref_slice %arg4[%arg0, %arg1, %scan3A_11, %dma_start3A_19] : memref<2x16x81x128xi32, #tpu.memory_space<hbm>> -> memref<1x1x1x128xi32, #tpu.memory_space<hbm>>
        %dma_start3A_21 = tpu.memref_squeeze %dma_start3A_20 : memref<1x1x1x128xi32, #tpu.memory_space<hbm>> -> memref<128xi32, #tpu.memory_space<hbm>>
        tpu.enqueue_dma source(%dma_start3A_21 : memref<128xi32, #tpu.memory_space<hbm>>) target(%arg8 : memref<128xi32, #tpu.memory_space<vmem>>) target_semaphore(%run_scoped3A : memref<!tpu.dma_semaphore, #tpu.memory_space<semaphore_mem>>)
        %dma_wait3A_22 = arith.constant 0 : i32
        %dma_wait3A_23 = tpu.memref_slice %arg4[%arg0, %arg1, %scan3A_11, %dma_wait3A_22] : memref<2x16x81x128xi32, #tpu.memory_space<hbm>> -> memref<1x1x1x128xi32, #tpu.memory_space<hbm>>
        %dma_wait3A_24 = tpu.memref_squeeze %dma_wait3A_23 : memref<1x1x1x128xi32, #tpu.memory_space<hbm>> -> memref<128xi32, #tpu.memory_space<hbm>>
        %dma_wait3A_25 = arith.constant 0 : i32
        %dma_wait3A_26 = tpu.memref_slice %arg4[%arg0, %arg1, %scan3A_11, %dma_wait3A_25] : memref<2x16x81x128xi32, #tpu.memory_space<hbm>> -> memref<1x1x1x128xi32, #tpu.memory_space<hbm>>
        %dma_wait3A_27 = tpu.memref_squeeze %dma_wait3A_26 : memref<1x1x1x128xi32, #tpu.memory_space<hbm>> -> memref<128xi32, #tpu.memory_space<hbm>>
        tpu.wait_dma2 semaphore(%run_scoped3A : memref<!tpu.dma_semaphore, #tpu.memory_space<semaphore_mem>>) src(%dma_wait3A_27 : memref<128xi32, #tpu.memory_space<hbm>>) dst(%arg8 : memref<128xi32, #tpu.memory_space<vmem>>)
        tpu.yield
      }) : () -> ()
      %dma_wait3A = arith.constant 0 : i32
      %dma_wait3A_14 = arith.constant 0 : i32
      %dma_wait3A_15 = tpu.memref_slice %arg2[%dma_wait3A, %dma_wait3A_14] : memref<10000x128xf32, #tpu.memory_space<hbm>> -> memref<10000x128xf32, #tpu.memory_space<hbm>>
      tpu.wait_indirect_dma semaphore(%arg11 : memref<!tpu.dma_semaphore, #tpu.memory_space<semaphore_mem>>) src(%dma_wait3A_15 : memref<10000x128xf32, #tpu.memory_space<hbm>>) dst(%arg9 : memref<128x128xf32, #tpu.memory_space<vmem>>)
      "tpu.region"() ({
        %run_scoped3A = tpu.sem_alloc : memref<!tpu.dma_semaphore, #tpu.memory_space<semaphore_mem>>
        %dma_start3A_16 = arith.constant 0 : i32
        %dma_start3A_17 = arith.constant 0 : i32
        %dma_start3A_18 = tpu.memref_slice %arg10[%dma_start3A_16, %dma_start3A_17] : memref<10240x128xf32, #tpu.memory_space<vmem_shared>> -> memref<10240x128xf32, #tpu.memory_space<vmem_shared>>
        tpu.enqueue_indirect_dma source(%arg9 : memref<128x128xf32, #tpu.memory_space<vmem>>) target(%dma_start3A_18 : memref<10240x128xf32, #tpu.memory_space<vmem_shared>>) offsets(%arg8 : memref<128xi32, #tpu.memory_space<vmem>>) semaphore(%run_scoped3A : memref<!tpu.dma_semaphore, #tpu.memory_space<semaphore_mem>>) {add = true}
        %dma_wait3A_19 = arith.constant 0 : i32
        %dma_wait3A_20 = arith.constant 0 : i32
        %dma_wait3A_21 = tpu.memref_slice %arg10[%dma_wait3A_19, %dma_wait3A_20] : memref<10240x128xf32, #tpu.memory_space<vmem_shared>> -> memref<10240x128xf32, #tpu.memory_space<vmem_shared>>
        tpu.wait_indirect_dma semaphore(%run_scoped3A : memref<!tpu.dma_semaphore, #tpu.memory_space<semaphore_mem>>) src(%arg9 : memref<128x128xf32, #tpu.memory_space<vmem>>) dst(%dma_wait3A_21 : memref<10240x128xf32, #tpu.memory_space<vmem_shared>>)
        tpu.yield
      }) : () -> ()
    }
    %scan3A_5 = arith.constant 81 : i32
    %barrier3A_6 = arith.constant 0 : index
    tpu.barrier barrier_id(%barrier3A_6)
    %mul3A_7 = arith.constant 640 : i32
    %mul3A_8 = arith.muli %arg1, %mul3A_7 : i32
    %mul3A_9 = arith.constant 640 : i32
    %mul3A_10 = arith.muli %arg1, %mul3A_9 : i32
    "tpu.region"() ({
      %run_scoped3A = tpu.sem_alloc : memref<!tpu.dma_semaphore, #tpu.memory_space<semaphore_mem>>
      %dma_start3A = arith.constant 0 : i32
      %dma_start3A_11 = tpu.memref_slice %arg6[%arg0, %mul3A_10, %dma_start3A] : memref<2x10240x128xf32, #tpu.memory_space<hbm>> -> memref<1x640x128xf32, #tpu.memory_space<hbm>>
      %dma_start3A_12 = tpu.memref_squeeze %dma_start3A_11 : memref<1x640x128xf32, #tpu.memory_space<hbm>> -> memref<640x128xf32, #tpu.memory_space<hbm>>
      %dma_start3A_13 = arith.constant 0 : i32
      %dma_start3A_14 = tpu.memref_slice %arg10[%mul3A_8, %dma_start3A_13] : memref<10240x128xf32, #tpu.memory_space<vmem_shared>> -> memref<640x128xf32, #tpu.memory_space<vmem_shared>>
      tpu.enqueue_dma source(%dma_start3A_14 : memref<640x128xf32, #tpu.memory_space<vmem_shared>>) target(%dma_start3A_12 : memref<640x128xf32, #tpu.memory_space<hbm>>) target_semaphore(%run_scoped3A : memref<!tpu.dma_semaphore, #tpu.memory_space<semaphore_mem>>)
      %dma_wait3A = arith.constant 0 : i32
      %dma_wait3A_15 = tpu.memref_slice %arg6[%arg0, %mul3A_10, %dma_wait3A] : memref<2x10240x128xf32, #tpu.memory_space<hbm>> -> memref<1x640x128xf32, #tpu.memory_space<hbm>>
      %dma_wait3A_16 = tpu.memref_squeeze %dma_wait3A_15 : memref<1x640x128xf32, #tpu.memory_space<hbm>> -> memref<640x128xf32, #tpu.memory_space<hbm>>
      %dma_wait3A_17 = arith.constant 0 : i32
      %dma_wait3A_18 = tpu.memref_slice %arg10[%mul3A_8, %dma_wait3A_17] : memref<10240x128xf32, #tpu.memory_space<vmem_shared>> -> memref<640x128xf32, #tpu.memory_space<vmem_shared>>
      tpu.wait_dma2 semaphore(%run_scoped3A : memref<!tpu.dma_semaphore, #tpu.memory_space<semaphore_mem>>) src(%dma_wait3A_18 : memref<640x128xf32, #tpu.memory_space<vmem_shared>>) dst(%dma_wait3A_16 : memref<640x128xf32, #tpu.memory_space<hbm>>)
      tpu.yield
    }) : () -> ()
    return
  }
}

#map = affine_map<(d0, d1) -> (0, 0)>
#map1 = affine_map<(d0, d1) -> (0, 0, 0, 0)>
#map2 = affine_map<(d0, d1) -> (0, 0, 0)>
module attributes {stable_mosaic.version = 14 : i64} {
  func.func @propagate(%arg0: i32, %arg1: i32, %arg2: memref<10000x128xf32, #tpu.memory_space<hbm>>, %arg3: memref<2x16x81x128xi32, #tpu.memory_space<hbm>>, %arg4: memref<2x16x81x128xi32, #tpu.memory_space<hbm>>, %arg5: memref<640x128xf32, #tpu.memory_space<hbm>>, %arg6: memref<2x10240x128xf32, #tpu.memory_space<hbm>>, %arg7: memref<128xi32, #tpu.memory_space<vmem>>, %arg8: memref<128xi32, #tpu.memory_space<vmem>>, %arg9: memref<128x128xf32, #tpu.memory_space<vmem>>, %arg10: memref<10240x128xf32, #tpu.memory_space<vmem_shared>>, %arg11: memref<!tpu.dma_semaphore, #tpu.memory_space<semaphore_mem>>) attributes {dimension_semantics = [#tpu.dimension_semantics<core_parallel>, #tpu.dimension_semantics<subcore_parallel>], iteration_bounds = array<i64: 2, 16>, scalar_prefetch = 0 : i64, scratch_operands = 5 : i64, tpu.core_type = #tpu.core_type<sc_vector_subcore>, window_params = [{transform_indices = #map}, {transform_indices = #map1}, {transform_indices = #map1}, {transform_indices = #map}, {transform_indices = #map2}]} {
    %mul3A = arith.constant 640 : i32
    %mul3A_0 = arith.muli %arg1, %mul3A : i32
    "tpu.region"() ({
      %run_scoped3A = tpu.sem_alloc : memref<!tpu.dma_semaphore, #tpu.memory_space<semaphore_mem>>
      %dma_start3A = arith.constant 0 : i32
      %dma_start3A_11 = tpu.memref_slice %arg10[%mul3A_0, %dma_start3A] : memref<10240x128xf32, #tpu.memory_space<vmem_shared>> -> memref<640x128xf32, #tpu.memory_space<vmem_shared>>
      tpu.enqueue_dma source(%arg5 : memref<640x128xf32, #tpu.memory_space<hbm>>) target(%dma_start3A_11 : memref<640x128xf32, #tpu.memory_space<vmem_shared>>) target_semaphore(%run_scoped3A : memref<!tpu.dma_semaphore, #tpu.memory_space<semaphore_mem>>)
      %dma_wait3A = arith.constant 0 : i32
      %dma_wait3A_12 = tpu.memref_slice %arg10[%mul3A_0, %dma_wait3A] : memref<10240x128xf32, #tpu.memory_space<vmem_shared>> -> memref<640x128xf32, #tpu.memory_space<vmem_shared>>
      tpu.wait_dma2 semaphore(%run_scoped3A : memref<!tpu.dma_semaphore, #tpu.memory_space<semaphore_mem>>) src(%arg5 : memref<640x128xf32, #tpu.memory_space<hbm>>) dst(%dma_wait3A_12 : memref<640x128xf32, #tpu.memory_space<vmem_shared>>)
      tpu.yield
    }) : () -> ()
    %barrier3A = arith.constant 0 : index
    tpu.barrier barrier_id(%barrier3A)
    %scan3A = arith.constant 0 : i32
    %scan3A_1 = arith.constant 0 : i32
    %scan3A_2 = arith.constant 81 : i32
    %scan3A_3 = arith.addi %scan3A_1, %scan3A_2 : i32
    %scan3A_4 = arith.constant 1 : i32
    scf.for %scan3A_11 = %scan3A_1 to %scan3A_3 step %scan3A_4  : i32 {
      "tpu.region"() ({
        %run_scoped3A = tpu.sem_alloc : memref<!tpu.dma_semaphore, #tpu.memory_space<semaphore_mem>>
        %dma_start3A_16 = arith.constant 0 : i32
        %dma_start3A_17 = tpu.memref_slice %arg3[%arg0, %arg1, %scan3A_11, %dma_start3A_16] : memref<2x16x81x128xi32, #tpu.memory_space<hbm>> -> memref<1x1x1x128xi32, #tpu.memory_space<hbm>>
        %dma_start3A_18 = tpu.memref_squeeze %dma_start3A_17 : memref<1x1x1x128xi32, #tpu.memory_space<hbm>> -> memref<128xi32, #tpu.memory_space<hbm>>
        %dma_start3A_19 = arith.constant 0 : i32
        %dma_start3A_20 = tpu.memref_slice %arg3[%arg0, %arg1, %scan3A_11, %dma_start3A_19] : memref<2x16x81x128xi32, #tpu.memory_space<hbm>> -> memref<1x1x1x128xi32, #tpu.memory_space<hbm>>
        %dma_start3A_21 = tpu.memref_squeeze %dma_start3A_20 : memref<1x1x1x128xi32, #tpu.memory_space<hbm>> -> memref<128xi32, #tpu.memory_space<hbm>>
        tpu.enqueue_dma source(%dma_start3A_21 : memref<128xi32, #tpu.memory_space<hbm>>) target(%arg7 : memref<128xi32, #tpu.memory_space<vmem>>) target_semaphore(%run_scoped3A : memref<!tpu.dma_semaphore, #tpu.memory_space<semaphore_mem>>)
        %dma_wait3A_22 = arith.constant 0 : i32
        %dma_wait3A_23 = tpu.memref_slice %arg3[%arg0, %arg1, %scan3A_11, %dma_wait3A_22] : memref<2x16x81x128xi32, #tpu.memory_space<hbm>> -> memref<1x1x1x128xi32, #tpu.memory_space<hbm>>
        %dma_wait3A_24 = tpu.memref_squeeze %dma_wait3A_23 : memref<1x1x1x128xi32, #tpu.memory_space<hbm>> -> memref<128xi32, #tpu.memory_space<hbm>>
        %dma_wait3A_25 = arith.constant 0 : i32
        %dma_wait3A_26 = tpu.memref_slice %arg3[%arg0, %arg1, %scan3A_11, %dma_wait3A_25] : memref<2x16x81x128xi32, #tpu.memory_space<hbm>> -> memref<1x1x1x128xi32, #tpu.memory_space<hbm>>
        %dma_wait3A_27 = tpu.memref_squeeze %dma_wait3A_26 : memref<1x1x1x128xi32, #tpu.memory_space<hbm>> -> memref<128xi32, #tpu.memory_space<hbm>>
        tpu.wait_dma2 semaphore(%run_scoped3A : memref<!tpu.dma_semaphore, #tpu.memory_space<semaphore_mem>>) src(%dma_wait3A_27 : memref<128xi32, #tpu.memory_space<hbm>>) dst(%arg7 : memref<128xi32, #tpu.memory_space<vmem>>)
        tpu.yield
      }) : () -> ()
      %dma_start3A = arith.constant 0 : i32
      %dma_start3A_12 = arith.constant 0 : i32
      %dma_start3A_13 = tpu.memref_slice %arg2[%dma_start3A, %dma_start3A_12] : memref<10000x128xf32, #tpu.memory_space<hbm>> -> memref<10000x128xf32, #tpu.memory_space<hbm>>
      tpu.enqueue_indirect_dma source(%dma_start3A_13 : memref<10000x128xf32, #tpu.memory_space<hbm>>) target(%arg9 : memref<128x128xf32, #tpu.memory_space<vmem>>) offsets(%arg7 : memref<128xi32, #tpu.memory_space<vmem>>) semaphore(%arg11 : memref<!tpu.dma_semaphore, #tpu.memory_space<semaphore_mem>>)
      "tpu.region"() ({
        %run_scoped3A = tpu.sem_alloc : memref<!tpu.dma_semaphore, #tpu.memory_space<semaphore_mem>>
        %dma_start3A_16 = arith.constant 0 : i32
        %dma_start3A_17 = tpu.memref_slice %arg4[%arg0, %arg1, %scan3A_11, %dma_start3A_16] : memref<2x16x81x128xi32, #tpu.memory_space<hbm>> -> memref<1x1x1x128xi32, #tpu.memory_space<hbm>>
        %dma_start3A_18 = tpu.memref_squeeze %dma_start3A_17 : memref<1x1x1x128xi32, #tpu.memory_space<hbm>> -> memref<128xi32, #tpu.memory_space<hbm>>
        %dma_start3A_19 = arith.constant 0 : i32
        %dma_start3A_20 = tpu.memref_slice %arg4[%arg0, %arg1, %scan3A_11, %dma_start3A_19] : memref<2x16x81x128xi32, #tpu.memory_space<hbm>> -> memref<1x1x1x128xi32, #tpu.memory_space<hbm>>
        %dma_start3A_21 = tpu.memref_squeeze %dma_start3A_20 : memref<1x1x1x128xi32, #tpu.memory_space<hbm>> -> memref<128xi32, #tpu.memory_space<hbm>>
        tpu.enqueue_dma source(%dma_start3A_21 : memref<128xi32, #tpu.memory_space<hbm>>) target(%arg8 : memref<128xi32, #tpu.memory_space<vmem>>) target_semaphore(%run_scoped3A : memref<!tpu.dma_semaphore, #tpu.memory_space<semaphore_mem>>)
        %dma_wait3A_22 = arith.constant 0 : i32
        %dma_wait3A_23 = tpu.memref_slice %arg4[%arg0, %arg1, %scan3A_11, %dma_wait3A_22] : memref<2x16x81x128xi32, #tpu.memory_space<hbm>> -> memref<1x1x1x128xi32, #tpu.memory_space<hbm>>
        %dma_wait3A_24 = tpu.memref_squeeze %dma_wait3A_23 : memref<1x1x1x128xi32, #tpu.memory_space<hbm>> -> memref<128xi32, #tpu.memory_space<hbm>>
        %dma_wait3A_25 = arith.constant 0 : i32
        %dma_wait3A_26 = tpu.memref_slice %arg4[%arg0, %arg1, %scan3A_11, %dma_wait3A_25] : memref<2x16x81x128xi32, #tpu.memory_space<hbm>> -> memref<1x1x1x128xi32, #tpu.memory_space<hbm>>
        %dma_wait3A_27 = tpu.memref_squeeze %dma_wait3A_26 : memref<1x1x1x128xi32, #tpu.memory_space<hbm>> -> memref<128xi32, #tpu.memory_space<hbm>>
        tpu.wait_dma2 semaphore(%run_scoped3A : memref<!tpu.dma_semaphore, #tpu.memory_space<semaphore_mem>>) src(%dma_wait3A_27 : memref<128xi32, #tpu.memory_space<hbm>>) dst(%arg8 : memref<128xi32, #tpu.memory_space<vmem>>)
        tpu.yield
      }) : () -> ()
      %dma_wait3A = arith.constant 0 : i32
      %dma_wait3A_14 = arith.constant 0 : i32
      %dma_wait3A_15 = tpu.memref_slice %arg2[%dma_wait3A, %dma_wait3A_14] : memref<10000x128xf32, #tpu.memory_space<hbm>> -> memref<10000x128xf32, #tpu.memory_space<hbm>>
      tpu.wait_indirect_dma semaphore(%arg11 : memref<!tpu.dma_semaphore, #tpu.memory_space<semaphore_mem>>) src(%dma_wait3A_15 : memref<10000x128xf32, #tpu.memory_space<hbm>>) dst(%arg9 : memref<128x128xf32, #tpu.memory_space<vmem>>)
      "tpu.region"() ({
        %run_scoped3A = tpu.sem_alloc : memref<!tpu.dma_semaphore, #tpu.memory_space<semaphore_mem>>
        %dma_start3A_16 = arith.constant 0 : i32
        %dma_start3A_17 = arith.constant 0 : i32
        %dma_start3A_18 = tpu.memref_slice %arg10[%dma_start3A_16, %dma_start3A_17] : memref<10240x128xf32, #tpu.memory_space<vmem_shared>> -> memref<10240x128xf32, #tpu.memory_space<vmem_shared>>
        tpu.enqueue_indirect_dma source(%arg9 : memref<128x128xf32, #tpu.memory_space<vmem>>) target(%dma_start3A_18 : memref<10240x128xf32, #tpu.memory_space<vmem_shared>>) offsets(%arg8 : memref<128xi32, #tpu.memory_space<vmem>>) semaphore(%run_scoped3A : memref<!tpu.dma_semaphore, #tpu.memory_space<semaphore_mem>>) {add = true}
        %dma_wait3A_19 = arith.constant 0 : i32
        %dma_wait3A_20 = arith.constant 0 : i32
        %dma_wait3A_21 = tpu.memref_slice %arg10[%dma_wait3A_19, %dma_wait3A_20] : memref<10240x128xf32, #tpu.memory_space<vmem_shared>> -> memref<10240x128xf32, #tpu.memory_space<vmem_shared>>
        tpu.wait_indirect_dma semaphore(%run_scoped3A : memref<!tpu.dma_semaphore, #tpu.memory_space<semaphore_mem>>) src(%arg9 : memref<128x128xf32, #tpu.memory_space<vmem>>) dst(%dma_wait3A_21 : memref<10240x128xf32, #tpu.memory_space<vmem_shared>>)
        tpu.yield
      }) : () -> ()
    }
    %scan3A_5 = arith.constant 81 : i32
    %barrier3A_6 = arith.constant 0 : index
    tpu.barrier barrier_id(%barrier3A_6)
    %mul3A_7 = arith.constant 640 : i32
    %mul3A_8 = arith.muli %arg1, %mul3A_7 : i32
    %mul3A_9 = arith.constant 640 : i32
    %mul3A_10 = arith.muli %arg1, %mul3A_9 : i32
    "tpu.region"() ({
      %run_scoped3A = tpu.sem_alloc : memref<!tpu.dma_semaphore, #tpu.memory_space<semaphore_mem>>
      %dma_start3A = arith.constant 0 : i32
      %dma_start3A_11 = tpu.memref_slice %arg6[%arg0, %mul3A_10, %dma_start3A] : memref<2x10240x128xf32, #tpu.memory_space<hbm>> -> memref<1x640x128xf32, #tpu.memory_space<hbm>>
      %dma_start3A_12 = tpu.memref_squeeze %dma_start3A_11 : memref<1x640x128xf32, #tpu.memory_space<hbm>> -> memref<640x128xf32, #tpu.memory_space<hbm>>
      %dma_start3A_13 = arith.constant 0 : i32
      %dma_start3A_14 = tpu.memref_slice %arg10[%mul3A_8, %dma_start3A_13] : memref<10240x128xf32, #tpu.memory_space<vmem_shared>> -> memref<640x128xf32, #tpu.memory_space<vmem_shared>>
      tpu.enqueue_dma source(%dma_start3A_14 : memref<640x128xf32, #tpu.memory_space<vmem_shared>>) target(%dma_start3A_12 : memref<640x128xf32, #tpu.memory_space<hbm>>) target_semaphore(%run_scoped3A : memref<!tpu.dma_semaphore, #tpu.memory_space<semaphore_mem>>)
      %dma_wait3A = arith.constant 0 : i32
      %dma_wait3A_15 = tpu.memref_slice %arg6[%arg0, %mul3A_10, %dma_wait3A] : memref<2x10240x128xf32, #tpu.memory_space<hbm>> -> memref<1x640x128xf32, #tpu.memory_space<hbm>>
      %dma_wait3A_16 = tpu.memref_squeeze %dma_wait3A_15 : memref<1x640x128xf32, #tpu.memory_space<hbm>> -> memref<640x128xf32, #tpu.memory_space<hbm>>
      %dma_wait3A_17 = arith.constant 0 : i32
      %dma_wait3A_18 = tpu.memref_slice %arg10[%mul3A_8, %dma_wait3A_17] : memref<10240x128xf32, #tpu.memory_space<vmem_shared>> -> memref<640x128xf32, #tpu.memory_space<vmem_shared>>
      tpu.wait_dma2 semaphore(%run_scoped3A : memref<!tpu.dma_semaphore, #tpu.memory_space<semaphore_mem>>) src(%dma_wait3A_18 : memref<640x128xf32, #tpu.memory_space<vmem_shared>>) dst(%dma_wait3A_16 : memref<640x128xf32, #tpu.memory_space<hbm>>)
      tpu.yield
    }) : () -> ()
    return
  }
}

#map = affine_map<(d0, d1) -> (0, 0)>
#map1 = affine_map<(d0, d1) -> (0, 0, 0, 0)>
#map2 = affine_map<(d0, d1) -> (0, 0, 0)>
module attributes {stable_mosaic.version = 14 : i64} {
  func.func @propagate(%arg0: i32, %arg1: i32, %arg2: memref<10000x128xf32, #tpu.memory_space<hbm>>, %arg3: memref<2x16x81x128xi32, #tpu.memory_space<hbm>>, %arg4: memref<2x16x81x128xi32, #tpu.memory_space<hbm>>, %arg5: memref<640x128xf32, #tpu.memory_space<hbm>>, %arg6: memref<2x10240x128xf32, #tpu.memory_space<hbm>>, %arg7: memref<128xi32, #tpu.memory_space<vmem>>, %arg8: memref<128xi32, #tpu.memory_space<vmem>>, %arg9: memref<128x128xf32, #tpu.memory_space<vmem>>, %arg10: memref<10240x128xf32, #tpu.memory_space<vmem_shared>>, %arg11: memref<!tpu.dma_semaphore, #tpu.memory_space<semaphore_mem>>) attributes {dimension_semantics = [#tpu.dimension_semantics<core_parallel>, #tpu.dimension_semantics<subcore_parallel>], iteration_bounds = array<i64: 2, 16>, scalar_prefetch = 0 : i64, scratch_operands = 5 : i64, tpu.core_type = #tpu.core_type<sc_vector_subcore>, window_params = [{transform_indices = #map}, {transform_indices = #map1}, {transform_indices = #map1}, {transform_indices = #map}, {transform_indices = #map2}]} {
    %mul3A = arith.constant 640 : i32
    %mul3A_0 = arith.muli %arg1, %mul3A : i32
    "tpu.region"() ({
      %run_scoped3A = tpu.sem_alloc : memref<!tpu.dma_semaphore, #tpu.memory_space<semaphore_mem>>
      %dma_start3A = arith.constant 0 : i32
      %dma_start3A_11 = tpu.memref_slice %arg10[%mul3A_0, %dma_start3A] : memref<10240x128xf32, #tpu.memory_space<vmem_shared>> -> memref<640x128xf32, #tpu.memory_space<vmem_shared>>
      tpu.enqueue_dma source(%arg5 : memref<640x128xf32, #tpu.memory_space<hbm>>) target(%dma_start3A_11 : memref<640x128xf32, #tpu.memory_space<vmem_shared>>) target_semaphore(%run_scoped3A : memref<!tpu.dma_semaphore, #tpu.memory_space<semaphore_mem>>)
      %dma_wait3A = arith.constant 0 : i32
      %dma_wait3A_12 = tpu.memref_slice %arg10[%mul3A_0, %dma_wait3A] : memref<10240x128xf32, #tpu.memory_space<vmem_shared>> -> memref<640x128xf32, #tpu.memory_space<vmem_shared>>
      tpu.wait_dma2 semaphore(%run_scoped3A : memref<!tpu.dma_semaphore, #tpu.memory_space<semaphore_mem>>) src(%arg5 : memref<640x128xf32, #tpu.memory_space<hbm>>) dst(%dma_wait3A_12 : memref<640x128xf32, #tpu.memory_space<vmem_shared>>)
      tpu.yield
    }) : () -> ()
    %barrier3A = arith.constant 0 : index
    tpu.barrier barrier_id(%barrier3A)
    %scan3A = arith.constant 0 : i32
    %scan3A_1 = arith.constant 0 : i32
    %scan3A_2 = arith.constant 81 : i32
    %scan3A_3 = arith.addi %scan3A_1, %scan3A_2 : i32
    %scan3A_4 = arith.constant 1 : i32
    scf.for %scan3A_11 = %scan3A_1 to %scan3A_3 step %scan3A_4  : i32 {
      "tpu.region"() ({
        %run_scoped3A = tpu.sem_alloc : memref<!tpu.dma_semaphore, #tpu.memory_space<semaphore_mem>>
        %dma_start3A_16 = arith.constant 0 : i32
        %dma_start3A_17 = tpu.memref_slice %arg3[%arg0, %arg1, %scan3A_11, %dma_start3A_16] : memref<2x16x81x128xi32, #tpu.memory_space<hbm>> -> memref<1x1x1x128xi32, #tpu.memory_space<hbm>>
        %dma_start3A_18 = tpu.memref_squeeze %dma_start3A_17 : memref<1x1x1x128xi32, #tpu.memory_space<hbm>> -> memref<128xi32, #tpu.memory_space<hbm>>
        %dma_start3A_19 = arith.constant 0 : i32
        %dma_start3A_20 = tpu.memref_slice %arg3[%arg0, %arg1, %scan3A_11, %dma_start3A_19] : memref<2x16x81x128xi32, #tpu.memory_space<hbm>> -> memref<1x1x1x128xi32, #tpu.memory_space<hbm>>
        %dma_start3A_21 = tpu.memref_squeeze %dma_start3A_20 : memref<1x1x1x128xi32, #tpu.memory_space<hbm>> -> memref<128xi32, #tpu.memory_space<hbm>>
        tpu.enqueue_dma source(%dma_start3A_21 : memref<128xi32, #tpu.memory_space<hbm>>) target(%arg7 : memref<128xi32, #tpu.memory_space<vmem>>) target_semaphore(%run_scoped3A : memref<!tpu.dma_semaphore, #tpu.memory_space<semaphore_mem>>)
        %dma_wait3A_22 = arith.constant 0 : i32
        %dma_wait3A_23 = tpu.memref_slice %arg3[%arg0, %arg1, %scan3A_11, %dma_wait3A_22] : memref<2x16x81x128xi32, #tpu.memory_space<hbm>> -> memref<1x1x1x128xi32, #tpu.memory_space<hbm>>
        %dma_wait3A_24 = tpu.memref_squeeze %dma_wait3A_23 : memref<1x1x1x128xi32, #tpu.memory_space<hbm>> -> memref<128xi32, #tpu.memory_space<hbm>>
        %dma_wait3A_25 = arith.constant 0 : i32
        %dma_wait3A_26 = tpu.memref_slice %arg3[%arg0, %arg1, %scan3A_11, %dma_wait3A_25] : memref<2x16x81x128xi32, #tpu.memory_space<hbm>> -> memref<1x1x1x128xi32, #tpu.memory_space<hbm>>
        %dma_wait3A_27 = tpu.memref_squeeze %dma_wait3A_26 : memref<1x1x1x128xi32, #tpu.memory_space<hbm>> -> memref<128xi32, #tpu.memory_space<hbm>>
        tpu.wait_dma2 semaphore(%run_scoped3A : memref<!tpu.dma_semaphore, #tpu.memory_space<semaphore_mem>>) src(%dma_wait3A_27 : memref<128xi32, #tpu.memory_space<hbm>>) dst(%arg7 : memref<128xi32, #tpu.memory_space<vmem>>)
        tpu.yield
      }) : () -> ()
      %dma_start3A = arith.constant 0 : i32
      %dma_start3A_12 = arith.constant 0 : i32
      %dma_start3A_13 = tpu.memref_slice %arg2[%dma_start3A, %dma_start3A_12] : memref<10000x128xf32, #tpu.memory_space<hbm>> -> memref<10000x128xf32, #tpu.memory_space<hbm>>
      tpu.enqueue_indirect_dma source(%dma_start3A_13 : memref<10000x128xf32, #tpu.memory_space<hbm>>) target(%arg9 : memref<128x128xf32, #tpu.memory_space<vmem>>) offsets(%arg7 : memref<128xi32, #tpu.memory_space<vmem>>) semaphore(%arg11 : memref<!tpu.dma_semaphore, #tpu.memory_space<semaphore_mem>>)
      "tpu.region"() ({
        %run_scoped3A = tpu.sem_alloc : memref<!tpu.dma_semaphore, #tpu.memory_space<semaphore_mem>>
        %dma_start3A_16 = arith.constant 0 : i32
        %dma_start3A_17 = tpu.memref_slice %arg4[%arg0, %arg1, %scan3A_11, %dma_start3A_16] : memref<2x16x81x128xi32, #tpu.memory_space<hbm>> -> memref<1x1x1x128xi32, #tpu.memory_space<hbm>>
        %dma_start3A_18 = tpu.memref_squeeze %dma_start3A_17 : memref<1x1x1x128xi32, #tpu.memory_space<hbm>> -> memref<128xi32, #tpu.memory_space<hbm>>
        %dma_start3A_19 = arith.constant 0 : i32
        %dma_start3A_20 = tpu.memref_slice %arg4[%arg0, %arg1, %scan3A_11, %dma_start3A_19] : memref<2x16x81x128xi32, #tpu.memory_space<hbm>> -> memref<1x1x1x128xi32, #tpu.memory_space<hbm>>
        %dma_start3A_21 = tpu.memref_squeeze %dma_start3A_20 : memref<1x1x1x128xi32, #tpu.memory_space<hbm>> -> memref<128xi32, #tpu.memory_space<hbm>>
        tpu.enqueue_dma source(%dma_start3A_21 : memref<128xi32, #tpu.memory_space<hbm>>) target(%arg8 : memref<128xi32, #tpu.memory_space<vmem>>) target_semaphore(%run_scoped3A : memref<!tpu.dma_semaphore, #tpu.memory_space<semaphore_mem>>)
        %dma_wait3A_22 = arith.constant 0 : i32
        %dma_wait3A_23 = tpu.memref_slice %arg4[%arg0, %arg1, %scan3A_11, %dma_wait3A_22] : memref<2x16x81x128xi32, #tpu.memory_space<hbm>> -> memref<1x1x1x128xi32, #tpu.memory_space<hbm>>
        %dma_wait3A_24 = tpu.memref_squeeze %dma_wait3A_23 : memref<1x1x1x128xi32, #tpu.memory_space<hbm>> -> memref<128xi32, #tpu.memory_space<hbm>>
        %dma_wait3A_25 = arith.constant 0 : i32
        %dma_wait3A_26 = tpu.memref_slice %arg4[%arg0, %arg1, %scan3A_11, %dma_wait3A_25] : memref<2x16x81x128xi32, #tpu.memory_space<hbm>> -> memref<1x1x1x128xi32, #tpu.memory_space<hbm>>
        %dma_wait3A_27 = tpu.memref_squeeze %dma_wait3A_26 : memref<1x1x1x128xi32, #tpu.memory_space<hbm>> -> memref<128xi32, #tpu.memory_space<hbm>>
        tpu.wait_dma2 semaphore(%run_scoped3A : memref<!tpu.dma_semaphore, #tpu.memory_space<semaphore_mem>>) src(%dma_wait3A_27 : memref<128xi32, #tpu.memory_space<hbm>>) dst(%arg8 : memref<128xi32, #tpu.memory_space<vmem>>)
        tpu.yield
      }) : () -> ()
      %dma_wait3A = arith.constant 0 : i32
      %dma_wait3A_14 = arith.constant 0 : i32
      %dma_wait3A_15 = tpu.memref_slice %arg2[%dma_wait3A, %dma_wait3A_14] : memref<10000x128xf32, #tpu.memory_space<hbm>> -> memref<10000x128xf32, #tpu.memory_space<hbm>>
      tpu.wait_indirect_dma semaphore(%arg11 : memref<!tpu.dma_semaphore, #tpu.memory_space<semaphore_mem>>) src(%dma_wait3A_15 : memref<10000x128xf32, #tpu.memory_space<hbm>>) dst(%arg9 : memref<128x128xf32, #tpu.memory_space<vmem>>)
      "tpu.region"() ({
        %run_scoped3A = tpu.sem_alloc : memref<!tpu.dma_semaphore, #tpu.memory_space<semaphore_mem>>
        %dma_start3A_16 = arith.constant 0 : i32
        %dma_start3A_17 = arith.constant 0 : i32
        %dma_start3A_18 = tpu.memref_slice %arg10[%dma_start3A_16, %dma_start3A_17] : memref<10240x128xf32, #tpu.memory_space<vmem_shared>> -> memref<10240x128xf32, #tpu.memory_space<vmem_shared>>
        tpu.enqueue_indirect_dma source(%arg9 : memref<128x128xf32, #tpu.memory_space<vmem>>) target(%dma_start3A_18 : memref<10240x128xf32, #tpu.memory_space<vmem_shared>>) offsets(%arg8 : memref<128xi32, #tpu.memory_space<vmem>>) semaphore(%run_scoped3A : memref<!tpu.dma_semaphore, #tpu.memory_space<semaphore_mem>>) {add = true}
        %dma_wait3A_19 = arith.constant 0 : i32
        %dma_wait3A_20 = arith.constant 0 : i32
        %dma_wait3A_21 = tpu.memref_slice %arg10[%dma_wait3A_19, %dma_wait3A_20] : memref<10240x128xf32, #tpu.memory_space<vmem_shared>> -> memref<10240x128xf32, #tpu.memory_space<vmem_shared>>
        tpu.wait_indirect_dma semaphore(%run_scoped3A : memref<!tpu.dma_semaphore, #tpu.memory_space<semaphore_mem>>) src(%arg9 : memref<128x128xf32, #tpu.memory_space<vmem>>) dst(%dma_wait3A_21 : memref<10240x128xf32, #tpu.memory_space<vmem_shared>>)
        tpu.yield
      }) : () -> ()
    }
    %scan3A_5 = arith.constant 81 : i32
    %barrier3A_6 = arith.constant 0 : index
    tpu.barrier barrier_id(%barrier3A_6)
    %mul3A_7 = arith.constant 640 : i32
    %mul3A_8 = arith.muli %arg1, %mul3A_7 : i32
    %mul3A_9 = arith.constant 640 : i32
    %mul3A_10 = arith.muli %arg1, %mul3A_9 : i32
    "tpu.region"() ({
      %run_scoped3A = tpu.sem_alloc : memref<!tpu.dma_semaphore, #tpu.memory_space<semaphore_mem>>
      %dma_start3A = arith.constant 0 : i32
      %dma_start3A_11 = tpu.memref_slice %arg6[%arg0, %mul3A_10, %dma_start3A] : memref<2x10240x128xf32, #tpu.memory_space<hbm>> -> memref<1x640x128xf32, #tpu.memory_space<hbm>>
      %dma_start3A_12 = tpu.memref_squeeze %dma_start3A_11 : memref<1x640x128xf32, #tpu.memory_space<hbm>> -> memref<640x128xf32, #tpu.memory_space<hbm>>
      %dma_start3A_13 = arith.constant 0 : i32
      %dma_start3A_14 = tpu.memref_slice %arg10[%mul3A_8, %dma_start3A_13] : memref<10240x128xf32, #tpu.memory_space<vmem_shared>> -> memref<640x128xf32, #tpu.memory_space<vmem_shared>>
      tpu.enqueue_dma source(%dma_start3A_14 : memref<640x128xf32, #tpu.memory_space<vmem_shared>>) target(%dma_start3A_12 : memref<640x128xf32, #tpu.memory_space<hbm>>) target_semaphore(%run_scoped3A : memref<!tpu.dma_semaphore, #tpu.memory_space<semaphore_mem>>)
      %dma_wait3A = arith.constant 0 : i32
      %dma_wait3A_15 = tpu.memref_slice %arg6[%arg0, %mul3A_10, %dma_wait3A] : memref<2x10240x128xf32, #tpu.memory_space<hbm>> -> memref<1x640x128xf32, #tpu.memory_space<hbm>>
      %dma_wait3A_16 = tpu.memref_squeeze %dma_wait3A_15 : memref<1x640x128xf32, #tpu.memory_space<hbm>> -> memref<640x128xf32, #tpu.memory_space<hbm>>
      %dma_wait3A_17 = arith.constant 0 : i32
      %dma_wait3A_18 = tpu.memref_slice %arg10[%mul3A_8, %dma_wait3A_17] : memref<10240x128xf32, #tpu.memory_space<vmem_shared>> -> memref<640x128xf32, #tpu.memory_space<vmem_shared>>
      tpu.wait_dma2 semaphore(%run_scoped3A : memref<!tpu.dma_semaphore, #tpu.memory_space<semaphore_mem>>) src(%dma_wait3A_18 : memref<640x128xf32, #tpu.memory_space<vmem_shared>>) dst(%dma_wait3A_16 : memref<640x128xf32, #tpu.memory_space<hbm>>)
      tpu.yield
    }) : () -> ()
    return
  }
}

#map = affine_map<(d0, d1) -> (0, 0)>
#map1 = affine_map<(d0, d1) -> (0, 0, 0, 0)>
#map2 = affine_map<(d0, d1) -> (0, 0, 0)>
module attributes {stable_mosaic.version = 14 : i64} {
  func.func @propagate(%arg0: i32, %arg1: i32, %arg2: memref<10000x128xf32, #tpu.memory_space<hbm>>, %arg3: memref<2x16x81x128xi32, #tpu.memory_space<hbm>>, %arg4: memref<2x16x81x128xi32, #tpu.memory_space<hbm>>, %arg5: memref<640x128xf32, #tpu.memory_space<hbm>>, %arg6: memref<2x10240x128xf32, #tpu.memory_space<hbm>>, %arg7: memref<128xi32, #tpu.memory_space<vmem>>, %arg8: memref<128xi32, #tpu.memory_space<vmem>>, %arg9: memref<128x128xf32, #tpu.memory_space<vmem>>, %arg10: memref<10240x128xf32, #tpu.memory_space<vmem_shared>>, %arg11: memref<!tpu.dma_semaphore, #tpu.memory_space<semaphore_mem>>) attributes {dimension_semantics = [#tpu.dimension_semantics<core_parallel>, #tpu.dimension_semantics<subcore_parallel>], iteration_bounds = array<i64: 2, 16>, scalar_prefetch = 0 : i64, scratch_operands = 5 : i64, tpu.core_type = #tpu.core_type<sc_vector_subcore>, window_params = [{transform_indices = #map}, {transform_indices = #map1}, {transform_indices = #map1}, {transform_indices = #map}, {transform_indices = #map2}]} {
    %mul3A = arith.constant 640 : i32
    %mul3A_0 = arith.muli %arg1, %mul3A : i32
    "tpu.region"() ({
      %run_scoped3A = tpu.sem_alloc : memref<!tpu.dma_semaphore, #tpu.memory_space<semaphore_mem>>
      %dma_start3A = arith.constant 0 : i32
      %dma_start3A_11 = tpu.memref_slice %arg10[%mul3A_0, %dma_start3A] : memref<10240x128xf32, #tpu.memory_space<vmem_shared>> -> memref<640x128xf32, #tpu.memory_space<vmem_shared>>
      tpu.enqueue_dma source(%arg5 : memref<640x128xf32, #tpu.memory_space<hbm>>) target(%dma_start3A_11 : memref<640x128xf32, #tpu.memory_space<vmem_shared>>) target_semaphore(%run_scoped3A : memref<!tpu.dma_semaphore, #tpu.memory_space<semaphore_mem>>)
      %dma_wait3A = arith.constant 0 : i32
      %dma_wait3A_12 = tpu.memref_slice %arg10[%mul3A_0, %dma_wait3A] : memref<10240x128xf32, #tpu.memory_space<vmem_shared>> -> memref<640x128xf32, #tpu.memory_space<vmem_shared>>
      tpu.wait_dma2 semaphore(%run_scoped3A : memref<!tpu.dma_semaphore, #tpu.memory_space<semaphore_mem>>) src(%arg5 : memref<640x128xf32, #tpu.memory_space<hbm>>) dst(%dma_wait3A_12 : memref<640x128xf32, #tpu.memory_space<vmem_shared>>)
      tpu.yield
    }) : () -> ()
    %barrier3A = arith.constant 0 : index
    tpu.barrier barrier_id(%barrier3A)
    %scan3A = arith.constant 0 : i32
    %scan3A_1 = arith.constant 0 : i32
    %scan3A_2 = arith.constant 81 : i32
    %scan3A_3 = arith.addi %scan3A_1, %scan3A_2 : i32
    %scan3A_4 = arith.constant 1 : i32
    scf.for %scan3A_11 = %scan3A_1 to %scan3A_3 step %scan3A_4  : i32 {
      "tpu.region"() ({
        %run_scoped3A = tpu.sem_alloc : memref<!tpu.dma_semaphore, #tpu.memory_space<semaphore_mem>>
        %dma_start3A_16 = arith.constant 0 : i32
        %dma_start3A_17 = tpu.memref_slice %arg3[%arg0, %arg1, %scan3A_11, %dma_start3A_16] : memref<2x16x81x128xi32, #tpu.memory_space<hbm>> -> memref<1x1x1x128xi32, #tpu.memory_space<hbm>>
        %dma_start3A_18 = tpu.memref_squeeze %dma_start3A_17 : memref<1x1x1x128xi32, #tpu.memory_space<hbm>> -> memref<128xi32, #tpu.memory_space<hbm>>
        %dma_start3A_19 = arith.constant 0 : i32
        %dma_start3A_20 = tpu.memref_slice %arg3[%arg0, %arg1, %scan3A_11, %dma_start3A_19] : memref<2x16x81x128xi32, #tpu.memory_space<hbm>> -> memref<1x1x1x128xi32, #tpu.memory_space<hbm>>
        %dma_start3A_21 = tpu.memref_squeeze %dma_start3A_20 : memref<1x1x1x128xi32, #tpu.memory_space<hbm>> -> memref<128xi32, #tpu.memory_space<hbm>>
        tpu.enqueue_dma source(%dma_start3A_21 : memref<128xi32, #tpu.memory_space<hbm>>) target(%arg7 : memref<128xi32, #tpu.memory_space<vmem>>) target_semaphore(%run_scoped3A : memref<!tpu.dma_semaphore, #tpu.memory_space<semaphore_mem>>)
        %dma_wait3A_22 = arith.constant 0 : i32
        %dma_wait3A_23 = tpu.memref_slice %arg3[%arg0, %arg1, %scan3A_11, %dma_wait3A_22] : memref<2x16x81x128xi32, #tpu.memory_space<hbm>> -> memref<1x1x1x128xi32, #tpu.memory_space<hbm>>
        %dma_wait3A_24 = tpu.memref_squeeze %dma_wait3A_23 : memref<1x1x1x128xi32, #tpu.memory_space<hbm>> -> memref<128xi32, #tpu.memory_space<hbm>>
        %dma_wait3A_25 = arith.constant 0 : i32
        %dma_wait3A_26 = tpu.memref_slice %arg3[%arg0, %arg1, %scan3A_11, %dma_wait3A_25] : memref<2x16x81x128xi32, #tpu.memory_space<hbm>> -> memref<1x1x1x128xi32, #tpu.memory_space<hbm>>
        %dma_wait3A_27 = tpu.memref_squeeze %dma_wait3A_26 : memref<1x1x1x128xi32, #tpu.memory_space<hbm>> -> memref<128xi32, #tpu.memory_space<hbm>>
        tpu.wait_dma2 semaphore(%run_scoped3A : memref<!tpu.dma_semaphore, #tpu.memory_space<semaphore_mem>>) src(%dma_wait3A_27 : memref<128xi32, #tpu.memory_space<hbm>>) dst(%arg7 : memref<128xi32, #tpu.memory_space<vmem>>)
        tpu.yield
      }) : () -> ()
      %dma_start3A = arith.constant 0 : i32
      %dma_start3A_12 = arith.constant 0 : i32
      %dma_start3A_13 = tpu.memref_slice %arg2[%dma_start3A, %dma_start3A_12] : memref<10000x128xf32, #tpu.memory_space<hbm>> -> memref<10000x128xf32, #tpu.memory_space<hbm>>
      tpu.enqueue_indirect_dma source(%dma_start3A_13 : memref<10000x128xf32, #tpu.memory_space<hbm>>) target(%arg9 : memref<128x128xf32, #tpu.memory_space<vmem>>) offsets(%arg7 : memref<128xi32, #tpu.memory_space<vmem>>) semaphore(%arg11 : memref<!tpu.dma_semaphore, #tpu.memory_space<semaphore_mem>>)
      "tpu.region"() ({
        %run_scoped3A = tpu.sem_alloc : memref<!tpu.dma_semaphore, #tpu.memory_space<semaphore_mem>>
        %dma_start3A_16 = arith.constant 0 : i32
        %dma_start3A_17 = tpu.memref_slice %arg4[%arg0, %arg1, %scan3A_11, %dma_start3A_16] : memref<2x16x81x128xi32, #tpu.memory_space<hbm>> -> memref<1x1x1x128xi32, #tpu.memory_space<hbm>>
        %dma_start3A_18 = tpu.memref_squeeze %dma_start3A_17 : memref<1x1x1x128xi32, #tpu.memory_space<hbm>> -> memref<128xi32, #tpu.memory_space<hbm>>
        %dma_start3A_19 = arith.constant 0 : i32
        %dma_start3A_20 = tpu.memref_slice %arg4[%arg0, %arg1, %scan3A_11, %dma_start3A_19] : memref<2x16x81x128xi32, #tpu.memory_space<hbm>> -> memref<1x1x1x128xi32, #tpu.memory_space<hbm>>
        %dma_start3A_21 = tpu.memref_squeeze %dma_start3A_20 : memref<1x1x1x128xi32, #tpu.memory_space<hbm>> -> memref<128xi32, #tpu.memory_space<hbm>>
        tpu.enqueue_dma source(%dma_start3A_21 : memref<128xi32, #tpu.memory_space<hbm>>) target(%arg8 : memref<128xi32, #tpu.memory_space<vmem>>) target_semaphore(%run_scoped3A : memref<!tpu.dma_semaphore, #tpu.memory_space<semaphore_mem>>)
        %dma_wait3A_22 = arith.constant 0 : i32
        %dma_wait3A_23 = tpu.memref_slice %arg4[%arg0, %arg1, %scan3A_11, %dma_wait3A_22] : memref<2x16x81x128xi32, #tpu.memory_space<hbm>> -> memref<1x1x1x128xi32, #tpu.memory_space<hbm>>
        %dma_wait3A_24 = tpu.memref_squeeze %dma_wait3A_23 : memref<1x1x1x128xi32, #tpu.memory_space<hbm>> -> memref<128xi32, #tpu.memory_space<hbm>>
        %dma_wait3A_25 = arith.constant 0 : i32
        %dma_wait3A_26 = tpu.memref_slice %arg4[%arg0, %arg1, %scan3A_11, %dma_wait3A_25] : memref<2x16x81x128xi32, #tpu.memory_space<hbm>> -> memref<1x1x1x128xi32, #tpu.memory_space<hbm>>
        %dma_wait3A_27 = tpu.memref_squeeze %dma_wait3A_26 : memref<1x1x1x128xi32, #tpu.memory_space<hbm>> -> memref<128xi32, #tpu.memory_space<hbm>>
        tpu.wait_dma2 semaphore(%run_scoped3A : memref<!tpu.dma_semaphore, #tpu.memory_space<semaphore_mem>>) src(%dma_wait3A_27 : memref<128xi32, #tpu.memory_space<hbm>>) dst(%arg8 : memref<128xi32, #tpu.memory_space<vmem>>)
        tpu.yield
      }) : () -> ()
      %dma_wait3A = arith.constant 0 : i32
      %dma_wait3A_14 = arith.constant 0 : i32
      %dma_wait3A_15 = tpu.memref_slice %arg2[%dma_wait3A, %dma_wait3A_14] : memref<10000x128xf32, #tpu.memory_space<hbm>> -> memref<10000x128xf32, #tpu.memory_space<hbm>>
      tpu.wait_indirect_dma semaphore(%arg11 : memref<!tpu.dma_semaphore, #tpu.memory_space<semaphore_mem>>) src(%dma_wait3A_15 : memref<10000x128xf32, #tpu.memory_space<hbm>>) dst(%arg9 : memref<128x128xf32, #tpu.memory_space<vmem>>)
      "tpu.region"() ({
        %run_scoped3A = tpu.sem_alloc : memref<!tpu.dma_semaphore, #tpu.memory_space<semaphore_mem>>
        %dma_start3A_16 = arith.constant 0 : i32
        %dma_start3A_17 = arith.constant 0 : i32
        %dma_start3A_18 = tpu.memref_slice %arg10[%dma_start3A_16, %dma_start3A_17] : memref<10240x128xf32, #tpu.memory_space<vmem_shared>> -> memref<10240x128xf32, #tpu.memory_space<vmem_shared>>
        tpu.enqueue_indirect_dma source(%arg9 : memref<128x128xf32, #tpu.memory_space<vmem>>) target(%dma_start3A_18 : memref<10240x128xf32, #tpu.memory_space<vmem_shared>>) offsets(%arg8 : memref<128xi32, #tpu.memory_space<vmem>>) semaphore(%run_scoped3A : memref<!tpu.dma_semaphore, #tpu.memory_space<semaphore_mem>>) {add = true}
        %dma_wait3A_19 = arith.constant 0 : i32
        %dma_wait3A_20 = arith.constant 0 : i32
        %dma_wait3A_21 = tpu.memref_slice %arg10[%dma_wait3A_19, %dma_wait3A_20] : memref<10240x128xf32, #tpu.memory_space<vmem_shared>> -> memref<10240x128xf32, #tpu.memory_space<vmem_shared>>
        tpu.wait_indirect_dma semaphore(%run_scoped3A : memref<!tpu.dma_semaphore, #tpu.memory_space<semaphore_mem>>) src(%arg9 : memref<128x128xf32, #tpu.memory_space<vmem>>) dst(%dma_wait3A_21 : memref<10240x128xf32, #tpu.memory_space<vmem_shared>>)
        tpu.yield
      }) : () -> ()
    }
    %scan3A_5 = arith.constant 81 : i32
    %barrier3A_6 = arith.constant 0 : index
    tpu.barrier barrier_id(%barrier3A_6)
    %mul3A_7 = arith.constant 640 : i32
    %mul3A_8 = arith.muli %arg1, %mul3A_7 : i32
    %mul3A_9 = arith.constant 640 : i32
    %mul3A_10 = arith.muli %arg1, %mul3A_9 : i32
    "tpu.region"() ({
      %run_scoped3A = tpu.sem_alloc : memref<!tpu.dma_semaphore, #tpu.memory_space<semaphore_mem>>
      %dma_start3A = arith.constant 0 : i32
      %dma_start3A_11 = tpu.memref_slice %arg6[%arg0, %mul3A_10, %dma_start3A] : memref<2x10240x128xf32, #tpu.memory_space<hbm>> -> memref<1x640x128xf32, #tpu.memory_space<hbm>>
      %dma_start3A_12 = tpu.memref_squeeze %dma_start3A_11 : memref<1x640x128xf32, #tpu.memory_space<hbm>> -> memref<640x128xf32, #tpu.memory_space<hbm>>
      %dma_start3A_13 = arith.constant 0 : i32
      %dma_start3A_14 = tpu.memref_slice %arg10[%mul3A_8, %dma_start3A_13] : memref<10240x128xf32, #tpu.memory_space<vmem_shared>> -> memref<640x128xf32, #tpu.memory_space<vmem_shared>>
      tpu.enqueue_dma source(%dma_start3A_14 : memref<640x128xf32, #tpu.memory_space<vmem_shared>>) target(%dma_start3A_12 : memref<640x128xf32, #tpu.memory_space<hbm>>) target_semaphore(%run_scoped3A : memref<!tpu.dma_semaphore, #tpu.memory_space<semaphore_mem>>)
      %dma_wait3A = arith.constant 0 : i32
      %dma_wait3A_15 = tpu.memref_slice %arg6[%arg0, %mul3A_10, %dma_wait3A] : memref<2x10240x128xf32, #tpu.memory_space<hbm>> -> memref<1x640x128xf32, #tpu.memory_space<hbm>>
      %dma_wait3A_16 = tpu.memref_squeeze %dma_wait3A_15 : memref<1x640x128xf32, #tpu.memory_space<hbm>> -> memref<640x128xf32, #tpu.memory_space<hbm>>
      %dma_wait3A_17 = arith.constant 0 : i32
      %dma_wait3A_18 = tpu.memref_slice %arg10[%mul3A_8, %dma_wait3A_17] : memref<10240x128xf32, #tpu.memory_space<vmem_shared>> -> memref<640x128xf32, #tpu.memory_space<vmem_shared>>
      tpu.wait_dma2 semaphore(%run_scoped3A : memref<!tpu.dma_semaphore, #tpu.memory_space<semaphore_mem>>) src(%dma_wait3A_18 : memref<640x128xf32, #tpu.memory_space<vmem_shared>>) dst(%dma_wait3A_16 : memref<640x128xf32, #tpu.memory_space<hbm>>)
      tpu.yield
    }) : () -> ()
    return
  }
}

#map = affine_map<(d0, d1) -> (0, 0)>
#map1 = affine_map<(d0, d1) -> (0, 0, 0, 0)>
#map2 = affine_map<(d0, d1) -> (0, 0, 0)>
module attributes {stable_mosaic.version = 14 : i64} {
  func.func @propagate(%arg0: i32, %arg1: i32, %arg2: memref<10000x128xf32, #tpu.memory_space<hbm>>, %arg3: memref<2x16x81x128xi32, #tpu.memory_space<hbm>>, %arg4: memref<2x16x81x128xi32, #tpu.memory_space<hbm>>, %arg5: memref<640x128xf32, #tpu.memory_space<hbm>>, %arg6: memref<2x10240x128xf32, #tpu.memory_space<hbm>>, %arg7: memref<128xi32, #tpu.memory_space<vmem>>, %arg8: memref<128xi32, #tpu.memory_space<vmem>>, %arg9: memref<128x128xf32, #tpu.memory_space<vmem>>, %arg10: memref<10240x128xf32, #tpu.memory_space<vmem_shared>>, %arg11: memref<!tpu.dma_semaphore, #tpu.memory_space<semaphore_mem>>) attributes {dimension_semantics = [#tpu.dimension_semantics<core_parallel>, #tpu.dimension_semantics<subcore_parallel>], iteration_bounds = array<i64: 2, 16>, scalar_prefetch = 0 : i64, scratch_operands = 5 : i64, tpu.core_type = #tpu.core_type<sc_vector_subcore>, window_params = [{transform_indices = #map}, {transform_indices = #map1}, {transform_indices = #map1}, {transform_indices = #map}, {transform_indices = #map2}]} {
    %mul3A = arith.constant 640 : i32
    %mul3A_0 = arith.muli %arg1, %mul3A : i32
    "tpu.region"() ({
      %run_scoped3A = tpu.sem_alloc : memref<!tpu.dma_semaphore, #tpu.memory_space<semaphore_mem>>
      %dma_start3A = arith.constant 0 : i32
      %dma_start3A_11 = tpu.memref_slice %arg10[%mul3A_0, %dma_start3A] : memref<10240x128xf32, #tpu.memory_space<vmem_shared>> -> memref<640x128xf32, #tpu.memory_space<vmem_shared>>
      tpu.enqueue_dma source(%arg5 : memref<640x128xf32, #tpu.memory_space<hbm>>) target(%dma_start3A_11 : memref<640x128xf32, #tpu.memory_space<vmem_shared>>) target_semaphore(%run_scoped3A : memref<!tpu.dma_semaphore, #tpu.memory_space<semaphore_mem>>)
      %dma_wait3A = arith.constant 0 : i32
      %dma_wait3A_12 = tpu.memref_slice %arg10[%mul3A_0, %dma_wait3A] : memref<10240x128xf32, #tpu.memory_space<vmem_shared>> -> memref<640x128xf32, #tpu.memory_space<vmem_shared>>
      tpu.wait_dma2 semaphore(%run_scoped3A : memref<!tpu.dma_semaphore, #tpu.memory_space<semaphore_mem>>) src(%arg5 : memref<640x128xf32, #tpu.memory_space<hbm>>) dst(%dma_wait3A_12 : memref<640x128xf32, #tpu.memory_space<vmem_shared>>)
      tpu.yield
    }) : () -> ()
    %barrier3A = arith.constant 0 : index
    tpu.barrier barrier_id(%barrier3A)
    %scan3A = arith.constant 0 : i32
    %scan3A_1 = arith.constant 0 : i32
    %scan3A_2 = arith.constant 81 : i32
    %scan3A_3 = arith.addi %scan3A_1, %scan3A_2 : i32
    %scan3A_4 = arith.constant 1 : i32
    scf.for %scan3A_11 = %scan3A_1 to %scan3A_3 step %scan3A_4  : i32 {
      "tpu.region"() ({
        %run_scoped3A = tpu.sem_alloc : memref<!tpu.dma_semaphore, #tpu.memory_space<semaphore_mem>>
        %dma_start3A_16 = arith.constant 0 : i32
        %dma_start3A_17 = tpu.memref_slice %arg3[%arg0, %arg1, %scan3A_11, %dma_start3A_16] : memref<2x16x81x128xi32, #tpu.memory_space<hbm>> -> memref<1x1x1x128xi32, #tpu.memory_space<hbm>>
        %dma_start3A_18 = tpu.memref_squeeze %dma_start3A_17 : memref<1x1x1x128xi32, #tpu.memory_space<hbm>> -> memref<128xi32, #tpu.memory_space<hbm>>
        %dma_start3A_19 = arith.constant 0 : i32
        %dma_start3A_20 = tpu.memref_slice %arg3[%arg0, %arg1, %scan3A_11, %dma_start3A_19] : memref<2x16x81x128xi32, #tpu.memory_space<hbm>> -> memref<1x1x1x128xi32, #tpu.memory_space<hbm>>
        %dma_start3A_21 = tpu.memref_squeeze %dma_start3A_20 : memref<1x1x1x128xi32, #tpu.memory_space<hbm>> -> memref<128xi32, #tpu.memory_space<hbm>>
        tpu.enqueue_dma source(%dma_start3A_21 : memref<128xi32, #tpu.memory_space<hbm>>) target(%arg7 : memref<128xi32, #tpu.memory_space<vmem>>) target_semaphore(%run_scoped3A : memref<!tpu.dma_semaphore, #tpu.memory_space<semaphore_mem>>)
        %dma_wait3A_22 = arith.constant 0 : i32
        %dma_wait3A_23 = tpu.memref_slice %arg3[%arg0, %arg1, %scan3A_11, %dma_wait3A_22] : memref<2x16x81x128xi32, #tpu.memory_space<hbm>> -> memref<1x1x1x128xi32, #tpu.memory_space<hbm>>
        %dma_wait3A_24 = tpu.memref_squeeze %dma_wait3A_23 : memref<1x1x1x128xi32, #tpu.memory_space<hbm>> -> memref<128xi32, #tpu.memory_space<hbm>>
        %dma_wait3A_25 = arith.constant 0 : i32
        %dma_wait3A_26 = tpu.memref_slice %arg3[%arg0, %arg1, %scan3A_11, %dma_wait3A_25] : memref<2x16x81x128xi32, #tpu.memory_space<hbm>> -> memref<1x1x1x128xi32, #tpu.memory_space<hbm>>
        %dma_wait3A_27 = tpu.memref_squeeze %dma_wait3A_26 : memref<1x1x1x128xi32, #tpu.memory_space<hbm>> -> memref<128xi32, #tpu.memory_space<hbm>>
        tpu.wait_dma2 semaphore(%run_scoped3A : memref<!tpu.dma_semaphore, #tpu.memory_space<semaphore_mem>>) src(%dma_wait3A_27 : memref<128xi32, #tpu.memory_space<hbm>>) dst(%arg7 : memref<128xi32, #tpu.memory_space<vmem>>)
        tpu.yield
      }) : () -> ()
      %dma_start3A = arith.constant 0 : i32
      %dma_start3A_12 = arith.constant 0 : i32
      %dma_start3A_13 = tpu.memref_slice %arg2[%dma_start3A, %dma_start3A_12] : memref<10000x128xf32, #tpu.memory_space<hbm>> -> memref<10000x128xf32, #tpu.memory_space<hbm>>
      tpu.enqueue_indirect_dma source(%dma_start3A_13 : memref<10000x128xf32, #tpu.memory_space<hbm>>) target(%arg9 : memref<128x128xf32, #tpu.memory_space<vmem>>) offsets(%arg7 : memref<128xi32, #tpu.memory_space<vmem>>) semaphore(%arg11 : memref<!tpu.dma_semaphore, #tpu.memory_space<semaphore_mem>>)
      "tpu.region"() ({
        %run_scoped3A = tpu.sem_alloc : memref<!tpu.dma_semaphore, #tpu.memory_space<semaphore_mem>>
        %dma_start3A_16 = arith.constant 0 : i32
        %dma_start3A_17 = tpu.memref_slice %arg4[%arg0, %arg1, %scan3A_11, %dma_start3A_16] : memref<2x16x81x128xi32, #tpu.memory_space<hbm>> -> memref<1x1x1x128xi32, #tpu.memory_space<hbm>>
        %dma_start3A_18 = tpu.memref_squeeze %dma_start3A_17 : memref<1x1x1x128xi32, #tpu.memory_space<hbm>> -> memref<128xi32, #tpu.memory_space<hbm>>
        %dma_start3A_19 = arith.constant 0 : i32
        %dma_start3A_20 = tpu.memref_slice %arg4[%arg0, %arg1, %scan3A_11, %dma_start3A_19] : memref<2x16x81x128xi32, #tpu.memory_space<hbm>> -> memref<1x1x1x128xi32, #tpu.memory_space<hbm>>
        %dma_start3A_21 = tpu.memref_squeeze %dma_start3A_20 : memref<1x1x1x128xi32, #tpu.memory_space<hbm>> -> memref<128xi32, #tpu.memory_space<hbm>>
        tpu.enqueue_dma source(%dma_start3A_21 : memref<128xi32, #tpu.memory_space<hbm>>) target(%arg8 : memref<128xi32, #tpu.memory_space<vmem>>) target_semaphore(%run_scoped3A : memref<!tpu.dma_semaphore, #tpu.memory_space<semaphore_mem>>)
        %dma_wait3A_22 = arith.constant 0 : i32
        %dma_wait3A_23 = tpu.memref_slice %arg4[%arg0, %arg1, %scan3A_11, %dma_wait3A_22] : memref<2x16x81x128xi32, #tpu.memory_space<hbm>> -> memref<1x1x1x128xi32, #tpu.memory_space<hbm>>
        %dma_wait3A_24 = tpu.memref_squeeze %dma_wait3A_23 : memref<1x1x1x128xi32, #tpu.memory_space<hbm>> -> memref<128xi32, #tpu.memory_space<hbm>>
        %dma_wait3A_25 = arith.constant 0 : i32
        %dma_wait3A_26 = tpu.memref_slice %arg4[%arg0, %arg1, %scan3A_11, %dma_wait3A_25] : memref<2x16x81x128xi32, #tpu.memory_space<hbm>> -> memref<1x1x1x128xi32, #tpu.memory_space<hbm>>
        %dma_wait3A_27 = tpu.memref_squeeze %dma_wait3A_26 : memref<1x1x1x128xi32, #tpu.memory_space<hbm>> -> memref<128xi32, #tpu.memory_space<hbm>>
        tpu.wait_dma2 semaphore(%run_scoped3A : memref<!tpu.dma_semaphore, #tpu.memory_space<semaphore_mem>>) src(%dma_wait3A_27 : memref<128xi32, #tpu.memory_space<hbm>>) dst(%arg8 : memref<128xi32, #tpu.memory_space<vmem>>)
        tpu.yield
      }) : () -> ()
      %dma_wait3A = arith.constant 0 : i32
      %dma_wait3A_14 = arith.constant 0 : i32
      %dma_wait3A_15 = tpu.memref_slice %arg2[%dma_wait3A, %dma_wait3A_14] : memref<10000x128xf32, #tpu.memory_space<hbm>> -> memref<10000x128xf32, #tpu.memory_space<hbm>>
      tpu.wait_indirect_dma semaphore(%arg11 : memref<!tpu.dma_semaphore, #tpu.memory_space<semaphore_mem>>) src(%dma_wait3A_15 : memref<10000x128xf32, #tpu.memory_space<hbm>>) dst(%arg9 : memref<128x128xf32, #tpu.memory_space<vmem>>)
      "tpu.region"() ({
        %run_scoped3A = tpu.sem_alloc : memref<!tpu.dma_semaphore, #tpu.memory_space<semaphore_mem>>
        %dma_start3A_16 = arith.constant 0 : i32
        %dma_start3A_17 = arith.constant 0 : i32
        %dma_start3A_18 = tpu.memref_slice %arg10[%dma_start3A_16, %dma_start3A_17] : memref<10240x128xf32, #tpu.memory_space<vmem_shared>> -> memref<10240x128xf32, #tpu.memory_space<vmem_shared>>
        tpu.enqueue_indirect_dma source(%arg9 : memref<128x128xf32, #tpu.memory_space<vmem>>) target(%dma_start3A_18 : memref<10240x128xf32, #tpu.memory_space<vmem_shared>>) offsets(%arg8 : memref<128xi32, #tpu.memory_space<vmem>>) semaphore(%run_scoped3A : memref<!tpu.dma_semaphore, #tpu.memory_space<semaphore_mem>>) {add = true}
        %dma_wait3A_19 = arith.constant 0 : i32
        %dma_wait3A_20 = arith.constant 0 : i32
        %dma_wait3A_21 = tpu.memref_slice %arg10[%dma_wait3A_19, %dma_wait3A_20] : memref<10240x128xf32, #tpu.memory_space<vmem_shared>> -> memref<10240x128xf32, #tpu.memory_space<vmem_shared>>
        tpu.wait_indirect_dma semaphore(%run_scoped3A : memref<!tpu.dma_semaphore, #tpu.memory_space<semaphore_mem>>) src(%arg9 : memref<128x128xf32, #tpu.memory_space<vmem>>) dst(%dma_wait3A_21 : memref<10240x128xf32, #tpu.memory_space<vmem_shared>>)
        tpu.yield
      }) : () -> ()
    }
    %scan3A_5 = arith.constant 81 : i32
    %barrier3A_6 = arith.constant 0 : index
    tpu.barrier barrier_id(%barrier3A_6)
    %mul3A_7 = arith.constant 640 : i32
    %mul3A_8 = arith.muli %arg1, %mul3A_7 : i32
    %mul3A_9 = arith.constant 640 : i32
    %mul3A_10 = arith.muli %arg1, %mul3A_9 : i32
    "tpu.region"() ({
      %run_scoped3A = tpu.sem_alloc : memref<!tpu.dma_semaphore, #tpu.memory_space<semaphore_mem>>
      %dma_start3A = arith.constant 0 : i32
      %dma_start3A_11 = tpu.memref_slice %arg6[%arg0, %mul3A_10, %dma_start3A] : memref<2x10240x128xf32, #tpu.memory_space<hbm>> -> memref<1x640x128xf32, #tpu.memory_space<hbm>>
      %dma_start3A_12 = tpu.memref_squeeze %dma_start3A_11 : memref<1x640x128xf32, #tpu.memory_space<hbm>> -> memref<640x128xf32, #tpu.memory_space<hbm>>
      %dma_start3A_13 = arith.constant 0 : i32
      %dma_start3A_14 = tpu.memref_slice %arg10[%mul3A_8, %dma_start3A_13] : memref<10240x128xf32, #tpu.memory_space<vmem_shared>> -> memref<640x128xf32, #tpu.memory_space<vmem_shared>>
      tpu.enqueue_dma source(%dma_start3A_14 : memref<640x128xf32, #tpu.memory_space<vmem_shared>>) target(%dma_start3A_12 : memref<640x128xf32, #tpu.memory_space<hbm>>) target_semaphore(%run_scoped3A : memref<!tpu.dma_semaphore, #tpu.memory_space<semaphore_mem>>)
      %dma_wait3A = arith.constant 0 : i32
      %dma_wait3A_15 = tpu.memref_slice %arg6[%arg0, %mul3A_10, %dma_wait3A] : memref<2x10240x128xf32, #tpu.memory_space<hbm>> -> memref<1x640x128xf32, #tpu.memory_space<hbm>>
      %dma_wait3A_16 = tpu.memref_squeeze %dma_wait3A_15 : memref<1x640x128xf32, #tpu.memory_space<hbm>> -> memref<640x128xf32, #tpu.memory_space<hbm>>
      %dma_wait3A_17 = arith.constant 0 : i32
      %dma_wait3A_18 = tpu.memref_slice %arg10[%mul3A_8, %dma_wait3A_17] : memref<10240x128xf32, #tpu.memory_space<vmem_shared>> -> memref<640x128xf32, #tpu.memory_space<vmem_shared>>
      tpu.wait_dma2 semaphore(%run_scoped3A : memref<!tpu.dma_semaphore, #tpu.memory_space<semaphore_mem>>) src(%dma_wait3A_18 : memref<640x128xf32, #tpu.memory_space<vmem_shared>>) dst(%dma_wait3A_16 : memref<640x128xf32, #tpu.memory_space<hbm>>)
      tpu.yield
    }) : () -> ()
    return
  }
}

#map = affine_map<(d0, d1) -> (0, 0)>
#map1 = affine_map<(d0, d1) -> (0, 0, 0, 0)>
#map2 = affine_map<(d0, d1) -> (0, 0, 0)>
module attributes {stable_mosaic.version = 14 : i64} {
  func.func @propagate(%arg0: i32, %arg1: i32, %arg2: memref<10000x128xf32, #tpu.memory_space<hbm>>, %arg3: memref<2x16x81x128xi32, #tpu.memory_space<hbm>>, %arg4: memref<2x16x81x128xi32, #tpu.memory_space<hbm>>, %arg5: memref<640x128xf32, #tpu.memory_space<hbm>>, %arg6: memref<2x10240x128xf32, #tpu.memory_space<hbm>>, %arg7: memref<128xi32, #tpu.memory_space<vmem>>, %arg8: memref<128xi32, #tpu.memory_space<vmem>>, %arg9: memref<128x128xf32, #tpu.memory_space<vmem>>, %arg10: memref<10240x128xf32, #tpu.memory_space<vmem_shared>>, %arg11: memref<!tpu.dma_semaphore, #tpu.memory_space<semaphore_mem>>) attributes {dimension_semantics = [#tpu.dimension_semantics<core_parallel>, #tpu.dimension_semantics<subcore_parallel>], iteration_bounds = array<i64: 2, 16>, scalar_prefetch = 0 : i64, scratch_operands = 5 : i64, tpu.core_type = #tpu.core_type<sc_vector_subcore>, window_params = [{transform_indices = #map}, {transform_indices = #map1}, {transform_indices = #map1}, {transform_indices = #map}, {transform_indices = #map2}]} {
    %mul3A = arith.constant 640 : i32
    %mul3A_0 = arith.muli %arg1, %mul3A : i32
    "tpu.region"() ({
      %run_scoped3A = tpu.sem_alloc : memref<!tpu.dma_semaphore, #tpu.memory_space<semaphore_mem>>
      %dma_start3A = arith.constant 0 : i32
      %dma_start3A_11 = tpu.memref_slice %arg10[%mul3A_0, %dma_start3A] : memref<10240x128xf32, #tpu.memory_space<vmem_shared>> -> memref<640x128xf32, #tpu.memory_space<vmem_shared>>
      tpu.enqueue_dma source(%arg5 : memref<640x128xf32, #tpu.memory_space<hbm>>) target(%dma_start3A_11 : memref<640x128xf32, #tpu.memory_space<vmem_shared>>) target_semaphore(%run_scoped3A : memref<!tpu.dma_semaphore, #tpu.memory_space<semaphore_mem>>)
      %dma_wait3A = arith.constant 0 : i32
      %dma_wait3A_12 = tpu.memref_slice %arg10[%mul3A_0, %dma_wait3A] : memref<10240x128xf32, #tpu.memory_space<vmem_shared>> -> memref<640x128xf32, #tpu.memory_space<vmem_shared>>
      tpu.wait_dma2 semaphore(%run_scoped3A : memref<!tpu.dma_semaphore, #tpu.memory_space<semaphore_mem>>) src(%arg5 : memref<640x128xf32, #tpu.memory_space<hbm>>) dst(%dma_wait3A_12 : memref<640x128xf32, #tpu.memory_space<vmem_shared>>)
      tpu.yield
    }) : () -> ()
    %barrier3A = arith.constant 0 : index
    tpu.barrier barrier_id(%barrier3A)
    %scan3A = arith.constant 0 : i32
    %scan3A_1 = arith.constant 0 : i32
    %scan3A_2 = arith.constant 81 : i32
    %scan3A_3 = arith.addi %scan3A_1, %scan3A_2 : i32
    %scan3A_4 = arith.constant 1 : i32
    scf.for %scan3A_11 = %scan3A_1 to %scan3A_3 step %scan3A_4  : i32 {
      "tpu.region"() ({
        %run_scoped3A = tpu.sem_alloc : memref<!tpu.dma_semaphore, #tpu.memory_space<semaphore_mem>>
        %dma_start3A_16 = arith.constant 0 : i32
        %dma_start3A_17 = tpu.memref_slice %arg3[%arg0, %arg1, %scan3A_11, %dma_start3A_16] : memref<2x16x81x128xi32, #tpu.memory_space<hbm>> -> memref<1x1x1x128xi32, #tpu.memory_space<hbm>>
        %dma_start3A_18 = tpu.memref_squeeze %dma_start3A_17 : memref<1x1x1x128xi32, #tpu.memory_space<hbm>> -> memref<128xi32, #tpu.memory_space<hbm>>
        %dma_start3A_19 = arith.constant 0 : i32
        %dma_start3A_20 = tpu.memref_slice %arg3[%arg0, %arg1, %scan3A_11, %dma_start3A_19] : memref<2x16x81x128xi32, #tpu.memory_space<hbm>> -> memref<1x1x1x128xi32, #tpu.memory_space<hbm>>
        %dma_start3A_21 = tpu.memref_squeeze %dma_start3A_20 : memref<1x1x1x128xi32, #tpu.memory_space<hbm>> -> memref<128xi32, #tpu.memory_space<hbm>>
        tpu.enqueue_dma source(%dma_start3A_21 : memref<128xi32, #tpu.memory_space<hbm>>) target(%arg7 : memref<128xi32, #tpu.memory_space<vmem>>) target_semaphore(%run_scoped3A : memref<!tpu.dma_semaphore, #tpu.memory_space<semaphore_mem>>)
        %dma_wait3A_22 = arith.constant 0 : i32
        %dma_wait3A_23 = tpu.memref_slice %arg3[%arg0, %arg1, %scan3A_11, %dma_wait3A_22] : memref<2x16x81x128xi32, #tpu.memory_space<hbm>> -> memref<1x1x1x128xi32, #tpu.memory_space<hbm>>
        %dma_wait3A_24 = tpu.memref_squeeze %dma_wait3A_23 : memref<1x1x1x128xi32, #tpu.memory_space<hbm>> -> memref<128xi32, #tpu.memory_space<hbm>>
        %dma_wait3A_25 = arith.constant 0 : i32
        %dma_wait3A_26 = tpu.memref_slice %arg3[%arg0, %arg1, %scan3A_11, %dma_wait3A_25] : memref<2x16x81x128xi32, #tpu.memory_space<hbm>> -> memref<1x1x1x128xi32, #tpu.memory_space<hbm>>
        %dma_wait3A_27 = tpu.memref_squeeze %dma_wait3A_26 : memref<1x1x1x128xi32, #tpu.memory_space<hbm>> -> memref<128xi32, #tpu.memory_space<hbm>>
        tpu.wait_dma2 semaphore(%run_scoped3A : memref<!tpu.dma_semaphore, #tpu.memory_space<semaphore_mem>>) src(%dma_wait3A_27 : memref<128xi32, #tpu.memory_space<hbm>>) dst(%arg7 : memref<128xi32, #tpu.memory_space<vmem>>)
        tpu.yield
      }) : () -> ()
      %dma_start3A = arith.constant 0 : i32
      %dma_start3A_12 = arith.constant 0 : i32
      %dma_start3A_13 = tpu.memref_slice %arg2[%dma_start3A, %dma_start3A_12] : memref<10000x128xf32, #tpu.memory_space<hbm>> -> memref<10000x128xf32, #tpu.memory_space<hbm>>
      tpu.enqueue_indirect_dma source(%dma_start3A_13 : memref<10000x128xf32, #tpu.memory_space<hbm>>) target(%arg9 : memref<128x128xf32, #tpu.memory_space<vmem>>) offsets(%arg7 : memref<128xi32, #tpu.memory_space<vmem>>) semaphore(%arg11 : memref<!tpu.dma_semaphore, #tpu.memory_space<semaphore_mem>>)
      "tpu.region"() ({
        %run_scoped3A = tpu.sem_alloc : memref<!tpu.dma_semaphore, #tpu.memory_space<semaphore_mem>>
        %dma_start3A_16 = arith.constant 0 : i32
        %dma_start3A_17 = tpu.memref_slice %arg4[%arg0, %arg1, %scan3A_11, %dma_start3A_16] : memref<2x16x81x128xi32, #tpu.memory_space<hbm>> -> memref<1x1x1x128xi32, #tpu.memory_space<hbm>>
        %dma_start3A_18 = tpu.memref_squeeze %dma_start3A_17 : memref<1x1x1x128xi32, #tpu.memory_space<hbm>> -> memref<128xi32, #tpu.memory_space<hbm>>
        %dma_start3A_19 = arith.constant 0 : i32
        %dma_start3A_20 = tpu.memref_slice %arg4[%arg0, %arg1, %scan3A_11, %dma_start3A_19] : memref<2x16x81x128xi32, #tpu.memory_space<hbm>> -> memref<1x1x1x128xi32, #tpu.memory_space<hbm>>
        %dma_start3A_21 = tpu.memref_squeeze %dma_start3A_20 : memref<1x1x1x128xi32, #tpu.memory_space<hbm>> -> memref<128xi32, #tpu.memory_space<hbm>>
        tpu.enqueue_dma source(%dma_start3A_21 : memref<128xi32, #tpu.memory_space<hbm>>) target(%arg8 : memref<128xi32, #tpu.memory_space<vmem>>) target_semaphore(%run_scoped3A : memref<!tpu.dma_semaphore, #tpu.memory_space<semaphore_mem>>)
        %dma_wait3A_22 = arith.constant 0 : i32
        %dma_wait3A_23 = tpu.memref_slice %arg4[%arg0, %arg1, %scan3A_11, %dma_wait3A_22] : memref<2x16x81x128xi32, #tpu.memory_space<hbm>> -> memref<1x1x1x128xi32, #tpu.memory_space<hbm>>
        %dma_wait3A_24 = tpu.memref_squeeze %dma_wait3A_23 : memref<1x1x1x128xi32, #tpu.memory_space<hbm>> -> memref<128xi32, #tpu.memory_space<hbm>>
        %dma_wait3A_25 = arith.constant 0 : i32
        %dma_wait3A_26 = tpu.memref_slice %arg4[%arg0, %arg1, %scan3A_11, %dma_wait3A_25] : memref<2x16x81x128xi32, #tpu.memory_space<hbm>> -> memref<1x1x1x128xi32, #tpu.memory_space<hbm>>
        %dma_wait3A_27 = tpu.memref_squeeze %dma_wait3A_26 : memref<1x1x1x128xi32, #tpu.memory_space<hbm>> -> memref<128xi32, #tpu.memory_space<hbm>>
        tpu.wait_dma2 semaphore(%run_scoped3A : memref<!tpu.dma_semaphore, #tpu.memory_space<semaphore_mem>>) src(%dma_wait3A_27 : memref<128xi32, #tpu.memory_space<hbm>>) dst(%arg8 : memref<128xi32, #tpu.memory_space<vmem>>)
        tpu.yield
      }) : () -> ()
      %dma_wait3A = arith.constant 0 : i32
      %dma_wait3A_14 = arith.constant 0 : i32
      %dma_wait3A_15 = tpu.memref_slice %arg2[%dma_wait3A, %dma_wait3A_14] : memref<10000x128xf32, #tpu.memory_space<hbm>> -> memref<10000x128xf32, #tpu.memory_space<hbm>>
      tpu.wait_indirect_dma semaphore(%arg11 : memref<!tpu.dma_semaphore, #tpu.memory_space<semaphore_mem>>) src(%dma_wait3A_15 : memref<10000x128xf32, #tpu.memory_space<hbm>>) dst(%arg9 : memref<128x128xf32, #tpu.memory_space<vmem>>)
      "tpu.region"() ({
        %run_scoped3A = tpu.sem_alloc : memref<!tpu.dma_semaphore, #tpu.memory_space<semaphore_mem>>
        %dma_start3A_16 = arith.constant 0 : i32
        %dma_start3A_17 = arith.constant 0 : i32
        %dma_start3A_18 = tpu.memref_slice %arg10[%dma_start3A_16, %dma_start3A_17] : memref<10240x128xf32, #tpu.memory_space<vmem_shared>> -> memref<10240x128xf32, #tpu.memory_space<vmem_shared>>
        tpu.enqueue_indirect_dma source(%arg9 : memref<128x128xf32, #tpu.memory_space<vmem>>) target(%dma_start3A_18 : memref<10240x128xf32, #tpu.memory_space<vmem_shared>>) offsets(%arg8 : memref<128xi32, #tpu.memory_space<vmem>>) semaphore(%run_scoped3A : memref<!tpu.dma_semaphore, #tpu.memory_space<semaphore_mem>>) {add = true}
        %dma_wait3A_19 = arith.constant 0 : i32
        %dma_wait3A_20 = arith.constant 0 : i32
        %dma_wait3A_21 = tpu.memref_slice %arg10[%dma_wait3A_19, %dma_wait3A_20] : memref<10240x128xf32, #tpu.memory_space<vmem_shared>> -> memref<10240x128xf32, #tpu.memory_space<vmem_shared>>
        tpu.wait_indirect_dma semaphore(%run_scoped3A : memref<!tpu.dma_semaphore, #tpu.memory_space<semaphore_mem>>) src(%arg9 : memref<128x128xf32, #tpu.memory_space<vmem>>) dst(%dma_wait3A_21 : memref<10240x128xf32, #tpu.memory_space<vmem_shared>>)
        tpu.yield
      }) : () -> ()
    }
    %scan3A_5 = arith.constant 81 : i32
    %barrier3A_6 = arith.constant 0 : index
    tpu.barrier barrier_id(%barrier3A_6)
    %mul3A_7 = arith.constant 640 : i32
    %mul3A_8 = arith.muli %arg1, %mul3A_7 : i32
    %mul3A_9 = arith.constant 640 : i32
    %mul3A_10 = arith.muli %arg1, %mul3A_9 : i32
    "tpu.region"() ({
      %run_scoped3A = tpu.sem_alloc : memref<!tpu.dma_semaphore, #tpu.memory_space<semaphore_mem>>
      %dma_start3A = arith.constant 0 : i32
      %dma_start3A_11 = tpu.memref_slice %arg6[%arg0, %mul3A_10, %dma_start3A] : memref<2x10240x128xf32, #tpu.memory_space<hbm>> -> memref<1x640x128xf32, #tpu.memory_space<hbm>>
      %dma_start3A_12 = tpu.memref_squeeze %dma_start3A_11 : memref<1x640x128xf32, #tpu.memory_space<hbm>> -> memref<640x128xf32, #tpu.memory_space<hbm>>
      %dma_start3A_13 = arith.constant 0 : i32
      %dma_start3A_14 = tpu.memref_slice %arg10[%mul3A_8, %dma_start3A_13] : memref<10240x128xf32, #tpu.memory_space<vmem_shared>> -> memref<640x128xf32, #tpu.memory_space<vmem_shared>>
      tpu.enqueue_dma source(%dma_start3A_14 : memref<640x128xf32, #tpu.memory_space<vmem_shared>>) target(%dma_start3A_12 : memref<640x128xf32, #tpu.memory_space<hbm>>) target_semaphore(%run_scoped3A : memref<!tpu.dma_semaphore, #tpu.memory_space<semaphore_mem>>)
      %dma_wait3A = arith.constant 0 : i32
      %dma_wait3A_15 = tpu.memref_slice %arg6[%arg0, %mul3A_10, %dma_wait3A] : memref<2x10240x128xf32, #tpu.memory_space<hbm>> -> memref<1x640x128xf32, #tpu.memory_space<hbm>>
      %dma_wait3A_16 = tpu.memref_squeeze %dma_wait3A_15 : memref<1x640x128xf32, #tpu.memory_space<hbm>> -> memref<640x128xf32, #tpu.memory_space<hbm>>
      %dma_wait3A_17 = arith.constant 0 : i32
      %dma_wait3A_18 = tpu.memref_slice %arg10[%mul3A_8, %dma_wait3A_17] : memref<10240x128xf32, #tpu.memory_space<vmem_shared>> -> memref<640x128xf32, #tpu.memory_space<vmem_shared>>
      tpu.wait_dma2 semaphore(%run_scoped3A : memref<!tpu.dma_semaphore, #tpu.memory_space<semaphore_mem>>) src(%dma_wait3A_18 : memref<640x128xf32, #tpu.memory_space<vmem_shared>>) dst(%dma_wait3A_16 : memref<640x128xf32, #tpu.memory_space<hbm>>)
      tpu.yield
    }) : () -> ()
    return
  }
}

#map = affine_map<(d0, d1) -> (0, 0)>
#map1 = affine_map<(d0, d1) -> (0, 0, 0, 0)>
#map2 = affine_map<(d0, d1) -> (0, 0, 0)>
module attributes {stable_mosaic.version = 14 : i64} {
  func.func @propagate(%arg0: i32, %arg1: i32, %arg2: memref<10000x128xf32, #tpu.memory_space<hbm>>, %arg3: memref<2x16x81x128xi32, #tpu.memory_space<hbm>>, %arg4: memref<2x16x81x128xi32, #tpu.memory_space<hbm>>, %arg5: memref<640x128xf32, #tpu.memory_space<hbm>>, %arg6: memref<2x10240x128xf32, #tpu.memory_space<hbm>>, %arg7: memref<128xi32, #tpu.memory_space<vmem>>, %arg8: memref<128xi32, #tpu.memory_space<vmem>>, %arg9: memref<128x128xf32, #tpu.memory_space<vmem>>, %arg10: memref<10240x128xf32, #tpu.memory_space<vmem_shared>>, %arg11: memref<!tpu.dma_semaphore, #tpu.memory_space<semaphore_mem>>) attributes {dimension_semantics = [#tpu.dimension_semantics<core_parallel>, #tpu.dimension_semantics<subcore_parallel>], iteration_bounds = array<i64: 2, 16>, scalar_prefetch = 0 : i64, scratch_operands = 5 : i64, tpu.core_type = #tpu.core_type<sc_vector_subcore>, window_params = [{transform_indices = #map}, {transform_indices = #map1}, {transform_indices = #map1}, {transform_indices = #map}, {transform_indices = #map2}]} {
    %mul3A = arith.constant 640 : i32
    %mul3A_0 = arith.muli %arg1, %mul3A : i32
    "tpu.region"() ({
      %run_scoped3A = tpu.sem_alloc : memref<!tpu.dma_semaphore, #tpu.memory_space<semaphore_mem>>
      %dma_start3A = arith.constant 0 : i32
      %dma_start3A_11 = tpu.memref_slice %arg10[%mul3A_0, %dma_start3A] : memref<10240x128xf32, #tpu.memory_space<vmem_shared>> -> memref<640x128xf32, #tpu.memory_space<vmem_shared>>
      tpu.enqueue_dma source(%arg5 : memref<640x128xf32, #tpu.memory_space<hbm>>) target(%dma_start3A_11 : memref<640x128xf32, #tpu.memory_space<vmem_shared>>) target_semaphore(%run_scoped3A : memref<!tpu.dma_semaphore, #tpu.memory_space<semaphore_mem>>)
      %dma_wait3A = arith.constant 0 : i32
      %dma_wait3A_12 = tpu.memref_slice %arg10[%mul3A_0, %dma_wait3A] : memref<10240x128xf32, #tpu.memory_space<vmem_shared>> -> memref<640x128xf32, #tpu.memory_space<vmem_shared>>
      tpu.wait_dma2 semaphore(%run_scoped3A : memref<!tpu.dma_semaphore, #tpu.memory_space<semaphore_mem>>) src(%arg5 : memref<640x128xf32, #tpu.memory_space<hbm>>) dst(%dma_wait3A_12 : memref<640x128xf32, #tpu.memory_space<vmem_shared>>)
      tpu.yield
    }) : () -> ()
    %barrier3A = arith.constant 0 : index
    tpu.barrier barrier_id(%barrier3A)
    %scan3A = arith.constant 0 : i32
    %scan3A_1 = arith.constant 0 : i32
    %scan3A_2 = arith.constant 81 : i32
    %scan3A_3 = arith.addi %scan3A_1, %scan3A_2 : i32
    %scan3A_4 = arith.constant 1 : i32
    scf.for %scan3A_11 = %scan3A_1 to %scan3A_3 step %scan3A_4  : i32 {
      "tpu.region"() ({
        %run_scoped3A = tpu.sem_alloc : memref<!tpu.dma_semaphore, #tpu.memory_space<semaphore_mem>>
        %dma_start3A_16 = arith.constant 0 : i32
        %dma_start3A_17 = tpu.memref_slice %arg3[%arg0, %arg1, %scan3A_11, %dma_start3A_16] : memref<2x16x81x128xi32, #tpu.memory_space<hbm>> -> memref<1x1x1x128xi32, #tpu.memory_space<hbm>>
        %dma_start3A_18 = tpu.memref_squeeze %dma_start3A_17 : memref<1x1x1x128xi32, #tpu.memory_space<hbm>> -> memref<128xi32, #tpu.memory_space<hbm>>
        %dma_start3A_19 = arith.constant 0 : i32
        %dma_start3A_20 = tpu.memref_slice %arg3[%arg0, %arg1, %scan3A_11, %dma_start3A_19] : memref<2x16x81x128xi32, #tpu.memory_space<hbm>> -> memref<1x1x1x128xi32, #tpu.memory_space<hbm>>
        %dma_start3A_21 = tpu.memref_squeeze %dma_start3A_20 : memref<1x1x1x128xi32, #tpu.memory_space<hbm>> -> memref<128xi32, #tpu.memory_space<hbm>>
        tpu.enqueue_dma source(%dma_start3A_21 : memref<128xi32, #tpu.memory_space<hbm>>) target(%arg7 : memref<128xi32, #tpu.memory_space<vmem>>) target_semaphore(%run_scoped3A : memref<!tpu.dma_semaphore, #tpu.memory_space<semaphore_mem>>)
        %dma_wait3A_22 = arith.constant 0 : i32
        %dma_wait3A_23 = tpu.memref_slice %arg3[%arg0, %arg1, %scan3A_11, %dma_wait3A_22] : memref<2x16x81x128xi32, #tpu.memory_space<hbm>> -> memref<1x1x1x128xi32, #tpu.memory_space<hbm>>
        %dma_wait3A_24 = tpu.memref_squeeze %dma_wait3A_23 : memref<1x1x1x128xi32, #tpu.memory_space<hbm>> -> memref<128xi32, #tpu.memory_space<hbm>>
        %dma_wait3A_25 = arith.constant 0 : i32
        %dma_wait3A_26 = tpu.memref_slice %arg3[%arg0, %arg1, %scan3A_11, %dma_wait3A_25] : memref<2x16x81x128xi32, #tpu.memory_space<hbm>> -> memref<1x1x1x128xi32, #tpu.memory_space<hbm>>
        %dma_wait3A_27 = tpu.memref_squeeze %dma_wait3A_26 : memref<1x1x1x128xi32, #tpu.memory_space<hbm>> -> memref<128xi32, #tpu.memory_space<hbm>>
        tpu.wait_dma2 semaphore(%run_scoped3A : memref<!tpu.dma_semaphore, #tpu.memory_space<semaphore_mem>>) src(%dma_wait3A_27 : memref<128xi32, #tpu.memory_space<hbm>>) dst(%arg7 : memref<128xi32, #tpu.memory_space<vmem>>)
        tpu.yield
      }) : () -> ()
      %dma_start3A = arith.constant 0 : i32
      %dma_start3A_12 = arith.constant 0 : i32
      %dma_start3A_13 = tpu.memref_slice %arg2[%dma_start3A, %dma_start3A_12] : memref<10000x128xf32, #tpu.memory_space<hbm>> -> memref<10000x128xf32, #tpu.memory_space<hbm>>
      tpu.enqueue_indirect_dma source(%dma_start3A_13 : memref<10000x128xf32, #tpu.memory_space<hbm>>) target(%arg9 : memref<128x128xf32, #tpu.memory_space<vmem>>) offsets(%arg7 : memref<128xi32, #tpu.memory_space<vmem>>) semaphore(%arg11 : memref<!tpu.dma_semaphore, #tpu.memory_space<semaphore_mem>>)
      "tpu.region"() ({
        %run_scoped3A = tpu.sem_alloc : memref<!tpu.dma_semaphore, #tpu.memory_space<semaphore_mem>>
        %dma_start3A_16 = arith.constant 0 : i32
        %dma_start3A_17 = tpu.memref_slice %arg4[%arg0, %arg1, %scan3A_11, %dma_start3A_16] : memref<2x16x81x128xi32, #tpu.memory_space<hbm>> -> memref<1x1x1x128xi32, #tpu.memory_space<hbm>>
        %dma_start3A_18 = tpu.memref_squeeze %dma_start3A_17 : memref<1x1x1x128xi32, #tpu.memory_space<hbm>> -> memref<128xi32, #tpu.memory_space<hbm>>
        %dma_start3A_19 = arith.constant 0 : i32
        %dma_start3A_20 = tpu.memref_slice %arg4[%arg0, %arg1, %scan3A_11, %dma_start3A_19] : memref<2x16x81x128xi32, #tpu.memory_space<hbm>> -> memref<1x1x1x128xi32, #tpu.memory_space<hbm>>
        %dma_start3A_21 = tpu.memref_squeeze %dma_start3A_20 : memref<1x1x1x128xi32, #tpu.memory_space<hbm>> -> memref<128xi32, #tpu.memory_space<hbm>>
        tpu.enqueue_dma source(%dma_start3A_21 : memref<128xi32, #tpu.memory_space<hbm>>) target(%arg8 : memref<128xi32, #tpu.memory_space<vmem>>) target_semaphore(%run_scoped3A : memref<!tpu.dma_semaphore, #tpu.memory_space<semaphore_mem>>)
        %dma_wait3A_22 = arith.constant 0 : i32
        %dma_wait3A_23 = tpu.memref_slice %arg4[%arg0, %arg1, %scan3A_11, %dma_wait3A_22] : memref<2x16x81x128xi32, #tpu.memory_space<hbm>> -> memref<1x1x1x128xi32, #tpu.memory_space<hbm>>
        %dma_wait3A_24 = tpu.memref_squeeze %dma_wait3A_23 : memref<1x1x1x128xi32, #tpu.memory_space<hbm>> -> memref<128xi32, #tpu.memory_space<hbm>>
        %dma_wait3A_25 = arith.constant 0 : i32
        %dma_wait3A_26 = tpu.memref_slice %arg4[%arg0, %arg1, %scan3A_11, %dma_wait3A_25] : memref<2x16x81x128xi32, #tpu.memory_space<hbm>> -> memref<1x1x1x128xi32, #tpu.memory_space<hbm>>
        %dma_wait3A_27 = tpu.memref_squeeze %dma_wait3A_26 : memref<1x1x1x128xi32, #tpu.memory_space<hbm>> -> memref<128xi32, #tpu.memory_space<hbm>>
        tpu.wait_dma2 semaphore(%run_scoped3A : memref<!tpu.dma_semaphore, #tpu.memory_space<semaphore_mem>>) src(%dma_wait3A_27 : memref<128xi32, #tpu.memory_space<hbm>>) dst(%arg8 : memref<128xi32, #tpu.memory_space<vmem>>)
        tpu.yield
      }) : () -> ()
      %dma_wait3A = arith.constant 0 : i32
      %dma_wait3A_14 = arith.constant 0 : i32
      %dma_wait3A_15 = tpu.memref_slice %arg2[%dma_wait3A, %dma_wait3A_14] : memref<10000x128xf32, #tpu.memory_space<hbm>> -> memref<10000x128xf32, #tpu.memory_space<hbm>>
      tpu.wait_indirect_dma semaphore(%arg11 : memref<!tpu.dma_semaphore, #tpu.memory_space<semaphore_mem>>) src(%dma_wait3A_15 : memref<10000x128xf32, #tpu.memory_space<hbm>>) dst(%arg9 : memref<128x128xf32, #tpu.memory_space<vmem>>)
      "tpu.region"() ({
        %run_scoped3A = tpu.sem_alloc : memref<!tpu.dma_semaphore, #tpu.memory_space<semaphore_mem>>
        %dma_start3A_16 = arith.constant 0 : i32
        %dma_start3A_17 = arith.constant 0 : i32
        %dma_start3A_18 = tpu.memref_slice %arg10[%dma_start3A_16, %dma_start3A_17] : memref<10240x128xf32, #tpu.memory_space<vmem_shared>> -> memref<10240x128xf32, #tpu.memory_space<vmem_shared>>
        tpu.enqueue_indirect_dma source(%arg9 : memref<128x128xf32, #tpu.memory_space<vmem>>) target(%dma_start3A_18 : memref<10240x128xf32, #tpu.memory_space<vmem_shared>>) offsets(%arg8 : memref<128xi32, #tpu.memory_space<vmem>>) semaphore(%run_scoped3A : memref<!tpu.dma_semaphore, #tpu.memory_space<semaphore_mem>>) {add = true}
        %dma_wait3A_19 = arith.constant 0 : i32
        %dma_wait3A_20 = arith.constant 0 : i32
        %dma_wait3A_21 = tpu.memref_slice %arg10[%dma_wait3A_19, %dma_wait3A_20] : memref<10240x128xf32, #tpu.memory_space<vmem_shared>> -> memref<10240x128xf32, #tpu.memory_space<vmem_shared>>
        tpu.wait_indirect_dma semaphore(%run_scoped3A : memref<!tpu.dma_semaphore, #tpu.memory_space<semaphore_mem>>) src(%arg9 : memref<128x128xf32, #tpu.memory_space<vmem>>) dst(%dma_wait3A_21 : memref<10240x128xf32, #tpu.memory_space<vmem_shared>>)
        tpu.yield
      }) : () -> ()
    }
    %scan3A_5 = arith.constant 81 : i32
    %barrier3A_6 = arith.constant 0 : index
    tpu.barrier barrier_id(%barrier3A_6)
    %mul3A_7 = arith.constant 640 : i32
    %mul3A_8 = arith.muli %arg1, %mul3A_7 : i32
    %mul3A_9 = arith.constant 640 : i32
    %mul3A_10 = arith.muli %arg1, %mul3A_9 : i32
    "tpu.region"() ({
      %run_scoped3A = tpu.sem_alloc : memref<!tpu.dma_semaphore, #tpu.memory_space<semaphore_mem>>
      %dma_start3A = arith.constant 0 : i32
      %dma_start3A_11 = tpu.memref_slice %arg6[%arg0, %mul3A_10, %dma_start3A] : memref<2x10240x128xf32, #tpu.memory_space<hbm>> -> memref<1x640x128xf32, #tpu.memory_space<hbm>>
      %dma_start3A_12 = tpu.memref_squeeze %dma_start3A_11 : memref<1x640x128xf32, #tpu.memory_space<hbm>> -> memref<640x128xf32, #tpu.memory_space<hbm>>
      %dma_start3A_13 = arith.constant 0 : i32
      %dma_start3A_14 = tpu.memref_slice %arg10[%mul3A_8, %dma_start3A_13] : memref<10240x128xf32, #tpu.memory_space<vmem_shared>> -> memref<640x128xf32, #tpu.memory_space<vmem_shared>>
      tpu.enqueue_dma source(%dma_start3A_14 : memref<640x128xf32, #tpu.memory_space<vmem_shared>>) target(%dma_start3A_12 : memref<640x128xf32, #tpu.memory_space<hbm>>) target_semaphore(%run_scoped3A : memref<!tpu.dma_semaphore, #tpu.memory_space<semaphore_mem>>)
      %dma_wait3A = arith.constant 0 : i32
      %dma_wait3A_15 = tpu.memref_slice %arg6[%arg0, %mul3A_10, %dma_wait3A] : memref<2x10240x128xf32, #tpu.memory_space<hbm>> -> memref<1x640x128xf32, #tpu.memory_space<hbm>>
      %dma_wait3A_16 = tpu.memref_squeeze %dma_wait3A_15 : memref<1x640x128xf32, #tpu.memory_space<hbm>> -> memref<640x128xf32, #tpu.memory_space<hbm>>
      %dma_wait3A_17 = arith.constant 0 : i32
      %dma_wait3A_18 = tpu.memref_slice %arg10[%mul3A_8, %dma_wait3A_17] : memref<10240x128xf32, #tpu.memory_space<vmem_shared>> -> memref<640x128xf32, #tpu.memory_space<vmem_shared>>
      tpu.wait_dma2 semaphore(%run_scoped3A : memref<!tpu.dma_semaphore, #tpu.memory_space<semaphore_mem>>) src(%dma_wait3A_18 : memref<640x128xf32, #tpu.memory_space<vmem_shared>>) dst(%dma_wait3A_16 : memref<640x128xf32, #tpu.memory_space<hbm>>)
      tpu.yield
    }) : () -> ()
    return
  }
}

module attributes {stable_mosaic.version = 14 : i64} {
  func.func @body(%arg0: i32, %arg1: memref<2000x128xf32, #tpu.memory_space<vmem>>, %arg2: memref<128x128xf32, #tpu.memory_space<vmem>>, %arg3: memref<1x128xf32, #tpu.memory_space<vmem>>, %arg4: memref<128x128xf32, #tpu.memory_space<vmem>>, %arg5: memref<1x128xf32, #tpu.memory_space<vmem>>, %arg6: memref<2x2000x16xf32, #tpu.memory_space<vmem>>, %arg7: memref<2000x128xf32, #tpu.memory_space<vmem>>, %arg8: memref<2000x128xf32, #tpu.memory_space<vmem>>) attributes {dimension_semantics = [#tpu.dimension_semantics<arbitrary>], iteration_bounds = array<i64: 5>, scalar_prefetch = 0 : i64, scratch_operands = 0 : i64, tpu.core_type = #tpu.core_type<tc>, window_params = [{transform_indices = @transform_0, window_bounds = array<i64: 2000, 128>}, {pipeline_mode = #tpu.pipeline_mode<synchronous>, transform_indices = @transform_1, window_bounds = array<i64: 128, 128>}, {pipeline_mode = #tpu.pipeline_mode<synchronous>, transform_indices = @transform_2, window_bounds = array<i64: 1, 128>}, {pipeline_mode = #tpu.pipeline_mode<synchronous>, transform_indices = @transform_3, window_bounds = array<i64: 128, 128>}, {pipeline_mode = #tpu.pipeline_mode<synchronous>, transform_indices = @transform_4, window_bounds = array<i64: 1, 128>}, {transform_indices = @transform_5, window_bounds = array<i64: 2, 2000, 16>}, {transform_indices = @transform_6, window_bounds = array<i64: 2000, 128>}, {transform_indices = @transform_7, window_bounds = array<i64: 2000, 128>}]} {
    %get3A = arith.constant 0 : index
    %get3A_0 = arith.constant 0 : index
    %get3A_1 = vector.load %arg1[%get3A, %get3A_0] : memref<2000x128xf32, #tpu.memory_space<vmem>>, vector<2000x128xf32>
    %get3A_2 = arith.constant 0 : index
    %get3A_3 = arith.constant 0 : index
    %get3A_4 = vector.load %arg2[%get3A_2, %get3A_3] : memref<128x128xf32, #tpu.memory_space<vmem>>, vector<128x128xf32>
    %dot_general3A = arith.constant dense<0.000000e+00> : vector<2000x128xf32>
    %dot_general3A_5 = tpu.matmul %get3A_1, %get3A_4, %dot_general3A {dimension_numbers = #tpu.dot_dimension_numbers<[1], [0], [0], [1], [0, 0, 1, 1], [], []>, transpose_lhs_hint = false} : vector<2000x128xf32>, vector<128x128xf32>, vector<2000x128xf32> -> vector<2000x128xf32>
    %get3A_6 = arith.constant 0 : index
    %get3A_7 = arith.constant 0 : index
    %get3A_8 = vector.load %arg3[%get3A_6, %get3A_7] : memref<1x128xf32, #tpu.memory_space<vmem>>, vector<1x128xf32>
    %add3A = vector.broadcast %get3A_8 : vector<1x128xf32> to vector<2000x128xf32>
    %add3A_9 = arith.addf %dot_general3A_5, %add3A : vector<2000x128xf32>
    %max3A = arith.constant 0.000000e+00 : f32
    %max3A_10 = vector.broadcast %max3A : f32 to vector<2000x128xf32>
    %max3A_11 = arith.maximumf %add3A_9, %max3A_10 : vector<2000x128xf32>
    %get3A_12 = arith.constant 0 : index
    %get3A_13 = arith.constant 0 : index
    %get3A_14 = vector.load %arg4[%get3A_12, %get3A_13] : memref<128x128xf32, #tpu.memory_space<vmem>>, vector<128x128xf32>
    %dot_general3A_15 = arith.constant dense<0.000000e+00> : vector<2000x128xf32>
    %dot_general3A_16 = tpu.matmul %max3A_11, %get3A_14, %dot_general3A_15 {dimension_numbers = #tpu.dot_dimension_numbers<[1], [0], [0], [1], [0, 0, 1, 1], [], []>, transpose_lhs_hint = false} : vector<2000x128xf32>, vector<128x128xf32>, vector<2000x128xf32> -> vector<2000x128xf32>
    %get3A_17 = arith.constant 0 : index
    %get3A_18 = arith.constant 0 : index
    %get3A_19 = vector.load %arg5[%get3A_17, %get3A_18] : memref<1x128xf32, #tpu.memory_space<vmem>>, vector<1x128xf32>
    %add3A_20 = vector.broadcast %get3A_19 : vector<1x128xf32> to vector<2000x128xf32>
    %add3A_21 = arith.addf %dot_general3A_16, %add3A_20 : vector<2000x128xf32>
    %get3A_22 = arith.constant 0 : index
    %get3A_23 = arith.constant 0 : index
    %get3A_24 = arith.constant 0 : index
    %get3A_25 = vector.load %arg6[%get3A_22, %get3A_23, %get3A_24] : memref<2x2000x16xf32, #tpu.memory_space<vmem>>, vector<1x2000x1xf32>
    %get3A_26 = vector.shape_cast %get3A_25 : vector<1x2000x1xf32> to vector<2000x1xf32>
    %get3A_27 = arith.constant 1 : index
    %get3A_28 = arith.constant 0 : index
    %get3A_29 = arith.constant 0 : index
    %get3A_30 = vector.load %arg6[%get3A_27, %get3A_28, %get3A_29] : memref<2x2000x16xf32, #tpu.memory_space<vmem>>, vector<1x2000x1xf32>
    %get3A_31 = vector.shape_cast %get3A_30 : vector<1x2000x1xf32> to vector<2000x1xf32>
    %add3A_32 = arith.addf %get3A_26, %get3A_31 : vector<2000x1xf32>
    %swap3A = arith.constant 0 : index
    %swap3A_33 = arith.constant 0 : index
    %swap3A_34 = vector.load %arg7[%swap3A, %swap3A_33] : memref<2000x128xf32, #tpu.memory_space<vmem>>, vector<2000x128xf32>
    tpu.vector_store %arg7[%swap3A, %swap3A_33], %add3A_21 {strides = array<i32>} : memref<2000x128xf32, #tpu.memory_space<vmem>>, vector<2000x128xf32>,
    %rsqrt3A = math.rsqrt %add3A_32 : vector<2000x1xf32>
    %mul3A = vector.broadcast %rsqrt3A : vector<2000x1xf32> to vector<2000x128xf32>
    %mul3A_35 = arith.mulf %add3A_21, %mul3A : vector<2000x128xf32>
    %swap3A_36 = arith.constant 0 : index
    %swap3A_37 = arith.constant 0 : index
    %swap3A_38 = vector.load %arg8[%swap3A_36, %swap3A_37] : memref<2000x128xf32, #tpu.memory_space<vmem>>, vector<2000x128xf32>
    tpu.vector_store %arg8[%swap3A_36, %swap3A_37], %mul3A_35 {strides = array<i32>} : memref<2000x128xf32, #tpu.memory_space<vmem>>, vector<2000x128xf32>,
    return
  }
  func.func @transform_0(%arg0: i32) -> (i32, i32) {
    %c0_i32 = arith.constant 0 : i32
    %c0_i32_0 = arith.constant 0 : i32
    return %arg0, %c0_i32 : i32, i32
  }
  func.func @transform_1(%arg0: i32) -> (i32, i32) {
    %c0_i32 = arith.constant 0 : i32
    %c0_i32_0 = arith.constant 0 : i32
    %c0_i32_1 = arith.constant 0 : i32
    return %c0_i32, %c0_i32_0 : i32, i32
  }
  func.func @transform_2(%arg0: i32) -> (i32, i32) {
    %c0_i32 = arith.constant 0 : i32
    %c0_i32_0 = arith.constant 0 : i32
    %c0_i32_1 = arith.constant 0 : i32
    return %c0_i32, %c0_i32_0 : i32, i32
  }
  func.func @transform_3(%arg0: i32) -> (i32, i32) {
    %c0_i32 = arith.constant 0 : i32
    %c0_i32_0 = arith.constant 0 : i32
    %c0_i32_1 = arith.constant 0 : i32
    return %c0_i32, %c0_i32_0 : i32, i32
  }
  func.func @transform_4(%arg0: i32) -> (i32, i32) {
    %c0_i32 = arith.constant 0 : i32
    %c0_i32_0 = arith.constant 0 : i32
    %c0_i32_1 = arith.constant 0 : i32
    return %c0_i32, %c0_i32_0 : i32, i32
  }
  func.func @transform_5(%arg0: i32) -> (i32, i32, i32) {
    %c0_i32 = arith.constant 0 : i32
    %c0_i32_0 = arith.constant 0 : i32
    %c0_i32_1 = arith.constant 0 : i32
    return %c0_i32, %arg0, %c0_i32_0 : i32, i32, i32
  }
  func.func @transform_6(%arg0: i32) -> (i32, i32) {
    %c0_i32 = arith.constant 0 : i32
    %c0_i32_0 = arith.constant 0 : i32
    return %arg0, %c0_i32 : i32, i32
  }
  func.func @transform_7(%arg0: i32) -> (i32, i32) {
    %c0_i32 = arith.constant 0 : i32
    %c0_i32_0 = arith.constant 0 : i32
    return %arg0, %c0_i32 : i32, i32
  }
}

module attributes {stable_mosaic.version = 14 : i64} {
  func.func @body(%arg0: i32, %arg1: memref<2x2000x128xf32, #tpu.memory_space<vmem>>, %arg2: memref<2x2000x16xf32, #tpu.memory_space<vmem>>, %arg3: memref<2000x128xf32, #tpu.memory_space<vmem>>, %arg4: memref<2000x128xf32, #tpu.memory_space<vmem>>) attributes {dimension_semantics = [#tpu.dimension_semantics<arbitrary>], iteration_bounds = array<i64: 5>, scalar_prefetch = 0 : i64, scratch_operands = 0 : i64, tpu.core_type = #tpu.core_type<tc>, window_params = [{transform_indices = @transform_0, window_bounds = array<i64: 2, 2000, 128>}, {transform_indices = @transform_1, window_bounds = array<i64: 2, 2000, 16>}, {transform_indices = @transform_2, window_bounds = array<i64: 2000, 128>}, {transform_indices = @transform_3, window_bounds = array<i64: 2000, 128>}]} {
    %get3A = arith.constant 0 : index
    %get3A_0 = arith.constant 0 : index
    %get3A_1 = arith.constant 0 : index
    %get3A_2 = vector.load %arg2[%get3A, %get3A_0, %get3A_1] : memref<2x2000x16xf32, #tpu.memory_space<vmem>>, vector<1x2000x1xf32>
    %get3A_3 = vector.shape_cast %get3A_2 : vector<1x2000x1xf32> to vector<2000x1xf32>
    %get3A_4 = arith.constant 1 : index
    %get3A_5 = arith.constant 0 : index
    %get3A_6 = arith.constant 0 : index
    %get3A_7 = vector.load %arg2[%get3A_4, %get3A_5, %get3A_6] : memref<2x2000x16xf32, #tpu.memory_space<vmem>>, vector<1x2000x1xf32>
    %get3A_8 = vector.shape_cast %get3A_7 : vector<1x2000x1xf32> to vector<2000x1xf32>
    %add3A = arith.addf %get3A_3, %get3A_8 : vector<2000x1xf32>
    %get3A_9 = arith.constant 0 : index
    %get3A_10 = arith.constant 0 : index
    %get3A_11 = arith.constant 0 : index
    %get3A_12 = vector.load %arg1[%get3A_9, %get3A_10, %get3A_11] : memref<2x2000x128xf32, #tpu.memory_space<vmem>>, vector<1x2000x128xf32>
    %get3A_13 = vector.shape_cast %get3A_12 : vector<1x2000x128xf32> to vector<2000x128xf32>
    %get3A_14 = arith.constant 1 : index
    %get3A_15 = arith.constant 0 : index
    %get3A_16 = arith.constant 0 : index
    %get3A_17 = vector.load %arg1[%get3A_14, %get3A_15, %get3A_16] : memref<2x2000x128xf32, #tpu.memory_space<vmem>>, vector<1x2000x128xf32>
    %get3A_18 = vector.shape_cast %get3A_17 : vector<1x2000x128xf32> to vector<2000x128xf32>
    %add3A_19 = arith.addf %get3A_13, %get3A_18 : vector<2000x128xf32>
    %rsqrt3A = math.rsqrt %add3A : vector<2000x1xf32>
    %mul3A = arith.constant 0.899999976 : f32
    %mul3A_20 = vector.broadcast %mul3A : f32 to vector<2000x1xf32>
    %mul3A_21 = arith.mulf %mul3A_20, %rsqrt3A : vector<2000x1xf32>
    %mul3A_22 = vector.broadcast %mul3A_21 : vector<2000x1xf32> to vector<2000x128xf32>
    %mul3A_23 = arith.mulf %mul3A_22, %add3A_19 : vector<2000x128xf32>
    %get3A_24 = arith.constant 0 : index
    %get3A_25 = arith.constant 0 : index
    %get3A_26 = vector.load %arg3[%get3A_24, %get3A_25] : memref<2000x128xf32, #tpu.memory_space<vmem>>, vector<2000x128xf32>
    %mul3A_27 = arith.constant 1.000000e-01 : f32
    %mul3A_28 = vector.broadcast %mul3A_27 : f32 to vector<2000x128xf32>
    %mul3A_29 = arith.mulf %mul3A_28, %get3A_26 : vector<2000x128xf32>
    %add3A_30 = arith.addf %mul3A_23, %mul3A_29 : vector<2000x128xf32>
    %reduce_max3A = arith.constant dense<0xFF800000> : vector<2000xf32>
    %reduce_max3A_31 = vector.multi_reduction <maximumf>, %add3A_30, %reduce_max3A [1] : vector<2000x128xf32> to vector<2000xf32>
    %broadcast_in_dim3A = vector.shape_cast %reduce_max3A_31 : vector<2000xf32> to vector<2000x1xf32>
    %sub3A = vector.broadcast %broadcast_in_dim3A : vector<2000x1xf32> to vector<2000x128xf32>
    %sub3A_32 = arith.subf %add3A_30, %sub3A : vector<2000x128xf32>
    %exp3A = math.exp %sub3A_32 : vector<2000x128xf32>
    %sub3A_33 = vector.broadcast %broadcast_in_dim3A : vector<2000x1xf32> to vector<2000x128xf32>
    %sub3A_34 = arith.subf %add3A_30, %sub3A_33 : vector<2000x128xf32>
    %reduce_sum3A = arith.constant dense<0.000000e+00> : vector<2000xf32>
    %reduce_sum3A_35 = vector.multi_reduction <add>, %exp3A, %reduce_sum3A [1] : vector<2000x128xf32> to vector<2000xf32>
    %broadcast_in_dim3A_36 = vector.shape_cast %reduce_sum3A_35 : vector<2000xf32> to vector<2000x1xf32>
    %log3A = math.log %broadcast_in_dim3A_36 : vector<2000x1xf32>
    %sub3A_37 = vector.broadcast %log3A : vector<2000x1xf32> to vector<2000x128xf32>
    %sub3A_38 = arith.subf %sub3A_34, %sub3A_37 : vector<2000x128xf32>
    %swap3A = arith.constant 0 : index
    %swap3A_39 = arith.constant 0 : index
    %swap3A_40 = vector.load %arg4[%swap3A, %swap3A_39] : memref<2000x128xf32, #tpu.memory_space<vmem>>, vector<2000x128xf32>
    tpu.vector_store %arg4[%swap3A, %swap3A_39], %sub3A_38 {strides = array<i32>} : memref<2000x128xf32, #tpu.memory_space<vmem>>, vector<2000x128xf32>,
    return
  }
  func.func @transform_0(%arg0: i32) -> (i32, i32, i32) {
    %c0_i32 = arith.constant 0 : i32
    %c0_i32_0 = arith.constant 0 : i32
    %c0_i32_1 = arith.constant 0 : i32
    return %c0_i32, %arg0, %c0_i32_0 : i32, i32, i32
  }
  func.func @transform_1(%arg0: i32) -> (i32, i32, i32) {
    %c0_i32 = arith.constant 0 : i32
    %c0_i32_0 = arith.constant 0 : i32
    %c0_i32_1 = arith.constant 0 : i32
    return %c0_i32, %arg0, %c0_i32_0 : i32, i32, i32
  }
  func.func @transform_2(%arg0: i32) -> (i32, i32) {
    %c0_i32 = arith.constant 0 : i32
    %c0_i32_0 = arith.constant 0 : i32
    return %arg0, %c0_i32 : i32, i32
  }
  func.func @transform_3(%arg0: i32) -> (i32, i32) {
    %c0_i32 = arith.constant 0 : i32
    %c0_i32_0 = arith.constant 0 : i32
    return %arg0, %c0_i32 : i32, i32
  }
}

module attributes {stable_mosaic.version = 14 : i64} {
  func.func @body(%arg0: i32, %arg1: memref<2x2000x128xf32, #tpu.memory_space<vmem>>, %arg2: memref<2x2000x16xf32, #tpu.memory_space<vmem>>, %arg3: memref<2000x128xf32, #tpu.memory_space<vmem>>, %arg4: memref<2000x128xf32, #tpu.memory_space<vmem>>) attributes {dimension_semantics = [#tpu.dimension_semantics<arbitrary>], iteration_bounds = array<i64: 5>, scalar_prefetch = 0 : i64, scratch_operands = 0 : i64, tpu.core_type = #tpu.core_type<tc>, window_params = [{transform_indices = @transform_0, window_bounds = array<i64: 2, 2000, 128>}, {transform_indices = @transform_1, window_bounds = array<i64: 2, 2000, 16>}, {transform_indices = @transform_2, window_bounds = array<i64: 2000, 128>}, {transform_indices = @transform_3, window_bounds = array<i64: 2000, 128>}]} {
    %get3A = arith.constant 0 : index
    %get3A_0 = arith.constant 0 : index
    %get3A_1 = arith.constant 0 : index
    %get3A_2 = vector.load %arg2[%get3A, %get3A_0, %get3A_1] : memref<2x2000x16xf32, #tpu.memory_space<vmem>>, vector<1x2000x1xf32>
    %get3A_3 = vector.shape_cast %get3A_2 : vector<1x2000x1xf32> to vector<2000x1xf32>
    %get3A_4 = arith.constant 1 : index
    %get3A_5 = arith.constant 0 : index
    %get3A_6 = arith.constant 0 : index
    %get3A_7 = vector.load %arg2[%get3A_4, %get3A_5, %get3A_6] : memref<2x2000x16xf32, #tpu.memory_space<vmem>>, vector<1x2000x1xf32>
    %get3A_8 = vector.shape_cast %get3A_7 : vector<1x2000x1xf32> to vector<2000x1xf32>
    %add3A = arith.addf %get3A_3, %get3A_8 : vector<2000x1xf32>
    %get3A_9 = arith.constant 0 : index
    %get3A_10 = arith.constant 0 : index
    %get3A_11 = arith.constant 0 : index
    %get3A_12 = vector.load %arg1[%get3A_9, %get3A_10, %get3A_11] : memref<2x2000x128xf32, #tpu.memory_space<vmem>>, vector<1x2000x128xf32>
    %get3A_13 = vector.shape_cast %get3A_12 : vector<1x2000x128xf32> to vector<2000x128xf32>
    %get3A_14 = arith.constant 1 : index
    %get3A_15 = arith.constant 0 : index
    %get3A_16 = arith.constant 0 : index
    %get3A_17 = vector.load %arg1[%get3A_14, %get3A_15, %get3A_16] : memref<2x2000x128xf32, #tpu.memory_space<vmem>>, vector<1x2000x128xf32>
    %get3A_18 = vector.shape_cast %get3A_17 : vector<1x2000x128xf32> to vector<2000x128xf32>
    %add3A_19 = arith.addf %get3A_13, %get3A_18 : vector<2000x128xf32>
    %div3A = arith.constant 0.899999976 : f32
    %div3A_20 = vector.broadcast %div3A : f32 to vector<2000x1xf32>
    %div3A_21 = arith.divf %div3A_20, %add3A : vector<2000x1xf32>
    %mul3A = vector.broadcast %div3A_21 : vector<2000x1xf32> to vector<2000x128xf32>
    %mul3A_22 = arith.mulf %mul3A, %add3A_19 : vector<2000x128xf32>
    %get3A_23 = arith.constant 0 : index
    %get3A_24 = arith.constant 0 : index
    %get3A_25 = vector.load %arg3[%get3A_23, %get3A_24] : memref<2000x128xf32, #tpu.memory_space<vmem>>, vector<2000x128xf32>
    %mul3A_26 = arith.constant 1.000000e-01 : f32
    %mul3A_27 = vector.broadcast %mul3A_26 : f32 to vector<2000x128xf32>
    %mul3A_28 = arith.mulf %mul3A_27, %get3A_25 : vector<2000x128xf32>
    %add3A_29 = arith.addf %mul3A_22, %mul3A_28 : vector<2000x128xf32>
    %swap3A = arith.constant 0 : index
    %swap3A_30 = arith.constant 0 : index
    %swap3A_31 = vector.load %arg4[%swap3A, %swap3A_30] : memref<2000x128xf32, #tpu.memory_space<vmem>>, vector<2000x128xf32>
    tpu.vector_store %arg4[%swap3A, %swap3A_30], %add3A_29 {strides = array<i32>} : memref<2000x128xf32, #tpu.memory_space<vmem>>, vector<2000x128xf32>,
    return
  }
  func.func @transform_0(%arg0: i32) -> (i32, i32, i32) {
    %c0_i32 = arith.constant 0 : i32
    %c0_i32_0 = arith.constant 0 : i32
    %c0_i32_1 = arith.constant 0 : i32
    return %c0_i32, %arg0, %c0_i32_0 : i32, i32, i32
  }
  func.func @transform_1(%arg0: i32) -> (i32, i32, i32) {
    %c0_i32 = arith.constant 0 : i32
    %c0_i32_0 = arith.constant 0 : i32
    %c0_i32_1 = arith.constant 0 : i32
    return %c0_i32, %arg0, %c0_i32_0 : i32, i32, i32
  }
  func.func @transform_2(%arg0: i32) -> (i32, i32) {
    %c0_i32 = arith.constant 0 : i32
    %c0_i32_0 = arith.constant 0 : i32
    return %arg0, %c0_i32 : i32, i32
  }
  func.func @transform_3(%arg0: i32) -> (i32, i32) {
    %c0_i32 = arith.constant 0 : i32
    %c0_i32_0 = arith.constant 0 : i32
    return %arg0, %c0_i32 : i32, i32
  }
}

</mosaic_0001>

<sc_bundles>
// kernel: kernel.24.cloned.1.call-start
scs
__scs_entry_jumppad:
0x0: {  	(pc) =	sbr.rel $0x88, $3  }
0x1: {  	(tag) =	ssettag $0x0;
	lr =	simm.s32 $0x1  }
0x2: {  	[smem:$0x3F9B] =	sst lr;
	_ =	strace $0xD0000000  }
0x3: {  	_ = 	snop  }
0x4: {  	_ = 	snop  }
0x5: {  	_ = 	snop  }
0x6: {  	_ = 	snop  }
0x7: {  	_ = 	snop  }
__scs_overlays_trampoline_lowered:
0x8: {  	[smem:$0x3FAA] =	sst s0  }
0x9: {  	[smem:$0x3FAB] =	sst s1  }
0xa: {  	[smem:$0x3FAC] =	sst s2  }
0xb: {  	[smem:$0x3FAD] =	sst s3  }
0xc: {  	[smem:$0x3FAE] =	sst s4  }
0xd: {  	[smem:$0x3FAF] =	sst s5  }
0xe: {  	[smem:$0x3FB0] =	sst s6  }
0xf: {  	[smem:$0x3FB1] =	sst s7  }
0x10: {  	[smem:$0x3FB2] =	sst s8  }
0x11: {  	[smem:$0x3FB3] =	sst s9;
	s0 =	simm.s32 @!p0 $0x0  }
0x12: {  	s1 =	sld [smem:$0x3F99];
	s0 =	simm.s32 @p0 $0x1  }
0x13: {  	[smem:$0x3FB4] =	sst s0;
	s0 =	simm.s32 @!p1 $0x0  }
0x14: {  	s2 =	sld [smem:$0x3F98];
	s0 =	simm.s32 @p1 $0x1  }
0x15: {  	[smem:$0x3FB5] =	sst s0;
	s0 =	simm.s32 @!p2 $0x0  }
0x16: {  	s3 =	sld [smem:$0x3FDB];
	s0 =	simm.s32 @p2 $0x1  }
0x17: {  	s4 =	simm.s32 $0x1BF5;
	[smem:$0x3FB7] =	sst s0  }
0x18: {  	s0 =	sld [smem:$0x3F9A];
	_ =	swait.ge [sflag:s4], $0x0  }
0x19: {  	s7 =	sld [smem:$0x3F9B]  }
0x1a: {  	s8 =	sadd.s32 $0xFFFFE003, lr  }
0x1b: {  	s9 =	sadd.s32 $0xFFFFFEF7, lr;
	s5 =	simm.s32 $0xFFFFFFFF;
	p2 =	slt.u32 s8, $0xFFFFF086  }
0x1c: {  	p1 =	slt.u32 s9, $0xF7A;
	s5 =	simm.s32 @!p2 $0x0  }
0x1d: {  	s5 =	simm.s32 @p1 $0x1;
	p0 =	seq.s32 s7, s2  }
0x1e: {  	s7 =	smul.u32 @!p0 $0xF7A, s2;
	p2 =	seq.s32 @!p0 s5, $0x0  }
0x1f: {  	s9 =	smul.u32 $0xF7A, s1;
	s8 =	simm.s32 @!p0 $0x1BF5;
	p2 =	por !p2, p0  }
0x20: {  	[sflag:s8] =	ssyncset.s32 @!p0 $0xFFFFF086;
	s6 =	sadd.s32 @!p0 s3, s7;
	s7 =	simm.s32 @!p0 $0x108  }
0x21: {  	s3 =	sadd.s32 s3, s9;
	s6 =	sadd.s32 @!p0 $0x88, s6;
	s7 =	simm.s32 @p2 $0x1082  }
0x22: {  	[simem:s7], [sflag:s8] =	dma.local @!p0 [hbm:s6], $0xF7A  }
0x23: {  	s9 =	sor.u32 $0xD0000000, s2;
	s6 =	simm.s32 $0x108;
	_ =	swait.ge @!p0 [sflag:s8], $0x0  }
0x24: {  	s3 =	sadd.s32 $0x88, s3;
	s6 =	simm.s32 @!p1 $0x1082;
	[sflag:s4] =	ssyncset.s32 $0xFFFFF086  }
0x25: {  	[simem:s6], [sflag:s4] =	dma.local [hbm:s3], $0xF7A  }
0x26: {  	[smem:$0x3F9B] =	sst s1;
	(tag) =	ssettag s2;
	_ =	strace s9  }
0x27: {  	s1 =	sld [smem:$0x3FAB]  }
0x28: {  	s2 =	sld [smem:$0x3FAC]  }
0x29: {  	s4 =	sld [smem:$0x3FAE]  }
0x2a: {  	p0 =	seq.s32 s5, $0x0;
	s5 =	sld [smem:$0x3FAF]  }
0x2b: {  	s6 =	sld [smem:$0x3FB0]  }
0x2c: {  	s7 =	sld [smem:$0x3FB1]  }
0x2d: {  	s3 =	simm.s32 $0x108;
	s8 =	sld [smem:$0x3FB2]  }
0x2e: {  	s3 =	simm.s32 @!p0 $0x1082;
	s9 =	sld [smem:$0x3FB3]  }
0x2f: {  	lr =	sadd.s32 s0, s3;
	s0 =	sld [smem:$0x3FAA]  }
0x30: {  	s3 =	sld [smem:$0x3FAD]  }
0x31: {  	[smem:$0x3FB6] =	sst s10  }
0x32: {  	s10 =	sld [smem:$0x3FB4];
	_ =	sdelay $0x3  }
0x33: {  	p0 =	seq.s32 s10, $0x1;
	s10 =	sld [smem:$0x3FB6];
	_ =	sdelay $0x3  }
0x34: {  	[smem:$0x3FB6] =	sst s10  }
0x35: {  	s10 =	sld [smem:$0x3FB5];
	_ =	sdelay $0x3  }
0x36: {  	p1 =	seq.s32 s10, $0x1;
	s10 =	sld [smem:$0x3FB6];
	_ =	sdelay $0x3  }
0x37: {  	[smem:$0x3FB6] =	sst s10  }
0x38: {  	s10 =	sld [smem:$0x3FB7]  }
0x39: {  	_ = 	snop;
	(pc) =	sbr.ind lr, $3  }
0x3a: {  	_ = 	snop  }
0x3b: {  	_ = 	snop  }
0x3c: {  	p2 =	seq.s32 s10, $0x1;
	s10 =	sld [smem:$0x3FB6]  }
0x3d: {  	_ =	shalt  }
0x3e: {  	_ =	shalt  }
0x3f: {  	_ =	shalt  }
0x40: {  	_ =	shalt  }
0x41: {  	_ =	shalt  }
0x42: {  	_ =	shalt  }
0x43: {  	_ =	shalt  }
0x44: {  	_ =	shalt  }
0x45: {  	_ =	shalt  }
0x46: {  	_ =	shalt  }
0x47: {  	_ =	shalt  }
0x48: {  	_ =	shalt  }
0x49: {  	_ =	shalt  }
0x4a: {  	_ =	shalt  }
0x4b: {  	_ =	shalt  }
0x4c: {  	_ =	shalt  }
0x4d: {  	_ =	shalt  }
0x4e: {  	_ =	shalt  }
0x4f: {  	_ =	shalt  }
0x50: {  	_ =	shalt  }
0x51: {  	_ =	shalt  }
0x52: {  	_ =	shalt  }
0x53: {  	_ =	shalt  }
0x54: {  	_ =	shalt  }
0x55: {  	_ =	shalt  }
0x56: {  	_ =	shalt  }
0x57: {  	_ =	shalt  }
0x58: {  	_ =	shalt  }
0x59: {  	_ =	shalt  }
0x5a: {  	_ =	shalt  }
0x5b: {  	_ =	shalt  }
0x5c: {  	_ =	shalt  }
0x5d: {  	_ =	shalt  }
0x5e: {  	_ =	shalt  }
0x5f: {  	_ =	shalt  }
0x60: {  	_ =	shalt  }
0x61: {  	_ =	shalt  }
0x62: {  	_ =	shalt  }
0x63: {  	_ =	shalt  }
0x64: {  	_ =	shalt  }
0x65: {  	_ =	shalt  }
0x66: {  	_ =	shalt  }
0x67: {  	_ =	shalt  }
0x68: {  	_ =	shalt  }
0x69: {  	_ =	shalt  }
0x6a: {  	_ =	shalt  }
0x6b: {  	_ =	shalt  }
0x6c: {  	_ =	shalt  }
0x6d: {  	_ =	shalt  }
0x6e: {  	_ =	shalt  }
0x6f: {  	_ =	shalt  }
0x70: {  	_ =	shalt  }
0x71: {  	_ =	shalt  }
0x72: {  	_ =	shalt  }
0x73: {  	_ =	shalt  }
0x74: {  	_ =	shalt  }
0x75: {  	_ =	shalt  }
0x76: {  	_ =	shalt  }
0x77: {  	_ =	shalt  }
0x78: {  	_ =	shalt  }
0x79: {  	_ =	shalt  }
0x7a: {  	_ =	shalt  }
0x7b: {  	_ =	shalt  }
0x7c: {  	_ =	shalt  }
0x7d: {  	_ =	shalt  }
0x7e: {  	_ =	shalt  }
0x7f: {  	_ =	shalt  }
0x80: {  	_ =	shalt  }
0x81: {  	_ =	shalt  }
0x82: {  	_ =	shalt  }
0x83: {  	_ =	shalt  }
0x84: {  	_ =	shalt  }
0x85: {  	_ =	shalt  }
0x86: {  	_ =	shalt  }
0x87: {  	_ =	shalt  }
.Lfunc_end0:
.L_simem_size_0:
called_computation_lowered:
.L_overlay_start_0:
0x88: {  	s2 =	sld [smem:$0x3FD9]  }
0x89: {  	s3 =	sld [smem:$0x3FFE];
	_ =	sdelay $0x1  }
0x8a: {  	s1 =	srdreg.scid  }
0x8b: {  	s0 =	sand.u32 $0x1, s1  }
0x8c: {  	s17 =	sshll.u32 s0, $0xA;
	s2 =	sadd.s32 s3, s2  }
0x8d: {  	s2 =	sadd.s32 s2, s17  }
0x8e: {  	[smem:$0x3FC2] =	sst s2  }
0x8f: {  	_ = 	snop  }
0x90: {  	s2 =	sld [smem:$0x3FD0];
	(tm) =	ssettm $0x1  }
0x91: {  	s18 =	sld [smem:$0x3FFB];
	_ =	sdelay $0x3  }
0x92: {  	_ =	strace s18  }
0x93: {  	s3 =	sld [smem:$0x3FFC];
	_ =	sdelay $0x3  }
0x94: {  	_ =	strace s3  }
0x95: {  	s3 =	sld [smem:$0x3FFD];
	_ =	sdelay $0x3  }
0x96: {  	_ =	strace s3  }
0x97: {  	_ =	strace $0x8FFFFFFF  }
0x98: {  	s19 =	sld [smem:$0x3FDB];
	_ =	sdelay $0x1  }
0x99: {  	s4 =	simm.s32 $_scs_section_size  }
0x9a: {  	s5 =	simm.s32 $_size__tile_overlayer_lowered;
	s6 =	simm.s32 $_tile_overlayer_lowered  }
0x9b: {  	s22 =	simm.s32 $0x1BFF;
	s21 =	sshll.u32 s6, $0x1;
	s3 =	sadd.s32 s4, s19  }
0x9c: {  	s7 =	simm.s32 $0x0;
	s20 =	sshll.u32 s5, $0x1;
	s5 =	sadd.s32 s21, s3  }
0x9d: {  	[timem:s7], [sflag:s22] =	dma.local [hbm:s5], s20  }
0x9e: {  	_ =	swait.ge [sflag:s22], s20  }
0x9f: {  	s4 =	ssub.s32 $0x0, s20;
	[sflag:s22] =	ssyncset.done $0x0  }
0xa0: {  	[sflag:s22] =	ssyncadd.s32 s4;
	_ =	sdelay $0x1  }
0xa1: {  	s23 =	simm.s32 $0x1B8B  }
0xa2: {  	_ =	swait.ge [sflag:s23], $0x1  }
0xa3: {  	[sflag:s23] =	ssyncset.done $0x0  }
0xa4: {  	s25 =	simm.s32 $0x1B8E;
	s24 =	sld [smem:$0x3FFE];
	[sflag:s23] =	ssyncadd.s32 $0xFFFFFFFF  }
0xa5: {  	s26 =	simm.s32 $execute0_lowered;
	[smem:$0x3FD2] =	sst s25  }
0xa6: {  	s5 =	sshll.u32 s26, $0x1;
	_ =	strace $0x80000046;
	[dreg:$0x1] =	wrdreg $0xFFFFFFFF  }
0xa7: {  	s28 =	simm.s32 $_size_execute0_lowered;
	s3 =	sadd.s32 s3, s5;
	[dreg:$0x0] =	wrdreg $0x0  }
0xa8: {  	s5 =	sshll.u32 s28, $0x1;
	[dreg:$0x2] =	wrdreg s3  }
0xa9: {  	[dreg:$0x3] =	wrdreg s5  }
0xaa: {  	[dreg:$0x4] =	wrdreg $0xC0  }
0xab: {  	_ =	task [dreg:s7], $0x5FFFF  }
0xac: {  	[dreg:$0x1] =	wrdreg $0xFFFFFFFF  }
0xad: {  	[dreg:$0x0] =	wrdreg $0x60  }
0xae: {  	[dreg:$0x2] =	wrdreg s24  }
0xaf: {  	[dreg:$0x3] =	wrdreg s2  }
0xb0: {  	[dreg:$0x4] =	wrdreg $0x40800  }
0xb1: {  	[dreg:$0x5] =	wrdreg $0x9  }
0xb2: {  	_ =	task.clear_ibuf [dreg:s7], $0x6FFFF;
	_ =	strace $0x90000046  }
0xb3: {  	s29 =	simm.s32 $0x9;
	_ =	strace $0x80000048  }
0xb4: {  	_ =	swait.ge [sflag:s29], $0x1  }
0xb5: {  	[sflag:s29] =	ssyncadd.s32 $0xFFFFFFFF  }
0xb6: {  	_ =	strace $0x90000048  }
0xb7: {  	_ =	sfence  }
0xb8: {  	s30 =	sld [smem:$0x0];
	_ =	sdelay $0x2  }
0xb9: {  	s31 =	sshll.u32 s1, $0xD;
	s1 =	sshrl.u32 s1, $0x2  }
0xba: {  	s3 =	sand.u32 $0x4000, s31;
	s1 =	sadd.s32 s1, s30  }
0xbb: {  	s0 =	sor.u32 s3, s0;
	s1 =	sshll.u32 s1, $0x11  }
0xbc: {  	s0 =	sor.u32 s1, s0  }
0xbd: {  	s0 =	sadd.s32 $0x8F2B, s0  }
0xbe: {  	[sflag:s0] =	ssyncadd.remote.s32 $0x1  }
0xbf: {  	_ =	sfence.sel $0xFFFF  }
0xc0: {  	[dreg:$0x0] =	wrdreg $0xFFFFFFFF;
	(pc) =	sbr.abs _section_cstart, $3  }
0xc1: {  	[dreg:$0x1] =	wrdreg $0xFFFFFFFF  }
0xc2: {  	_ =	task.clear_ibuf [dreg:s7], $0x2FFFF;
	_ =	strace $0x9FFFFFFF  }
0xc3: {  	(tm) =	ssettm $0x7FFFFFFF  }
tec
execute0_lowered:
.L_overlay_start_1:
0x0: {  	(tag) =	ssettag $0x1  }
0x1: {  	s7 =	rddreg [dreg:$0x0]  }
0x2: {  	s1 =	rddreg [dreg:$0x1];
	s3 =	srdreg.scid  }
0x3: {  	s2 =	rddreg [dreg:$0x2];
	s8 =	sand.u32 $0x1, s3  }
0x4: {  	s3 =	stileid.u32;
	s9 =	smul.u32 $0x140000, s8  }
0x5: {  	s0 =	rddreg [dreg:$0x3];
	s4 =	simm.s32 $0x0;
	s10 =	smul.u32 $0x14000, s3  }
0x6: {  	[smem:$0x7FF] =	sst s4;
	s5 =	sadd.s32 $0x6A00, s7;
	s30 =	smul.u32 $0x50000, s3  }
0x7: {  	s6 =	sadd.s32 $0x11A00, s7;
	s11 =	ssub.s32 $0x2, s8;
	s8 =	smul.u32 $0x2C000, s8  }
0x8: {  	_ =	strace $0x80000047;
	s13 =	smul.u32 $0x2C00, s3;
	s31 =	sshll.u32 s3, $0x6  }
0x9: {  	s12 =	sshrl.u32 s11, $0x1;
	s9 =	sadd.s32 s10, s9;
	s10 =	sshrl.u32 s30, $0x2  }
0xa: {  	s11 =	ssub.s32 s11, s12;
	s12 =	sor.u32 $0x1C01, s31;
	s9 =	sshrl.u32 s9, $0x3  }
0xb: {  	s14 =	sadd.s32 s10, s2;
	s10 =	simm.s32 $0x80;
	s9 =	sadd.s32 s9, s7  }
0xc: {  	s7 =	sadd.s32 s13, s8;
	s13 =	sshrl.u32 s14, $0x3;
	s14 =	simm.s32 $0x0  }
0xd: {  	s8 =	sadd.s32 $0x12200, s9;
	s9 =	smax.u32 s11, $0x1;
	s11 =	simm.s32 $0x1  }
.LBB2_1:
0xe: {  	[tilespmem:s10], [sflag:$0x1] =	stream.linear.gather [hbm4b:s6+s4], $0x4000, $0x38;
	[tilespmem:$0x6880] =	vst v63  }
0xf: {  	_ =	swait.ge [sflag:s11], $0x4000  }
0x10: {  	[sflag:s11] =	ssyncset.done $0x0  }
0x11: {  	s15 =	sand.u32 $0x3C00, s4;
	[sflag:s11] =	ssyncadd.s32 $0xFFFFC000  }
0x12: {  	[spmem:s13], [sflag:s12] =	dma.local [hbm:s1], $0x2800  }
0x13: {  	s16 =	sand.u32 $0x380, s4;
	s15 =	sadd.s32 s15, s7;
	_ =	swait.ge [sflag:s11], $0x2800  }
0x14: {  	s15 =	sor.u32 s16, s15;
	[sflag:s11] =	ssyncset.done $0x0  }
0x15: {  	s15 =	sshrl.u32 s15, $0x3;
	[sflag:s11] =	ssyncadd.s32 $0xFFFFD800  }
0x16: {  	s15 =	sadd.s32 s5, s15;
	[bflag:$0x0] =	sbarrier.arrive $0xFFFF  }
0x17: {  	[tilespmem:s4], [sflag:$0x1] =	stream.linear.gather [hbm4b:s15+s4], $0x80, $0x38;
	[tilespmem:$0x6880] =	vst v63  }
0x18: {  	_ =	swait.ge [sflag:s11], $0x80  }
0x19: {  	s30 =	simm.s32 $0x80;
	[sflag:s11] =	ssyncset.done $0x0  }
0x1a: {  	s31 =	sand.u32 $0x3C00, s30;
	[sflag:s11] =	ssyncadd.s32 $0xFFFFFF80  }
0x1b: {  	[spmem:s2] =	stream.indirect.scatter.add.f32 [tilespmem:s10], [sflag:$0x1], $0x10, s4, s10, $0xb8;
	[tilespmem:$0x6880] =	vst v63  }
0x1c: {  	s17 =	sand.u32 $0x380, s30;
	s16 =	sadd.s32 s31, s7;
	_ =	swait.ge [sflag:s11], $0x800  }
0x1d: {  	s16 =	sor.u32 s17, s16;
	s15 =	simm.s32 $0x100;
	[sflag:s11] =	ssyncset.done $0x0  }
.LBB2_2:
0x1e: {  	s16 =	sshrl.u32 s16, $0x3  }
0x1f: {  	[sflag:s11] =	ssyncadd.s32 $0xFFFFF800;
	s17 =	smov.u32 s15;
	s18 =	sadd.s32 $0x80, s15  }
0x20: {  	p0 =	sne.s32 s15, $0x2800;
	s15 =	sadd.s32 s5, s16  }
0x21: {  	[tilespmem:s4], [sflag:$0x1] =	stream.linear.gather [hbm4b:s15+s4], $0x80, $0x38;
	[tilespmem:$0x6880] =	vst v63  }
0x22: {  	_ =	swait.ge [sflag:s11], $0x80  }
.Ltmp0:
0x23: {  	[sflag:s11] =	ssyncset.done $0x0;
	(pc) =	sbr.rel @p0 .LBB2_2-.Ltmp0, $4  }
0x24: {  	s15 =	sand.u32 $0x3C00, s17;
	[sflag:s11] =	ssyncadd.s32 $0xFFFFFF80  }
0x25: {  	[spmem:s2] =	stream.indirect.scatter.add.f32 [tilespmem:s10], [sflag:$0x1], $0x10, s4, s10, $0xb8;
	[tilespmem:$0x6880] =	vst v63  }
0x26: {  	s16 =	sand.u32 $0x380, s17;
	s15 =	sadd.s32 s15, s7;
	_ =	swait.ge [sflag:s11], $0x800  }
0x27: {  	s16 =	sor.u32 s16, s15;
	s15 =	smov.u32 s18;
	[sflag:s11] =	ssyncset.done $0x0  }
0x28: {  	s15 =	sshrl.u32 s16, $0x3  }
0x29: {  	[sflag:s11] =	ssyncadd.s32 $0xFFFFF800;
	s15 =	sadd.s32 s5, s15  }
0x2a: {  	[tilespmem:s4], [sflag:$0x1] =	stream.linear.gather [hbm4b:s15+s4], $0x80, $0x38;
	[tilespmem:$0x6880] =	vst v63  }
0x2b: {  	_ =	swait.ge [sflag:s11], $0x80  }
0x2c: {  	[sflag:s11] =	ssyncset.done $0x0  }
0x2d: {  	[sflag:s11] =	ssyncadd.s32 $0xFFFFFF80  }
0x2e: {  	[spmem:s2] =	stream.indirect.scatter.add.f32 [tilespmem:s10], [sflag:$0x1], $0x10, s4, s10, $0xb8;
	[tilespmem:$0x6880] =	vst v63  }
0x2f: {  	_ =	swait.ge [sflag:s11], $0x800  }
0x30: {  	s14 =	sadd.s32 $0x1, s14;
	[sflag:s11] =	ssyncset.done $0x0  }
0x31: {  	p0 =	sne.s32 s14, s9;
	[sflag:s11] =	ssyncadd.s32 $0xFFFFF800  }
.Ltmp1:
0x32: {  	[bflag:$0x0] =	sbarrier.arrive $0xFFFF;
	(pc) =	sbr.rel @p0 .LBB2_1-.Ltmp1, $4  }
0x33: {  	[hbm:s8], [sflag:s12] =	dma.local [spmem:s13], $0x2800  }
0x34: {  	_ =	swait.ge [sflag:s11], $0x2800  }
0x35: {  	[sflag:s11] =	ssyncset.done $0x0  }
0x36: {  	[sflag:s11] =	ssyncadd.s32 $0xFFFFD800  }
0x37: {  	_ =	sfence.sel $0x180000  }
0x38: {  	[bflag:$0x0] =	sbarrier.arrive $0xFFFF  }
0x39: {  	p0 =	sne.s32 s3, $0x0;
	_ =	strace $0x90000047  }
0x3a: {  	s0 =	sadd.s32 @!p0 $0x100000, s0;
	[bflag:$0x2] =	sbarrier.arrive $0xFFFF  }
0x3b: {  	[sflag:s0] =	ssyncadd.tile.s32 @!p0 $0x1;
	_ =	shalt  }
.Lfunc_end2:
_tile_overlayer_lowered:
.L_overlay_start_2:
0x3c: {  	(tag) =	ssettag $0x2  }
0x3d: {  	s0 =	rddreg [dreg:$0x0];
	s2 =	stileid.u32  }
0x3e: {  	s1 =	rddreg [dreg:$0x1];
	p0 =	sne.s32 s2, $0x0  }
0x3f: {  	s3 =	rddreg [dreg:$0x2];
	[bflag:$0x3] =	sbarrier.arrive $0xFFFF;
	s2 =	simm.s32 @!p0 $0x1C01  }
0x40: {  	[timem:s3], [sflag:s2] =	dma.local @!p0 [hbm:s0], s1  }
0x41: {  	s0 =	simm.s32 @!p0 $0x1  }
0x42: {  	_ =	swait.ge @!p0 [sflag:s0], s1  }
0x43: {  	s1 =	ssub.s32 @!p0 $0x0, s1;
	[sflag:s0] =	ssyncset.done @!p0 $0x0  }
0x44: {  	[sflag:s0] =	ssyncadd.s32 @!p0 s1  }
0x45: {  	[bflag:$0x3] =	sbarrier.arrive $0xFFFF  }
0x46: {  	_ =	shalt  }

// kernel: kernel.27.cloned.1.call-start
scs
__scs_entry_jumppad:
0x0: {  	(pc) =	sbr.rel $0x88, $3  }
0x1: {  	(tag) =	ssettag $0x0;
	lr =	simm.s32 $0x1  }
0x2: {  	[smem:$0x3F9B] =	sst lr;
	_ =	strace $0xD0000000  }
0x3: {  	_ = 	snop  }
0x4: {  	_ = 	snop  }
0x5: {  	_ = 	snop  }
0x6: {  	_ = 	snop  }
0x7: {  	_ = 	snop  }
__scs_overlays_trampoline_lowered:
0x8: {  	[smem:$0x3FAA] =	sst s0  }
0x9: {  	[smem:$0x3FAB] =	sst s1  }
0xa: {  	[smem:$0x3FAC] =	sst s2  }
0xb: {  	[smem:$0x3FAD] =	sst s3  }
0xc: {  	[smem:$0x3FAE] =	sst s4  }
0xd: {  	[smem:$0x3FAF] =	sst s5  }
0xe: {  	[smem:$0x3FB0] =	sst s6  }
0xf: {  	[smem:$0x3FB1] =	sst s7  }
0x10: {  	[smem:$0x3FB2] =	sst s8  }
0x11: {  	[smem:$0x3FB3] =	sst s9;
	s0 =	simm.s32 @!p0 $0x0  }
0x12: {  	s1 =	sld [smem:$0x3F99];
	s0 =	simm.s32 @p0 $0x1  }
0x13: {  	[smem:$0x3FB4] =	sst s0;
	s0 =	simm.s32 @!p1 $0x0  }
0x14: {  	s2 =	sld [smem:$0x3F98];
	s0 =	simm.s32 @p1 $0x1  }
0x15: {  	[smem:$0x3FB5] =	sst s0;
	s0 =	simm.s32 @!p2 $0x0  }
0x16: {  	s3 =	sld [smem:$0x3FDB];
	s0 =	simm.s32 @p2 $0x1  }
0x17: {  	s4 =	simm.s32 $0x1BF5;
	[smem:$0x3FB7] =	sst s0  }
0x18: {  	s0 =	sld [smem:$0x3F9A];
	_ =	swait.ge [sflag:s4], $0x0  }
0x19: {  	s7 =	sld [smem:$0x3F9B]  }
0x1a: {  	s8 =	sadd.s32 $0xFFFFE003, lr  }
0x1b: {  	s9 =	sadd.s32 $0xFFFFFEF7, lr;
	s5 =	simm.s32 $0xFFFFFFFF;
	p2 =	slt.u32 s8, $0xFFFFF086  }
0x1c: {  	p1 =	slt.u32 s9, $0xF7A;
	s5 =	simm.s32 @!p2 $0x0  }
0x1d: {  	s5 =	simm.s32 @p1 $0x1;
	p0 =	seq.s32 s7, s2  }
0x1e: {  	s7 =	smul.u32 @!p0 $0xF7A, s2;
	p2 =	seq.s32 @!p0 s5, $0x0  }
0x1f: {  	s9 =	smul.u32 $0xF7A, s1;
	s8 =	simm.s32 @!p0 $0x1BF5;
	p2 =	por !p2, p0  }
0x20: {  	[sflag:s8] =	ssyncset.s32 @!p0 $0xFFFFF086;
	s6 =	sadd.s32 @!p0 s3, s7;
	s7 =	simm.s32 @!p0 $0x108  }
0x21: {  	s3 =	sadd.s32 s3, s9;
	s6 =	sadd.s32 @!p0 $0x88, s6;
	s7 =	simm.s32 @p2 $0x1082  }
0x22: {  	[simem:s7], [sflag:s8] =	dma.local @!p0 [hbm:s6], $0xF7A  }
0x23: {  	s9 =	sor.u32 $0xD0000000, s2;
	s6 =	simm.s32 $0x108;
	_ =	swait.ge @!p0 [sflag:s8], $0x0  }
0x24: {  	s3 =	sadd.s32 $0x88, s3;
	s6 =	simm.s32 @!p1 $0x1082;
	[sflag:s4] =	ssyncset.s32 $0xFFFFF086  }
0x25: {  	[simem:s6], [sflag:s4] =	dma.local [hbm:s3], $0xF7A  }
0x26: {  	[smem:$0x3F9B] =	sst s1;
	(tag) =	ssettag s2;
	_ =	strace s9  }
0x27: {  	s1 =	sld [smem:$0x3FAB]  }
0x28: {  	s2 =	sld [smem:$0x3FAC]  }
0x29: {  	s4 =	sld [smem:$0x3FAE]  }
0x2a: {  	p0 =	seq.s32 s5, $0x0;
	s5 =	sld [smem:$0x3FAF]  }
0x2b: {  	s6 =	sld [smem:$0x3FB0]  }
0x2c: {  	s7 =	sld [smem:$0x3FB1]  }
0x2d: {  	s3 =	simm.s32 $0x108;
	s8 =	sld [smem:$0x3FB2]  }
0x2e: {  	s3 =	simm.s32 @!p0 $0x1082;
	s9 =	sld [smem:$0x3FB3]  }
0x2f: {  	lr =	sadd.s32 s0, s3;
	s0 =	sld [smem:$0x3FAA]  }
0x30: {  	s3 =	sld [smem:$0x3FAD]  }
0x31: {  	[smem:$0x3FB6] =	sst s10  }
0x32: {  	s10 =	sld [smem:$0x3FB4];
	_ =	sdelay $0x3  }
0x33: {  	p0 =	seq.s32 s10, $0x1;
	s10 =	sld [smem:$0x3FB6];
	_ =	sdelay $0x3  }
0x34: {  	[smem:$0x3FB6] =	sst s10  }
0x35: {  	s10 =	sld [smem:$0x3FB5];
	_ =	sdelay $0x3  }
0x36: {  	p1 =	seq.s32 s10, $0x1;
	s10 =	sld [smem:$0x3FB6];
	_ =	sdelay $0x3  }
0x37: {  	[smem:$0x3FB6] =	sst s10  }
0x38: {  	s10 =	sld [smem:$0x3FB7]  }
0x39: {  	_ = 	snop;
	(pc) =	sbr.ind lr, $3  }
0x3a: {  	_ = 	snop  }
0x3b: {  	_ = 	snop  }
0x3c: {  	p2 =	seq.s32 s10, $0x1;
	s10 =	sld [smem:$0x3FB6]  }
0x3d: {  	_ =	shalt  }
0x3e: {  	_ =	shalt  }
0x3f: {  	_ =	shalt  }
0x40: {  	_ =	shalt  }
0x41: {  	_ =	shalt  }
0x42: {  	_ =	shalt  }
0x43: {  	_ =	shalt  }
0x44: {  	_ =	shalt  }
0x45: {  	_ =	shalt  }
0x46: {  	_ =	shalt  }
0x47: {  	_ =	shalt  }
0x48: {  	_ =	shalt  }
0x49: {  	_ =	shalt  }
0x4a: {  	_ =	shalt  }
0x4b: {  	_ =	shalt  }
0x4c: {  	_ =	shalt  }
0x4d: {  	_ =	shalt  }
0x4e: {  	_ =	shalt  }
0x4f: {  	_ =	shalt  }
0x50: {  	_ =	shalt  }
0x51: {  	_ =	shalt  }
0x52: {  	_ =	shalt  }
0x53: {  	_ =	shalt  }
0x54: {  	_ =	shalt  }
0x55: {  	_ =	shalt  }
0x56: {  	_ =	shalt  }
0x57: {  	_ =	shalt  }
0x58: {  	_ =	shalt  }
0x59: {  	_ =	shalt  }
0x5a: {  	_ =	shalt  }
0x5b: {  	_ =	shalt  }
0x5c: {  	_ =	shalt  }
0x5d: {  	_ =	shalt  }
0x5e: {  	_ =	shalt  }
0x5f: {  	_ =	shalt  }
0x60: {  	_ =	shalt  }
0x61: {  	_ =	shalt  }
0x62: {  	_ =	shalt  }
0x63: {  	_ =	shalt  }
0x64: {  	_ =	shalt  }
0x65: {  	_ =	shalt  }
0x66: {  	_ =	shalt  }
0x67: {  	_ =	shalt  }
0x68: {  	_ =	shalt  }
0x69: {  	_ =	shalt  }
0x6a: {  	_ =	shalt  }
0x6b: {  	_ =	shalt  }
0x6c: {  	_ =	shalt  }
0x6d: {  	_ =	shalt  }
0x6e: {  	_ =	shalt  }
0x6f: {  	_ =	shalt  }
0x70: {  	_ =	shalt  }
0x71: {  	_ =	shalt  }
0x72: {  	_ =	shalt  }
0x73: {  	_ =	shalt  }
0x74: {  	_ =	shalt  }
0x75: {  	_ =	shalt  }
0x76: {  	_ =	shalt  }
0x77: {  	_ =	shalt  }
0x78: {  	_ =	shalt  }
0x79: {  	_ =	shalt  }
0x7a: {  	_ =	shalt  }
0x7b: {  	_ =	shalt  }
0x7c: {  	_ =	shalt  }
0x7d: {  	_ =	shalt  }
0x7e: {  	_ =	shalt  }
0x7f: {  	_ =	shalt  }
0x80: {  	_ =	shalt  }
0x81: {  	_ =	shalt  }
0x82: {  	_ =	shalt  }
0x83: {  	_ =	shalt  }
0x84: {  	_ =	shalt  }
0x85: {  	_ =	shalt  }
0x86: {  	_ =	shalt  }
0x87: {  	_ =	shalt  }
.Lfunc_end0:
.L_simem_size_0:
called_computation.1_lowered:
.L_overlay_start_0:
0x88: {  	s2 =	sld [smem:$0x3FD9]  }
0x89: {  	s3 =	sld [smem:$0x3FFE];
	_ =	sdelay $0x1  }
0x8a: {  	s1 =	srdreg.scid  }
0x8b: {  	s0 =	sand.u32 $0x1, s1  }
0x8c: {  	s17 =	sshll.u32 s0, $0xA;
	s2 =	sadd.s32 s3, s2  }
0x8d: {  	s2 =	sadd.s32 s2, s17  }
0x8e: {  	[smem:$0x3FC2] =	sst s2  }
0x8f: {  	_ = 	snop  }
0x90: {  	s2 =	sld [smem:$0x3FD0];
	(tm) =	ssettm $0x1  }
0x91: {  	s18 =	sld [smem:$0x3FFB];
	_ =	sdelay $0x3  }
0x92: {  	_ =	strace s18  }
0x93: {  	s3 =	sld [smem:$0x3FFC];
	_ =	sdelay $0x3  }
0x94: {  	_ =	strace s3  }
0x95: {  	s3 =	sld [smem:$0x3FFD];
	_ =	sdelay $0x3  }
0x96: {  	_ =	strace s3  }
0x97: {  	_ =	strace $0x8FFFFFFF  }
0x98: {  	s19 =	sld [smem:$0x3FDB];
	_ =	sdelay $0x1  }
0x99: {  	s4 =	simm.s32 $_scs_section_size  }
0x9a: {  	s5 =	simm.s32 $_size__tile_overlayer_lowered;
	s6 =	simm.s32 $_tile_overlayer_lowered  }
0x9b: {  	s22 =	simm.s32 $0x1BFF;
	s21 =	sshll.u32 s6, $0x1;
	s3 =	sadd.s32 s4, s19  }
0x9c: {  	s7 =	simm.s32 $0x0;
	s20 =	sshll.u32 s5, $0x1;
	s5 =	sadd.s32 s21, s3  }
0x9d: {  	[timem:s7], [sflag:s22] =	dma.local [hbm:s5], s20  }
0x9e: {  	_ =	swait.ge [sflag:s22], s20  }
0x9f: {  	s4 =	ssub.s32 $0x0, s20;
	[sflag:s22] =	ssyncset.done $0x0  }
0xa0: {  	[sflag:s22] =	ssyncadd.s32 s4;
	_ =	sdelay $0x1  }
0xa1: {  	s23 =	simm.s32 $0x1B8B  }
0xa2: {  	_ =	swait.ge [sflag:s23], $0x1  }
0xa3: {  	[sflag:s23] =	ssyncset.done $0x0  }
0xa4: {  	s25 =	simm.s32 $0x1B8E;
	s24 =	sld [smem:$0x3FFE];
	[sflag:s23] =	ssyncadd.s32 $0xFFFFFFFF  }
0xa5: {  	s26 =	simm.s32 $execute0_lowered;
	[smem:$0x3FD2] =	sst s25  }
0xa6: {  	s5 =	sshll.u32 s26, $0x1;
	_ =	strace $0x80000049;
	[dreg:$0x1] =	wrdreg $0xFFFFFFFF  }
0xa7: {  	s28 =	simm.s32 $_size_execute0_lowered;
	s3 =	sadd.s32 s3, s5;
	[dreg:$0x0] =	wrdreg $0x0  }
0xa8: {  	s5 =	sshll.u32 s28, $0x1;
	[dreg:$0x2] =	wrdreg s3  }
0xa9: {  	[dreg:$0x3] =	wrdreg s5  }
0xaa: {  	[dreg:$0x4] =	wrdreg $0xC0  }
0xab: {  	_ =	task [dreg:s7], $0x5FFFF  }
0xac: {  	[dreg:$0x1] =	wrdreg $0xFFFFFFFF  }
0xad: {  	[dreg:$0x0] =	wrdreg $0x60  }
0xae: {  	[dreg:$0x2] =	wrdreg s2  }
0xaf: {  	[dreg:$0x3] =	wrdreg s24  }
0xb0: {  	[dreg:$0x4] =	wrdreg $0x41000  }
0xb1: {  	[dreg:$0x5] =	wrdreg $0x9  }
0xb2: {  	_ =	task.clear_ibuf [dreg:s7], $0x6FFFF;
	_ =	strace $0x90000049  }
0xb3: {  	s29 =	simm.s32 $0x9;
	_ =	strace $0x8000004B  }
0xb4: {  	_ =	swait.ge [sflag:s29], $0x1  }
0xb5: {  	[sflag:s29] =	ssyncadd.s32 $0xFFFFFFFF  }
0xb6: {  	_ =	strace $0x9000004B  }
0xb7: {  	_ =	sfence  }
0xb8: {  	s30 =	sld [smem:$0x0];
	_ =	sdelay $0x2  }
0xb9: {  	s31 =	sshll.u32 s1, $0xD;
	s1 =	sshrl.u32 s1, $0x2  }
0xba: {  	s3 =	sand.u32 $0x4000, s31;
	s1 =	sadd.s32 s1, s30  }
0xbb: {  	s0 =	sor.u32 s3, s0;
	s1 =	sshll.u32 s1, $0x11  }
0xbc: {  	s0 =	sor.u32 s1, s0  }
0xbd: {  	s0 =	sadd.s32 $0x8F2B, s0  }
0xbe: {  	[sflag:s0] =	ssyncadd.remote.s32 $0x1  }
0xbf: {  	_ =	sfence.sel $0xFFFF  }
0xc0: {  	[dreg:$0x0] =	wrdreg $0xFFFFFFFF;
	(pc) =	sbr.abs _section_cstart, $3  }
0xc1: {  	[dreg:$0x1] =	wrdreg $0xFFFFFFFF  }
0xc2: {  	_ =	task.clear_ibuf [dreg:s7], $0x2FFFF;
	_ =	strace $0x9FFFFFFF  }
0xc3: {  	(tm) =	ssettm $0x7FFFFFFF  }
tec
execute0_lowered:
.L_overlay_start_1:
0x0: {  	(tag) =	ssettag $0x1  }
0x1: {  	s1 =	rddreg [dreg:$0x0]  }
0x2: {  	s8 =	rddreg [dreg:$0x1]  }
0x3: {  	s2 =	rddreg [dreg:$0x2];
	s3 =	srdreg.scid  }
0x4: {  	s0 =	rddreg [dreg:$0x3];
	s4 =	simm.s32 $0x0;
	s9 =	sand.u32 $0x1, s3  }
0x5: {  	s15 =	simm.s32 $0x100;
	s3 =	stileid.u32;
	s10 =	smul.u32 $0x140000, s9  }
0x6: {  	s16 =	simm.s32 $0x1;
	s17 =	simm.s32 $0x0;
	s11 =	smul.u32 $0x14000, s3  }
0x7: {  	[smem:$0x7FF] =	sst s4;
	s5 =	sadd.s32 $0x62200, s8;
	s12 =	smul.u32 $0x50000, s3  }
0x8: {  	s6 =	sadd.s32 $0x6A00, s8;
	s30 =	ssub.s32 $0x2, s9;
	s9 =	smul.u32 $0x2C000, s9  }
0x9: {  	s7 =	sadd.s32 $0x94400, s8;
	_ =	strace $0x8000004A;
	s14 =	smul.u32 $0x2C00, s3  }
0xa: {  	s13 =	sshll.u32 s3, $0x6;
	s31 =	sshrl.u32 s30, $0x1;
	s10 =	sadd.s32 s11, s10  }
0xb: {  	s12 =	sshrl.u32 s12, $0x2;
	s11 =	ssub.s32 s30, s31;
	s9 =	sadd.s32 s14, s9  }
0xc: {  	s14 =	simm.s32 $0x80;
	s10 =	sshrl.u32 s10, $0x3;
	s12 =	sadd.s32 s12, s2  }
0xd: {  	s11 =	smax.u32 s11, $0x1;
	s10 =	sadd.s32 s10, s8;
	s8 =	sor.u32 $0x1C02, s13  }
0xe: {  	s12 =	sshrl.u32 s12, $0x3;
	s13 =	simm.s32 $0x2;
	s10 =	sadd.s32 $0x96C00, s10  }
.LBB2_1:
0xf: {  	[spmem:s12], [sflag:s8] =	dma.local [hbm:s7], $0x2800  }
0x10: {  	s18 =	sand.u32 $0x3C00, s4  }
0x11: {  	s19 =	sand.u32 $0x380, s4;
	_ =	swait.ge [sflag:s13], $0x2800;
	s18 =	sadd.s32 s18, s9  }
0x12: {  	[sflag:s13] =	ssyncset.done $0x0;
	s18 =	sor.u32 s19, s18  }
0x13: {  	[sflag:s13] =	ssyncadd.s32 $0xFFFFD800;
	s18 =	sshrl.u32 s18, $0x3  }
0x14: {  	[bflag:$0x0] =	sbarrier.arrive $0xFFFF;
	s29 =	sadd.s32 s5, s18  }
0x15: {  	[tilespmem:s4], [sflag:$0x2] =	stream.linear.gather [hbm4b:s29+s4], $0x80, $0x38;
	[tilespmem:$0x18100] =	vst v63  }
0x16: {  	_ =	swait.ge [sflag:s13], $0x80  }
0x17: {  	[sflag:s13] =	ssyncset.done $0x0  }
0x18: {  	[sflag:s13] =	ssyncadd.s32 $0xFFFFFF80  }
0x19: {  	[tilespmem:s15], [sflag:$0x1] =	stream.indirect.gather [hbm4b:s1+s14], $0x80, s4, s14, $0xb8;
	[tilespmem:$0x18100] =	vst v63  }
0x1a: {  	s18 =	sadd.s32 s6, s18  }
0x1b: {  	[tilespmem:s14], [sflag:$0x2] =	stream.linear.gather [hbm4b:s18+s4], $0x80, $0x38;
	[tilespmem:$0x18100] =	vst v63  }
0x1c: {  	_ =	swait.ge [sflag:s13], $0x80  }
0x1d: {  	s30 =	simm.s32 $0x80;
	[sflag:s13] =	ssyncset.done $0x0  }
0x1e: {  	s31 =	sand.u32 $0x3C00, s30;
	[sflag:s13] =	ssyncadd.s32 $0xFFFFFF80  }
0x1f: {  	s19 =	sadd.s32 s31, s9;
	s18 =	sand.u32 $0x380, s30;
	_ =	swait.ge [sflag:s16], $0x4000  }
0x20: {  	s19 =	sor.u32 s18, s19;
	[sflag:s16] =	ssyncset.done $0x0  }
0x21: {  	s18 =	simm.s32 $0x100;
	s19 =	sshrl.u32 s19, $0x3;
	[sflag:s16] =	ssyncadd.s32 $0xFFFFC000  }
.LBB2_2:
0x22: {  	[spmem:s2] =	stream.indirect.scatter.add.f32 [tilespmem:s15], [sflag:$0x2], $0x80, s14, s14, $0xb8;
	[tilespmem:$0x18100] =	vst v63  }
0x23: {  	s20 =	smov.u32 s18  }
0x24: {  	p0 =	sne.s32 s18, $0x2800;
	s18 =	sadd.s32 $0x80, s18;
	_ =	swait.ge [sflag:s13], $0x4000  }
0x25: {  	[sflag:s13] =	ssyncset.done $0x0  }
0x26: {  	s21 =	sadd.s32 s5, s19;
	[sflag:s13] =	ssyncadd.s32 $0xFFFFC000  }
0x27: {  	[tilespmem:s4], [sflag:$0x2] =	stream.linear.gather [hbm4b:s21+s4], $0x80, $0x38;
	[tilespmem:$0x18100] =	vst v63  }
0x28: {  	_ =	swait.ge [sflag:s13], $0x80  }
0x29: {  	[sflag:s13] =	ssyncset.done $0x0  }
0x2a: {  	[sflag:s13] =	ssyncadd.s32 $0xFFFFFF80  }
0x2b: {  	[tilespmem:s15], [sflag:$0x1] =	stream.indirect.gather [hbm4b:s1+s14], $0x80, s4, s14, $0xb8;
	[tilespmem:$0x18100] =	vst v63  }
0x2c: {  	s19 =	sadd.s32 s6, s19  }
0x2d: {  	[tilespmem:s14], [sflag:$0x2] =	stream.linear.gather [hbm4b:s19+s4], $0x80, $0x38;
	[tilespmem:$0x18100] =	vst v63  }
0x2e: {  	_ =	swait.ge [sflag:s13], $0x80  }
.Ltmp0:
0x2f: {  	[sflag:s13] =	ssyncset.done $0x0;
	(pc) =	sbr.rel @p0 .LBB2_2-.Ltmp0, $4  }
0x30: {  	s19 =	sand.u32 $0x3C00, s20;
	[sflag:s13] =	ssyncadd.s32 $0xFFFFFF80  }
0x31: {  	s20 =	sand.u32 $0x380, s20;
	s19 =	sadd.s32 s19, s9;
	_ =	swait.ge [sflag:s16], $0x4000  }
0x32: {  	s19 =	sor.u32 s20, s19;
	[sflag:s16] =	ssyncset.done $0x0  }
0x33: {  	s19 =	sshrl.u32 s19, $0x3;
	[sflag:s16] =	ssyncadd.s32 $0xFFFFC000  }
0x34: {  	[spmem:s2] =	stream.indirect.scatter.add.f32 [tilespmem:s15], [sflag:$0x2], $0x80, s14, s14, $0xb8;
	[tilespmem:$0x18100] =	vst v63  }
0x35: {  	_ =	swait.ge [sflag:s13], $0x4000  }
0x36: {  	[sflag:s13] =	ssyncset.done $0x0  }
0x37: {  	s18 =	sadd.s32 s5, s19;
	[sflag:s13] =	ssyncadd.s32 $0xFFFFC000  }
0x38: {  	[tilespmem:s4], [sflag:$0x2] =	stream.linear.gather [hbm4b:s18+s4], $0x80, $0x38;
	[tilespmem:$0x18100] =	vst v63  }
0x39: {  	_ =	swait.ge [sflag:s13], $0x80  }
0x3a: {  	[sflag:s13] =	ssyncset.done $0x0  }
0x3b: {  	[sflag:s13] =	ssyncadd.s32 $0xFFFFFF80  }
0x3c: {  	[tilespmem:s15], [sflag:$0x1] =	stream.indirect.gather [hbm4b:s1+s14], $0x80, s4, s14, $0xb8;
	[tilespmem:$0x18100] =	vst v63  }
0x3d: {  	s31 =	sadd.s32 s6, s19  }
0x3e: {  	[tilespmem:s14], [sflag:$0x2] =	stream.linear.gather [hbm4b:s31+s4], $0x80, $0x38;
	[tilespmem:$0x18100] =	vst v63  }
0x3f: {  	_ =	swait.ge [sflag:s13], $0x80  }
0x40: {  	[sflag:s13] =	ssyncset.done $0x0  }
0x41: {  	[sflag:s13] =	ssyncadd.s32 $0xFFFFFF80  }
0x42: {  	_ =	swait.ge [sflag:s16], $0x4000  }
0x43: {  	[sflag:s16] =	ssyncset.done $0x0  }
0x44: {  	[sflag:s16] =	ssyncadd.s32 $0xFFFFC000  }
0x45: {  	[spmem:s2] =	stream.indirect.scatter.add.f32 [tilespmem:s15], [sflag:$0x2], $0x80, s14, s14, $0xb8;
	[tilespmem:$0x18100] =	vst v63  }
0x46: {  	_ =	swait.ge [sflag:s13], $0x4000  }
0x47: {  	s17 =	sadd.s32 $0x1, s17;
	[sflag:s13] =	ssyncset.done $0x0  }
0x48: {  	p0 =	sne.s32 s17, s11;
	[sflag:s13] =	ssyncadd.s32 $0xFFFFC000  }
.Ltmp1:
0x49: {  	[bflag:$0x0] =	sbarrier.arrive $0xFFFF;
	(pc) =	sbr.rel @p0 .LBB2_1-.Ltmp1, $4  }
0x4a: {  	[hbm:s10], [sflag:s8] =	dma.local [spmem:s12], $0x2800  }
0x4b: {  	_ =	swait.ge [sflag:s13], $0x2800  }
0x4c: {  	[sflag:s13] =	ssyncset.done $0x0  }
0x4d: {  	[sflag:s13] =	ssyncadd.s32 $0xFFFFD800  }
0x4e: {  	_ =	sfence.sel $0x180000  }
0x4f: {  	[bflag:$0x0] =	sbarrier.arrive $0xFFFF  }
0x50: {  	p0 =	sne.s32 s3, $0x0;
	_ =	strace $0x9000004A  }
0x51: {  	s0 =	sadd.s32 @!p0 $0x100000, s0;
	[bflag:$0x2] =	sbarrier.arrive $0xFFFF  }
0x52: {  	[sflag:s0] =	ssyncadd.tile.s32 @!p0 $0x1;
	_ =	shalt  }
.Lfunc_end2:
_tile_overlayer_lowered:
.L_overlay_start_2:
0x53: {  	(tag) =	ssettag $0x2  }
0x54: {  	s0 =	rddreg [dreg:$0x0];
	s2 =	stileid.u32  }
0x55: {  	s1 =	rddreg [dreg:$0x1];
	p0 =	sne.s32 s2, $0x0  }
0x56: {  	s3 =	rddreg [dreg:$0x2];
	[bflag:$0x3] =	sbarrier.arrive $0xFFFF;
	s2 =	simm.s32 @!p0 $0x1C02  }
0x57: {  	[timem:s3], [sflag:s2] =	dma.local @!p0 [hbm:s0], s1  }
0x58: {  	s0 =	simm.s32 @!p0 $0x2  }
0x59: {  	_ =	swait.ge @!p0 [sflag:s0], s1  }
0x5a: {  	s1 =	ssub.s32 @!p0 $0x0, s1;
	[sflag:s0] =	ssyncset.done @!p0 $0x0  }
0x5b: {  	[sflag:s0] =	ssyncadd.s32 @!p0 s1  }
0x5c: {  	[bflag:$0x3] =	sbarrier.arrive $0xFFFF  }
0x5d: {  	_ =	shalt  }

// kernel: kernel.30.cloned.1.call-start
scs
__scs_entry_jumppad:
0x0: {  	(pc) =	sbr.rel $0x88, $3  }
0x1: {  	(tag) =	ssettag $0x0;
	lr =	simm.s32 $0x1  }
0x2: {  	[smem:$0x3F9B] =	sst lr;
	_ =	strace $0xD0000000  }
0x3: {  	_ = 	snop  }
0x4: {  	_ = 	snop  }
0x5: {  	_ = 	snop  }
0x6: {  	_ = 	snop  }
0x7: {  	_ = 	snop  }
__scs_overlays_trampoline_lowered:
0x8: {  	[smem:$0x3FAA] =	sst s0  }
0x9: {  	[smem:$0x3FAB] =	sst s1  }
0xa: {  	[smem:$0x3FAC] =	sst s2  }
0xb: {  	[smem:$0x3FAD] =	sst s3  }
0xc: {  	[smem:$0x3FAE] =	sst s4  }
0xd: {  	[smem:$0x3FAF] =	sst s5  }
0xe: {  	[smem:$0x3FB0] =	sst s6  }
0xf: {  	[smem:$0x3FB1] =	sst s7  }
0x10: {  	[smem:$0x3FB2] =	sst s8  }
0x11: {  	[smem:$0x3FB3] =	sst s9;
	s0 =	simm.s32 @!p0 $0x0  }
0x12: {  	s1 =	sld [smem:$0x3F99];
	s0 =	simm.s32 @p0 $0x1  }
0x13: {  	[smem:$0x3FB4] =	sst s0;
	s0 =	simm.s32 @!p1 $0x0  }
0x14: {  	s2 =	sld [smem:$0x3F98];
	s0 =	simm.s32 @p1 $0x1  }
0x15: {  	[smem:$0x3FB5] =	sst s0;
	s0 =	simm.s32 @!p2 $0x0  }
0x16: {  	s3 =	sld [smem:$0x3FDB];
	s0 =	simm.s32 @p2 $0x1  }
0x17: {  	s4 =	simm.s32 $0x1BF5;
	[smem:$0x3FB7] =	sst s0  }
0x18: {  	s0 =	sld [smem:$0x3F9A];
	_ =	swait.ge [sflag:s4], $0x0  }
0x19: {  	s7 =	sld [smem:$0x3F9B]  }
0x1a: {  	s8 =	sadd.s32 $0xFFFFE003, lr  }
0x1b: {  	s9 =	sadd.s32 $0xFFFFFEF7, lr;
	s5 =	simm.s32 $0xFFFFFFFF;
	p2 =	slt.u32 s8, $0xFFFFF086  }
0x1c: {  	p1 =	slt.u32 s9, $0xF7A;
	s5 =	simm.s32 @!p2 $0x0  }
0x1d: {  	s5 =	simm.s32 @p1 $0x1;
	p0 =	seq.s32 s7, s2  }
0x1e: {  	s7 =	smul.u32 @!p0 $0xF7A, s2;
	p2 =	seq.s32 @!p0 s5, $0x0  }
0x1f: {  	s9 =	smul.u32 $0xF7A, s1;
	s8 =	simm.s32 @!p0 $0x1BF5;
	p2 =	por !p2, p0  }
0x20: {  	[sflag:s8] =	ssyncset.s32 @!p0 $0xFFFFF086;
	s6 =	sadd.s32 @!p0 s3, s7;
	s7 =	simm.s32 @!p0 $0x108  }
0x21: {  	s3 =	sadd.s32 s3, s9;
	s6 =	sadd.s32 @!p0 $0x88, s6;
	s7 =	simm.s32 @p2 $0x1082  }
0x22: {  	[simem:s7], [sflag:s8] =	dma.local @!p0 [hbm:s6], $0xF7A  }
0x23: {  	s9 =	sor.u32 $0xD0000000, s2;
	s6 =	simm.s32 $0x108;
	_ =	swait.ge @!p0 [sflag:s8], $0x0  }
0x24: {  	s3 =	sadd.s32 $0x88, s3;
	s6 =	simm.s32 @!p1 $0x1082;
	[sflag:s4] =	ssyncset.s32 $0xFFFFF086  }
0x25: {  	[simem:s6], [sflag:s4] =	dma.local [hbm:s3], $0xF7A  }
0x26: {  	[smem:$0x3F9B] =	sst s1;
	(tag) =	ssettag s2;
	_ =	strace s9  }
0x27: {  	s1 =	sld [smem:$0x3FAB]  }
0x28: {  	s2 =	sld [smem:$0x3FAC]  }
0x29: {  	s4 =	sld [smem:$0x3FAE]  }
0x2a: {  	p0 =	seq.s32 s5, $0x0;
	s5 =	sld [smem:$0x3FAF]  }
0x2b: {  	s6 =	sld [smem:$0x3FB0]  }
0x2c: {  	s7 =	sld [smem:$0x3FB1]  }
0x2d: {  	s3 =	simm.s32 $0x108;
	s8 =	sld [smem:$0x3FB2]  }
0x2e: {  	s3 =	simm.s32 @!p0 $0x1082;
	s9 =	sld [smem:$0x3FB3]  }
0x2f: {  	lr =	sadd.s32 s0, s3;
	s0 =	sld [smem:$0x3FAA]  }
0x30: {  	s3 =	sld [smem:$0x3FAD]  }
0x31: {  	[smem:$0x3FB6] =	sst s10  }
0x32: {  	s10 =	sld [smem:$0x3FB4];
	_ =	sdelay $0x3  }
0x33: {  	p0 =	seq.s32 s10, $0x1;
	s10 =	sld [smem:$0x3FB6];
	_ =	sdelay $0x3  }
0x34: {  	[smem:$0x3FB6] =	sst s10  }
0x35: {  	s10 =	sld [smem:$0x3FB5];
	_ =	sdelay $0x3  }
0x36: {  	p1 =	seq.s32 s10, $0x1;
	s10 =	sld [smem:$0x3FB6];
	_ =	sdelay $0x3  }
0x37: {  	[smem:$0x3FB6] =	sst s10  }
0x38: {  	s10 =	sld [smem:$0x3FB7]  }
0x39: {  	_ = 	snop;
	(pc) =	sbr.ind lr, $3  }
0x3a: {  	_ = 	snop  }
0x3b: {  	_ = 	snop  }
0x3c: {  	p2 =	seq.s32 s10, $0x1;
	s10 =	sld [smem:$0x3FB6]  }
0x3d: {  	_ =	shalt  }
0x3e: {  	_ =	shalt  }
0x3f: {  	_ =	shalt  }
0x40: {  	_ =	shalt  }
0x41: {  	_ =	shalt  }
0x42: {  	_ =	shalt  }
0x43: {  	_ =	shalt  }
0x44: {  	_ =	shalt  }
0x45: {  	_ =	shalt  }
0x46: {  	_ =	shalt  }
0x47: {  	_ =	shalt  }
0x48: {  	_ =	shalt  }
0x49: {  	_ =	shalt  }
0x4a: {  	_ =	shalt  }
0x4b: {  	_ =	shalt  }
0x4c: {  	_ =	shalt  }
0x4d: {  	_ =	shalt  }
0x4e: {  	_ =	shalt  }
0x4f: {  	_ =	shalt  }
0x50: {  	_ =	shalt  }
0x51: {  	_ =	shalt  }
0x52: {  	_ =	shalt  }
0x53: {  	_ =	shalt  }
0x54: {  	_ =	shalt  }
0x55: {  	_ =	shalt  }
0x56: {  	_ =	shalt  }
0x57: {  	_ =	shalt  }
0x58: {  	_ =	shalt  }
0x59: {  	_ =	shalt  }
0x5a: {  	_ =	shalt  }
0x5b: {  	_ =	shalt  }
0x5c: {  	_ =	shalt  }
0x5d: {  	_ =	shalt  }
0x5e: {  	_ =	shalt  }
0x5f: {  	_ =	shalt  }
0x60: {  	_ =	shalt  }
0x61: {  	_ =	shalt  }
0x62: {  	_ =	shalt  }
0x63: {  	_ =	shalt  }
0x64: {  	_ =	shalt  }
0x65: {  	_ =	shalt  }
0x66: {  	_ =	shalt  }
0x67: {  	_ =	shalt  }
0x68: {  	_ =	shalt  }
0x69: {  	_ =	shalt  }
0x6a: {  	_ =	shalt  }
0x6b: {  	_ =	shalt  }
0x6c: {  	_ =	shalt  }
0x6d: {  	_ =	shalt  }
0x6e: {  	_ =	shalt  }
0x6f: {  	_ =	shalt  }
0x70: {  	_ =	shalt  }
0x71: {  	_ =	shalt  }
0x72: {  	_ =	shalt  }
0x73: {  	_ =	shalt  }
0x74: {  	_ =	shalt  }
0x75: {  	_ =	shalt  }
0x76: {  	_ =	shalt  }
0x77: {  	_ =	shalt  }
0x78: {  	_ =	shalt  }
0x79: {  	_ =	shalt  }
0x7a: {  	_ =	shalt  }
0x7b: {  	_ =	shalt  }
0x7c: {  	_ =	shalt  }
0x7d: {  	_ =	shalt  }
0x7e: {  	_ =	shalt  }
0x7f: {  	_ =	shalt  }
0x80: {  	_ =	shalt  }
0x81: {  	_ =	shalt  }
0x82: {  	_ =	shalt  }
0x83: {  	_ =	shalt  }
0x84: {  	_ =	shalt  }
0x85: {  	_ =	shalt  }
0x86: {  	_ =	shalt  }
0x87: {  	_ =	shalt  }
.Lfunc_end0:
.L_simem_size_0:
called_computation.2_lowered:
.L_overlay_start_0:
0x88: {  	s2 =	sld [smem:$0x3FD9]  }
0x89: {  	s3 =	sld [smem:$0x3FFE];
	_ =	sdelay $0x1  }
0x8a: {  	s1 =	srdreg.scid  }
0x8b: {  	s0 =	sand.u32 $0x1, s1  }
0x8c: {  	s17 =	sshll.u32 s0, $0xA;
	s2 =	sadd.s32 s3, s2  }
0x8d: {  	s2 =	sadd.s32 s2, s17  }
0x8e: {  	[smem:$0x3FC2] =	sst s2  }
0x8f: {  	_ = 	snop  }
0x90: {  	s2 =	sld [smem:$0x3FD0];
	(tm) =	ssettm $0x1  }
0x91: {  	s18 =	sld [smem:$0x3FFB];
	_ =	sdelay $0x3  }
0x92: {  	_ =	strace s18  }
0x93: {  	s3 =	sld [smem:$0x3FFC];
	_ =	sdelay $0x3  }
0x94: {  	_ =	strace s3  }
0x95: {  	s3 =	sld [smem:$0x3FFD];
	_ =	sdelay $0x3  }
0x96: {  	_ =	strace s3  }
0x97: {  	_ =	strace $0x8FFFFFFF  }
0x98: {  	s19 =	sld [smem:$0x3FDB];
	_ =	sdelay $0x1  }
0x99: {  	s4 =	simm.s32 $_scs_section_size  }
0x9a: {  	s5 =	simm.s32 $_size__tile_overlayer_lowered;
	s6 =	simm.s32 $_tile_overlayer_lowered  }
0x9b: {  	s22 =	simm.s32 $0x1BFF;
	s21 =	sshll.u32 s6, $0x1;
	s3 =	sadd.s32 s4, s19  }
0x9c: {  	s7 =	simm.s32 $0x0;
	s20 =	sshll.u32 s5, $0x1;
	s5 =	sadd.s32 s21, s3  }
0x9d: {  	[timem:s7], [sflag:s22] =	dma.local [hbm:s5], s20  }
0x9e: {  	_ =	swait.ge [sflag:s22], s20  }
0x9f: {  	s4 =	ssub.s32 $0x0, s20;
	[sflag:s22] =	ssyncset.done $0x0  }
0xa0: {  	[sflag:s22] =	ssyncadd.s32 s4;
	_ =	sdelay $0x1  }
0xa1: {  	s23 =	simm.s32 $0x1B8B  }
0xa2: {  	_ =	swait.ge [sflag:s23], $0x1  }
0xa3: {  	[sflag:s23] =	ssyncset.done $0x0  }
0xa4: {  	s25 =	simm.s32 $0x1B8E;
	s24 =	sld [smem:$0x3FFE];
	[sflag:s23] =	ssyncadd.s32 $0xFFFFFFFF  }
0xa5: {  	s26 =	simm.s32 $execute0_lowered;
	[smem:$0x3FD2] =	sst s25  }
0xa6: {  	s5 =	sshll.u32 s26, $0x1;
	_ =	strace $0x8000004C;
	[dreg:$0x1] =	wrdreg $0xFFFFFFFF  }
0xa7: {  	s28 =	simm.s32 $_size_execute0_lowered;
	s3 =	sadd.s32 s3, s5;
	[dreg:$0x0] =	wrdreg $0x0  }
0xa8: {  	s5 =	sshll.u32 s28, $0x1;
	[dreg:$0x2] =	wrdreg s3  }
0xa9: {  	[dreg:$0x3] =	wrdreg s5  }
0xaa: {  	[dreg:$0x4] =	wrdreg $0xC0  }
0xab: {  	_ =	task [dreg:s7], $0x5FFFF  }
0xac: {  	[dreg:$0x1] =	wrdreg $0xFFFFFFFF  }
0xad: {  	[dreg:$0x0] =	wrdreg $0x60  }
0xae: {  	[dreg:$0x2] =	wrdreg s2  }
0xaf: {  	[dreg:$0x3] =	wrdreg s24  }
0xb0: {  	[dreg:$0x4] =	wrdreg $0x41000  }
0xb1: {  	[dreg:$0x5] =	wrdreg $0x9  }
0xb2: {  	_ =	task.clear_ibuf [dreg:s7], $0x6FFFF;
	_ =	strace $0x9000004C  }
0xb3: {  	s29 =	simm.s32 $0x9;
	_ =	strace $0x8000004E  }
0xb4: {  	_ =	swait.ge [sflag:s29], $0x1  }
0xb5: {  	[sflag:s29] =	ssyncadd.s32 $0xFFFFFFFF  }
0xb6: {  	_ =	strace $0x9000004E  }
0xb7: {  	_ =	sfence  }
0xb8: {  	s30 =	sld [smem:$0x0];
	_ =	sdelay $0x2  }
0xb9: {  	s31 =	sshll.u32 s1, $0xD;
	s1 =	sshrl.u32 s1, $0x2  }
0xba: {  	s3 =	sand.u32 $0x4000, s31;
	s1 =	sadd.s32 s1, s30  }
0xbb: {  	s0 =	sor.u32 s3, s0;
	s1 =	sshll.u32 s1, $0x11  }
0xbc: {  	s0 =	sor.u32 s1, s0  }
0xbd: {  	s0 =	sadd.s32 $0x8F2B, s0  }
0xbe: {  	[sflag:s0] =	ssyncadd.remote.s32 $0x1  }
0xbf: {  	_ =	sfence.sel $0xFFFF  }
0xc0: {  	[dreg:$0x0] =	wrdreg $0xFFFFFFFF;
	(pc) =	sbr.abs _section_cstart, $3  }
0xc1: {  	[dreg:$0x1] =	wrdreg $0xFFFFFFFF  }
0xc2: {  	_ =	task.clear_ibuf [dreg:s7], $0x2FFFF;
	_ =	strace $0x9FFFFFFF  }
0xc3: {  	(tm) =	ssettm $0x7FFFFFFF  }
tec
execute0_lowered:
.L_overlay_start_1:
0x0: {  	(tag) =	ssettag $0x1  }
0x1: {  	s1 =	rddreg [dreg:$0x0]  }
0x2: {  	s8 =	rddreg [dreg:$0x1]  }
0x3: {  	s2 =	rddreg [dreg:$0x2];
	s3 =	srdreg.scid  }
0x4: {  	s0 =	rddreg [dreg:$0x3];
	s4 =	simm.s32 $0x0;
	s9 =	sand.u32 $0x1, s3  }
0x5: {  	s15 =	simm.s32 $0x100;
	s3 =	stileid.u32;
	s10 =	smul.u32 $0x140000, s9  }
0x6: {  	s16 =	simm.s32 $0x1;
	s17 =	simm.s32 $0x0;
	s11 =	smul.u32 $0x14000, s3  }
0x7: {  	[smem:$0x7FF] =	sst s4;
	s5 =	sadd.s32 $0x62200, s8;
	s12 =	smul.u32 $0x50000, s3  }
0x8: {  	s6 =	sadd.s32 $0x6A00, s8;
	s30 =	ssub.s32 $0x2, s9;
	s9 =	smul.u32 $0x2C000, s9  }
0x9: {  	s7 =	sadd.s32 $0x94400, s8;
	_ =	strace $0x8000004D;
	s14 =	smul.u32 $0x2C00, s3  }
0xa: {  	s13 =	sshll.u32 s3, $0x6;
	s31 =	sshrl.u32 s30, $0x1;
	s10 =	sadd.s32 s11, s10  }
0xb: {  	s12 =	sshrl.u32 s12, $0x2;
	s11 =	ssub.s32 s30, s31;
	s9 =	sadd.s32 s14, s9  }
0xc: {  	s14 =	simm.s32 $0x80;
	s10 =	sshrl.u32 s10, $0x3;
	s12 =	sadd.s32 s12, s2  }
0xd: {  	s11 =	smax.u32 s11, $0x1;
	s10 =	sadd.s32 s10, s8;
	s8 =	sor.u32 $0x1C02, s13  }
0xe: {  	s12 =	sshrl.u32 s12, $0x3;
	s13 =	simm.s32 $0x2;
	s10 =	sadd.s32 $0x96C00, s10  }
.LBB2_1:
0xf: {  	[spmem:s12], [sflag:s8] =	dma.local [hbm:s7], $0x2800  }
0x10: {  	s18 =	sand.u32 $0x3C00, s4  }
0x11: {  	s19 =	sand.u32 $0x380, s4;
	_ =	swait.ge [sflag:s13], $0x2800;
	s18 =	sadd.s32 s18, s9  }
0x12: {  	[sflag:s13] =	ssyncset.done $0x0;
	s18 =	sor.u32 s19, s18  }
0x13: {  	[sflag:s13] =	ssyncadd.s32 $0xFFFFD800;
	s18 =	sshrl.u32 s18, $0x3  }
0x14: {  	[bflag:$0x0] =	sbarrier.arrive $0xFFFF;
	s29 =	sadd.s32 s5, s18  }
0x15: {  	[tilespmem:s4], [sflag:$0x2] =	stream.linear.gather [hbm4b:s29+s4], $0x80, $0x38;
	[tilespmem:$0x18100] =	vst v63  }
0x16: {  	_ =	swait.ge [sflag:s13], $0x80  }
0x17: {  	[sflag:s13] =	ssyncset.done $0x0  }
0x18: {  	[sflag:s13] =	ssyncadd.s32 $0xFFFFFF80  }
0x19: {  	[tilespmem:s15], [sflag:$0x1] =	stream.indirect.gather [hbm4b:s1+s14], $0x80, s4, s14, $0xb8;
	[tilespmem:$0x18100] =	vst v63  }
0x1a: {  	s18 =	sadd.s32 s6, s18  }
0x1b: {  	[tilespmem:s14], [sflag:$0x2] =	stream.linear.gather [hbm4b:s18+s4], $0x80, $0x38;
	[tilespmem:$0x18100] =	vst v63  }
0x1c: {  	_ =	swait.ge [sflag:s13], $0x80  }
0x1d: {  	s30 =	simm.s32 $0x80;
	[sflag:s13] =	ssyncset.done $0x0  }
0x1e: {  	s31 =	sand.u32 $0x3C00, s30;
	[sflag:s13] =	ssyncadd.s32 $0xFFFFFF80  }
0x1f: {  	s19 =	sadd.s32 s31, s9;
	s18 =	sand.u32 $0x380, s30;
	_ =	swait.ge [sflag:s16], $0x4000  }
0x20: {  	s19 =	sor.u32 s18, s19;
	[sflag:s16] =	ssyncset.done $0x0  }
0x21: {  	s18 =	simm.s32 $0x100;
	s19 =	sshrl.u32 s19, $0x3;
	[sflag:s16] =	ssyncadd.s32 $0xFFFFC000  }
.LBB2_2:
0x22: {  	[spmem:s2] =	stream.indirect.scatter.add.f32 [tilespmem:s15], [sflag:$0x2], $0x80, s14, s14, $0xb8;
	[tilespmem:$0x18100] =	vst v63  }
0x23: {  	s20 =	smov.u32 s18  }
0x24: {  	p0 =	sne.s32 s18, $0x2800;
	s18 =	sadd.s32 $0x80, s18;
	_ =	swait.ge [sflag:s13], $0x4000  }
0x25: {  	[sflag:s13] =	ssyncset.done $0x0  }
0x26: {  	s21 =	sadd.s32 s5, s19;
	[sflag:s13] =	ssyncadd.s32 $0xFFFFC000  }
0x27: {  	[tilespmem:s4], [sflag:$0x2] =	stream.linear.gather [hbm4b:s21+s4], $0x80, $0x38;
	[tilespmem:$0x18100] =	vst v63  }
0x28: {  	_ =	swait.ge [sflag:s13], $0x80  }
0x29: {  	[sflag:s13] =	ssyncset.done $0x0  }
0x2a: {  	[sflag:s13] =	ssyncadd.s32 $0xFFFFFF80  }
0x2b: {  	[tilespmem:s15], [sflag:$0x1] =	stream.indirect.gather [hbm4b:s1+s14], $0x80, s4, s14, $0xb8;
	[tilespmem:$0x18100] =	vst v63  }
0x2c: {  	s19 =	sadd.s32 s6, s19  }
0x2d: {  	[tilespmem:s14], [sflag:$0x2] =	stream.linear.gather [hbm4b:s19+s4], $0x80, $0x38;
	[tilespmem:$0x18100] =	vst v63  }
0x2e: {  	_ =	swait.ge [sflag:s13], $0x80  }
.Ltmp0:
0x2f: {  	[sflag:s13] =	ssyncset.done $0x0;
	(pc) =	sbr.rel @p0 .LBB2_2-.Ltmp0, $4  }
0x30: {  	s19 =	sand.u32 $0x3C00, s20;
	[sflag:s13] =	ssyncadd.s32 $0xFFFFFF80  }
0x31: {  	s20 =	sand.u32 $0x380, s20;
	s19 =	sadd.s32 s19, s9;
	_ =	swait.ge [sflag:s16], $0x4000  }
0x32: {  	s19 =	sor.u32 s20, s19;
	[sflag:s16] =	ssyncset.done $0x0  }
0x33: {  	s19 =	sshrl.u32 s19, $0x3;
	[sflag:s16] =	ssyncadd.s32 $0xFFFFC000  }
0x34: {  	[spmem:s2] =	stream.indirect.scatter.add.f32 [tilespmem:s15], [sflag:$0x2], $0x80, s14, s14, $0xb8;
	[tilespmem:$0x18100] =	vst v63  }
0x35: {  	_ =	swait.ge [sflag:s13], $0x4000  }
0x36: {  	[sflag:s13] =	ssyncset.done $0x0  }
0x37: {  	s18 =	sadd.s32 s5, s19;
	[sflag:s13] =	ssyncadd.s32 $0xFFFFC000  }
0x38: {  	[tilespmem:s4], [sflag:$0x2] =	stream.linear.gather [hbm4b:s18+s4], $0x80, $0x38;
	[tilespmem:$0x18100] =	vst v63  }
0x39: {  	_ =	swait.ge [sflag:s13], $0x80  }
0x3a: {  	[sflag:s13] =	ssyncset.done $0x0  }
0x3b: {  	[sflag:s13] =	ssyncadd.s32 $0xFFFFFF80  }
0x3c: {  	[tilespmem:s15], [sflag:$0x1] =	stream.indirect.gather [hbm4b:s1+s14], $0x80, s4, s14, $0xb8;
	[tilespmem:$0x18100] =	vst v63  }
0x3d: {  	s31 =	sadd.s32 s6, s19  }
0x3e: {  	[tilespmem:s14], [sflag:$0x2] =	stream.linear.gather [hbm4b:s31+s4], $0x80, $0x38;
	[tilespmem:$0x18100] =	vst v63  }
0x3f: {  	_ =	swait.ge [sflag:s13], $0x80  }
0x40: {  	[sflag:s13] =	ssyncset.done $0x0  }
0x41: {  	[sflag:s13] =	ssyncadd.s32 $0xFFFFFF80  }
0x42: {  	_ =	swait.ge [sflag:s16], $0x4000  }
0x43: {  	[sflag:s16] =	ssyncset.done $0x0  }
0x44: {  	[sflag:s16] =	ssyncadd.s32 $0xFFFFC000  }
0x45: {  	[spmem:s2] =	stream.indirect.scatter.add.f32 [tilespmem:s15], [sflag:$0x2], $0x80, s14, s14, $0xb8;
	[tilespmem:$0x18100] =	vst v63  }
0x46: {  	_ =	swait.ge [sflag:s13], $0x4000  }
0x47: {  	s17 =	sadd.s32 $0x1, s17;
	[sflag:s13] =	ssyncset.done $0x0  }
0x48: {  	p0 =	sne.s32 s17, s11;
	[sflag:s13] =	ssyncadd.s32 $0xFFFFC000  }
.Ltmp1:
0x49: {  	[bflag:$0x0] =	sbarrier.arrive $0xFFFF;
	(pc) =	sbr.rel @p0 .LBB2_1-.Ltmp1, $4  }
0x4a: {  	[hbm:s10], [sflag:s8] =	dma.local [spmem:s12], $0x2800  }
0x4b: {  	_ =	swait.ge [sflag:s13], $0x2800  }
0x4c: {  	[sflag:s13] =	ssyncset.done $0x0  }
0x4d: {  	[sflag:s13] =	ssyncadd.s32 $0xFFFFD800  }
0x4e: {  	_ =	sfence.sel $0x180000  }
0x4f: {  	[bflag:$0x0] =	sbarrier.arrive $0xFFFF  }
0x50: {  	p0 =	sne.s32 s3, $0x0;
	_ =	strace $0x9000004D  }
0x51: {  	s0 =	sadd.s32 @!p0 $0x100000, s0;
	[bflag:$0x2] =	sbarrier.arrive $0xFFFF  }
0x52: {  	[sflag:s0] =	ssyncadd.tile.s32 @!p0 $0x1;
	_ =	shalt  }
.Lfunc_end2:
_tile_overlayer_lowered:
.L_overlay_start_2:
0x53: {  	(tag) =	ssettag $0x2  }
0x54: {  	s0 =	rddreg [dreg:$0x0];
	s2 =	stileid.u32  }
0x55: {  	s1 =	rddreg [dreg:$0x1];
	p0 =	sne.s32 s2, $0x0  }
0x56: {  	s3 =	rddreg [dreg:$0x2];
	[bflag:$0x3] =	sbarrier.arrive $0xFFFF;
	s2 =	simm.s32 @!p0 $0x1C02  }
0x57: {  	[timem:s3], [sflag:s2] =	dma.local @!p0 [hbm:s0], s1  }
0x58: {  	s0 =	simm.s32 @!p0 $0x2  }
0x59: {  	_ =	swait.ge @!p0 [sflag:s0], s1  }
0x5a: {  	s1 =	ssub.s32 @!p0 $0x0, s1;
	[sflag:s0] =	ssyncset.done @!p0 $0x0  }
0x5b: {  	[sflag:s0] =	ssyncadd.s32 @!p0 s1  }
0x5c: {  	[bflag:$0x3] =	sbarrier.arrive $0xFFFF  }
0x5d: {  	_ =	shalt  }

// kernel: kernel.33.cloned.1.call-start
scs
__scs_entry_jumppad:
0x0: {  	(pc) =	sbr.rel $0x88, $3  }
0x1: {  	(tag) =	ssettag $0x0;
	lr =	simm.s32 $0x1  }
0x2: {  	[smem:$0x3F9B] =	sst lr;
	_ =	strace $0xD0000000  }
0x3: {  	_ = 	snop  }
0x4: {  	_ = 	snop  }
0x5: {  	_ = 	snop  }
0x6: {  	_ = 	snop  }
0x7: {  	_ = 	snop  }
__scs_overlays_trampoline_lowered:
0x8: {  	[smem:$0x3FAA] =	sst s0  }
0x9: {  	[smem:$0x3FAB] =	sst s1  }
0xa: {  	[smem:$0x3FAC] =	sst s2  }
0xb: {  	[smem:$0x3FAD] =	sst s3  }
0xc: {  	[smem:$0x3FAE] =	sst s4  }
0xd: {  	[smem:$0x3FAF] =	sst s5  }
0xe: {  	[smem:$0x3FB0] =	sst s6  }
0xf: {  	[smem:$0x3FB1] =	sst s7  }
0x10: {  	[smem:$0x3FB2] =	sst s8  }
0x11: {  	[smem:$0x3FB3] =	sst s9;
	s0 =	simm.s32 @!p0 $0x0  }
0x12: {  	s1 =	sld [smem:$0x3F99];
	s0 =	simm.s32 @p0 $0x1  }
0x13: {  	[smem:$0x3FB4] =	sst s0;
	s0 =	simm.s32 @!p1 $0x0  }
0x14: {  	s2 =	sld [smem:$0x3F98];
	s0 =	simm.s32 @p1 $0x1  }
0x15: {  	[smem:$0x3FB5] =	sst s0;
	s0 =	simm.s32 @!p2 $0x0  }
0x16: {  	s3 =	sld [smem:$0x3FDB];
	s0 =	simm.s32 @p2 $0x1  }
0x17: {  	s4 =	simm.s32 $0x1BF5;
	[smem:$0x3FB7] =	sst s0  }
0x18: {  	s0 =	sld [smem:$0x3F9A];
	_ =	swait.ge [sflag:s4], $0x0  }
0x19: {  	s7 =	sld [smem:$0x3F9B]  }
0x1a: {  	s8 =	sadd.s32 $0xFFFFE003, lr  }
0x1b: {  	s9 =	sadd.s32 $0xFFFFFEF7, lr;
	s5 =	simm.s32 $0xFFFFFFFF;
	p2 =	slt.u32 s8, $0xFFFFF086  }
0x1c: {  	p1 =	slt.u32 s9, $0xF7A;
	s5 =	simm.s32 @!p2 $0x0  }
0x1d: {  	s5 =	simm.s32 @p1 $0x1;
	p0 =	seq.s32 s7, s2  }
0x1e: {  	s7 =	smul.u32 @!p0 $0xF7A, s2;
	p2 =	seq.s32 @!p0 s5, $0x0  }
0x1f: {  	s9 =	smul.u32 $0xF7A, s1;
	s8 =	simm.s32 @!p0 $0x1BF5;
	p2 =	por !p2, p0  }
0x20: {  	[sflag:s8] =	ssyncset.s32 @!p0 $0xFFFFF086;
	s6 =	sadd.s32 @!p0 s3, s7;
	s7 =	simm.s32 @!p0 $0x108  }
0x21: {  	s3 =	sadd.s32 s3, s9;
	s6 =	sadd.s32 @!p0 $0x88, s6;
	s7 =	simm.s32 @p2 $0x1082  }
0x22: {  	[simem:s7], [sflag:s8] =	dma.local @!p0 [hbm:s6], $0xF7A  }
0x23: {  	s9 =	sor.u32 $0xD0000000, s2;
	s6 =	simm.s32 $0x108;
	_ =	swait.ge @!p0 [sflag:s8], $0x0  }
0x24: {  	s3 =	sadd.s32 $0x88, s3;
	s6 =	simm.s32 @!p1 $0x1082;
	[sflag:s4] =	ssyncset.s32 $0xFFFFF086  }
0x25: {  	[simem:s6], [sflag:s4] =	dma.local [hbm:s3], $0xF7A  }
0x26: {  	[smem:$0x3F9B] =	sst s1;
	(tag) =	ssettag s2;
	_ =	strace s9  }
0x27: {  	s1 =	sld [smem:$0x3FAB]  }
0x28: {  	s2 =	sld [smem:$0x3FAC]  }
0x29: {  	s4 =	sld [smem:$0x3FAE]  }
0x2a: {  	p0 =	seq.s32 s5, $0x0;
	s5 =	sld [smem:$0x3FAF]  }
0x2b: {  	s6 =	sld [smem:$0x3FB0]  }
0x2c: {  	s7 =	sld [smem:$0x3FB1]  }
0x2d: {  	s3 =	simm.s32 $0x108;
	s8 =	sld [smem:$0x3FB2]  }
0x2e: {  	s3 =	simm.s32 @!p0 $0x1082;
	s9 =	sld [smem:$0x3FB3]  }
0x2f: {  	lr =	sadd.s32 s0, s3;
	s0 =	sld [smem:$0x3FAA]  }
0x30: {  	s3 =	sld [smem:$0x3FAD]  }
0x31: {  	[smem:$0x3FB6] =	sst s10  }
0x32: {  	s10 =	sld [smem:$0x3FB4];
	_ =	sdelay $0x3  }
0x33: {  	p0 =	seq.s32 s10, $0x1;
	s10 =	sld [smem:$0x3FB6];
	_ =	sdelay $0x3  }
0x34: {  	[smem:$0x3FB6] =	sst s10  }
0x35: {  	s10 =	sld [smem:$0x3FB5];
	_ =	sdelay $0x3  }
0x36: {  	p1 =	seq.s32 s10, $0x1;
	s10 =	sld [smem:$0x3FB6];
	_ =	sdelay $0x3  }
0x37: {  	[smem:$0x3FB6] =	sst s10  }
0x38: {  	s10 =	sld [smem:$0x3FB7]  }
0x39: {  	_ = 	snop;
	(pc) =	sbr.ind lr, $3  }
0x3a: {  	_ = 	snop  }
0x3b: {  	_ = 	snop  }
0x3c: {  	p2 =	seq.s32 s10, $0x1;
	s10 =	sld [smem:$0x3FB6]  }
0x3d: {  	_ =	shalt  }
0x3e: {  	_ =	shalt  }
0x3f: {  	_ =	shalt  }
0x40: {  	_ =	shalt  }
0x41: {  	_ =	shalt  }
0x42: {  	_ =	shalt  }
0x43: {  	_ =	shalt  }
0x44: {  	_ =	shalt  }
0x45: {  	_ =	shalt  }
0x46: {  	_ =	shalt  }
0x47: {  	_ =	shalt  }
0x48: {  	_ =	shalt  }
0x49: {  	_ =	shalt  }
0x4a: {  	_ =	shalt  }
0x4b: {  	_ =	shalt  }
0x4c: {  	_ =	shalt  }
0x4d: {  	_ =	shalt  }
0x4e: {  	_ =	shalt  }
0x4f: {  	_ =	shalt  }
0x50: {  	_ =	shalt  }
0x51: {  	_ =	shalt  }
0x52: {  	_ =	shalt  }
0x53: {  	_ =	shalt  }
0x54: {  	_ =	shalt  }
0x55: {  	_ =	shalt  }
0x56: {  	_ =	shalt  }
0x57: {  	_ =	shalt  }
0x58: {  	_ =	shalt  }
0x59: {  	_ =	shalt  }
0x5a: {  	_ =	shalt  }
0x5b: {  	_ =	shalt  }
0x5c: {  	_ =	shalt  }
0x5d: {  	_ =	shalt  }
0x5e: {  	_ =	shalt  }
0x5f: {  	_ =	shalt  }
0x60: {  	_ =	shalt  }
0x61: {  	_ =	shalt  }
0x62: {  	_ =	shalt  }
0x63: {  	_ =	shalt  }
0x64: {  	_ =	shalt  }
0x65: {  	_ =	shalt  }
0x66: {  	_ =	shalt  }
0x67: {  	_ =	shalt  }
0x68: {  	_ =	shalt  }
0x69: {  	_ =	shalt  }
0x6a: {  	_ =	shalt  }
0x6b: {  	_ =	shalt  }
0x6c: {  	_ =	shalt  }
0x6d: {  	_ =	shalt  }
0x6e: {  	_ =	shalt  }
0x6f: {  	_ =	shalt  }
0x70: {  	_ =	shalt  }
0x71: {  	_ =	shalt  }
0x72: {  	_ =	shalt  }
0x73: {  	_ =	shalt  }
0x74: {  	_ =	shalt  }
0x75: {  	_ =	shalt  }
0x76: {  	_ =	shalt  }
0x77: {  	_ =	shalt  }
0x78: {  	_ =	shalt  }
0x79: {  	_ =	shalt  }
0x7a: {  	_ =	shalt  }
0x7b: {  	_ =	shalt  }
0x7c: {  	_ =	shalt  }
0x7d: {  	_ =	shalt  }
0x7e: {  	_ =	shalt  }
0x7f: {  	_ =	shalt  }
0x80: {  	_ =	shalt  }
0x81: {  	_ =	shalt  }
0x82: {  	_ =	shalt  }
0x83: {  	_ =	shalt  }
0x84: {  	_ =	shalt  }
0x85: {  	_ =	shalt  }
0x86: {  	_ =	shalt  }
0x87: {  	_ =	shalt  }
.Lfunc_end0:
.L_simem_size_0:
called_computation.3_lowered:
.L_overlay_start_0:
0x88: {  	s2 =	sld [smem:$0x3FD9]  }
0x89: {  	s3 =	sld [smem:$0x3FFE];
	_ =	sdelay $0x1  }
0x8a: {  	s1 =	srdreg.scid  }
0x8b: {  	s0 =	sand.u32 $0x1, s1  }
0x8c: {  	s17 =	sshll.u32 s0, $0xA;
	s2 =	sadd.s32 s3, s2  }
0x8d: {  	s2 =	sadd.s32 s2, s17  }
0x8e: {  	[smem:$0x3FC2] =	sst s2  }
0x8f: {  	_ = 	snop  }
0x90: {  	s2 =	sld [smem:$0x3FD0];
	(tm) =	ssettm $0x1  }
0x91: {  	s18 =	sld [smem:$0x3FFB];
	_ =	sdelay $0x3  }
0x92: {  	_ =	strace s18  }
0x93: {  	s3 =	sld [smem:$0x3FFC];
	_ =	sdelay $0x3  }
0x94: {  	_ =	strace s3  }
0x95: {  	s3 =	sld [smem:$0x3FFD];
	_ =	sdelay $0x3  }
0x96: {  	_ =	strace s3  }
0x97: {  	_ =	strace $0x8FFFFFFF  }
0x98: {  	s19 =	sld [smem:$0x3FDB];
	_ =	sdelay $0x1  }
0x99: {  	s4 =	simm.s32 $_scs_section_size  }
0x9a: {  	s5 =	simm.s32 $_size__tile_overlayer_lowered;
	s6 =	simm.s32 $_tile_overlayer_lowered  }
0x9b: {  	s22 =	simm.s32 $0x1BFF;
	s21 =	sshll.u32 s6, $0x1;
	s3 =	sadd.s32 s4, s19  }
0x9c: {  	s7 =	simm.s32 $0x0;
	s20 =	sshll.u32 s5, $0x1;
	s5 =	sadd.s32 s21, s3  }
0x9d: {  	[timem:s7], [sflag:s22] =	dma.local [hbm:s5], s20  }
0x9e: {  	_ =	swait.ge [sflag:s22], s20  }
0x9f: {  	s4 =	ssub.s32 $0x0, s20;
	[sflag:s22] =	ssyncset.done $0x0  }
0xa0: {  	[sflag:s22] =	ssyncadd.s32 s4;
	_ =	sdelay $0x1  }
0xa1: {  	s23 =	simm.s32 $0x1B8B  }
0xa2: {  	_ =	swait.ge [sflag:s23], $0x1  }
0xa3: {  	[sflag:s23] =	ssyncset.done $0x0  }
0xa4: {  	s25 =	simm.s32 $0x1B8E;
	s24 =	sld [smem:$0x3FFE];
	[sflag:s23] =	ssyncadd.s32 $0xFFFFFFFF  }
0xa5: {  	s26 =	simm.s32 $execute0_lowered;
	[smem:$0x3FD2] =	sst s25  }
0xa6: {  	s5 =	sshll.u32 s26, $0x1;
	_ =	strace $0x8000004F;
	[dreg:$0x1] =	wrdreg $0xFFFFFFFF  }
0xa7: {  	s28 =	simm.s32 $_size_execute0_lowered;
	s3 =	sadd.s32 s3, s5;
	[dreg:$0x0] =	wrdreg $0x0  }
0xa8: {  	s5 =	sshll.u32 s28, $0x1;
	[dreg:$0x2] =	wrdreg s3  }
0xa9: {  	[dreg:$0x3] =	wrdreg s5  }
0xaa: {  	[dreg:$0x4] =	wrdreg $0xC0  }
0xab: {  	_ =	task [dreg:s7], $0x5FFFF  }
0xac: {  	[dreg:$0x1] =	wrdreg $0xFFFFFFFF  }
0xad: {  	[dreg:$0x0] =	wrdreg $0x60  }
0xae: {  	[dreg:$0x2] =	wrdreg s2  }
0xaf: {  	[dreg:$0x3] =	wrdreg s24  }
0xb0: {  	[dreg:$0x4] =	wrdreg $0x41000  }
0xb1: {  	[dreg:$0x5] =	wrdreg $0x9  }
0xb2: {  	_ =	task.clear_ibuf [dreg:s7], $0x6FFFF;
	_ =	strace $0x9000004F  }
0xb3: {  	s29 =	simm.s32 $0x9;
	_ =	strace $0x80000051  }
0xb4: {  	_ =	swait.ge [sflag:s29], $0x1  }
0xb5: {  	[sflag:s29] =	ssyncadd.s32 $0xFFFFFFFF  }
0xb6: {  	_ =	strace $0x90000051  }
0xb7: {  	_ =	sfence  }
0xb8: {  	s30 =	sld [smem:$0x0];
	_ =	sdelay $0x2  }
0xb9: {  	s31 =	sshll.u32 s1, $0xD;
	s1 =	sshrl.u32 s1, $0x2  }
0xba: {  	s3 =	sand.u32 $0x4000, s31;
	s1 =	sadd.s32 s1, s30  }
0xbb: {  	s0 =	sor.u32 s3, s0;
	s1 =	sshll.u32 s1, $0x11  }
0xbc: {  	s0 =	sor.u32 s1, s0  }
0xbd: {  	s0 =	sadd.s32 $0x8F2B, s0  }
0xbe: {  	[sflag:s0] =	ssyncadd.remote.s32 $0x1  }
0xbf: {  	_ =	sfence.sel $0xFFFF  }
0xc0: {  	[dreg:$0x0] =	wrdreg $0xFFFFFFFF;
	(pc) =	sbr.abs _section_cstart, $3  }
0xc1: {  	[dreg:$0x1] =	wrdreg $0xFFFFFFFF  }
0xc2: {  	_ =	task.clear_ibuf [dreg:s7], $0x2FFFF;
	_ =	strace $0x9FFFFFFF  }
0xc3: {  	(tm) =	ssettm $0x7FFFFFFF  }
tec
execute0_lowered:
.L_overlay_start_1:
0x0: {  	(tag) =	ssettag $0x1  }
0x1: {  	s1 =	rddreg [dreg:$0x0]  }
0x2: {  	s8 =	rddreg [dreg:$0x1]  }
0x3: {  	s2 =	rddreg [dreg:$0x2];
	s3 =	srdreg.scid  }
0x4: {  	s0 =	rddreg [dreg:$0x3];
	s4 =	simm.s32 $0x0;
	s9 =	sand.u32 $0x1, s3  }
0x5: {  	s15 =	simm.s32 $0x100;
	s3 =	stileid.u32;
	s10 =	smul.u32 $0x140000, s9  }
0x6: {  	s16 =	simm.s32 $0x1;
	s17 =	simm.s32 $0x0;
	s11 =	smul.u32 $0x14000, s3  }
0x7: {  	[smem:$0x7FF] =	sst s4;
	s5 =	sadd.s32 $0x62200, s8;
	s12 =	smul.u32 $0x50000, s3  }
0x8: {  	s6 =	sadd.s32 $0x6A00, s8;
	s30 =	ssub.s32 $0x2, s9;
	s9 =	smul.u32 $0x2C000, s9  }
0x9: {  	s7 =	sadd.s32 $0x94400, s8;
	_ =	strace $0x80000050;
	s14 =	smul.u32 $0x2C00, s3  }
0xa: {  	s13 =	sshll.u32 s3, $0x6;
	s31 =	sshrl.u32 s30, $0x1;
	s10 =	sadd.s32 s11, s10  }
0xb: {  	s12 =	sshrl.u32 s12, $0x2;
	s11 =	ssub.s32 s30, s31;
	s9 =	sadd.s32 s14, s9  }
0xc: {  	s14 =	simm.s32 $0x80;
	s10 =	sshrl.u32 s10, $0x3;
	s12 =	sadd.s32 s12, s2  }
0xd: {  	s11 =	smax.u32 s11, $0x1;
	s10 =	sadd.s32 s10, s8;
	s8 =	sor.u32 $0x1C02, s13  }
0xe: {  	s12 =	sshrl.u32 s12, $0x3;
	s13 =	simm.s32 $0x2;
	s10 =	sadd.s32 $0x96C00, s10  }
.LBB2_1:
0xf: {  	[spmem:s12], [sflag:s8] =	dma.local [hbm:s7], $0x2800  }
0x10: {  	s18 =	sand.u32 $0x3C00, s4  }
0x11: {  	s19 =	sand.u32 $0x380, s4;
	_ =	swait.ge [sflag:s13], $0x2800;
	s18 =	sadd.s32 s18, s9  }
0x12: {  	[sflag:s13] =	ssyncset.done $0x0;
	s18 =	sor.u32 s19, s18  }
0x13: {  	[sflag:s13] =	ssyncadd.s32 $0xFFFFD800;
	s18 =	sshrl.u32 s18, $0x3  }
0x14: {  	[bflag:$0x0] =	sbarrier.arrive $0xFFFF;
	s29 =	sadd.s32 s5, s18  }
0x15: {  	[tilespmem:s4], [sflag:$0x2] =	stream.linear.gather [hbm4b:s29+s4], $0x80, $0x38;
	[tilespmem:$0x18100] =	vst v63  }
0x16: {  	_ =	swait.ge [sflag:s13], $0x80  }
0x17: {  	[sflag:s13] =	ssyncset.done $0x0  }
0x18: {  	[sflag:s13] =	ssyncadd.s32 $0xFFFFFF80  }
0x19: {  	[tilespmem:s15], [sflag:$0x1] =	stream.indirect.gather [hbm4b:s1+s14], $0x80, s4, s14, $0xb8;
	[tilespmem:$0x18100] =	vst v63  }
0x1a: {  	s18 =	sadd.s32 s6, s18  }
0x1b: {  	[tilespmem:s14], [sflag:$0x2] =	stream.linear.gather [hbm4b:s18+s4], $0x80, $0x38;
	[tilespmem:$0x18100] =	vst v63  }
0x1c: {  	_ =	swait.ge [sflag:s13], $0x80  }
0x1d: {  	s30 =	simm.s32 $0x80;
	[sflag:s13] =	ssyncset.done $0x0  }
0x1e: {  	s31 =	sand.u32 $0x3C00, s30;
	[sflag:s13] =	ssyncadd.s32 $0xFFFFFF80  }
0x1f: {  	s19 =	sadd.s32 s31, s9;
	s18 =	sand.u32 $0x380, s30;
	_ =	swait.ge [sflag:s16], $0x4000  }
0x20: {  	s19 =	sor.u32 s18, s19;
	[sflag:s16] =	ssyncset.done $0x0  }
0x21: {  	s18 =	simm.s32 $0x100;
	s19 =	sshrl.u32 s19, $0x3;
	[sflag:s16] =	ssyncadd.s32 $0xFFFFC000  }
.LBB2_2:
0x22: {  	[spmem:s2] =	stream.indirect.scatter.add.f32 [tilespmem:s15], [sflag:$0x2], $0x80, s14, s14, $0xb8;
	[tilespmem:$0x18100] =	vst v63  }
0x23: {  	s20 =	smov.u32 s18  }
0x24: {  	p0 =	sne.s32 s18, $0x2800;
	s18 =	sadd.s32 $0x80, s18;
	_ =	swait.ge [sflag:s13], $0x4000  }
0x25: {  	[sflag:s13] =	ssyncset.done $0x0  }
0x26: {  	s21 =	sadd.s32 s5, s19;
	[sflag:s13] =	ssyncadd.s32 $0xFFFFC000  }
0x27: {  	[tilespmem:s4], [sflag:$0x2] =	stream.linear.gather [hbm4b:s21+s4], $0x80, $0x38;
	[tilespmem:$0x18100] =	vst v63  }
0x28: {  	_ =	swait.ge [sflag:s13], $0x80  }
0x29: {  	[sflag:s13] =	ssyncset.done $0x0  }
0x2a: {  	[sflag:s13] =	ssyncadd.s32 $0xFFFFFF80  }
0x2b: {  	[tilespmem:s15], [sflag:$0x1] =	stream.indirect.gather [hbm4b:s1+s14], $0x80, s4, s14, $0xb8;
	[tilespmem:$0x18100] =	vst v63  }
0x2c: {  	s19 =	sadd.s32 s6, s19  }
0x2d: {  	[tilespmem:s14], [sflag:$0x2] =	stream.linear.gather [hbm4b:s19+s4], $0x80, $0x38;
	[tilespmem:$0x18100] =	vst v63  }
0x2e: {  	_ =	swait.ge [sflag:s13], $0x80  }
.Ltmp0:
0x2f: {  	[sflag:s13] =	ssyncset.done $0x0;
	(pc) =	sbr.rel @p0 .LBB2_2-.Ltmp0, $4  }
0x30: {  	s19 =	sand.u32 $0x3C00, s20;
	[sflag:s13] =	ssyncadd.s32 $0xFFFFFF80  }
0x31: {  	s20 =	sand.u32 $0x380, s20;
	s19 =	sadd.s32 s19, s9;
	_ =	swait.ge [sflag:s16], $0x4000  }
0x32: {  	s19 =	sor.u32 s20, s19;
	[sflag:s16] =	ssyncset.done $0x0  }
0x33: {  	s19 =	sshrl.u32 s19, $0x3;
	[sflag:s16] =	ssyncadd.s32 $0xFFFFC000  }
0x34: {  	[spmem:s2] =	stream.indirect.scatter.add.f32 [tilespmem:s15], [sflag:$0x2], $0x80, s14, s14, $0xb8;
	[tilespmem:$0x18100] =	vst v63  }
0x35: {  	_ =	swait.ge [sflag:s13], $0x4000  }
0x36: {  	[sflag:s13] =	ssyncset.done $0x0  }
0x37: {  	s18 =	sadd.s32 s5, s19;
	[sflag:s13] =	ssyncadd.s32 $0xFFFFC000  }
0x38: {  	[tilespmem:s4], [sflag:$0x2] =	stream.linear.gather [hbm4b:s18+s4], $0x80, $0x38;
	[tilespmem:$0x18100] =	vst v63  }
0x39: {  	_ =	swait.ge [sflag:s13], $0x80  }
0x3a: {  	[sflag:s13] =	ssyncset.done $0x0  }
0x3b: {  	[sflag:s13] =	ssyncadd.s32 $0xFFFFFF80  }
0x3c: {  	[tilespmem:s15], [sflag:$0x1] =	stream.indirect.gather [hbm4b:s1+s14], $0x80, s4, s14, $0xb8;
	[tilespmem:$0x18100] =	vst v63  }
0x3d: {  	s31 =	sadd.s32 s6, s19  }
0x3e: {  	[tilespmem:s14], [sflag:$0x2] =	stream.linear.gather [hbm4b:s31+s4], $0x80, $0x38;
	[tilespmem:$0x18100] =	vst v63  }
0x3f: {  	_ =	swait.ge [sflag:s13], $0x80  }
0x40: {  	[sflag:s13] =	ssyncset.done $0x0  }
0x41: {  	[sflag:s13] =	ssyncadd.s32 $0xFFFFFF80  }
0x42: {  	_ =	swait.ge [sflag:s16], $0x4000  }
0x43: {  	[sflag:s16] =	ssyncset.done $0x0  }
0x44: {  	[sflag:s16] =	ssyncadd.s32 $0xFFFFC000  }
0x45: {  	[spmem:s2] =	stream.indirect.scatter.add.f32 [tilespmem:s15], [sflag:$0x2], $0x80, s14, s14, $0xb8;
	[tilespmem:$0x18100] =	vst v63  }
0x46: {  	_ =	swait.ge [sflag:s13], $0x4000  }
0x47: {  	s17 =	sadd.s32 $0x1, s17;
	[sflag:s13] =	ssyncset.done $0x0  }
0x48: {  	p0 =	sne.s32 s17, s11;
	[sflag:s13] =	ssyncadd.s32 $0xFFFFC000  }
.Ltmp1:
0x49: {  	[bflag:$0x0] =	sbarrier.arrive $0xFFFF;
	(pc) =	sbr.rel @p0 .LBB2_1-.Ltmp1, $4  }
0x4a: {  	[hbm:s10], [sflag:s8] =	dma.local [spmem:s12], $0x2800  }
0x4b: {  	_ =	swait.ge [sflag:s13], $0x2800  }
0x4c: {  	[sflag:s13] =	ssyncset.done $0x0  }
0x4d: {  	[sflag:s13] =	ssyncadd.s32 $0xFFFFD800  }
0x4e: {  	_ =	sfence.sel $0x180000  }
0x4f: {  	[bflag:$0x0] =	sbarrier.arrive $0xFFFF  }
0x50: {  	p0 =	sne.s32 s3, $0x0;
	_ =	strace $0x90000050  }
0x51: {  	s0 =	sadd.s32 @!p0 $0x100000, s0;
	[bflag:$0x2] =	sbarrier.arrive $0xFFFF  }
0x52: {  	[sflag:s0] =	ssyncadd.tile.s32 @!p0 $0x1;
	_ =	shalt  }
.Lfunc_end2:
_tile_overlayer_lowered:
.L_overlay_start_2:
0x53: {  	(tag) =	ssettag $0x2  }
0x54: {  	s0 =	rddreg [dreg:$0x0];
	s2 =	stileid.u32  }
0x55: {  	s1 =	rddreg [dreg:$0x1];
	p0 =	sne.s32 s2, $0x0  }
0x56: {  	s3 =	rddreg [dreg:$0x2];
	[bflag:$0x3] =	sbarrier.arrive $0xFFFF;
	s2 =	simm.s32 @!p0 $0x1C02  }
0x57: {  	[timem:s3], [sflag:s2] =	dma.local @!p0 [hbm:s0], s1  }
0x58: {  	s0 =	simm.s32 @!p0 $0x2  }
0x59: {  	_ =	swait.ge @!p0 [sflag:s0], s1  }
0x5a: {  	s1 =	ssub.s32 @!p0 $0x0, s1;
	[sflag:s0] =	ssyncset.done @!p0 $0x0  }
0x5b: {  	[sflag:s0] =	ssyncadd.s32 @!p0 s1  }
0x5c: {  	[bflag:$0x3] =	sbarrier.arrive $0xFFFF  }
0x5d: {  	_ =	shalt  }

// kernel: kernel.36.cloned.1.call-start
scs
__scs_entry_jumppad:
0x0: {  	(pc) =	sbr.rel $0x88, $3  }
0x1: {  	(tag) =	ssettag $0x0;
	lr =	simm.s32 $0x1  }
0x2: {  	[smem:$0x3F9B] =	sst lr;
	_ =	strace $0xD0000000  }
0x3: {  	_ = 	snop  }
0x4: {  	_ = 	snop  }
0x5: {  	_ = 	snop  }
0x6: {  	_ = 	snop  }
0x7: {  	_ = 	snop  }
__scs_overlays_trampoline_lowered:
0x8: {  	[smem:$0x3FAA] =	sst s0  }
0x9: {  	[smem:$0x3FAB] =	sst s1  }
0xa: {  	[smem:$0x3FAC] =	sst s2  }
0xb: {  	[smem:$0x3FAD] =	sst s3  }
0xc: {  	[smem:$0x3FAE] =	sst s4  }
0xd: {  	[smem:$0x3FAF] =	sst s5  }
0xe: {  	[smem:$0x3FB0] =	sst s6  }
0xf: {  	[smem:$0x3FB1] =	sst s7  }
0x10: {  	[smem:$0x3FB2] =	sst s8  }
0x11: {  	[smem:$0x3FB3] =	sst s9;
	s0 =	simm.s32 @!p0 $0x0  }
0x12: {  	s1 =	sld [smem:$0x3F99];
	s0 =	simm.s32 @p0 $0x1  }
0x13: {  	[smem:$0x3FB4] =	sst s0;
	s0 =	simm.s32 @!p1 $0x0  }
0x14: {  	s2 =	sld [smem:$0x3F98];
	s0 =	simm.s32 @p1 $0x1  }
0x15: {  	[smem:$0x3FB5] =	sst s0;
	s0 =	simm.s32 @!p2 $0x0  }
0x16: {  	s3 =	sld [smem:$0x3FDB];
	s0 =	simm.s32 @p2 $0x1  }
0x17: {  	s4 =	simm.s32 $0x1BF5;
	[smem:$0x3FB7] =	sst s0  }
0x18: {  	s0 =	sld [smem:$0x3F9A];
	_ =	swait.ge [sflag:s4], $0x0  }
0x19: {  	s7 =	sld [smem:$0x3F9B]  }
0x1a: {  	s8 =	sadd.s32 $0xFFFFE003, lr  }
0x1b: {  	s9 =	sadd.s32 $0xFFFFFEF7, lr;
	s5 =	simm.s32 $0xFFFFFFFF;
	p2 =	slt.u32 s8, $0xFFFFF086  }
0x1c: {  	p1 =	slt.u32 s9, $0xF7A;
	s5 =	simm.s32 @!p2 $0x0  }
0x1d: {  	s5 =	simm.s32 @p1 $0x1;
	p0 =	seq.s32 s7, s2  }
0x1e: {  	s7 =	smul.u32 @!p0 $0xF7A, s2;
	p2 =	seq.s32 @!p0 s5, $0x0  }
0x1f: {  	s9 =	smul.u32 $0xF7A, s1;
	s8 =	simm.s32 @!p0 $0x1BF5;
	p2 =	por !p2, p0  }
0x20: {  	[sflag:s8] =	ssyncset.s32 @!p0 $0xFFFFF086;
	s6 =	sadd.s32 @!p0 s3, s7;
	s7 =	simm.s32 @!p0 $0x108  }
0x21: {  	s3 =	sadd.s32 s3, s9;
	s6 =	sadd.s32 @!p0 $0x88, s6;
	s7 =	simm.s32 @p2 $0x1082  }
0x22: {  	[simem:s7], [sflag:s8] =	dma.local @!p0 [hbm:s6], $0xF7A  }
0x23: {  	s9 =	sor.u32 $0xD0000000, s2;
	s6 =	simm.s32 $0x108;
	_ =	swait.ge @!p0 [sflag:s8], $0x0  }
0x24: {  	s3 =	sadd.s32 $0x88, s3;
	s6 =	simm.s32 @!p1 $0x1082;
	[sflag:s4] =	ssyncset.s32 $0xFFFFF086  }
0x25: {  	[simem:s6], [sflag:s4] =	dma.local [hbm:s3], $0xF7A  }
0x26: {  	[smem:$0x3F9B] =	sst s1;
	(tag) =	ssettag s2;
	_ =	strace s9  }
0x27: {  	s1 =	sld [smem:$0x3FAB]  }
0x28: {  	s2 =	sld [smem:$0x3FAC]  }
0x29: {  	s4 =	sld [smem:$0x3FAE]  }
0x2a: {  	p0 =	seq.s32 s5, $0x0;
	s5 =	sld [smem:$0x3FAF]  }
0x2b: {  	s6 =	sld [smem:$0x3FB0]  }
0x2c: {  	s7 =	sld [smem:$0x3FB1]  }
0x2d: {  	s3 =	simm.s32 $0x108;
	s8 =	sld [smem:$0x3FB2]  }
0x2e: {  	s3 =	simm.s32 @!p0 $0x1082;
	s9 =	sld [smem:$0x3FB3]  }
0x2f: {  	lr =	sadd.s32 s0, s3;
	s0 =	sld [smem:$0x3FAA]  }
0x30: {  	s3 =	sld [smem:$0x3FAD]  }
0x31: {  	[smem:$0x3FB6] =	sst s10  }
0x32: {  	s10 =	sld [smem:$0x3FB4];
	_ =	sdelay $0x3  }
0x33: {  	p0 =	seq.s32 s10, $0x1;
	s10 =	sld [smem:$0x3FB6];
	_ =	sdelay $0x3  }
0x34: {  	[smem:$0x3FB6] =	sst s10  }
0x35: {  	s10 =	sld [smem:$0x3FB5];
	_ =	sdelay $0x3  }
0x36: {  	p1 =	seq.s32 s10, $0x1;
	s10 =	sld [smem:$0x3FB6];
	_ =	sdelay $0x3  }
0x37: {  	[smem:$0x3FB6] =	sst s10  }
0x38: {  	s10 =	sld [smem:$0x3FB7]  }
0x39: {  	_ = 	snop;
	(pc) =	sbr.ind lr, $3  }
0x3a: {  	_ = 	snop  }
0x3b: {  	_ = 	snop  }
0x3c: {  	p2 =	seq.s32 s10, $0x1;
	s10 =	sld [smem:$0x3FB6]  }
0x3d: {  	_ =	shalt  }
0x3e: {  	_ =	shalt  }
0x3f: {  	_ =	shalt  }
0x40: {  	_ =	shalt  }
0x41: {  	_ =	shalt  }
0x42: {  	_ =	shalt  }
0x43: {  	_ =	shalt  }
0x44: {  	_ =	shalt  }
0x45: {  	_ =	shalt  }
0x46: {  	_ =	shalt  }
0x47: {  	_ =	shalt  }
0x48: {  	_ =	shalt  }
0x49: {  	_ =	shalt  }
0x4a: {  	_ =	shalt  }
0x4b: {  	_ =	shalt  }
0x4c: {  	_ =	shalt  }
0x4d: {  	_ =	shalt  }
0x4e: {  	_ =	shalt  }
0x4f: {  	_ =	shalt  }
0x50: {  	_ =	shalt  }
0x51: {  	_ =	shalt  }
0x52: {  	_ =	shalt  }
0x53: {  	_ =	shalt  }
0x54: {  	_ =	shalt  }
0x55: {  	_ =	shalt  }
0x56: {  	_ =	shalt  }
0x57: {  	_ =	shalt  }
0x58: {  	_ =	shalt  }
0x59: {  	_ =	shalt  }
0x5a: {  	_ =	shalt  }
0x5b: {  	_ =	shalt  }
0x5c: {  	_ =	shalt  }
0x5d: {  	_ =	shalt  }
0x5e: {  	_ =	shalt  }
0x5f: {  	_ =	shalt  }
0x60: {  	_ =	shalt  }
0x61: {  	_ =	shalt  }
0x62: {  	_ =	shalt  }
0x63: {  	_ =	shalt  }
0x64: {  	_ =	shalt  }
0x65: {  	_ =	shalt  }
0x66: {  	_ =	shalt  }
0x67: {  	_ =	shalt  }
0x68: {  	_ =	shalt  }
0x69: {  	_ =	shalt  }
0x6a: {  	_ =	shalt  }
0x6b: {  	_ =	shalt  }
0x6c: {  	_ =	shalt  }
0x6d: {  	_ =	shalt  }
0x6e: {  	_ =	shalt  }
0x6f: {  	_ =	shalt  }
0x70: {  	_ =	shalt  }
0x71: {  	_ =	shalt  }
0x72: {  	_ =	shalt  }
0x73: {  	_ =	shalt  }
0x74: {  	_ =	shalt  }
0x75: {  	_ =	shalt  }
0x76: {  	_ =	shalt  }
0x77: {  	_ =	shalt  }
0x78: {  	_ =	shalt  }
0x79: {  	_ =	shalt  }
0x7a: {  	_ =	shalt  }
0x7b: {  	_ =	shalt  }
0x7c: {  	_ =	shalt  }
0x7d: {  	_ =	shalt  }
0x7e: {  	_ =	shalt  }
0x7f: {  	_ =	shalt  }
0x80: {  	_ =	shalt  }
0x81: {  	_ =	shalt  }
0x82: {  	_ =	shalt  }
0x83: {  	_ =	shalt  }
0x84: {  	_ =	shalt  }
0x85: {  	_ =	shalt  }
0x86: {  	_ =	shalt  }
0x87: {  	_ =	shalt  }
.Lfunc_end0:
.L_simem_size_0:
called_computation.4_lowered:
.L_overlay_start_0:
0x88: {  	s2 =	sld [smem:$0x3FD9]  }
0x89: {  	s3 =	sld [smem:$0x3FFE];
	_ =	sdelay $0x1  }
0x8a: {  	s1 =	srdreg.scid  }
0x8b: {  	s0 =	sand.u32 $0x1, s1  }
0x8c: {  	s17 =	sshll.u32 s0, $0xA;
	s2 =	sadd.s32 s3, s2  }
0x8d: {  	s2 =	sadd.s32 s2, s17  }
0x8e: {  	[smem:$0x3FC2] =	sst s2  }
0x8f: {  	_ = 	snop  }
0x90: {  	s2 =	sld [smem:$0x3FD0];
	(tm) =	ssettm $0x1  }
0x91: {  	s18 =	sld [smem:$0x3FFB];
	_ =	sdelay $0x3  }
0x92: {  	_ =	strace s18  }
0x93: {  	s3 =	sld [smem:$0x3FFC];
	_ =	sdelay $0x3  }
0x94: {  	_ =	strace s3  }
0x95: {  	s3 =	sld [smem:$0x3FFD];
	_ =	sdelay $0x3  }
0x96: {  	_ =	strace s3  }
0x97: {  	_ =	strace $0x8FFFFFFF  }
0x98: {  	s19 =	sld [smem:$0x3FDB];
	_ =	sdelay $0x1  }
0x99: {  	s4 =	simm.s32 $_scs_section_size  }
0x9a: {  	s5 =	simm.s32 $_size__tile_overlayer_lowered;
	s6 =	simm.s32 $_tile_overlayer_lowered  }
0x9b: {  	s22 =	simm.s32 $0x1BFF;
	s21 =	sshll.u32 s6, $0x1;
	s3 =	sadd.s32 s4, s19  }
0x9c: {  	s7 =	simm.s32 $0x0;
	s20 =	sshll.u32 s5, $0x1;
	s5 =	sadd.s32 s21, s3  }
0x9d: {  	[timem:s7], [sflag:s22] =	dma.local [hbm:s5], s20  }
0x9e: {  	_ =	swait.ge [sflag:s22], s20  }
0x9f: {  	s4 =	ssub.s32 $0x0, s20;
	[sflag:s22] =	ssyncset.done $0x0  }
0xa0: {  	[sflag:s22] =	ssyncadd.s32 s4;
	_ =	sdelay $0x1  }
0xa1: {  	s23 =	simm.s32 $0x1B8B  }
0xa2: {  	_ =	swait.ge [sflag:s23], $0x1  }
0xa3: {  	[sflag:s23] =	ssyncset.done $0x0  }
0xa4: {  	s25 =	simm.s32 $0x1B8E;
	s24 =	sld [smem:$0x3FFE];
	[sflag:s23] =	ssyncadd.s32 $0xFFFFFFFF  }
0xa5: {  	s26 =	simm.s32 $execute0_lowered;
	[smem:$0x3FD2] =	sst s25  }
0xa6: {  	s5 =	sshll.u32 s26, $0x1;
	_ =	strace $0x80000052;
	[dreg:$0x1] =	wrdreg $0xFFFFFFFF  }
0xa7: {  	s28 =	simm.s32 $_size_execute0_lowered;
	s3 =	sadd.s32 s3, s5;
	[dreg:$0x0] =	wrdreg $0x0  }
0xa8: {  	s5 =	sshll.u32 s28, $0x1;
	[dreg:$0x2] =	wrdreg s3  }
0xa9: {  	[dreg:$0x3] =	wrdreg s5  }
0xaa: {  	[dreg:$0x4] =	wrdreg $0xC0  }
0xab: {  	_ =	task [dreg:s7], $0x5FFFF  }
0xac: {  	[dreg:$0x1] =	wrdreg $0xFFFFFFFF  }
0xad: {  	[dreg:$0x0] =	wrdreg $0x60  }
0xae: {  	[dreg:$0x2] =	wrdreg s2  }
0xaf: {  	[dreg:$0x3] =	wrdreg s24  }
0xb0: {  	[dreg:$0x4] =	wrdreg $0x41000  }
0xb1: {  	[dreg:$0x5] =	wrdreg $0x9  }
0xb2: {  	_ =	task.clear_ibuf [dreg:s7], $0x6FFFF;
	_ =	strace $0x90000052  }
0xb3: {  	s29 =	simm.s32 $0x9;
	_ =	strace $0x80000054  }
0xb4: {  	_ =	swait.ge [sflag:s29], $0x1  }
0xb5: {  	[sflag:s29] =	ssyncadd.s32 $0xFFFFFFFF  }
0xb6: {  	_ =	strace $0x90000054  }
0xb7: {  	_ =	sfence  }
0xb8: {  	s30 =	sld [smem:$0x0];
	_ =	sdelay $0x2  }
0xb9: {  	s31 =	sshll.u32 s1, $0xD;
	s1 =	sshrl.u32 s1, $0x2  }
0xba: {  	s3 =	sand.u32 $0x4000, s31;
	s1 =	sadd.s32 s1, s30  }
0xbb: {  	s0 =	sor.u32 s3, s0;
	s1 =	sshll.u32 s1, $0x11  }
0xbc: {  	s0 =	sor.u32 s1, s0  }
0xbd: {  	s0 =	sadd.s32 $0x8F2B, s0  }
0xbe: {  	[sflag:s0] =	ssyncadd.remote.s32 $0x1  }
0xbf: {  	_ =	sfence.sel $0xFFFF  }
0xc0: {  	[dreg:$0x0] =	wrdreg $0xFFFFFFFF;
	(pc) =	sbr.abs _section_cstart, $3  }
0xc1: {  	[dreg:$0x1] =	wrdreg $0xFFFFFFFF  }
0xc2: {  	_ =	task.clear_ibuf [dreg:s7], $0x2FFFF;
	_ =	strace $0x9FFFFFFF  }
0xc3: {  	(tm) =	ssettm $0x7FFFFFFF  }
tec
execute0_lowered:
.L_overlay_start_1:
0x0: {  	(tag) =	ssettag $0x1  }
0x1: {  	s1 =	rddreg [dreg:$0x0]  }
0x2: {  	s8 =	rddreg [dreg:$0x1]  }
0x3: {  	s2 =	rddreg [dreg:$0x2];
	s3 =	srdreg.scid  }
0x4: {  	s0 =	rddreg [dreg:$0x3];
	s4 =	simm.s32 $0x0;
	s9 =	sand.u32 $0x1, s3  }
0x5: {  	s15 =	simm.s32 $0x100;
	s3 =	stileid.u32;
	s10 =	smul.u32 $0x140000, s9  }
0x6: {  	s16 =	simm.s32 $0x1;
	s17 =	simm.s32 $0x0;
	s11 =	smul.u32 $0x14000, s3  }
0x7: {  	[smem:$0x7FF] =	sst s4;
	s5 =	sadd.s32 $0x62200, s8;
	s12 =	smul.u32 $0x50000, s3  }
0x8: {  	s6 =	sadd.s32 $0x6A00, s8;
	s30 =	ssub.s32 $0x2, s9;
	s9 =	smul.u32 $0x2C000, s9  }
0x9: {  	s7 =	sadd.s32 $0x94400, s8;
	_ =	strace $0x80000053;
	s14 =	smul.u32 $0x2C00, s3  }
0xa: {  	s13 =	sshll.u32 s3, $0x6;
	s31 =	sshrl.u32 s30, $0x1;
	s10 =	sadd.s32 s11, s10  }
0xb: {  	s12 =	sshrl.u32 s12, $0x2;
	s11 =	ssub.s32 s30, s31;
	s9 =	sadd.s32 s14, s9  }
0xc: {  	s14 =	simm.s32 $0x80;
	s10 =	sshrl.u32 s10, $0x3;
	s12 =	sadd.s32 s12, s2  }
0xd: {  	s11 =	smax.u32 s11, $0x1;
	s10 =	sadd.s32 s10, s8;
	s8 =	sor.u32 $0x1C02, s13  }
0xe: {  	s12 =	sshrl.u32 s12, $0x3;
	s13 =	simm.s32 $0x2;
	s10 =	sadd.s32 $0x96C00, s10  }
.LBB2_1:
0xf: {  	[spmem:s12], [sflag:s8] =	dma.local [hbm:s7], $0x2800  }
0x10: {  	s18 =	sand.u32 $0x3C00, s4  }
0x11: {  	s19 =	sand.u32 $0x380, s4;
	_ =	swait.ge [sflag:s13], $0x2800;
	s18 =	sadd.s32 s18, s9  }
0x12: {  	[sflag:s13] =	ssyncset.done $0x0;
	s18 =	sor.u32 s19, s18  }
0x13: {  	[sflag:s13] =	ssyncadd.s32 $0xFFFFD800;
	s18 =	sshrl.u32 s18, $0x3  }
0x14: {  	[bflag:$0x0] =	sbarrier.arrive $0xFFFF;
	s29 =	sadd.s32 s5, s18  }
0x15: {  	[tilespmem:s4], [sflag:$0x2] =	stream.linear.gather [hbm4b:s29+s4], $0x80, $0x38;
	[tilespmem:$0x18100] =	vst v63  }
0x16: {  	_ =	swait.ge [sflag:s13], $0x80  }
0x17: {  	[sflag:s13] =	ssyncset.done $0x0  }
0x18: {  	[sflag:s13] =	ssyncadd.s32 $0xFFFFFF80  }
0x19: {  	[tilespmem:s15], [sflag:$0x1] =	stream.indirect.gather [hbm4b:s1+s14], $0x80, s4, s14, $0xb8;
	[tilespmem:$0x18100] =	vst v63  }
0x1a: {  	s18 =	sadd.s32 s6, s18  }
0x1b: {  	[tilespmem:s14], [sflag:$0x2] =	stream.linear.gather [hbm4b:s18+s4], $0x80, $0x38;
	[tilespmem:$0x18100] =	vst v63  }
0x1c: {  	_ =	swait.ge [sflag:s13], $0x80  }
0x1d: {  	s30 =	simm.s32 $0x80;
	[sflag:s13] =	ssyncset.done $0x0  }
0x1e: {  	s31 =	sand.u32 $0x3C00, s30;
	[sflag:s13] =	ssyncadd.s32 $0xFFFFFF80  }
0x1f: {  	s19 =	sadd.s32 s31, s9;
	s18 =	sand.u32 $0x380, s30;
	_ =	swait.ge [sflag:s16], $0x4000  }
0x20: {  	s19 =	sor.u32 s18, s19;
	[sflag:s16] =	ssyncset.done $0x0  }
0x21: {  	s18 =	simm.s32 $0x100;
	s19 =	sshrl.u32 s19, $0x3;
	[sflag:s16] =	ssyncadd.s32 $0xFFFFC000  }
.LBB2_2:
0x22: {  	[spmem:s2] =	stream.indirect.scatter.add.f32 [tilespmem:s15], [sflag:$0x2], $0x80, s14, s14, $0xb8;
	[tilespmem:$0x18100] =	vst v63  }
0x23: {  	s20 =	smov.u32 s18  }
0x24: {  	p0 =	sne.s32 s18, $0x2800;
	s18 =	sadd.s32 $0x80, s18;
	_ =	swait.ge [sflag:s13], $0x4000  }
0x25: {  	[sflag:s13] =	ssyncset.done $0x0  }
0x26: {  	s21 =	sadd.s32 s5, s19;
	[sflag:s13] =	ssyncadd.s32 $0xFFFFC000  }
0x27: {  	[tilespmem:s4], [sflag:$0x2] =	stream.linear.gather [hbm4b:s21+s4], $0x80, $0x38;
	[tilespmem:$0x18100] =	vst v63  }
0x28: {  	_ =	swait.ge [sflag:s13], $0x80  }
0x29: {  	[sflag:s13] =	ssyncset.done $0x0  }
0x2a: {  	[sflag:s13] =	ssyncadd.s32 $0xFFFFFF80  }
0x2b: {  	[tilespmem:s15], [sflag:$0x1] =	stream.indirect.gather [hbm4b:s1+s14], $0x80, s4, s14, $0xb8;
	[tilespmem:$0x18100] =	vst v63  }
0x2c: {  	s19 =	sadd.s32 s6, s19  }
0x2d: {  	[tilespmem:s14], [sflag:$0x2] =	stream.linear.gather [hbm4b:s19+s4], $0x80, $0x38;
	[tilespmem:$0x18100] =	vst v63  }
0x2e: {  	_ =	swait.ge [sflag:s13], $0x80  }
.Ltmp0:
0x2f: {  	[sflag:s13] =	ssyncset.done $0x0;
	(pc) =	sbr.rel @p0 .LBB2_2-.Ltmp0, $4  }
0x30: {  	s19 =	sand.u32 $0x3C00, s20;
	[sflag:s13] =	ssyncadd.s32 $0xFFFFFF80  }
0x31: {  	s20 =	sand.u32 $0x380, s20;
	s19 =	sadd.s32 s19, s9;
	_ =	swait.ge [sflag:s16], $0x4000  }
0x32: {  	s19 =	sor.u32 s20, s19;
	[sflag:s16] =	ssyncset.done $0x0  }
0x33: {  	s19 =	sshrl.u32 s19, $0x3;
	[sflag:s16] =	ssyncadd.s32 $0xFFFFC000  }
0x34: {  	[spmem:s2] =	stream.indirect.scatter.add.f32 [tilespmem:s15], [sflag:$0x2], $0x80, s14, s14, $0xb8;
	[tilespmem:$0x18100] =	vst v63  }
0x35: {  	_ =	swait.ge [sflag:s13], $0x4000  }
0x36: {  	[sflag:s13] =	ssyncset.done $0x0  }
0x37: {  	s18 =	sadd.s32 s5, s19;
	[sflag:s13] =	ssyncadd.s32 $0xFFFFC000  }
0x38: {  	[tilespmem:s4], [sflag:$0x2] =	stream.linear.gather [hbm4b:s18+s4], $0x80, $0x38;
	[tilespmem:$0x18100] =	vst v63  }
0x39: {  	_ =	swait.ge [sflag:s13], $0x80  }
0x3a: {  	[sflag:s13] =	ssyncset.done $0x0  }
0x3b: {  	[sflag:s13] =	ssyncadd.s32 $0xFFFFFF80  }
0x3c: {  	[tilespmem:s15], [sflag:$0x1] =	stream.indirect.gather [hbm4b:s1+s14], $0x80, s4, s14, $0xb8;
	[tilespmem:$0x18100] =	vst v63  }
0x3d: {  	s31 =	sadd.s32 s6, s19  }
0x3e: {  	[tilespmem:s14], [sflag:$0x2] =	stream.linear.gather [hbm4b:s31+s4], $0x80, $0x38;
	[tilespmem:$0x18100] =	vst v63  }
0x3f: {  	_ =	swait.ge [sflag:s13], $0x80  }
0x40: {  	[sflag:s13] =	ssyncset.done $0x0  }
0x41: {  	[sflag:s13] =	ssyncadd.s32 $0xFFFFFF80  }
0x42: {  	_ =	swait.ge [sflag:s16], $0x4000  }
0x43: {  	[sflag:s16] =	ssyncset.done $0x0  }
0x44: {  	[sflag:s16] =	ssyncadd.s32 $0xFFFFC000  }
0x45: {  	[spmem:s2] =	stream.indirect.scatter.add.f32 [tilespmem:s15], [sflag:$0x2], $0x80, s14, s14, $0xb8;
	[tilespmem:$0x18100] =	vst v63  }
0x46: {  	_ =	swait.ge [sflag:s13], $0x4000  }
0x47: {  	s17 =	sadd.s32 $0x1, s17;
	[sflag:s13] =	ssyncset.done $0x0  }
0x48: {  	p0 =	sne.s32 s17, s11;
	[sflag:s13] =	ssyncadd.s32 $0xFFFFC000  }
.Ltmp1:
0x49: {  	[bflag:$0x0] =	sbarrier.arrive $0xFFFF;
	(pc) =	sbr.rel @p0 .LBB2_1-.Ltmp1, $4  }
0x4a: {  	[hbm:s10], [sflag:s8] =	dma.local [spmem:s12], $0x2800  }
0x4b: {  	_ =	swait.ge [sflag:s13], $0x2800  }
0x4c: {  	[sflag:s13] =	ssyncset.done $0x0  }
0x4d: {  	[sflag:s13] =	ssyncadd.s32 $0xFFFFD800  }
0x4e: {  	_ =	sfence.sel $0x180000  }
0x4f: {  	[bflag:$0x0] =	sbarrier.arrive $0xFFFF  }
0x50: {  	p0 =	sne.s32 s3, $0x0;
	_ =	strace $0x90000053  }
0x51: {  	s0 =	sadd.s32 @!p0 $0x100000, s0;
	[bflag:$0x2] =	sbarrier.arrive $0xFFFF  }
0x52: {  	[sflag:s0] =	ssyncadd.tile.s32 @!p0 $0x1;
	_ =	shalt  }
.Lfunc_end2:
_tile_overlayer_lowered:
.L_overlay_start_2:
0x53: {  	(tag) =	ssettag $0x2  }
0x54: {  	s0 =	rddreg [dreg:$0x0];
	s2 =	stileid.u32  }
0x55: {  	s1 =	rddreg [dreg:$0x1];
	p0 =	sne.s32 s2, $0x0  }
0x56: {  	s3 =	rddreg [dreg:$0x2];
	[bflag:$0x3] =	sbarrier.arrive $0xFFFF;
	s2 =	simm.s32 @!p0 $0x1C02  }
0x57: {  	[timem:s3], [sflag:s2] =	dma.local @!p0 [hbm:s0], s1  }
0x58: {  	s0 =	simm.s32 @!p0 $0x2  }
0x59: {  	_ =	swait.ge @!p0 [sflag:s0], s1  }
0x5a: {  	s1 =	ssub.s32 @!p0 $0x0, s1;
	[sflag:s0] =	ssyncset.done @!p0 $0x0  }
0x5b: {  	[sflag:s0] =	ssyncadd.s32 @!p0 s1  }
0x5c: {  	[bflag:$0x3] =	sbarrier.arrive $0xFFFF  }
0x5d: {  	_ =	shalt  }

// kernel: kernel.39.cloned.1.call-start
scs
__scs_entry_jumppad:
0x0: {  	(pc) =	sbr.rel $0x88, $3  }
0x1: {  	(tag) =	ssettag $0x0;
	lr =	simm.s32 $0x1  }
0x2: {  	[smem:$0x3F9B] =	sst lr;
	_ =	strace $0xD0000000  }
0x3: {  	_ = 	snop  }
0x4: {  	_ = 	snop  }
0x5: {  	_ = 	snop  }
0x6: {  	_ = 	snop  }
0x7: {  	_ = 	snop  }
__scs_overlays_trampoline_lowered:
0x8: {  	[smem:$0x3FAA] =	sst s0  }
0x9: {  	[smem:$0x3FAB] =	sst s1  }
0xa: {  	[smem:$0x3FAC] =	sst s2  }
0xb: {  	[smem:$0x3FAD] =	sst s3  }
0xc: {  	[smem:$0x3FAE] =	sst s4  }
0xd: {  	[smem:$0x3FAF] =	sst s5  }
0xe: {  	[smem:$0x3FB0] =	sst s6  }
0xf: {  	[smem:$0x3FB1] =	sst s7  }
0x10: {  	[smem:$0x3FB2] =	sst s8  }
0x11: {  	[smem:$0x3FB3] =	sst s9;
	s0 =	simm.s32 @!p0 $0x0  }
0x12: {  	s1 =	sld [smem:$0x3F99];
	s0 =	simm.s32 @p0 $0x1  }
0x13: {  	[smem:$0x3FB4] =	sst s0;
	s0 =	simm.s32 @!p1 $0x0  }
0x14: {  	s2 =	sld [smem:$0x3F98];
	s0 =	simm.s32 @p1 $0x1  }
0x15: {  	[smem:$0x3FB5] =	sst s0;
	s0 =	simm.s32 @!p2 $0x0  }
0x16: {  	s3 =	sld [smem:$0x3FDB];
	s0 =	simm.s32 @p2 $0x1  }
0x17: {  	s4 =	simm.s32 $0x1BF5;
	[smem:$0x3FB7] =	sst s0  }
0x18: {  	s0 =	sld [smem:$0x3F9A];
	_ =	swait.ge [sflag:s4], $0x0  }
0x19: {  	s7 =	sld [smem:$0x3F9B]  }
0x1a: {  	s8 =	sadd.s32 $0xFFFFE003, lr  }
0x1b: {  	s9 =	sadd.s32 $0xFFFFFEF7, lr;
	s5 =	simm.s32 $0xFFFFFFFF;
	p2 =	slt.u32 s8, $0xFFFFF086  }
0x1c: {  	p1 =	slt.u32 s9, $0xF7A;
	s5 =	simm.s32 @!p2 $0x0  }
0x1d: {  	s5 =	simm.s32 @p1 $0x1;
	p0 =	seq.s32 s7, s2  }
0x1e: {  	s7 =	smul.u32 @!p0 $0xF7A, s2;
	p2 =	seq.s32 @!p0 s5, $0x0  }
0x1f: {  	s9 =	smul.u32 $0xF7A, s1;
	s8 =	simm.s32 @!p0 $0x1BF5;
	p2 =	por !p2, p0  }
0x20: {  	[sflag:s8] =	ssyncset.s32 @!p0 $0xFFFFF086;
	s6 =	sadd.s32 @!p0 s3, s7;
	s7 =	simm.s32 @!p0 $0x108  }
0x21: {  	s3 =	sadd.s32 s3, s9;
	s6 =	sadd.s32 @!p0 $0x88, s6;
	s7 =	simm.s32 @p2 $0x1082  }
0x22: {  	[simem:s7], [sflag:s8] =	dma.local @!p0 [hbm:s6], $0xF7A  }
0x23: {  	s9 =	sor.u32 $0xD0000000, s2;
	s6 =	simm.s32 $0x108;
	_ =	swait.ge @!p0 [sflag:s8], $0x0  }
0x24: {  	s3 =	sadd.s32 $0x88, s3;
	s6 =	simm.s32 @!p1 $0x1082;
	[sflag:s4] =	ssyncset.s32 $0xFFFFF086  }
0x25: {  	[simem:s6], [sflag:s4] =	dma.local [hbm:s3], $0xF7A  }
0x26: {  	[smem:$0x3F9B] =	sst s1;
	(tag) =	ssettag s2;
	_ =	strace s9  }
0x27: {  	s1 =	sld [smem:$0x3FAB]  }
0x28: {  	s2 =	sld [smem:$0x3FAC]  }
0x29: {  	s4 =	sld [smem:$0x3FAE]  }
0x2a: {  	p0 =	seq.s32 s5, $0x0;
	s5 =	sld [smem:$0x3FAF]  }
0x2b: {  	s6 =	sld [smem:$0x3FB0]  }
0x2c: {  	s7 =	sld [smem:$0x3FB1]  }
0x2d: {  	s3 =	simm.s32 $0x108;
	s8 =	sld [smem:$0x3FB2]  }
0x2e: {  	s3 =	simm.s32 @!p0 $0x1082;
	s9 =	sld [smem:$0x3FB3]  }
0x2f: {  	lr =	sadd.s32 s0, s3;
	s0 =	sld [smem:$0x3FAA]  }
0x30: {  	s3 =	sld [smem:$0x3FAD]  }
0x31: {  	[smem:$0x3FB6] =	sst s10  }
0x32: {  	s10 =	sld [smem:$0x3FB4];
	_ =	sdelay $0x3  }
0x33: {  	p0 =	seq.s32 s10, $0x1;
	s10 =	sld [smem:$0x3FB6];
	_ =	sdelay $0x3  }
0x34: {  	[smem:$0x3FB6] =	sst s10  }
0x35: {  	s10 =	sld [smem:$0x3FB5];
	_ =	sdelay $0x3  }
0x36: {  	p1 =	seq.s32 s10, $0x1;
	s10 =	sld [smem:$0x3FB6];
	_ =	sdelay $0x3  }
0x37: {  	[smem:$0x3FB6] =	sst s10  }
0x38: {  	s10 =	sld [smem:$0x3FB7]  }
0x39: {  	_ = 	snop;
	(pc) =	sbr.ind lr, $3  }
0x3a: {  	_ = 	snop  }
0x3b: {  	_ = 	snop  }
0x3c: {  	p2 =	seq.s32 s10, $0x1;
	s10 =	sld [smem:$0x3FB6]  }
0x3d: {  	_ =	shalt  }
0x3e: {  	_ =	shalt  }
0x3f: {  	_ =	shalt  }
0x40: {  	_ =	shalt  }
0x41: {  	_ =	shalt  }
0x42: {  	_ =	shalt  }
0x43: {  	_ =	shalt  }
0x44: {  	_ =	shalt  }
0x45: {  	_ =	shalt  }
0x46: {  	_ =	shalt  }
0x47: {  	_ =	shalt  }
0x48: {  	_ =	shalt  }
0x49: {  	_ =	shalt  }
0x4a: {  	_ =	shalt  }
0x4b: {  	_ =	shalt  }
0x4c: {  	_ =	shalt  }
0x4d: {  	_ =	shalt  }
0x4e: {  	_ =	shalt  }
0x4f: {  	_ =	shalt  }
0x50: {  	_ =	shalt  }
0x51: {  	_ =	shalt  }
0x52: {  	_ =	shalt  }
0x53: {  	_ =	shalt  }
0x54: {  	_ =	shalt  }
0x55: {  	_ =	shalt  }
0x56: {  	_ =	shalt  }
0x57: {  	_ =	shalt  }
0x58: {  	_ =	shalt  }
0x59: {  	_ =	shalt  }
0x5a: {  	_ =	shalt  }
0x5b: {  	_ =	shalt  }
0x5c: {  	_ =	shalt  }
0x5d: {  	_ =	shalt  }
0x5e: {  	_ =	shalt  }
0x5f: {  	_ =	shalt  }
0x60: {  	_ =	shalt  }
0x61: {  	_ =	shalt  }
0x62: {  	_ =	shalt  }
0x63: {  	_ =	shalt  }
0x64: {  	_ =	shalt  }
0x65: {  	_ =	shalt  }
0x66: {  	_ =	shalt  }
0x67: {  	_ =	shalt  }
0x68: {  	_ =	shalt  }
0x69: {  	_ =	shalt  }
0x6a: {  	_ =	shalt  }
0x6b: {  	_ =	shalt  }
0x6c: {  	_ =	shalt  }
0x6d: {  	_ =	shalt  }
0x6e: {  	_ =	shalt  }
0x6f: {  	_ =	shalt  }
0x70: {  	_ =	shalt  }
0x71: {  	_ =	shalt  }
0x72: {  	_ =	shalt  }
0x73: {  	_ =	shalt  }
0x74: {  	_ =	shalt  }
0x75: {  	_ =	shalt  }
0x76: {  	_ =	shalt  }
0x77: {  	_ =	shalt  }
0x78: {  	_ =	shalt  }
0x79: {  	_ =	shalt  }
0x7a: {  	_ =	shalt  }
0x7b: {  	_ =	shalt  }
0x7c: {  	_ =	shalt  }
0x7d: {  	_ =	shalt  }
0x7e: {  	_ =	shalt  }
0x7f: {  	_ =	shalt  }
0x80: {  	_ =	shalt  }
0x81: {  	_ =	shalt  }
0x82: {  	_ =	shalt  }
0x83: {  	_ =	shalt  }
0x84: {  	_ =	shalt  }
0x85: {  	_ =	shalt  }
0x86: {  	_ =	shalt  }
0x87: {  	_ =	shalt  }
.Lfunc_end0:
.L_simem_size_0:
called_computation.5_lowered:
.L_overlay_start_0:
0x88: {  	s2 =	sld [smem:$0x3FD9]  }
0x89: {  	s3 =	sld [smem:$0x3FFE];
	_ =	sdelay $0x1  }
0x8a: {  	s1 =	srdreg.scid  }
0x8b: {  	s0 =	sand.u32 $0x1, s1  }
0x8c: {  	s17 =	sshll.u32 s0, $0xA;
	s2 =	sadd.s32 s3, s2  }
0x8d: {  	s2 =	sadd.s32 s2, s17  }
0x8e: {  	[smem:$0x3FC2] =	sst s2  }
0x8f: {  	_ = 	snop  }
0x90: {  	s2 =	sld [smem:$0x3FD0];
	(tm) =	ssettm $0x1  }
0x91: {  	s18 =	sld [smem:$0x3FFB];
	_ =	sdelay $0x3  }
0x92: {  	_ =	strace s18  }
0x93: {  	s3 =	sld [smem:$0x3FFC];
	_ =	sdelay $0x3  }
0x94: {  	_ =	strace s3  }
0x95: {  	s3 =	sld [smem:$0x3FFD];
	_ =	sdelay $0x3  }
0x96: {  	_ =	strace s3  }
0x97: {  	_ =	strace $0x8FFFFFFF  }
0x98: {  	s19 =	sld [smem:$0x3FDB];
	_ =	sdelay $0x1  }
0x99: {  	s4 =	simm.s32 $_scs_section_size  }
0x9a: {  	s5 =	simm.s32 $_size__tile_overlayer_lowered;
	s6 =	simm.s32 $_tile_overlayer_lowered  }
0x9b: {  	s22 =	simm.s32 $0x1BFF;
	s21 =	sshll.u32 s6, $0x1;
	s3 =	sadd.s32 s4, s19  }
0x9c: {  	s7 =	simm.s32 $0x0;
	s20 =	sshll.u32 s5, $0x1;
	s5 =	sadd.s32 s21, s3  }
0x9d: {  	[timem:s7], [sflag:s22] =	dma.local [hbm:s5], s20  }
0x9e: {  	_ =	swait.ge [sflag:s22], s20  }
0x9f: {  	s4 =	ssub.s32 $0x0, s20;
	[sflag:s22] =	ssyncset.done $0x0  }
0xa0: {  	[sflag:s22] =	ssyncadd.s32 s4;
	_ =	sdelay $0x1  }
0xa1: {  	s23 =	simm.s32 $0x1B8B  }
0xa2: {  	_ =	swait.ge [sflag:s23], $0x1  }
0xa3: {  	[sflag:s23] =	ssyncset.done $0x0  }
0xa4: {  	s25 =	simm.s32 $0x1B8E;
	s24 =	sld [smem:$0x3FFE];
	[sflag:s23] =	ssyncadd.s32 $0xFFFFFFFF  }
0xa5: {  	s26 =	simm.s32 $execute0_lowered;
	[smem:$0x3FD2] =	sst s25  }
0xa6: {  	s5 =	sshll.u32 s26, $0x1;
	_ =	strace $0x80000055;
	[dreg:$0x1] =	wrdreg $0xFFFFFFFF  }
0xa7: {  	s28 =	simm.s32 $_size_execute0_lowered;
	s3 =	sadd.s32 s3, s5;
	[dreg:$0x0] =	wrdreg $0x0  }
0xa8: {  	s5 =	sshll.u32 s28, $0x1;
	[dreg:$0x2] =	wrdreg s3  }
0xa9: {  	[dreg:$0x3] =	wrdreg s5  }
0xaa: {  	[dreg:$0x4] =	wrdreg $0xC0  }
0xab: {  	_ =	task [dreg:s7], $0x5FFFF  }
0xac: {  	[dreg:$0x1] =	wrdreg $0xFFFFFFFF  }
0xad: {  	[dreg:$0x0] =	wrdreg $0x60  }
0xae: {  	[dreg:$0x2] =	wrdreg s2  }
0xaf: {  	[dreg:$0x3] =	wrdreg s24  }
0xb0: {  	[dreg:$0x4] =	wrdreg $0x41000  }
0xb1: {  	[dreg:$0x5] =	wrdreg $0x9  }
0xb2: {  	_ =	task.clear_ibuf [dreg:s7], $0x6FFFF;
	_ =	strace $0x90000055  }
0xb3: {  	s29 =	simm.s32 $0x9;
	_ =	strace $0x80000057  }
0xb4: {  	_ =	swait.ge [sflag:s29], $0x1  }
0xb5: {  	[sflag:s29] =	ssyncadd.s32 $0xFFFFFFFF  }
0xb6: {  	_ =	strace $0x90000057  }
0xb7: {  	_ =	sfence  }
0xb8: {  	s30 =	sld [smem:$0x0];
	_ =	sdelay $0x2  }
0xb9: {  	s31 =	sshll.u32 s1, $0xD;
	s1 =	sshrl.u32 s1, $0x2  }
0xba: {  	s3 =	sand.u32 $0x4000, s31;
	s1 =	sadd.s32 s1, s30  }
0xbb: {  	s0 =	sor.u32 s3, s0;
	s1 =	sshll.u32 s1, $0x11  }
0xbc: {  	s0 =	sor.u32 s1, s0  }
0xbd: {  	s0 =	sadd.s32 $0x8F2B, s0  }
0xbe: {  	[sflag:s0] =	ssyncadd.remote.s32 $0x1  }
0xbf: {  	_ =	sfence.sel $0xFFFF  }
0xc0: {  	[dreg:$0x0] =	wrdreg $0xFFFFFFFF;
	(pc) =	sbr.abs _section_cstart, $3  }
0xc1: {  	[dreg:$0x1] =	wrdreg $0xFFFFFFFF  }
0xc2: {  	_ =	task.clear_ibuf [dreg:s7], $0x2FFFF;
	_ =	strace $0x9FFFFFFF  }
0xc3: {  	(tm) =	ssettm $0x7FFFFFFF  }
tec
execute0_lowered:
.L_overlay_start_1:
0x0: {  	(tag) =	ssettag $0x1  }
0x1: {  	s1 =	rddreg [dreg:$0x0]  }
0x2: {  	s8 =	rddreg [dreg:$0x1]  }
0x3: {  	s2 =	rddreg [dreg:$0x2];
	s3 =	srdreg.scid  }
0x4: {  	s0 =	rddreg [dreg:$0x3];
	s4 =	simm.s32 $0x0;
	s9 =	sand.u32 $0x1, s3  }
0x5: {  	s15 =	simm.s32 $0x100;
	s3 =	stileid.u32;
	s10 =	smul.u32 $0x140000, s9  }
0x6: {  	s16 =	simm.s32 $0x1;
	s17 =	simm.s32 $0x0;
	s11 =	smul.u32 $0x14000, s3  }
0x7: {  	[smem:$0x7FF] =	sst s4;
	s5 =	sadd.s32 $0x62200, s8;
	s12 =	smul.u32 $0x50000, s3  }
0x8: {  	s6 =	sadd.s32 $0x6A00, s8;
	s30 =	ssub.s32 $0x2, s9;
	s9 =	smul.u32 $0x2C000, s9  }
0x9: {  	s7 =	sadd.s32 $0x94400, s8;
	_ =	strace $0x80000056;
	s14 =	smul.u32 $0x2C00, s3  }
0xa: {  	s13 =	sshll.u32 s3, $0x6;
	s31 =	sshrl.u32 s30, $0x1;
	s10 =	sadd.s32 s11, s10  }
0xb: {  	s12 =	sshrl.u32 s12, $0x2;
	s11 =	ssub.s32 s30, s31;
	s9 =	sadd.s32 s14, s9  }
0xc: {  	s14 =	simm.s32 $0x80;
	s10 =	sshrl.u32 s10, $0x3;
	s12 =	sadd.s32 s12, s2  }
0xd: {  	s11 =	smax.u32 s11, $0x1;
	s10 =	sadd.s32 s10, s8;
	s8 =	sor.u32 $0x1C02, s13  }
0xe: {  	s12 =	sshrl.u32 s12, $0x3;
	s13 =	simm.s32 $0x2;
	s10 =	sadd.s32 $0x96C00, s10  }
.LBB2_1:
0xf: {  	[spmem:s12], [sflag:s8] =	dma.local [hbm:s7], $0x2800  }
0x10: {  	s18 =	sand.u32 $0x3C00, s4  }
0x11: {  	s19 =	sand.u32 $0x380, s4;
	_ =	swait.ge [sflag:s13], $0x2800;
	s18 =	sadd.s32 s18, s9  }
0x12: {  	[sflag:s13] =	ssyncset.done $0x0;
	s18 =	sor.u32 s19, s18  }
0x13: {  	[sflag:s13] =	ssyncadd.s32 $0xFFFFD800;
	s18 =	sshrl.u32 s18, $0x3  }
0x14: {  	[bflag:$0x0] =	sbarrier.arrive $0xFFFF;
	s29 =	sadd.s32 s5, s18  }
0x15: {  	[tilespmem:s4], [sflag:$0x2] =	stream.linear.gather [hbm4b:s29+s4], $0x80, $0x38;
	[tilespmem:$0x18100] =	vst v63  }
0x16: {  	_ =	swait.ge [sflag:s13], $0x80  }
0x17: {  	[sflag:s13] =	ssyncset.done $0x0  }
0x18: {  	[sflag:s13] =	ssyncadd.s32 $0xFFFFFF80  }
0x19: {  	[tilespmem:s15], [sflag:$0x1] =	stream.indirect.gather [hbm4b:s1+s14], $0x80, s4, s14, $0xb8;
	[tilespmem:$0x18100] =	vst v63  }
0x1a: {  	s18 =	sadd.s32 s6, s18  }
0x1b: {  	[tilespmem:s14], [sflag:$0x2] =	stream.linear.gather [hbm4b:s18+s4], $0x80, $0x38;
	[tilespmem:$0x18100] =	vst v63  }
0x1c: {  	_ =	swait.ge [sflag:s13], $0x80  }
0x1d: {  	s30 =	simm.s32 $0x80;
	[sflag:s13] =	ssyncset.done $0x0  }
0x1e: {  	s31 =	sand.u32 $0x3C00, s30;
	[sflag:s13] =	ssyncadd.s32 $0xFFFFFF80  }
0x1f: {  	s19 =	sadd.s32 s31, s9;
	s18 =	sand.u32 $0x380, s30;
	_ =	swait.ge [sflag:s16], $0x4000  }
0x20: {  	s19 =	sor.u32 s18, s19;
	[sflag:s16] =	ssyncset.done $0x0  }
0x21: {  	s18 =	simm.s32 $0x100;
	s19 =	sshrl.u32 s19, $0x3;
	[sflag:s16] =	ssyncadd.s32 $0xFFFFC000  }
.LBB2_2:
0x22: {  	[spmem:s2] =	stream.indirect.scatter.add.f32 [tilespmem:s15], [sflag:$0x2], $0x80, s14, s14, $0xb8;
	[tilespmem:$0x18100] =	vst v63  }
0x23: {  	s20 =	smov.u32 s18  }
0x24: {  	p0 =	sne.s32 s18, $0x2800;
	s18 =	sadd.s32 $0x80, s18;
	_ =	swait.ge [sflag:s13], $0x4000  }
0x25: {  	[sflag:s13] =	ssyncset.done $0x0  }
0x26: {  	s21 =	sadd.s32 s5, s19;
	[sflag:s13] =	ssyncadd.s32 $0xFFFFC000  }
0x27: {  	[tilespmem:s4], [sflag:$0x2] =	stream.linear.gather [hbm4b:s21+s4], $0x80, $0x38;
	[tilespmem:$0x18100] =	vst v63  }
0x28: {  	_ =	swait.ge [sflag:s13], $0x80  }
0x29: {  	[sflag:s13] =	ssyncset.done $0x0  }
0x2a: {  	[sflag:s13] =	ssyncadd.s32 $0xFFFFFF80  }
0x2b: {  	[tilespmem:s15], [sflag:$0x1] =	stream.indirect.gather [hbm4b:s1+s14], $0x80, s4, s14, $0xb8;
	[tilespmem:$0x18100] =	vst v63  }
0x2c: {  	s19 =	sadd.s32 s6, s19  }
0x2d: {  	[tilespmem:s14], [sflag:$0x2] =	stream.linear.gather [hbm4b:s19+s4], $0x80, $0x38;
	[tilespmem:$0x18100] =	vst v63  }
0x2e: {  	_ =	swait.ge [sflag:s13], $0x80  }
.Ltmp0:
0x2f: {  	[sflag:s13] =	ssyncset.done $0x0;
	(pc) =	sbr.rel @p0 .LBB2_2-.Ltmp0, $4  }
0x30: {  	s19 =	sand.u32 $0x3C00, s20;
	[sflag:s13] =	ssyncadd.s32 $0xFFFFFF80  }
0x31: {  	s20 =	sand.u32 $0x380, s20;
	s19 =	sadd.s32 s19, s9;
	_ =	swait.ge [sflag:s16], $0x4000  }
0x32: {  	s19 =	sor.u32 s20, s19;
	[sflag:s16] =	ssyncset.done $0x0  }
0x33: {  	s19 =	sshrl.u32 s19, $0x3;
	[sflag:s16] =	ssyncadd.s32 $0xFFFFC000  }
0x34: {  	[spmem:s2] =	stream.indirect.scatter.add.f32 [tilespmem:s15], [sflag:$0x2], $0x80, s14, s14, $0xb8;
	[tilespmem:$0x18100] =	vst v63  }
0x35: {  	_ =	swait.ge [sflag:s13], $0x4000  }
0x36: {  	[sflag:s13] =	ssyncset.done $0x0  }
0x37: {  	s18 =	sadd.s32 s5, s19;
	[sflag:s13] =	ssyncadd.s32 $0xFFFFC000  }
0x38: {  	[tilespmem:s4], [sflag:$0x2] =	stream.linear.gather [hbm4b:s18+s4], $0x80, $0x38;
	[tilespmem:$0x18100] =	vst v63  }
0x39: {  	_ =	swait.ge [sflag:s13], $0x80  }
0x3a: {  	[sflag:s13] =	ssyncset.done $0x0  }
0x3b: {  	[sflag:s13] =	ssyncadd.s32 $0xFFFFFF80  }
0x3c: {  	[tilespmem:s15], [sflag:$0x1] =	stream.indirect.gather [hbm4b:s1+s14], $0x80, s4, s14, $0xb8;
	[tilespmem:$0x18100] =	vst v63  }
0x3d: {  	s31 =	sadd.s32 s6, s19  }
0x3e: {  	[tilespmem:s14], [sflag:$0x2] =	stream.linear.gather [hbm4b:s31+s4], $0x80, $0x38;
	[tilespmem:$0x18100] =	vst v63  }
0x3f: {  	_ =	swait.ge [sflag:s13], $0x80  }
0x40: {  	[sflag:s13] =	ssyncset.done $0x0  }
0x41: {  	[sflag:s13] =	ssyncadd.s32 $0xFFFFFF80  }
0x42: {  	_ =	swait.ge [sflag:s16], $0x4000  }
0x43: {  	[sflag:s16] =	ssyncset.done $0x0  }
0x44: {  	[sflag:s16] =	ssyncadd.s32 $0xFFFFC000  }
0x45: {  	[spmem:s2] =	stream.indirect.scatter.add.f32 [tilespmem:s15], [sflag:$0x2], $0x80, s14, s14, $0xb8;
	[tilespmem:$0x18100] =	vst v63  }
0x46: {  	_ =	swait.ge [sflag:s13], $0x4000  }
0x47: {  	s17 =	sadd.s32 $0x1, s17;
	[sflag:s13] =	ssyncset.done $0x0  }
0x48: {  	p0 =	sne.s32 s17, s11;
	[sflag:s13] =	ssyncadd.s32 $0xFFFFC000  }
.Ltmp1:
0x49: {  	[bflag:$0x0] =	sbarrier.arrive $0xFFFF;
	(pc) =	sbr.rel @p0 .LBB2_1-.Ltmp1, $4  }
0x4a: {  	[hbm:s10], [sflag:s8] =	dma.local [spmem:s12], $0x2800  }
0x4b: {  	_ =	swait.ge [sflag:s13], $0x2800  }
0x4c: {  	[sflag:s13] =	ssyncset.done $0x0  }
0x4d: {  	[sflag:s13] =	ssyncadd.s32 $0xFFFFD800  }
0x4e: {  	_ =	sfence.sel $0x180000  }
0x4f: {  	[bflag:$0x0] =	sbarrier.arrive $0xFFFF  }
0x50: {  	p0 =	sne.s32 s3, $0x0;
	_ =	strace $0x90000056  }
0x51: {  	s0 =	sadd.s32 @!p0 $0x100000, s0;
	[bflag:$0x2] =	sbarrier.arrive $0xFFFF  }
0x52: {  	[sflag:s0] =	ssyncadd.tile.s32 @!p0 $0x1;
	_ =	shalt  }
.Lfunc_end2:
_tile_overlayer_lowered:
.L_overlay_start_2:
0x53: {  	(tag) =	ssettag $0x2  }
0x54: {  	s0 =	rddreg [dreg:$0x0];
	s2 =	stileid.u32  }
0x55: {  	s1 =	rddreg [dreg:$0x1];
	p0 =	sne.s32 s2, $0x0  }
0x56: {  	s3 =	rddreg [dreg:$0x2];
	[bflag:$0x3] =	sbarrier.arrive $0xFFFF;
	s2 =	simm.s32 @!p0 $0x1C02  }
0x57: {  	[timem:s3], [sflag:s2] =	dma.local @!p0 [hbm:s0], s1  }
0x58: {  	s0 =	simm.s32 @!p0 $0x2  }
0x59: {  	_ =	swait.ge @!p0 [sflag:s0], s1  }
0x5a: {  	s1 =	ssub.s32 @!p0 $0x0, s1;
	[sflag:s0] =	ssyncset.done @!p0 $0x0  }
0x5b: {  	[sflag:s0] =	ssyncadd.s32 @!p0 s1  }
0x5c: {  	[bflag:$0x3] =	sbarrier.arrive $0xFFFF  }
0x5d: {  	_ =	shalt  }

// kernel: kernel.42.cloned.1.call-start
scs
__scs_entry_jumppad:
0x0: {  	(pc) =	sbr.rel $0x88, $3  }
0x1: {  	(tag) =	ssettag $0x0;
	lr =	simm.s32 $0x1  }
0x2: {  	[smem:$0x3F9B] =	sst lr;
	_ =	strace $0xD0000000  }
0x3: {  	_ = 	snop  }
0x4: {  	_ = 	snop  }
0x5: {  	_ = 	snop  }
0x6: {  	_ = 	snop  }
0x7: {  	_ = 	snop  }
__scs_overlays_trampoline_lowered:
0x8: {  	[smem:$0x3FAA] =	sst s0  }
0x9: {  	[smem:$0x3FAB] =	sst s1  }
0xa: {  	[smem:$0x3FAC] =	sst s2  }
0xb: {  	[smem:$0x3FAD] =	sst s3  }
0xc: {  	[smem:$0x3FAE] =	sst s4  }
0xd: {  	[smem:$0x3FAF] =	sst s5  }
0xe: {  	[smem:$0x3FB0] =	sst s6  }
0xf: {  	[smem:$0x3FB1] =	sst s7  }
0x10: {  	[smem:$0x3FB2] =	sst s8  }
0x11: {  	[smem:$0x3FB3] =	sst s9;
	s0 =	simm.s32 @!p0 $0x0  }
0x12: {  	s1 =	sld [smem:$0x3F99];
	s0 =	simm.s32 @p0 $0x1  }
0x13: {  	[smem:$0x3FB4] =	sst s0;
	s0 =	simm.s32 @!p1 $0x0  }
0x14: {  	s2 =	sld [smem:$0x3F98];
	s0 =	simm.s32 @p1 $0x1  }
0x15: {  	[smem:$0x3FB5] =	sst s0;
	s0 =	simm.s32 @!p2 $0x0  }
0x16: {  	s3 =	sld [smem:$0x3FDB];
	s0 =	simm.s32 @p2 $0x1  }
0x17: {  	s4 =	simm.s32 $0x1BF5;
	[smem:$0x3FB7] =	sst s0  }
0x18: {  	s0 =	sld [smem:$0x3F9A];
	_ =	swait.ge [sflag:s4], $0x0  }
0x19: {  	s7 =	sld [smem:$0x3F9B]  }
0x1a: {  	s8 =	sadd.s32 $0xFFFFE003, lr  }
0x1b: {  	s9 =	sadd.s32 $0xFFFFFEF7, lr;
	s5 =	simm.s32 $0xFFFFFFFF;
	p2 =	slt.u32 s8, $0xFFFFF086  }
0x1c: {  	p1 =	slt.u32 s9, $0xF7A;
	s5 =	simm.s32 @!p2 $0x0  }
0x1d: {  	s5 =	simm.s32 @p1 $0x1;
	p0 =	seq.s32 s7, s2  }
0x1e: {  	s7 =	smul.u32 @!p0 $0xF7A, s2;
	p2 =	seq.s32 @!p0 s5, $0x0  }
0x1f: {  	s9 =	smul.u32 $0xF7A, s1;
	s8 =	simm.s32 @!p0 $0x1BF5;
	p2 =	por !p2, p0  }
0x20: {  	[sflag:s8] =	ssyncset.s32 @!p0 $0xFFFFF086;
	s6 =	sadd.s32 @!p0 s3, s7;
	s7 =	simm.s32 @!p0 $0x108  }
0x21: {  	s3 =	sadd.s32 s3, s9;
	s6 =	sadd.s32 @!p0 $0x88, s6;
	s7 =	simm.s32 @p2 $0x1082  }
0x22: {  	[simem:s7], [sflag:s8] =	dma.local @!p0 [hbm:s6], $0xF7A  }
0x23: {  	s9 =	sor.u32 $0xD0000000, s2;
	s6 =	simm.s32 $0x108;
	_ =	swait.ge @!p0 [sflag:s8], $0x0  }
0x24: {  	s3 =	sadd.s32 $0x88, s3;
	s6 =	simm.s32 @!p1 $0x1082;
	[sflag:s4] =	ssyncset.s32 $0xFFFFF086  }
0x25: {  	[simem:s6], [sflag:s4] =	dma.local [hbm:s3], $0xF7A  }
0x26: {  	[smem:$0x3F9B] =	sst s1;
	(tag) =	ssettag s2;
	_ =	strace s9  }
0x27: {  	s1 =	sld [smem:$0x3FAB]  }
0x28: {  	s2 =	sld [smem:$0x3FAC]  }
0x29: {  	s4 =	sld [smem:$0x3FAE]  }
0x2a: {  	p0 =	seq.s32 s5, $0x0;
	s5 =	sld [smem:$0x3FAF]  }
0x2b: {  	s6 =	sld [smem:$0x3FB0]  }
0x2c: {  	s7 =	sld [smem:$0x3FB1]  }
0x2d: {  	s3 =	simm.s32 $0x108;
	s8 =	sld [smem:$0x3FB2]  }
0x2e: {  	s3 =	simm.s32 @!p0 $0x1082;
	s9 =	sld [smem:$0x3FB3]  }
0x2f: {  	lr =	sadd.s32 s0, s3;
	s0 =	sld [smem:$0x3FAA]  }
0x30: {  	s3 =	sld [smem:$0x3FAD]  }
0x31: {  	[smem:$0x3FB6] =	sst s10  }
0x32: {  	s10 =	sld [smem:$0x3FB4];
	_ =	sdelay $0x3  }
0x33: {  	p0 =	seq.s32 s10, $0x1;
	s10 =	sld [smem:$0x3FB6];
	_ =	sdelay $0x3  }
0x34: {  	[smem:$0x3FB6] =	sst s10  }
0x35: {  	s10 =	sld [smem:$0x3FB5];
	_ =	sdelay $0x3  }
0x36: {  	p1 =	seq.s32 s10, $0x1;
	s10 =	sld [smem:$0x3FB6];
	_ =	sdelay $0x3  }
0x37: {  	[smem:$0x3FB6] =	sst s10  }
0x38: {  	s10 =	sld [smem:$0x3FB7]  }
0x39: {  	_ = 	snop;
	(pc) =	sbr.ind lr, $3  }
0x3a: {  	_ = 	snop  }
0x3b: {  	_ = 	snop  }
0x3c: {  	p2 =	seq.s32 s10, $0x1;
	s10 =	sld [smem:$0x3FB6]  }
0x3d: {  	_ =	shalt  }
0x3e: {  	_ =	shalt  }
0x3f: {  	_ =	shalt  }
0x40: {  	_ =	shalt  }
0x41: {  	_ =	shalt  }
0x42: {  	_ =	shalt  }
0x43: {  	_ =	shalt  }
0x44: {  	_ =	shalt  }
0x45: {  	_ =	shalt  }
0x46: {  	_ =	shalt  }
0x47: {  	_ =	shalt  }
0x48: {  	_ =	shalt  }
0x49: {  	_ =	shalt  }
0x4a: {  	_ =	shalt  }
0x4b: {  	_ =	shalt  }
0x4c: {  	_ =	shalt  }
0x4d: {  	_ =	shalt  }
0x4e: {  	_ =	shalt  }
0x4f: {  	_ =	shalt  }
0x50: {  	_ =	shalt  }
0x51: {  	_ =	shalt  }
0x52: {  	_ =	shalt  }
0x53: {  	_ =	shalt  }
0x54: {  	_ =	shalt  }
0x55: {  	_ =	shalt  }
0x56: {  	_ =	shalt  }
0x57: {  	_ =	shalt  }
0x58: {  	_ =	shalt  }
0x59: {  	_ =	shalt  }
0x5a: {  	_ =	shalt  }
0x5b: {  	_ =	shalt  }
0x5c: {  	_ =	shalt  }
0x5d: {  	_ =	shalt  }
0x5e: {  	_ =	shalt  }
0x5f: {  	_ =	shalt  }
0x60: {  	_ =	shalt  }
0x61: {  	_ =	shalt  }
0x62: {  	_ =	shalt  }
0x63: {  	_ =	shalt  }
0x64: {  	_ =	shalt  }
0x65: {  	_ =	shalt  }
0x66: {  	_ =	shalt  }
0x67: {  	_ =	shalt  }
0x68: {  	_ =	shalt  }
0x69: {  	_ =	shalt  }
0x6a: {  	_ =	shalt  }
0x6b: {  	_ =	shalt  }
0x6c: {  	_ =	shalt  }
0x6d: {  	_ =	shalt  }
0x6e: {  	_ =	shalt  }
0x6f: {  	_ =	shalt  }
0x70: {  	_ =	shalt  }
0x71: {  	_ =	shalt  }
0x72: {  	_ =	shalt  }
0x73: {  	_ =	shalt  }
0x74: {  	_ =	shalt  }
0x75: {  	_ =	shalt  }
0x76: {  	_ =	shalt  }
0x77: {  	_ =	shalt  }
0x78: {  	_ =	shalt  }
0x79: {  	_ =	shalt  }
0x7a: {  	_ =	shalt  }
0x7b: {  	_ =	shalt  }
0x7c: {  	_ =	shalt  }
0x7d: {  	_ =	shalt  }
0x7e: {  	_ =	shalt  }
0x7f: {  	_ =	shalt  }
0x80: {  	_ =	shalt  }
0x81: {  	_ =	shalt  }
0x82: {  	_ =	shalt  }
0x83: {  	_ =	shalt  }
0x84: {  	_ =	shalt  }
0x85: {  	_ =	shalt  }
0x86: {  	_ =	shalt  }
0x87: {  	_ =	shalt  }
.Lfunc_end0:
.L_simem_size_0:
called_computation.6_lowered:
.L_overlay_start_0:
0x88: {  	s2 =	sld [smem:$0x3FD9]  }
0x89: {  	s3 =	sld [smem:$0x3FFE];
	_ =	sdelay $0x1  }
0x8a: {  	s1 =	srdreg.scid  }
0x8b: {  	s0 =	sand.u32 $0x1, s1  }
0x8c: {  	s17 =	sshll.u32 s0, $0xA;
	s2 =	sadd.s32 s3, s2  }
0x8d: {  	s2 =	sadd.s32 s2, s17  }
0x8e: {  	[smem:$0x3FC2] =	sst s2  }
0x8f: {  	_ = 	snop  }
0x90: {  	s2 =	sld [smem:$0x3FD0];
	(tm) =	ssettm $0x1  }
0x91: {  	s18 =	sld [smem:$0x3FFB];
	_ =	sdelay $0x3  }
0x92: {  	_ =	strace s18  }
0x93: {  	s3 =	sld [smem:$0x3FFC];
	_ =	sdelay $0x3  }
0x94: {  	_ =	strace s3  }
0x95: {  	s3 =	sld [smem:$0x3FFD];
	_ =	sdelay $0x3  }
0x96: {  	_ =	strace s3  }
0x97: {  	_ =	strace $0x8FFFFFFF  }
0x98: {  	s19 =	sld [smem:$0x3FDB];
	_ =	sdelay $0x1  }
0x99: {  	s4 =	simm.s32 $_scs_section_size  }
0x9a: {  	s5 =	simm.s32 $_size__tile_overlayer_lowered;
	s6 =	simm.s32 $_tile_overlayer_lowered  }
0x9b: {  	s22 =	simm.s32 $0x1BFF;
	s21 =	sshll.u32 s6, $0x1;
	s3 =	sadd.s32 s4, s19  }
0x9c: {  	s7 =	simm.s32 $0x0;
	s20 =	sshll.u32 s5, $0x1;
	s5 =	sadd.s32 s21, s3  }
0x9d: {  	[timem:s7], [sflag:s22] =	dma.local [hbm:s5], s20  }
0x9e: {  	_ =	swait.ge [sflag:s22], s20  }
0x9f: {  	s4 =	ssub.s32 $0x0, s20;
	[sflag:s22] =	ssyncset.done $0x0  }
0xa0: {  	[sflag:s22] =	ssyncadd.s32 s4;
	_ =	sdelay $0x1  }
0xa1: {  	s23 =	simm.s32 $0x1B8B  }
0xa2: {  	_ =	swait.ge [sflag:s23], $0x1  }
0xa3: {  	[sflag:s23] =	ssyncset.done $0x0  }
0xa4: {  	s25 =	simm.s32 $0x1B8E;
	s24 =	sld [smem:$0x3FFE];
	[sflag:s23] =	ssyncadd.s32 $0xFFFFFFFF  }
0xa5: {  	s26 =	simm.s32 $execute0_lowered;
	[smem:$0x3FD2] =	sst s25  }
0xa6: {  	s5 =	sshll.u32 s26, $0x1;
	_ =	strace $0x80000058;
	[dreg:$0x1] =	wrdreg $0xFFFFFFFF  }
0xa7: {  	s28 =	simm.s32 $_size_execute0_lowered;
	s3 =	sadd.s32 s3, s5;
	[dreg:$0x0] =	wrdreg $0x0  }
0xa8: {  	s5 =	sshll.u32 s28, $0x1;
	[dreg:$0x2] =	wrdreg s3  }
0xa9: {  	[dreg:$0x3] =	wrdreg s5  }
0xaa: {  	[dreg:$0x4] =	wrdreg $0xC0  }
0xab: {  	_ =	task [dreg:s7], $0x5FFFF  }
0xac: {  	[dreg:$0x1] =	wrdreg $0xFFFFFFFF  }
0xad: {  	[dreg:$0x0] =	wrdreg $0x60  }
0xae: {  	[dreg:$0x2] =	wrdreg s2  }
0xaf: {  	[dreg:$0x3] =	wrdreg s24  }
0xb0: {  	[dreg:$0x4] =	wrdreg $0x41000  }
0xb1: {  	[dreg:$0x5] =	wrdreg $0x9  }
0xb2: {  	_ =	task.clear_ibuf [dreg:s7], $0x6FFFF;
	_ =	strace $0x90000058  }
0xb3: {  	s29 =	simm.s32 $0x9;
	_ =	strace $0x8000005A  }
0xb4: {  	_ =	swait.ge [sflag:s29], $0x1  }
0xb5: {  	[sflag:s29] =	ssyncadd.s32 $0xFFFFFFFF  }
0xb6: {  	_ =	strace $0x9000005A  }
0xb7: {  	_ =	sfence  }
0xb8: {  	s30 =	sld [smem:$0x0];
	_ =	sdelay $0x2  }
0xb9: {  	s31 =	sshll.u32 s1, $0xD;
	s1 =	sshrl.u32 s1, $0x2  }
0xba: {  	s3 =	sand.u32 $0x4000, s31;
	s1 =	sadd.s32 s1, s30  }
0xbb: {  	s0 =	sor.u32 s3, s0;
	s1 =	sshll.u32 s1, $0x11  }
0xbc: {  	s0 =	sor.u32 s1, s0  }
0xbd: {  	s0 =	sadd.s32 $0x8F2B, s0  }
0xbe: {  	[sflag:s0] =	ssyncadd.remote.s32 $0x1  }
0xbf: {  	_ =	sfence.sel $0xFFFF  }
0xc0: {  	[dreg:$0x0] =	wrdreg $0xFFFFFFFF;
	(pc) =	sbr.abs _section_cstart, $3  }
0xc1: {  	[dreg:$0x1] =	wrdreg $0xFFFFFFFF  }
0xc2: {  	_ =	task.clear_ibuf [dreg:s7], $0x2FFFF;
	_ =	strace $0x9FFFFFFF  }
0xc3: {  	(tm) =	ssettm $0x7FFFFFFF  }
tec
execute0_lowered:
.L_overlay_start_1:
0x0: {  	(tag) =	ssettag $0x1  }
0x1: {  	s1 =	rddreg [dreg:$0x0]  }
0x2: {  	s8 =	rddreg [dreg:$0x1]  }
0x3: {  	s2 =	rddreg [dreg:$0x2];
	s3 =	srdreg.scid  }
0x4: {  	s0 =	rddreg [dreg:$0x3];
	s4 =	simm.s32 $0x0;
	s9 =	sand.u32 $0x1, s3  }
0x5: {  	s15 =	simm.s32 $0x100;
	s3 =	stileid.u32;
	s10 =	smul.u32 $0x140000, s9  }
0x6: {  	s16 =	simm.s32 $0x1;
	s17 =	simm.s32 $0x0;
	s11 =	smul.u32 $0x14000, s3  }
0x7: {  	[smem:$0x7FF] =	sst s4;
	s5 =	sadd.s32 $0x62200, s8;
	s12 =	smul.u32 $0x50000, s3  }
0x8: {  	s6 =	sadd.s32 $0x6A00, s8;
	s30 =	ssub.s32 $0x2, s9;
	s9 =	smul.u32 $0x2C000, s9  }
0x9: {  	s7 =	sadd.s32 $0x94400, s8;
	_ =	strace $0x80000059;
	s14 =	smul.u32 $0x2C00, s3  }
0xa: {  	s13 =	sshll.u32 s3, $0x6;
	s31 =	sshrl.u32 s30, $0x1;
	s10 =	sadd.s32 s11, s10  }
0xb: {  	s12 =	sshrl.u32 s12, $0x2;
	s11 =	ssub.s32 s30, s31;
	s9 =	sadd.s32 s14, s9  }
0xc: {  	s14 =	simm.s32 $0x80;
	s10 =	sshrl.u32 s10, $0x3;
	s12 =	sadd.s32 s12, s2  }
0xd: {  	s11 =	smax.u32 s11, $0x1;
	s10 =	sadd.s32 s10, s8;
	s8 =	sor.u32 $0x1C02, s13  }
0xe: {  	s12 =	sshrl.u32 s12, $0x3;
	s13 =	simm.s32 $0x2;
	s10 =	sadd.s32 $0x96C00, s10  }
.LBB2_1:
0xf: {  	[spmem:s12], [sflag:s8] =	dma.local [hbm:s7], $0x2800  }
0x10: {  	s18 =	sand.u32 $0x3C00, s4  }
0x11: {  	s19 =	sand.u32 $0x380, s4;
	_ =	swait.ge [sflag:s13], $0x2800;
	s18 =	sadd.s32 s18, s9  }
0x12: {  	[sflag:s13] =	ssyncset.done $0x0;
	s18 =	sor.u32 s19, s18  }
0x13: {  	[sflag:s13] =	ssyncadd.s32 $0xFFFFD800;
	s18 =	sshrl.u32 s18, $0x3  }
0x14: {  	[bflag:$0x0] =	sbarrier.arrive $0xFFFF;
	s29 =	sadd.s32 s5, s18  }
0x15: {  	[tilespmem:s4], [sflag:$0x2] =	stream.linear.gather [hbm4b:s29+s4], $0x80, $0x38;
	[tilespmem:$0x18100] =	vst v63  }
0x16: {  	_ =	swait.ge [sflag:s13], $0x80  }
0x17: {  	[sflag:s13] =	ssyncset.done $0x0  }
0x18: {  	[sflag:s13] =	ssyncadd.s32 $0xFFFFFF80  }
0x19: {  	[tilespmem:s15], [sflag:$0x1] =	stream.indirect.gather [hbm4b:s1+s14], $0x80, s4, s14, $0xb8;
	[tilespmem:$0x18100] =	vst v63  }
0x1a: {  	s18 =	sadd.s32 s6, s18  }
0x1b: {  	[tilespmem:s14], [sflag:$0x2] =	stream.linear.gather [hbm4b:s18+s4], $0x80, $0x38;
	[tilespmem:$0x18100] =	vst v63  }
0x1c: {  	_ =	swait.ge [sflag:s13], $0x80  }
0x1d: {  	s30 =	simm.s32 $0x80;
	[sflag:s13] =	ssyncset.done $0x0  }
0x1e: {  	s31 =	sand.u32 $0x3C00, s30;
	[sflag:s13] =	ssyncadd.s32 $0xFFFFFF80  }
0x1f: {  	s19 =	sadd.s32 s31, s9;
	s18 =	sand.u32 $0x380, s30;
	_ =	swait.ge [sflag:s16], $0x4000  }
0x20: {  	s19 =	sor.u32 s18, s19;
	[sflag:s16] =	ssyncset.done $0x0  }
0x21: {  	s18 =	simm.s32 $0x100;
	s19 =	sshrl.u32 s19, $0x3;
	[sflag:s16] =	ssyncadd.s32 $0xFFFFC000  }
.LBB2_2:
0x22: {  	[spmem:s2] =	stream.indirect.scatter.add.f32 [tilespmem:s15], [sflag:$0x2], $0x80, s14, s14, $0xb8;
	[tilespmem:$0x18100] =	vst v63  }
0x23: {  	s20 =	smov.u32 s18  }
0x24: {  	p0 =	sne.s32 s18, $0x2800;
	s18 =	sadd.s32 $0x80, s18;
	_ =	swait.ge [sflag:s13], $0x4000  }
0x25: {  	[sflag:s13] =	ssyncset.done $0x0  }
0x26: {  	s21 =	sadd.s32 s5, s19;
	[sflag:s13] =	ssyncadd.s32 $0xFFFFC000  }
0x27: {  	[tilespmem:s4], [sflag:$0x2] =	stream.linear.gather [hbm4b:s21+s4], $0x80, $0x38;
	[tilespmem:$0x18100] =	vst v63  }
0x28: {  	_ =	swait.ge [sflag:s13], $0x80  }
0x29: {  	[sflag:s13] =	ssyncset.done $0x0  }
0x2a: {  	[sflag:s13] =	ssyncadd.s32 $0xFFFFFF80  }
0x2b: {  	[tilespmem:s15], [sflag:$0x1] =	stream.indirect.gather [hbm4b:s1+s14], $0x80, s4, s14, $0xb8;
	[tilespmem:$0x18100] =	vst v63  }
0x2c: {  	s19 =	sadd.s32 s6, s19  }
0x2d: {  	[tilespmem:s14], [sflag:$0x2] =	stream.linear.gather [hbm4b:s19+s4], $0x80, $0x38;
	[tilespmem:$0x18100] =	vst v63  }
0x2e: {  	_ =	swait.ge [sflag:s13], $0x80  }
.Ltmp0:
0x2f: {  	[sflag:s13] =	ssyncset.done $0x0;
	(pc) =	sbr.rel @p0 .LBB2_2-.Ltmp0, $4  }
0x30: {  	s19 =	sand.u32 $0x3C00, s20;
	[sflag:s13] =	ssyncadd.s32 $0xFFFFFF80  }
0x31: {  	s20 =	sand.u32 $0x380, s20;
	s19 =	sadd.s32 s19, s9;
	_ =	swait.ge [sflag:s16], $0x4000  }
0x32: {  	s19 =	sor.u32 s20, s19;
	[sflag:s16] =	ssyncset.done $0x0  }
0x33: {  	s19 =	sshrl.u32 s19, $0x3;
	[sflag:s16] =	ssyncadd.s32 $0xFFFFC000  }
0x34: {  	[spmem:s2] =	stream.indirect.scatter.add.f32 [tilespmem:s15], [sflag:$0x2], $0x80, s14, s14, $0xb8;
	[tilespmem:$0x18100] =	vst v63  }
0x35: {  	_ =	swait.ge [sflag:s13], $0x4000  }
0x36: {  	[sflag:s13] =	ssyncset.done $0x0  }
0x37: {  	s18 =	sadd.s32 s5, s19;
	[sflag:s13] =	ssyncadd.s32 $0xFFFFC000  }
0x38: {  	[tilespmem:s4], [sflag:$0x2] =	stream.linear.gather [hbm4b:s18+s4], $0x80, $0x38;
	[tilespmem:$0x18100] =	vst v63  }
0x39: {  	_ =	swait.ge [sflag:s13], $0x80  }
0x3a: {  	[sflag:s13] =	ssyncset.done $0x0  }
0x3b: {  	[sflag:s13] =	ssyncadd.s32 $0xFFFFFF80  }
0x3c: {  	[tilespmem:s15], [sflag:$0x1] =	stream.indirect.gather [hbm4b:s1+s14], $0x80, s4, s14, $0xb8;
	[tilespmem:$0x18100] =	vst v63  }
0x3d: {  	s31 =	sadd.s32 s6, s19  }
0x3e: {  	[tilespmem:s14], [sflag:$0x2] =	stream.linear.gather [hbm4b:s31+s4], $0x80, $0x38;
	[tilespmem:$0x18100] =	vst v63  }
0x3f: {  	_ =	swait.ge [sflag:s13], $0x80  }
0x40: {  	[sflag:s13] =	ssyncset.done $0x0  }
0x41: {  	[sflag:s13] =	ssyncadd.s32 $0xFFFFFF80  }
0x42: {  	_ =	swait.ge [sflag:s16], $0x4000  }
0x43: {  	[sflag:s16] =	ssyncset.done $0x0  }
0x44: {  	[sflag:s16] =	ssyncadd.s32 $0xFFFFC000  }
0x45: {  	[spmem:s2] =	stream.indirect.scatter.add.f32 [tilespmem:s15], [sflag:$0x2], $0x80, s14, s14, $0xb8;
	[tilespmem:$0x18100] =	vst v63  }
0x46: {  	_ =	swait.ge [sflag:s13], $0x4000  }
0x47: {  	s17 =	sadd.s32 $0x1, s17;
	[sflag:s13] =	ssyncset.done $0x0  }
0x48: {  	p0 =	sne.s32 s17, s11;
	[sflag:s13] =	ssyncadd.s32 $0xFFFFC000  }
.Ltmp1:
0x49: {  	[bflag:$0x0] =	sbarrier.arrive $0xFFFF;
	(pc) =	sbr.rel @p0 .LBB2_1-.Ltmp1, $4  }
0x4a: {  	[hbm:s10], [sflag:s8] =	dma.local [spmem:s12], $0x2800  }
0x4b: {  	_ =	swait.ge [sflag:s13], $0x2800  }
0x4c: {  	[sflag:s13] =	ssyncset.done $0x0  }
0x4d: {  	[sflag:s13] =	ssyncadd.s32 $0xFFFFD800  }
0x4e: {  	_ =	sfence.sel $0x180000  }
0x4f: {  	[bflag:$0x0] =	sbarrier.arrive $0xFFFF  }
0x50: {  	p0 =	sne.s32 s3, $0x0;
	_ =	strace $0x90000059  }
0x51: {  	s0 =	sadd.s32 @!p0 $0x100000, s0;
	[bflag:$0x2] =	sbarrier.arrive $0xFFFF  }
0x52: {  	[sflag:s0] =	ssyncadd.tile.s32 @!p0 $0x1;
	_ =	shalt  }
.Lfunc_end2:
_tile_overlayer_lowered:
.L_overlay_start_2:
0x53: {  	(tag) =	ssettag $0x2  }
0x54: {  	s0 =	rddreg [dreg:$0x0];
	s2 =	stileid.u32  }
0x55: {  	s1 =	rddreg [dreg:$0x1];
	p0 =	sne.s32 s2, $0x0  }
0x56: {  	s3 =	rddreg [dreg:$0x2];
	[bflag:$0x3] =	sbarrier.arrive $0xFFFF;
	s2 =	simm.s32 @!p0 $0x1C02  }
0x57: {  	[timem:s3], [sflag:s2] =	dma.local @!p0 [hbm:s0], s1  }
0x58: {  	s0 =	simm.s32 @!p0 $0x2  }
0x59: {  	_ =	swait.ge @!p0 [sflag:s0], s1  }
0x5a: {  	s1 =	ssub.s32 @!p0 $0x0, s1;
	[sflag:s0] =	ssyncset.done @!p0 $0x0  }
0x5b: {  	[sflag:s0] =	ssyncadd.s32 @!p0 s1  }
0x5c: {  	[bflag:$0x3] =	sbarrier.arrive $0xFFFF  }
0x5d: {  	_ =	shalt  }

// kernel: kernel.45.cloned.1.call-start
scs
__scs_entry_jumppad:
0x0: {  	(pc) =	sbr.rel $0x88, $3  }
0x1: {  	(tag) =	ssettag $0x0;
	lr =	simm.s32 $0x1  }
0x2: {  	[smem:$0x3F9B] =	sst lr;
	_ =	strace $0xD0000000  }
0x3: {  	_ = 	snop  }
0x4: {  	_ = 	snop  }
0x5: {  	_ = 	snop  }
0x6: {  	_ = 	snop  }
0x7: {  	_ = 	snop  }
__scs_overlays_trampoline_lowered:
0x8: {  	[smem:$0x3FAA] =	sst s0  }
0x9: {  	[smem:$0x3FAB] =	sst s1  }
0xa: {  	[smem:$0x3FAC] =	sst s2  }
0xb: {  	[smem:$0x3FAD] =	sst s3  }
0xc: {  	[smem:$0x3FAE] =	sst s4  }
0xd: {  	[smem:$0x3FAF] =	sst s5  }
0xe: {  	[smem:$0x3FB0] =	sst s6  }
0xf: {  	[smem:$0x3FB1] =	sst s7  }
0x10: {  	[smem:$0x3FB2] =	sst s8  }
0x11: {  	[smem:$0x3FB3] =	sst s9;
	s0 =	simm.s32 @!p0 $0x0  }
0x12: {  	s1 =	sld [smem:$0x3F99];
	s0 =	simm.s32 @p0 $0x1  }
0x13: {  	[smem:$0x3FB4] =	sst s0;
	s0 =	simm.s32 @!p1 $0x0  }
0x14: {  	s2 =	sld [smem:$0x3F98];
	s0 =	simm.s32 @p1 $0x1  }
0x15: {  	[smem:$0x3FB5] =	sst s0;
	s0 =	simm.s32 @!p2 $0x0  }
0x16: {  	s3 =	sld [smem:$0x3FDB];
	s0 =	simm.s32 @p2 $0x1  }
0x17: {  	s4 =	simm.s32 $0x1BF5;
	[smem:$0x3FB7] =	sst s0  }
0x18: {  	s0 =	sld [smem:$0x3F9A];
	_ =	swait.ge [sflag:s4], $0x0  }
0x19: {  	s7 =	sld [smem:$0x3F9B]  }
0x1a: {  	s8 =	sadd.s32 $0xFFFFE003, lr  }
0x1b: {  	s9 =	sadd.s32 $0xFFFFFEF7, lr;
	s5 =	simm.s32 $0xFFFFFFFF;
	p2 =	slt.u32 s8, $0xFFFFF086  }
0x1c: {  	p1 =	slt.u32 s9, $0xF7A;
	s5 =	simm.s32 @!p2 $0x0  }
0x1d: {  	s5 =	simm.s32 @p1 $0x1;
	p0 =	seq.s32 s7, s2  }
0x1e: {  	s7 =	smul.u32 @!p0 $0xF7A, s2;
	p2 =	seq.s32 @!p0 s5, $0x0  }
0x1f: {  	s9 =	smul.u32 $0xF7A, s1;
	s8 =	simm.s32 @!p0 $0x1BF5;
	p2 =	por !p2, p0  }
0x20: {  	[sflag:s8] =	ssyncset.s32 @!p0 $0xFFFFF086;
	s6 =	sadd.s32 @!p0 s3, s7;
	s7 =	simm.s32 @!p0 $0x108  }
0x21: {  	s3 =	sadd.s32 s3, s9;
	s6 =	sadd.s32 @!p0 $0x88, s6;
	s7 =	simm.s32 @p2 $0x1082  }
0x22: {  	[simem:s7], [sflag:s8] =	dma.local @!p0 [hbm:s6], $0xF7A  }
0x23: {  	s9 =	sor.u32 $0xD0000000, s2;
	s6 =	simm.s32 $0x108;
	_ =	swait.ge @!p0 [sflag:s8], $0x0  }
0x24: {  	s3 =	sadd.s32 $0x88, s3;
	s6 =	simm.s32 @!p1 $0x1082;
	[sflag:s4] =	ssyncset.s32 $0xFFFFF086  }
0x25: {  	[simem:s6], [sflag:s4] =	dma.local [hbm:s3], $0xF7A  }
0x26: {  	[smem:$0x3F9B] =	sst s1;
	(tag) =	ssettag s2;
	_ =	strace s9  }
0x27: {  	s1 =	sld [smem:$0x3FAB]  }
0x28: {  	s2 =	sld [smem:$0x3FAC]  }
0x29: {  	s4 =	sld [smem:$0x3FAE]  }
0x2a: {  	p0 =	seq.s32 s5, $0x0;
	s5 =	sld [smem:$0x3FAF]  }
0x2b: {  	s6 =	sld [smem:$0x3FB0]  }
0x2c: {  	s7 =	sld [smem:$0x3FB1]  }
0x2d: {  	s3 =	simm.s32 $0x108;
	s8 =	sld [smem:$0x3FB2]  }
0x2e: {  	s3 =	simm.s32 @!p0 $0x1082;
	s9 =	sld [smem:$0x3FB3]  }
0x2f: {  	lr =	sadd.s32 s0, s3;
	s0 =	sld [smem:$0x3FAA]  }
0x30: {  	s3 =	sld [smem:$0x3FAD]  }
0x31: {  	[smem:$0x3FB6] =	sst s10  }
0x32: {  	s10 =	sld [smem:$0x3FB4];
	_ =	sdelay $0x3  }
0x33: {  	p0 =	seq.s32 s10, $0x1;
	s10 =	sld [smem:$0x3FB6];
	_ =	sdelay $0x3  }
0x34: {  	[smem:$0x3FB6] =	sst s10  }
0x35: {  	s10 =	sld [smem:$0x3FB5];
	_ =	sdelay $0x3  }
0x36: {  	p1 =	seq.s32 s10, $0x1;
	s10 =	sld [smem:$0x3FB6];
	_ =	sdelay $0x3  }
0x37: {  	[smem:$0x3FB6] =	sst s10  }
0x38: {  	s10 =	sld [smem:$0x3FB7]  }
0x39: {  	_ = 	snop;
	(pc) =	sbr.ind lr, $3  }
0x3a: {  	_ = 	snop  }
0x3b: {  	_ = 	snop  }
0x3c: {  	p2 =	seq.s32 s10, $0x1;
	s10 =	sld [smem:$0x3FB6]  }
0x3d: {  	_ =	shalt  }
0x3e: {  	_ =	shalt  }
0x3f: {  	_ =	shalt  }
0x40: {  	_ =	shalt  }
0x41: {  	_ =	shalt  }
0x42: {  	_ =	shalt  }
0x43: {  	_ =	shalt  }
0x44: {  	_ =	shalt  }
0x45: {  	_ =	shalt  }
0x46: {  	_ =	shalt  }
0x47: {  	_ =	shalt  }
0x48: {  	_ =	shalt  }
0x49: {  	_ =	shalt  }
0x4a: {  	_ =	shalt  }
0x4b: {  	_ =	shalt  }
0x4c: {  	_ =	shalt  }
0x4d: {  	_ =	shalt  }
0x4e: {  	_ =	shalt  }
0x4f: {  	_ =	shalt  }
0x50: {  	_ =	shalt  }
0x51: {  	_ =	shalt  }
0x52: {  	_ =	shalt  }
0x53: {  	_ =	shalt  }
0x54: {  	_ =	shalt  }
0x55: {  	_ =	shalt  }
0x56: {  	_ =	shalt  }
0x57: {  	_ =	shalt  }
0x58: {  	_ =	shalt  }
0x59: {  	_ =	shalt  }
0x5a: {  	_ =	shalt  }
0x5b: {  	_ =	shalt  }
0x5c: {  	_ =	shalt  }
0x5d: {  	_ =	shalt  }
0x5e: {  	_ =	shalt  }
0x5f: {  	_ =	shalt  }
0x60: {  	_ =	shalt  }
0x61: {  	_ =	shalt  }
0x62: {  	_ =	shalt  }
0x63: {  	_ =	shalt  }
0x64: {  	_ =	shalt  }
0x65: {  	_ =	shalt  }
0x66: {  	_ =	shalt  }
0x67: {  	_ =	shalt  }
0x68: {  	_ =	shalt  }
0x69: {  	_ =	shalt  }
0x6a: {  	_ =	shalt  }
0x6b: {  	_ =	shalt  }
0x6c: {  	_ =	shalt  }
0x6d: {  	_ =	shalt  }
0x6e: {  	_ =	shalt  }
0x6f: {  	_ =	shalt  }
0x70: {  	_ =	shalt  }
0x71: {  	_ =	shalt  }
0x72: {  	_ =	shalt  }
0x73: {  	_ =	shalt  }
0x74: {  	_ =	shalt  }
0x75: {  	_ =	shalt  }
0x76: {  	_ =	shalt  }
0x77: {  	_ =	shalt  }
0x78: {  	_ =	shalt  }
0x79: {  	_ =	shalt  }
0x7a: {  	_ =	shalt  }
0x7b: {  	_ =	shalt  }
0x7c: {  	_ =	shalt  }
0x7d: {  	_ =	shalt  }
0x7e: {  	_ =	shalt  }
0x7f: {  	_ =	shalt  }
0x80: {  	_ =	shalt  }
0x81: {  	_ =	shalt  }
0x82: {  	_ =	shalt  }
0x83: {  	_ =	shalt  }
0x84: {  	_ =	shalt  }
0x85: {  	_ =	shalt  }
0x86: {  	_ =	shalt  }
0x87: {  	_ =	shalt  }
.Lfunc_end0:
.L_simem_size_0:
called_computation.7_lowered:
.L_overlay_start_0:
0x88: {  	s2 =	sld [smem:$0x3FD9]  }
0x89: {  	s3 =	sld [smem:$0x3FFE];
	_ =	sdelay $0x1  }
0x8a: {  	s1 =	srdreg.scid  }
0x8b: {  	s0 =	sand.u32 $0x1, s1  }
0x8c: {  	s17 =	sshll.u32 s0, $0xA;
	s2 =	sadd.s32 s3, s2  }
0x8d: {  	s2 =	sadd.s32 s2, s17  }
0x8e: {  	[smem:$0x3FC2] =	sst s2  }
0x8f: {  	_ = 	snop  }
0x90: {  	s2 =	sld [smem:$0x3FD0];
	(tm) =	ssettm $0x1  }
0x91: {  	s18 =	sld [smem:$0x3FFB];
	_ =	sdelay $0x3  }
0x92: {  	_ =	strace s18  }
0x93: {  	s3 =	sld [smem:$0x3FFC];
	_ =	sdelay $0x3  }
0x94: {  	_ =	strace s3  }
0x95: {  	s3 =	sld [smem:$0x3FFD];
	_ =	sdelay $0x3  }
0x96: {  	_ =	strace s3  }
0x97: {  	_ =	strace $0x8FFFFFFF  }
0x98: {  	s19 =	sld [smem:$0x3FDB];
	_ =	sdelay $0x1  }
0x99: {  	s4 =	simm.s32 $_scs_section_size  }
0x9a: {  	s5 =	simm.s32 $_size__tile_overlayer_lowered;
	s6 =	simm.s32 $_tile_overlayer_lowered  }
0x9b: {  	s22 =	simm.s32 $0x1BFF;
	s21 =	sshll.u32 s6, $0x1;
	s3 =	sadd.s32 s4, s19  }
0x9c: {  	s7 =	simm.s32 $0x0;
	s20 =	sshll.u32 s5, $0x1;
	s5 =	sadd.s32 s21, s3  }
0x9d: {  	[timem:s7], [sflag:s22] =	dma.local [hbm:s5], s20  }
0x9e: {  	_ =	swait.ge [sflag:s22], s20  }
0x9f: {  	s4 =	ssub.s32 $0x0, s20;
	[sflag:s22] =	ssyncset.done $0x0  }
0xa0: {  	[sflag:s22] =	ssyncadd.s32 s4;
	_ =	sdelay $0x1  }
0xa1: {  	s23 =	simm.s32 $0x1B8B  }
0xa2: {  	_ =	swait.ge [sflag:s23], $0x1  }
0xa3: {  	[sflag:s23] =	ssyncset.done $0x0  }
0xa4: {  	s25 =	simm.s32 $0x1B8E;
	s24 =	sld [smem:$0x3FFE];
	[sflag:s23] =	ssyncadd.s32 $0xFFFFFFFF  }
0xa5: {  	s26 =	simm.s32 $execute0_lowered;
	[smem:$0x3FD2] =	sst s25  }
0xa6: {  	s5 =	sshll.u32 s26, $0x1;
	_ =	strace $0x8000005B;
	[dreg:$0x1] =	wrdreg $0xFFFFFFFF  }
0xa7: {  	s28 =	simm.s32 $_size_execute0_lowered;
	s3 =	sadd.s32 s3, s5;
	[dreg:$0x0] =	wrdreg $0x0  }
0xa8: {  	s5 =	sshll.u32 s28, $0x1;
	[dreg:$0x2] =	wrdreg s3  }
0xa9: {  	[dreg:$0x3] =	wrdreg s5  }
0xaa: {  	[dreg:$0x4] =	wrdreg $0xC0  }
0xab: {  	_ =	task [dreg:s7], $0x5FFFF  }
0xac: {  	[dreg:$0x1] =	wrdreg $0xFFFFFFFF  }
0xad: {  	[dreg:$0x0] =	wrdreg $0x60  }
0xae: {  	[dreg:$0x2] =	wrdreg s2  }
0xaf: {  	[dreg:$0x3] =	wrdreg s24  }
0xb0: {  	[dreg:$0x4] =	wrdreg $0x41000  }
0xb1: {  	[dreg:$0x5] =	wrdreg $0x9  }
0xb2: {  	_ =	task.clear_ibuf [dreg:s7], $0x6FFFF;
	_ =	strace $0x9000005B  }
0xb3: {  	s29 =	simm.s32 $0x9;
	_ =	strace $0x8000005D  }
0xb4: {  	_ =	swait.ge [sflag:s29], $0x1  }
0xb5: {  	[sflag:s29] =	ssyncadd.s32 $0xFFFFFFFF  }
0xb6: {  	_ =	strace $0x9000005D  }
0xb7: {  	_ =	sfence  }
0xb8: {  	s30 =	sld [smem:$0x0];
	_ =	sdelay $0x2  }
0xb9: {  	s31 =	sshll.u32 s1, $0xD;
	s1 =	sshrl.u32 s1, $0x2  }
0xba: {  	s3 =	sand.u32 $0x4000, s31;
	s1 =	sadd.s32 s1, s30  }
0xbb: {  	s0 =	sor.u32 s3, s0;
	s1 =	sshll.u32 s1, $0x11  }
0xbc: {  	s0 =	sor.u32 s1, s0  }
0xbd: {  	s0 =	sadd.s32 $0x8F2B, s0  }
0xbe: {  	[sflag:s0] =	ssyncadd.remote.s32 $0x1  }
0xbf: {  	_ =	sfence.sel $0xFFFF  }
0xc0: {  	[dreg:$0x0] =	wrdreg $0xFFFFFFFF;
	(pc) =	sbr.abs _section_cstart, $3  }
0xc1: {  	[dreg:$0x1] =	wrdreg $0xFFFFFFFF  }
0xc2: {  	_ =	task.clear_ibuf [dreg:s7], $0x2FFFF;
	_ =	strace $0x9FFFFFFF  }
0xc3: {  	(tm) =	ssettm $0x7FFFFFFF  }
tec
execute0_lowered:
.L_overlay_start_1:
0x0: {  	(tag) =	ssettag $0x1  }
0x1: {  	s1 =	rddreg [dreg:$0x0]  }
0x2: {  	s8 =	rddreg [dreg:$0x1]  }
0x3: {  	s2 =	rddreg [dreg:$0x2];
	s3 =	srdreg.scid  }
0x4: {  	s0 =	rddreg [dreg:$0x3];
	s4 =	simm.s32 $0x0;
	s9 =	sand.u32 $0x1, s3  }
0x5: {  	s15 =	simm.s32 $0x100;
	s3 =	stileid.u32;
	s10 =	smul.u32 $0x140000, s9  }
0x6: {  	s16 =	simm.s32 $0x1;
	s17 =	simm.s32 $0x0;
	s11 =	smul.u32 $0x14000, s3  }
0x7: {  	[smem:$0x7FF] =	sst s4;
	s5 =	sadd.s32 $0x62200, s8;
	s12 =	smul.u32 $0x50000, s3  }
0x8: {  	s6 =	sadd.s32 $0x6A00, s8;
	s30 =	ssub.s32 $0x2, s9;
	s9 =	smul.u32 $0x2C000, s9  }
0x9: {  	s7 =	sadd.s32 $0x94400, s8;
	_ =	strace $0x8000005C;
	s14 =	smul.u32 $0x2C00, s3  }
0xa: {  	s13 =	sshll.u32 s3, $0x6;
	s31 =	sshrl.u32 s30, $0x1;
	s10 =	sadd.s32 s11, s10  }
0xb: {  	s12 =	sshrl.u32 s12, $0x2;
	s11 =	ssub.s32 s30, s31;
	s9 =	sadd.s32 s14, s9  }
0xc: {  	s14 =	simm.s32 $0x80;
	s10 =	sshrl.u32 s10, $0x3;
	s12 =	sadd.s32 s12, s2  }
0xd: {  	s11 =	smax.u32 s11, $0x1;
	s10 =	sadd.s32 s10, s8;
	s8 =	sor.u32 $0x1C02, s13  }
0xe: {  	s12 =	sshrl.u32 s12, $0x3;
	s13 =	simm.s32 $0x2;
	s10 =	sadd.s32 $0x96C00, s10  }
.LBB2_1:
0xf: {  	[spmem:s12], [sflag:s8] =	dma.local [hbm:s7], $0x2800  }
0x10: {  	s18 =	sand.u32 $0x3C00, s4  }
0x11: {  	s19 =	sand.u32 $0x380, s4;
	_ =	swait.ge [sflag:s13], $0x2800;
	s18 =	sadd.s32 s18, s9  }
0x12: {  	[sflag:s13] =	ssyncset.done $0x0;
	s18 =	sor.u32 s19, s18  }
0x13: {  	[sflag:s13] =	ssyncadd.s32 $0xFFFFD800;
	s18 =	sshrl.u32 s18, $0x3  }
0x14: {  	[bflag:$0x0] =	sbarrier.arrive $0xFFFF;
	s29 =	sadd.s32 s5, s18  }
0x15: {  	[tilespmem:s4], [sflag:$0x2] =	stream.linear.gather [hbm4b:s29+s4], $0x80, $0x38;
	[tilespmem:$0x18100] =	vst v63  }
0x16: {  	_ =	swait.ge [sflag:s13], $0x80  }
0x17: {  	[sflag:s13] =	ssyncset.done $0x0  }
0x18: {  	[sflag:s13] =	ssyncadd.s32 $0xFFFFFF80  }
0x19: {  	[tilespmem:s15], [sflag:$0x1] =	stream.indirect.gather [hbm4b:s1+s14], $0x80, s4, s14, $0xb8;
	[tilespmem:$0x18100] =	vst v63  }
0x1a: {  	s18 =	sadd.s32 s6, s18  }
0x1b: {  	[tilespmem:s14], [sflag:$0x2] =	stream.linear.gather [hbm4b:s18+s4], $0x80, $0x38;
	[tilespmem:$0x18100] =	vst v63  }
0x1c: {  	_ =	swait.ge [sflag:s13], $0x80  }
0x1d: {  	s30 =	simm.s32 $0x80;
	[sflag:s13] =	ssyncset.done $0x0  }
0x1e: {  	s31 =	sand.u32 $0x3C00, s30;
	[sflag:s13] =	ssyncadd.s32 $0xFFFFFF80  }
0x1f: {  	s19 =	sadd.s32 s31, s9;
	s18 =	sand.u32 $0x380, s30;
	_ =	swait.ge [sflag:s16], $0x4000  }
0x20: {  	s19 =	sor.u32 s18, s19;
	[sflag:s16] =	ssyncset.done $0x0  }
0x21: {  	s18 =	simm.s32 $0x100;
	s19 =	sshrl.u32 s19, $0x3;
	[sflag:s16] =	ssyncadd.s32 $0xFFFFC000  }
.LBB2_2:
0x22: {  	[spmem:s2] =	stream.indirect.scatter.add.f32 [tilespmem:s15], [sflag:$0x2], $0x80, s14, s14, $0xb8;
	[tilespmem:$0x18100] =	vst v63  }
0x23: {  	s20 =	smov.u32 s18  }
0x24: {  	p0 =	sne.s32 s18, $0x2800;
	s18 =	sadd.s32 $0x80, s18;
	_ =	swait.ge [sflag:s13], $0x4000  }
0x25: {  	[sflag:s13] =	ssyncset.done $0x0  }
0x26: {  	s21 =	sadd.s32 s5, s19;
	[sflag:s13] =	ssyncadd.s32 $0xFFFFC000  }
0x27: {  	[tilespmem:s4], [sflag:$0x2] =	stream.linear.gather [hbm4b:s21+s4], $0x80, $0x38;
	[tilespmem:$0x18100] =	vst v63  }
0x28: {  	_ =	swait.ge [sflag:s13], $0x80  }
0x29: {  	[sflag:s13] =	ssyncset.done $0x0  }
0x2a: {  	[sflag:s13] =	ssyncadd.s32 $0xFFFFFF80  }
0x2b: {  	[tilespmem:s15], [sflag:$0x1] =	stream.indirect.gather [hbm4b:s1+s14], $0x80, s4, s14, $0xb8;
	[tilespmem:$0x18100] =	vst v63  }
0x2c: {  	s19 =	sadd.s32 s6, s19  }
0x2d: {  	[tilespmem:s14], [sflag:$0x2] =	stream.linear.gather [hbm4b:s19+s4], $0x80, $0x38;
	[tilespmem:$0x18100] =	vst v63  }
0x2e: {  	_ =	swait.ge [sflag:s13], $0x80  }
.Ltmp0:
0x2f: {  	[sflag:s13] =	ssyncset.done $0x0;
	(pc) =	sbr.rel @p0 .LBB2_2-.Ltmp0, $4  }
0x30: {  	s19 =	sand.u32 $0x3C00, s20;
	[sflag:s13] =	ssyncadd.s32 $0xFFFFFF80  }
0x31: {  	s20 =	sand.u32 $0x380, s20;
	s19 =	sadd.s32 s19, s9;
	_ =	swait.ge [sflag:s16], $0x4000  }
0x32: {  	s19 =	sor.u32 s20, s19;
	[sflag:s16] =	ssyncset.done $0x0  }
0x33: {  	s19 =	sshrl.u32 s19, $0x3;
	[sflag:s16] =	ssyncadd.s32 $0xFFFFC000  }
0x34: {  	[spmem:s2] =	stream.indirect.scatter.add.f32 [tilespmem:s15], [sflag:$0x2], $0x80, s14, s14, $0xb8;
	[tilespmem:$0x18100] =	vst v63  }
0x35: {  	_ =	swait.ge [sflag:s13], $0x4000  }
0x36: {  	[sflag:s13] =	ssyncset.done $0x0  }
0x37: {  	s18 =	sadd.s32 s5, s19;
	[sflag:s13] =	ssyncadd.s32 $0xFFFFC000  }
0x38: {  	[tilespmem:s4], [sflag:$0x2] =	stream.linear.gather [hbm4b:s18+s4], $0x80, $0x38;
	[tilespmem:$0x18100] =	vst v63  }
0x39: {  	_ =	swait.ge [sflag:s13], $0x80  }
0x3a: {  	[sflag:s13] =	ssyncset.done $0x0  }
0x3b: {  	[sflag:s13] =	ssyncadd.s32 $0xFFFFFF80  }
0x3c: {  	[tilespmem:s15], [sflag:$0x1] =	stream.indirect.gather [hbm4b:s1+s14], $0x80, s4, s14, $0xb8;
	[tilespmem:$0x18100] =	vst v63  }
0x3d: {  	s31 =	sadd.s32 s6, s19  }
0x3e: {  	[tilespmem:s14], [sflag:$0x2] =	stream.linear.gather [hbm4b:s31+s4], $0x80, $0x38;
	[tilespmem:$0x18100] =	vst v63  }
0x3f: {  	_ =	swait.ge [sflag:s13], $0x80  }
0x40: {  	[sflag:s13] =	ssyncset.done $0x0  }
0x41: {  	[sflag:s13] =	ssyncadd.s32 $0xFFFFFF80  }
0x42: {  	_ =	swait.ge [sflag:s16], $0x4000  }
0x43: {  	[sflag:s16] =	ssyncset.done $0x0  }
0x44: {  	[sflag:s16] =	ssyncadd.s32 $0xFFFFC000  }
0x45: {  	[spmem:s2] =	stream.indirect.scatter.add.f32 [tilespmem:s15], [sflag:$0x2], $0x80, s14, s14, $0xb8;
	[tilespmem:$0x18100] =	vst v63  }
0x46: {  	_ =	swait.ge [sflag:s13], $0x4000  }
0x47: {  	s17 =	sadd.s32 $0x1, s17;
	[sflag:s13] =	ssyncset.done $0x0  }
0x48: {  	p0 =	sne.s32 s17, s11;
	[sflag:s13] =	ssyncadd.s32 $0xFFFFC000  }
.Ltmp1:
0x49: {  	[bflag:$0x0] =	sbarrier.arrive $0xFFFF;
	(pc) =	sbr.rel @p0 .LBB2_1-.Ltmp1, $4  }
0x4a: {  	[hbm:s10], [sflag:s8] =	dma.local [spmem:s12], $0x2800  }
0x4b: {  	_ =	swait.ge [sflag:s13], $0x2800  }
0x4c: {  	[sflag:s13] =	ssyncset.done $0x0  }
0x4d: {  	[sflag:s13] =	ssyncadd.s32 $0xFFFFD800  }
0x4e: {  	_ =	sfence.sel $0x180000  }
0x4f: {  	[bflag:$0x0] =	sbarrier.arrive $0xFFFF  }
0x50: {  	p0 =	sne.s32 s3, $0x0;
	_ =	strace $0x9000005C  }
0x51: {  	s0 =	sadd.s32 @!p0 $0x100000, s0;
	[bflag:$0x2] =	sbarrier.arrive $0xFFFF  }
0x52: {  	[sflag:s0] =	ssyncadd.tile.s32 @!p0 $0x1;
	_ =	shalt  }
.Lfunc_end2:
_tile_overlayer_lowered:
.L_overlay_start_2:
0x53: {  	(tag) =	ssettag $0x2  }
0x54: {  	s0 =	rddreg [dreg:$0x0];
	s2 =	stileid.u32  }
0x55: {  	s1 =	rddreg [dreg:$0x1];
	p0 =	sne.s32 s2, $0x0  }
0x56: {  	s3 =	rddreg [dreg:$0x2];
	[bflag:$0x3] =	sbarrier.arrive $0xFFFF;
	s2 =	simm.s32 @!p0 $0x1C02  }
0x57: {  	[timem:s3], [sflag:s2] =	dma.local @!p0 [hbm:s0], s1  }
0x58: {  	s0 =	simm.s32 @!p0 $0x2  }
0x59: {  	_ =	swait.ge @!p0 [sflag:s0], s1  }
0x5a: {  	s1 =	ssub.s32 @!p0 $0x0, s1;
	[sflag:s0] =	ssyncset.done @!p0 $0x0  }
0x5b: {  	[sflag:s0] =	ssyncadd.s32 @!p0 s1  }
0x5c: {  	[bflag:$0x3] =	sbarrier.arrive $0xFFFF  }
0x5d: {  	_ =	shalt  }

// kernel: kernel.48.cloned.1.call-start
scs
__scs_entry_jumppad:
0x0: {  	(pc) =	sbr.rel $0x88, $3  }
0x1: {  	(tag) =	ssettag $0x0;
	lr =	simm.s32 $0x1  }
0x2: {  	[smem:$0x3F9B] =	sst lr;
	_ =	strace $0xD0000000  }
0x3: {  	_ = 	snop  }
0x4: {  	_ = 	snop  }
0x5: {  	_ = 	snop  }
0x6: {  	_ = 	snop  }
0x7: {  	_ = 	snop  }
__scs_overlays_trampoline_lowered:
0x8: {  	[smem:$0x3FAA] =	sst s0  }
0x9: {  	[smem:$0x3FAB] =	sst s1  }
0xa: {  	[smem:$0x3FAC] =	sst s2  }
0xb: {  	[smem:$0x3FAD] =	sst s3  }
0xc: {  	[smem:$0x3FAE] =	sst s4  }
0xd: {  	[smem:$0x3FAF] =	sst s5  }
0xe: {  	[smem:$0x3FB0] =	sst s6  }
0xf: {  	[smem:$0x3FB1] =	sst s7  }
0x10: {  	[smem:$0x3FB2] =	sst s8  }
0x11: {  	[smem:$0x3FB3] =	sst s9;
	s0 =	simm.s32 @!p0 $0x0  }
0x12: {  	s1 =	sld [smem:$0x3F99];
	s0 =	simm.s32 @p0 $0x1  }
0x13: {  	[smem:$0x3FB4] =	sst s0;
	s0 =	simm.s32 @!p1 $0x0  }
0x14: {  	s2 =	sld [smem:$0x3F98];
	s0 =	simm.s32 @p1 $0x1  }
0x15: {  	[smem:$0x3FB5] =	sst s0;
	s0 =	simm.s32 @!p2 $0x0  }
0x16: {  	s3 =	sld [smem:$0x3FDB];
	s0 =	simm.s32 @p2 $0x1  }
0x17: {  	s4 =	simm.s32 $0x1BF5;
	[smem:$0x3FB7] =	sst s0  }
0x18: {  	s0 =	sld [smem:$0x3F9A];
	_ =	swait.ge [sflag:s4], $0x0  }
0x19: {  	s7 =	sld [smem:$0x3F9B]  }
0x1a: {  	s8 =	sadd.s32 $0xFFFFE003, lr  }
0x1b: {  	s9 =	sadd.s32 $0xFFFFFEF7, lr;
	s5 =	simm.s32 $0xFFFFFFFF;
	p2 =	slt.u32 s8, $0xFFFFF086  }
0x1c: {  	p1 =	slt.u32 s9, $0xF7A;
	s5 =	simm.s32 @!p2 $0x0  }
0x1d: {  	s5 =	simm.s32 @p1 $0x1;
	p0 =	seq.s32 s7, s2  }
0x1e: {  	s7 =	smul.u32 @!p0 $0xF7A, s2;
	p2 =	seq.s32 @!p0 s5, $0x0  }
0x1f: {  	s9 =	smul.u32 $0xF7A, s1;
	s8 =	simm.s32 @!p0 $0x1BF5;
	p2 =	por !p2, p0  }
0x20: {  	[sflag:s8] =	ssyncset.s32 @!p0 $0xFFFFF086;
	s6 =	sadd.s32 @!p0 s3, s7;
	s7 =	simm.s32 @!p0 $0x108  }
0x21: {  	s3 =	sadd.s32 s3, s9;
	s6 =	sadd.s32 @!p0 $0x88, s6;
	s7 =	simm.s32 @p2 $0x1082  }
0x22: {  	[simem:s7], [sflag:s8] =	dma.local @!p0 [hbm:s6], $0xF7A  }
0x23: {  	s9 =	sor.u32 $0xD0000000, s2;
	s6 =	simm.s32 $0x108;
	_ =	swait.ge @!p0 [sflag:s8], $0x0  }
0x24: {  	s3 =	sadd.s32 $0x88, s3;
	s6 =	simm.s32 @!p1 $0x1082;
	[sflag:s4] =	ssyncset.s32 $0xFFFFF086  }
0x25: {  	[simem:s6], [sflag:s4] =	dma.local [hbm:s3], $0xF7A  }
0x26: {  	[smem:$0x3F9B] =	sst s1;
	(tag) =	ssettag s2;
	_ =	strace s9  }
0x27: {  	s1 =	sld [smem:$0x3FAB]  }
0x28: {  	s2 =	sld [smem:$0x3FAC]  }
0x29: {  	s4 =	sld [smem:$0x3FAE]  }
0x2a: {  	p0 =	seq.s32 s5, $0x0;
	s5 =	sld [smem:$0x3FAF]  }
0x2b: {  	s6 =	sld [smem:$0x3FB0]  }
0x2c: {  	s7 =	sld [smem:$0x3FB1]  }
0x2d: {  	s3 =	simm.s32 $0x108;
	s8 =	sld [smem:$0x3FB2]  }
0x2e: {  	s3 =	simm.s32 @!p0 $0x1082;
	s9 =	sld [smem:$0x3FB3]  }
0x2f: {  	lr =	sadd.s32 s0, s3;
	s0 =	sld [smem:$0x3FAA]  }
0x30: {  	s3 =	sld [smem:$0x3FAD]  }
0x31: {  	[smem:$0x3FB6] =	sst s10  }
0x32: {  	s10 =	sld [smem:$0x3FB4];
	_ =	sdelay $0x3  }
0x33: {  	p0 =	seq.s32 s10, $0x1;
	s10 =	sld [smem:$0x3FB6];
	_ =	sdelay $0x3  }
0x34: {  	[smem:$0x3FB6] =	sst s10  }
0x35: {  	s10 =	sld [smem:$0x3FB5];
	_ =	sdelay $0x3  }
0x36: {  	p1 =	seq.s32 s10, $0x1;
	s10 =	sld [smem:$0x3FB6];
	_ =	sdelay $0x3  }
0x37: {  	[smem:$0x3FB6] =	sst s10  }
0x38: {  	s10 =	sld [smem:$0x3FB7]  }
0x39: {  	_ = 	snop;
	(pc) =	sbr.ind lr, $3  }
0x3a: {  	_ = 	snop  }
0x3b: {  	_ = 	snop  }
0x3c: {  	p2 =	seq.s32 s10, $0x1;
	s10 =	sld [smem:$0x3FB6]  }
0x3d: {  	_ =	shalt  }
0x3e: {  	_ =	shalt  }
0x3f: {  	_ =	shalt  }
0x40: {  	_ =	shalt  }
0x41: {  	_ =	shalt  }
0x42: {  	_ =	shalt  }
0x43: {  	_ =	shalt  }
0x44: {  	_ =	shalt  }
0x45: {  	_ =	shalt  }
0x46: {  	_ =	shalt  }
0x47: {  	_ =	shalt  }
0x48: {  	_ =	shalt  }
0x49: {  	_ =	shalt  }
0x4a: {  	_ =	shalt  }
0x4b: {  	_ =	shalt  }
0x4c: {  	_ =	shalt  }
0x4d: {  	_ =	shalt  }
0x4e: {  	_ =	shalt  }
0x4f: {  	_ =	shalt  }
0x50: {  	_ =	shalt  }
0x51: {  	_ =	shalt  }
0x52: {  	_ =	shalt  }
0x53: {  	_ =	shalt  }
0x54: {  	_ =	shalt  }
0x55: {  	_ =	shalt  }
0x56: {  	_ =	shalt  }
0x57: {  	_ =	shalt  }
0x58: {  	_ =	shalt  }
0x59: {  	_ =	shalt  }
0x5a: {  	_ =	shalt  }
0x5b: {  	_ =	shalt  }
0x5c: {  	_ =	shalt  }
0x5d: {  	_ =	shalt  }
0x5e: {  	_ =	shalt  }
0x5f: {  	_ =	shalt  }
0x60: {  	_ =	shalt  }
0x61: {  	_ =	shalt  }
0x62: {  	_ =	shalt  }
0x63: {  	_ =	shalt  }
0x64: {  	_ =	shalt  }
0x65: {  	_ =	shalt  }
0x66: {  	_ =	shalt  }
0x67: {  	_ =	shalt  }
0x68: {  	_ =	shalt  }
0x69: {  	_ =	shalt  }
0x6a: {  	_ =	shalt  }
0x6b: {  	_ =	shalt  }
0x6c: {  	_ =	shalt  }
0x6d: {  	_ =	shalt  }
0x6e: {  	_ =	shalt  }
0x6f: {  	_ =	shalt  }
0x70: {  	_ =	shalt  }
0x71: {  	_ =	shalt  }
0x72: {  	_ =	shalt  }
0x73: {  	_ =	shalt  }
0x74: {  	_ =	shalt  }
0x75: {  	_ =	shalt  }
0x76: {  	_ =	shalt  }
0x77: {  	_ =	shalt  }
0x78: {  	_ =	shalt  }
0x79: {  	_ =	shalt  }
0x7a: {  	_ =	shalt  }
0x7b: {  	_ =	shalt  }
0x7c: {  	_ =	shalt  }
0x7d: {  	_ =	shalt  }
0x7e: {  	_ =	shalt  }
0x7f: {  	_ =	shalt  }
0x80: {  	_ =	shalt  }
0x81: {  	_ =	shalt  }
0x82: {  	_ =	shalt  }
0x83: {  	_ =	shalt  }
0x84: {  	_ =	shalt  }
0x85: {  	_ =	shalt  }
0x86: {  	_ =	shalt  }
0x87: {  	_ =	shalt  }
.Lfunc_end0:
.L_simem_size_0:
called_computation.8_lowered:
.L_overlay_start_0:
0x88: {  	s2 =	sld [smem:$0x3FD9]  }
0x89: {  	s3 =	sld [smem:$0x3FFE];
	_ =	sdelay $0x1  }
0x8a: {  	s1 =	srdreg.scid  }
0x8b: {  	s0 =	sand.u32 $0x1, s1  }
0x8c: {  	s17 =	sshll.u32 s0, $0xA;
	s2 =	sadd.s32 s3, s2  }
0x8d: {  	s2 =	sadd.s32 s2, s17  }
0x8e: {  	[smem:$0x3FC2] =	sst s2  }
0x8f: {  	_ = 	snop  }
0x90: {  	s2 =	sld [smem:$0x3FD0];
	(tm) =	ssettm $0x1  }
0x91: {  	s18 =	sld [smem:$0x3FFB];
	_ =	sdelay $0x3  }
0x92: {  	_ =	strace s18  }
0x93: {  	s3 =	sld [smem:$0x3FFC];
	_ =	sdelay $0x3  }
0x94: {  	_ =	strace s3  }
0x95: {  	s3 =	sld [smem:$0x3FFD];
	_ =	sdelay $0x3  }
0x96: {  	_ =	strace s3  }
0x97: {  	_ =	strace $0x8FFFFFFF  }
0x98: {  	s19 =	sld [smem:$0x3FDB];
	_ =	sdelay $0x1  }
0x99: {  	s4 =	simm.s32 $_scs_section_size  }
0x9a: {  	s5 =	simm.s32 $_size__tile_overlayer_lowered;
	s6 =	simm.s32 $_tile_overlayer_lowered  }
0x9b: {  	s22 =	simm.s32 $0x1BFF;
	s21 =	sshll.u32 s6, $0x1;
	s3 =	sadd.s32 s4, s19  }
0x9c: {  	s7 =	simm.s32 $0x0;
	s20 =	sshll.u32 s5, $0x1;
	s5 =	sadd.s32 s21, s3  }
0x9d: {  	[timem:s7], [sflag:s22] =	dma.local [hbm:s5], s20  }
0x9e: {  	_ =	swait.ge [sflag:s22], s20  }
0x9f: {  	s4 =	ssub.s32 $0x0, s20;
	[sflag:s22] =	ssyncset.done $0x0  }
0xa0: {  	[sflag:s22] =	ssyncadd.s32 s4;
	_ =	sdelay $0x1  }
0xa1: {  	s23 =	simm.s32 $0x1B8B  }
0xa2: {  	_ =	swait.ge [sflag:s23], $0x1  }
0xa3: {  	[sflag:s23] =	ssyncset.done $0x0  }
0xa4: {  	s25 =	simm.s32 $0x1B8E;
	s24 =	sld [smem:$0x3FFE];
	[sflag:s23] =	ssyncadd.s32 $0xFFFFFFFF  }
0xa5: {  	s26 =	simm.s32 $execute0_lowered;
	[smem:$0x3FD2] =	sst s25  }
0xa6: {  	s5 =	sshll.u32 s26, $0x1;
	_ =	strace $0x8000005E;
	[dreg:$0x1] =	wrdreg $0xFFFFFFFF  }
0xa7: {  	s28 =	simm.s32 $_size_execute0_lowered;
	s3 =	sadd.s32 s3, s5;
	[dreg:$0x0] =	wrdreg $0x0  }
0xa8: {  	s5 =	sshll.u32 s28, $0x1;
	[dreg:$0x2] =	wrdreg s3  }
0xa9: {  	[dreg:$0x3] =	wrdreg s5  }
0xaa: {  	[dreg:$0x4] =	wrdreg $0xC0  }
0xab: {  	_ =	task [dreg:s7], $0x5FFFF  }
0xac: {  	[dreg:$0x1] =	wrdreg $0xFFFFFFFF  }
0xad: {  	[dreg:$0x0] =	wrdreg $0x60  }
0xae: {  	[dreg:$0x2] =	wrdreg s2  }
0xaf: {  	[dreg:$0x3] =	wrdreg s24  }
0xb0: {  	[dreg:$0x4] =	wrdreg $0x41000  }
0xb1: {  	[dreg:$0x5] =	wrdreg $0x9  }
0xb2: {  	_ =	task.clear_ibuf [dreg:s7], $0x6FFFF;
	_ =	strace $0x9000005E  }
0xb3: {  	s29 =	simm.s32 $0x9;
	_ =	strace $0x80000060  }
0xb4: {  	_ =	swait.ge [sflag:s29], $0x1  }
0xb5: {  	[sflag:s29] =	ssyncadd.s32 $0xFFFFFFFF  }
0xb6: {  	_ =	strace $0x90000060  }
0xb7: {  	_ =	sfence  }
0xb8: {  	s30 =	sld [smem:$0x0];
	_ =	sdelay $0x2  }
0xb9: {  	s31 =	sshll.u32 s1, $0xD;
	s1 =	sshrl.u32 s1, $0x2  }
0xba: {  	s3 =	sand.u32 $0x4000, s31;
	s1 =	sadd.s32 s1, s30  }
0xbb: {  	s0 =	sor.u32 s3, s0;
	s1 =	sshll.u32 s1, $0x11  }
0xbc: {  	s0 =	sor.u32 s1, s0  }
0xbd: {  	s0 =	sadd.s32 $0x8F2B, s0  }
0xbe: {  	[sflag:s0] =	ssyncadd.remote.s32 $0x1  }
0xbf: {  	_ =	sfence.sel $0xFFFF  }
0xc0: {  	[dreg:$0x0] =	wrdreg $0xFFFFFFFF;
	(pc) =	sbr.abs _section_cstart, $3  }
0xc1: {  	[dreg:$0x1] =	wrdreg $0xFFFFFFFF  }
0xc2: {  	_ =	task.clear_ibuf [dreg:s7], $0x2FFFF;
	_ =	strace $0x9FFFFFFF  }
0xc3: {  	(tm) =	ssettm $0x7FFFFFFF  }
tec
execute0_lowered:
.L_overlay_start_1:
0x0: {  	(tag) =	ssettag $0x1  }
0x1: {  	s1 =	rddreg [dreg:$0x0]  }
0x2: {  	s8 =	rddreg [dreg:$0x1]  }
0x3: {  	s2 =	rddreg [dreg:$0x2];
	s3 =	srdreg.scid  }
0x4: {  	s0 =	rddreg [dreg:$0x3];
	s4 =	simm.s32 $0x0;
	s9 =	sand.u32 $0x1, s3  }
0x5: {  	s15 =	simm.s32 $0x100;
	s3 =	stileid.u32;
	s10 =	smul.u32 $0x140000, s9  }
0x6: {  	s16 =	simm.s32 $0x1;
	s17 =	simm.s32 $0x0;
	s11 =	smul.u32 $0x14000, s3  }
0x7: {  	[smem:$0x7FF] =	sst s4;
	s5 =	sadd.s32 $0x62200, s8;
	s12 =	smul.u32 $0x50000, s3  }
0x8: {  	s6 =	sadd.s32 $0x6A00, s8;
	s30 =	ssub.s32 $0x2, s9;
	s9 =	smul.u32 $0x2C000, s9  }
0x9: {  	s7 =	sadd.s32 $0x94400, s8;
	_ =	strace $0x8000005F;
	s14 =	smul.u32 $0x2C00, s3  }
0xa: {  	s13 =	sshll.u32 s3, $0x6;
	s31 =	sshrl.u32 s30, $0x1;
	s10 =	sadd.s32 s11, s10  }
0xb: {  	s12 =	sshrl.u32 s12, $0x2;
	s11 =	ssub.s32 s30, s31;
	s9 =	sadd.s32 s14, s9  }
0xc: {  	s14 =	simm.s32 $0x80;
	s10 =	sshrl.u32 s10, $0x3;
	s12 =	sadd.s32 s12, s2  }
0xd: {  	s11 =	smax.u32 s11, $0x1;
	s10 =	sadd.s32 s10, s8;
	s8 =	sor.u32 $0x1C02, s13  }
0xe: {  	s12 =	sshrl.u32 s12, $0x3;
	s13 =	simm.s32 $0x2;
	s10 =	sadd.s32 $0x96C00, s10  }
.LBB2_1:
0xf: {  	[spmem:s12], [sflag:s8] =	dma.local [hbm:s7], $0x2800  }
0x10: {  	s18 =	sand.u32 $0x3C00, s4  }
0x11: {  	s19 =	sand.u32 $0x380, s4;
	_ =	swait.ge [sflag:s13], $0x2800;
	s18 =	sadd.s32 s18, s9  }
0x12: {  	[sflag:s13] =	ssyncset.done $0x0;
	s18 =	sor.u32 s19, s18  }
0x13: {  	[sflag:s13] =	ssyncadd.s32 $0xFFFFD800;
	s18 =	sshrl.u32 s18, $0x3  }
0x14: {  	[bflag:$0x0] =	sbarrier.arrive $0xFFFF;
	s29 =	sadd.s32 s5, s18  }
0x15: {  	[tilespmem:s4], [sflag:$0x2] =	stream.linear.gather [hbm4b:s29+s4], $0x80, $0x38;
	[tilespmem:$0x18100] =	vst v63  }
0x16: {  	_ =	swait.ge [sflag:s13], $0x80  }
0x17: {  	[sflag:s13] =	ssyncset.done $0x0  }
0x18: {  	[sflag:s13] =	ssyncadd.s32 $0xFFFFFF80  }
0x19: {  	[tilespmem:s15], [sflag:$0x1] =	stream.indirect.gather [hbm4b:s1+s14], $0x80, s4, s14, $0xb8;
	[tilespmem:$0x18100] =	vst v63  }
0x1a: {  	s18 =	sadd.s32 s6, s18  }
0x1b: {  	[tilespmem:s14], [sflag:$0x2] =	stream.linear.gather [hbm4b:s18+s4], $0x80, $0x38;
	[tilespmem:$0x18100] =	vst v63  }
0x1c: {  	_ =	swait.ge [sflag:s13], $0x80  }
0x1d: {  	s30 =	simm.s32 $0x80;
	[sflag:s13] =	ssyncset.done $0x0  }
0x1e: {  	s31 =	sand.u32 $0x3C00, s30;
	[sflag:s13] =	ssyncadd.s32 $0xFFFFFF80  }
0x1f: {  	s19 =	sadd.s32 s31, s9;
	s18 =	sand.u32 $0x380, s30;
	_ =	swait.ge [sflag:s16], $0x4000  }
0x20: {  	s19 =	sor.u32 s18, s19;
	[sflag:s16] =	ssyncset.done $0x0  }
0x21: {  	s18 =	simm.s32 $0x100;
	s19 =	sshrl.u32 s19, $0x3;
	[sflag:s16] =	ssyncadd.s32 $0xFFFFC000  }
.LBB2_2:
0x22: {  	[spmem:s2] =	stream.indirect.scatter.add.f32 [tilespmem:s15], [sflag:$0x2], $0x80, s14, s14, $0xb8;
	[tilespmem:$0x18100] =	vst v63  }
0x23: {  	s20 =	smov.u32 s18  }
0x24: {  	p0 =	sne.s32 s18, $0x2800;
	s18 =	sadd.s32 $0x80, s18;
	_ =	swait.ge [sflag:s13], $0x4000  }
0x25: {  	[sflag:s13] =	ssyncset.done $0x0  }
0x26: {  	s21 =	sadd.s32 s5, s19;
	[sflag:s13] =	ssyncadd.s32 $0xFFFFC000  }
0x27: {  	[tilespmem:s4], [sflag:$0x2] =	stream.linear.gather [hbm4b:s21+s4], $0x80, $0x38;
	[tilespmem:$0x18100] =	vst v63  }
0x28: {  	_ =	swait.ge [sflag:s13], $0x80  }
0x29: {  	[sflag:s13] =	ssyncset.done $0x0  }
0x2a: {  	[sflag:s13] =	ssyncadd.s32 $0xFFFFFF80  }
0x2b: {  	[tilespmem:s15], [sflag:$0x1] =	stream.indirect.gather [hbm4b:s1+s14], $0x80, s4, s14, $0xb8;
	[tilespmem:$0x18100] =	vst v63  }
0x2c: {  	s19 =	sadd.s32 s6, s19  }
0x2d: {  	[tilespmem:s14], [sflag:$0x2] =	stream.linear.gather [hbm4b:s19+s4], $0x80, $0x38;
	[tilespmem:$0x18100] =	vst v63  }
0x2e: {  	_ =	swait.ge [sflag:s13], $0x80  }
.Ltmp0:
0x2f: {  	[sflag:s13] =	ssyncset.done $0x0;
	(pc) =	sbr.rel @p0 .LBB2_2-.Ltmp0, $4  }
0x30: {  	s19 =	sand.u32 $0x3C00, s20;
	[sflag:s13] =	ssyncadd.s32 $0xFFFFFF80  }
0x31: {  	s20 =	sand.u32 $0x380, s20;
	s19 =	sadd.s32 s19, s9;
	_ =	swait.ge [sflag:s16], $0x4000  }
0x32: {  	s19 =	sor.u32 s20, s19;
	[sflag:s16] =	ssyncset.done $0x0  }
0x33: {  	s19 =	sshrl.u32 s19, $0x3;
	[sflag:s16] =	ssyncadd.s32 $0xFFFFC000  }
0x34: {  	[spmem:s2] =	stream.indirect.scatter.add.f32 [tilespmem:s15], [sflag:$0x2], $0x80, s14, s14, $0xb8;
	[tilespmem:$0x18100] =	vst v63  }
0x35: {  	_ =	swait.ge [sflag:s13], $0x4000  }
0x36: {  	[sflag:s13] =	ssyncset.done $0x0  }
0x37: {  	s18 =	sadd.s32 s5, s19;
	[sflag:s13] =	ssyncadd.s32 $0xFFFFC000  }
0x38: {  	[tilespmem:s4], [sflag:$0x2] =	stream.linear.gather [hbm4b:s18+s4], $0x80, $0x38;
	[tilespmem:$0x18100] =	vst v63  }
0x39: {  	_ =	swait.ge [sflag:s13], $0x80  }
0x3a: {  	[sflag:s13] =	ssyncset.done $0x0  }
0x3b: {  	[sflag:s13] =	ssyncadd.s32 $0xFFFFFF80  }
0x3c: {  	[tilespmem:s15], [sflag:$0x1] =	stream.indirect.gather [hbm4b:s1+s14], $0x80, s4, s14, $0xb8;
	[tilespmem:$0x18100] =	vst v63  }
0x3d: {  	s31 =	sadd.s32 s6, s19  }
0x3e: {  	[tilespmem:s14], [sflag:$0x2] =	stream.linear.gather [hbm4b:s31+s4], $0x80, $0x38;
	[tilespmem:$0x18100] =	vst v63  }
0x3f: {  	_ =	swait.ge [sflag:s13], $0x80  }
0x40: {  	[sflag:s13] =	ssyncset.done $0x0  }
0x41: {  	[sflag:s13] =	ssyncadd.s32 $0xFFFFFF80  }
0x42: {  	_ =	swait.ge [sflag:s16], $0x4000  }
0x43: {  	[sflag:s16] =	ssyncset.done $0x0  }
0x44: {  	[sflag:s16] =	ssyncadd.s32 $0xFFFFC000  }
0x45: {  	[spmem:s2] =	stream.indirect.scatter.add.f32 [tilespmem:s15], [sflag:$0x2], $0x80, s14, s14, $0xb8;
	[tilespmem:$0x18100] =	vst v63  }
0x46: {  	_ =	swait.ge [sflag:s13], $0x4000  }
0x47: {  	s17 =	sadd.s32 $0x1, s17;
	[sflag:s13] =	ssyncset.done $0x0  }
0x48: {  	p0 =	sne.s32 s17, s11;
	[sflag:s13] =	ssyncadd.s32 $0xFFFFC000  }
.Ltmp1:
0x49: {  	[bflag:$0x0] =	sbarrier.arrive $0xFFFF;
	(pc) =	sbr.rel @p0 .LBB2_1-.Ltmp1, $4  }
0x4a: {  	[hbm:s10], [sflag:s8] =	dma.local [spmem:s12], $0x2800  }
0x4b: {  	_ =	swait.ge [sflag:s13], $0x2800  }
0x4c: {  	[sflag:s13] =	ssyncset.done $0x0  }
0x4d: {  	[sflag:s13] =	ssyncadd.s32 $0xFFFFD800  }
0x4e: {  	_ =	sfence.sel $0x180000  }
0x4f: {  	[bflag:$0x0] =	sbarrier.arrive $0xFFFF  }
0x50: {  	p0 =	sne.s32 s3, $0x0;
	_ =	strace $0x9000005F  }
0x51: {  	s0 =	sadd.s32 @!p0 $0x100000, s0;
	[bflag:$0x2] =	sbarrier.arrive $0xFFFF  }
0x52: {  	[sflag:s0] =	ssyncadd.tile.s32 @!p0 $0x1;
	_ =	shalt  }
.Lfunc_end2:
_tile_overlayer_lowered:
.L_overlay_start_2:
0x53: {  	(tag) =	ssettag $0x2  }
0x54: {  	s0 =	rddreg [dreg:$0x0];
	s2 =	stileid.u32  }
0x55: {  	s1 =	rddreg [dreg:$0x1];
	p0 =	sne.s32 s2, $0x0  }
0x56: {  	s3 =	rddreg [dreg:$0x2];
	[bflag:$0x3] =	sbarrier.arrive $0xFFFF;
	s2 =	simm.s32 @!p0 $0x1C02  }
0x57: {  	[timem:s3], [sflag:s2] =	dma.local @!p0 [hbm:s0], s1  }
0x58: {  	s0 =	simm.s32 @!p0 $0x2  }
0x59: {  	_ =	swait.ge @!p0 [sflag:s0], s1  }
0x5a: {  	s1 =	ssub.s32 @!p0 $0x0, s1;
	[sflag:s0] =	ssyncset.done @!p0 $0x0  }
0x5b: {  	[sflag:s0] =	ssyncadd.s32 @!p0 s1  }
0x5c: {  	[bflag:$0x3] =	sbarrier.arrive $0xFFFF  }
0x5d: {  	_ =	shalt  }

// kernel: kernel.51.cloned.1.call-start
scs
__scs_entry_jumppad:
0x0: {  	(pc) =	sbr.rel $0x88, $3  }
0x1: {  	(tag) =	ssettag $0x0;
	lr =	simm.s32 $0x1  }
0x2: {  	[smem:$0x3F9B] =	sst lr;
	_ =	strace $0xD0000000  }
0x3: {  	_ = 	snop  }
0x4: {  	_ = 	snop  }
0x5: {  	_ = 	snop  }
0x6: {  	_ = 	snop  }
0x7: {  	_ = 	snop  }
__scs_overlays_trampoline_lowered:
0x8: {  	[smem:$0x3FAA] =	sst s0  }
0x9: {  	[smem:$0x3FAB] =	sst s1  }
0xa: {  	[smem:$0x3FAC] =	sst s2  }
0xb: {  	[smem:$0x3FAD] =	sst s3  }
0xc: {  	[smem:$0x3FAE] =	sst s4  }
0xd: {  	[smem:$0x3FAF] =	sst s5  }
0xe: {  	[smem:$0x3FB0] =	sst s6  }
0xf: {  	[smem:$0x3FB1] =	sst s7  }
0x10: {  	[smem:$0x3FB2] =	sst s8  }
0x11: {  	[smem:$0x3FB3] =	sst s9;
	s0 =	simm.s32 @!p0 $0x0  }
0x12: {  	s1 =	sld [smem:$0x3F99];
	s0 =	simm.s32 @p0 $0x1  }
0x13: {  	[smem:$0x3FB4] =	sst s0;
	s0 =	simm.s32 @!p1 $0x0  }
0x14: {  	s2 =	sld [smem:$0x3F98];
	s0 =	simm.s32 @p1 $0x1  }
0x15: {  	[smem:$0x3FB5] =	sst s0;
	s0 =	simm.s32 @!p2 $0x0  }
0x16: {  	s3 =	sld [smem:$0x3FDB];
	s0 =	simm.s32 @p2 $0x1  }
0x17: {  	s4 =	simm.s32 $0x1BF5;
	[smem:$0x3FB7] =	sst s0  }
0x18: {  	s0 =	sld [smem:$0x3F9A];
	_ =	swait.ge [sflag:s4], $0x0  }
0x19: {  	s7 =	sld [smem:$0x3F9B]  }
0x1a: {  	s8 =	sadd.s32 $0xFFFFE003, lr  }
0x1b: {  	s9 =	sadd.s32 $0xFFFFFEF7, lr;
	s5 =	simm.s32 $0xFFFFFFFF;
	p2 =	slt.u32 s8, $0xFFFFF086  }
0x1c: {  	p1 =	slt.u32 s9, $0xF7A;
	s5 =	simm.s32 @!p2 $0x0  }
0x1d: {  	s5 =	simm.s32 @p1 $0x1;
	p0 =	seq.s32 s7, s2  }
0x1e: {  	s7 =	smul.u32 @!p0 $0xF7A, s2;
	p2 =	seq.s32 @!p0 s5, $0x0  }
0x1f: {  	s9 =	smul.u32 $0xF7A, s1;
	s8 =	simm.s32 @!p0 $0x1BF5;
	p2 =	por !p2, p0  }
0x20: {  	[sflag:s8] =	ssyncset.s32 @!p0 $0xFFFFF086;
	s6 =	sadd.s32 @!p0 s3, s7;
	s7 =	simm.s32 @!p0 $0x108  }
0x21: {  	s3 =	sadd.s32 s3, s9;
	s6 =	sadd.s32 @!p0 $0x88, s6;
	s7 =	simm.s32 @p2 $0x1082  }
0x22: {  	[simem:s7], [sflag:s8] =	dma.local @!p0 [hbm:s6], $0xF7A  }
0x23: {  	s9 =	sor.u32 $0xD0000000, s2;
	s6 =	simm.s32 $0x108;
	_ =	swait.ge @!p0 [sflag:s8], $0x0  }
0x24: {  	s3 =	sadd.s32 $0x88, s3;
	s6 =	simm.s32 @!p1 $0x1082;
	[sflag:s4] =	ssyncset.s32 $0xFFFFF086  }
0x25: {  	[simem:s6], [sflag:s4] =	dma.local [hbm:s3], $0xF7A  }
0x26: {  	[smem:$0x3F9B] =	sst s1;
	(tag) =	ssettag s2;
	_ =	strace s9  }
0x27: {  	s1 =	sld [smem:$0x3FAB]  }
0x28: {  	s2 =	sld [smem:$0x3FAC]  }
0x29: {  	s4 =	sld [smem:$0x3FAE]  }
0x2a: {  	p0 =	seq.s32 s5, $0x0;
	s5 =	sld [smem:$0x3FAF]  }
0x2b: {  	s6 =	sld [smem:$0x3FB0]  }
0x2c: {  	s7 =	sld [smem:$0x3FB1]  }
0x2d: {  	s3 =	simm.s32 $0x108;
	s8 =	sld [smem:$0x3FB2]  }
0x2e: {  	s3 =	simm.s32 @!p0 $0x1082;
	s9 =	sld [smem:$0x3FB3]  }
0x2f: {  	lr =	sadd.s32 s0, s3;
	s0 =	sld [smem:$0x3FAA]  }
0x30: {  	s3 =	sld [smem:$0x3FAD]  }
0x31: {  	[smem:$0x3FB6] =	sst s10  }
0x32: {  	s10 =	sld [smem:$0x3FB4];
	_ =	sdelay $0x3  }
0x33: {  	p0 =	seq.s32 s10, $0x1;
	s10 =	sld [smem:$0x3FB6];
	_ =	sdelay $0x3  }
0x34: {  	[smem:$0x3FB6] =	sst s10  }
0x35: {  	s10 =	sld [smem:$0x3FB5];
	_ =	sdelay $0x3  }
0x36: {  	p1 =	seq.s32 s10, $0x1;
	s10 =	sld [smem:$0x3FB6];
	_ =	sdelay $0x3  }
0x37: {  	[smem:$0x3FB6] =	sst s10  }
0x38: {  	s10 =	sld [smem:$0x3FB7]  }
0x39: {  	_ = 	snop;
	(pc) =	sbr.ind lr, $3  }
0x3a: {  	_ = 	snop  }
0x3b: {  	_ = 	snop  }
0x3c: {  	p2 =	seq.s32 s10, $0x1;
	s10 =	sld [smem:$0x3FB6]  }
0x3d: {  	_ =	shalt  }
0x3e: {  	_ =	shalt  }
0x3f: {  	_ =	shalt  }
0x40: {  	_ =	shalt  }
0x41: {  	_ =	shalt  }
0x42: {  	_ =	shalt  }
0x43: {  	_ =	shalt  }
0x44: {  	_ =	shalt  }
0x45: {  	_ =	shalt  }
0x46: {  	_ =	shalt  }
0x47: {  	_ =	shalt  }
0x48: {  	_ =	shalt  }
0x49: {  	_ =	shalt  }
0x4a: {  	_ =	shalt  }
0x4b: {  	_ =	shalt  }
0x4c: {  	_ =	shalt  }
0x4d: {  	_ =	shalt  }
0x4e: {  	_ =	shalt  }
0x4f: {  	_ =	shalt  }
0x50: {  	_ =	shalt  }
0x51: {  	_ =	shalt  }
0x52: {  	_ =	shalt  }
0x53: {  	_ =	shalt  }
0x54: {  	_ =	shalt  }
0x55: {  	_ =	shalt  }
0x56: {  	_ =	shalt  }
0x57: {  	_ =	shalt  }
0x58: {  	_ =	shalt  }
0x59: {  	_ =	shalt  }
0x5a: {  	_ =	shalt  }
0x5b: {  	_ =	shalt  }
0x5c: {  	_ =	shalt  }
0x5d: {  	_ =	shalt  }
0x5e: {  	_ =	shalt  }
0x5f: {  	_ =	shalt  }
0x60: {  	_ =	shalt  }
0x61: {  	_ =	shalt  }
0x62: {  	_ =	shalt  }
0x63: {  	_ =	shalt  }
0x64: {  	_ =	shalt  }
0x65: {  	_ =	shalt  }
0x66: {  	_ =	shalt  }
0x67: {  	_ =	shalt  }
0x68: {  	_ =	shalt  }
0x69: {  	_ =	shalt  }
0x6a: {  	_ =	shalt  }
0x6b: {  	_ =	shalt  }
0x6c: {  	_ =	shalt  }
0x6d: {  	_ =	shalt  }
0x6e: {  	_ =	shalt  }
0x6f: {  	_ =	shalt  }
0x70: {  	_ =	shalt  }
0x71: {  	_ =	shalt  }
0x72: {  	_ =	shalt  }
0x73: {  	_ =	shalt  }
0x74: {  	_ =	shalt  }
0x75: {  	_ =	shalt  }
0x76: {  	_ =	shalt  }
0x77: {  	_ =	shalt  }
0x78: {  	_ =	shalt  }
0x79: {  	_ =	shalt  }
0x7a: {  	_ =	shalt  }
0x7b: {  	_ =	shalt  }
0x7c: {  	_ =	shalt  }
0x7d: {  	_ =	shalt  }
0x7e: {  	_ =	shalt  }
0x7f: {  	_ =	shalt  }
0x80: {  	_ =	shalt  }
0x81: {  	_ =	shalt  }
0x82: {  	_ =	shalt  }
0x83: {  	_ =	shalt  }
0x84: {  	_ =	shalt  }
0x85: {  	_ =	shalt  }
0x86: {  	_ =	shalt  }
0x87: {  	_ =	shalt  }
.Lfunc_end0:
.L_simem_size_0:
called_computation.9_lowered:
.L_overlay_start_0:
0x88: {  	s2 =	sld [smem:$0x3FD9]  }
0x89: {  	s3 =	sld [smem:$0x3FFE];
	_ =	sdelay $0x1  }
0x8a: {  	s1 =	srdreg.scid  }
0x8b: {  	s0 =	sand.u32 $0x1, s1  }
0x8c: {  	s17 =	sshll.u32 s0, $0xA;
	s2 =	sadd.s32 s3, s2  }
0x8d: {  	s2 =	sadd.s32 s2, s17  }
0x8e: {  	[smem:$0x3FC2] =	sst s2  }
0x8f: {  	_ = 	snop  }
0x90: {  	s2 =	sld [smem:$0x3FD0];
	(tm) =	ssettm $0x1  }
0x91: {  	s18 =	sld [smem:$0x3FFB];
	_ =	sdelay $0x3  }
0x92: {  	_ =	strace s18  }
0x93: {  	s3 =	sld [smem:$0x3FFC];
	_ =	sdelay $0x3  }
0x94: {  	_ =	strace s3  }
0x95: {  	s3 =	sld [smem:$0x3FFD];
	_ =	sdelay $0x3  }
0x96: {  	_ =	strace s3  }
0x97: {  	_ =	strace $0x8FFFFFFF  }
0x98: {  	s19 =	sld [smem:$0x3FDB];
	_ =	sdelay $0x1  }
0x99: {  	s4 =	simm.s32 $_scs_section_size  }
0x9a: {  	s5 =	simm.s32 $_size__tile_overlayer_lowered;
	s6 =	simm.s32 $_tile_overlayer_lowered  }
0x9b: {  	s22 =	simm.s32 $0x1BFF;
	s21 =	sshll.u32 s6, $0x1;
	s3 =	sadd.s32 s4, s19  }
0x9c: {  	s7 =	simm.s32 $0x0;
	s20 =	sshll.u32 s5, $0x1;
	s5 =	sadd.s32 s21, s3  }
0x9d: {  	[timem:s7], [sflag:s22] =	dma.local [hbm:s5], s20  }
0x9e: {  	_ =	swait.ge [sflag:s22], s20  }
0x9f: {  	s4 =	ssub.s32 $0x0, s20;
	[sflag:s22] =	ssyncset.done $0x0  }
0xa0: {  	[sflag:s22] =	ssyncadd.s32 s4;
	_ =	sdelay $0x1  }
0xa1: {  	s23 =	simm.s32 $0x1B8B  }
0xa2: {  	_ =	swait.ge [sflag:s23], $0x1  }
0xa3: {  	[sflag:s23] =	ssyncset.done $0x0  }
0xa4: {  	s25 =	simm.s32 $0x1B8E;
	s24 =	sld [smem:$0x3FFE];
	[sflag:s23] =	ssyncadd.s32 $0xFFFFFFFF  }
0xa5: {  	s26 =	simm.s32 $execute0_lowered;
	[smem:$0x3FD2] =	sst s25  }
0xa6: {  	s5 =	sshll.u32 s26, $0x1;
	_ =	strace $0x80000061;
	[dreg:$0x1] =	wrdreg $0xFFFFFFFF  }
0xa7: {  	s28 =	simm.s32 $_size_execute0_lowered;
	s3 =	sadd.s32 s3, s5;
	[dreg:$0x0] =	wrdreg $0x0  }
0xa8: {  	s5 =	sshll.u32 s28, $0x1;
	[dreg:$0x2] =	wrdreg s3  }
0xa9: {  	[dreg:$0x3] =	wrdreg s5  }
0xaa: {  	[dreg:$0x4] =	wrdreg $0xC0  }
0xab: {  	_ =	task [dreg:s7], $0x5FFFF  }
0xac: {  	[dreg:$0x1] =	wrdreg $0xFFFFFFFF  }
0xad: {  	[dreg:$0x0] =	wrdreg $0x60  }
0xae: {  	[dreg:$0x2] =	wrdreg s2  }
0xaf: {  	[dreg:$0x3] =	wrdreg s24  }
0xb0: {  	[dreg:$0x4] =	wrdreg $0x41000  }
0xb1: {  	[dreg:$0x5] =	wrdreg $0x9  }
0xb2: {  	_ =	task.clear_ibuf [dreg:s7], $0x6FFFF;
	_ =	strace $0x90000061  }
0xb3: {  	s29 =	simm.s32 $0x9;
	_ =	strace $0x80000063  }
0xb4: {  	_ =	swait.ge [sflag:s29], $0x1  }
0xb5: {  	[sflag:s29] =	ssyncadd.s32 $0xFFFFFFFF  }
0xb6: {  	_ =	strace $0x90000063  }
0xb7: {  	_ =	sfence  }
0xb8: {  	s30 =	sld [smem:$0x0];
	_ =	sdelay $0x2  }
0xb9: {  	s31 =	sshll.u32 s1, $0xD;
	s1 =	sshrl.u32 s1, $0x2  }
0xba: {  	s3 =	sand.u32 $0x4000, s31;
	s1 =	sadd.s32 s1, s30  }
0xbb: {  	s0 =	sor.u32 s3, s0;
	s1 =	sshll.u32 s1, $0x11  }
0xbc: {  	s0 =	sor.u32 s1, s0  }
0xbd: {  	s0 =	sadd.s32 $0x8F2B, s0  }
0xbe: {  	[sflag:s0] =	ssyncadd.remote.s32 $0x1  }
0xbf: {  	_ =	sfence.sel $0xFFFF  }
0xc0: {  	[dreg:$0x0] =	wrdreg $0xFFFFFFFF;
	(pc) =	sbr.abs _section_cstart, $3  }
0xc1: {  	[dreg:$0x1] =	wrdreg $0xFFFFFFFF  }
0xc2: {  	_ =	task.clear_ibuf [dreg:s7], $0x2FFFF;
	_ =	strace $0x9FFFFFFF  }
0xc3: {  	(tm) =	ssettm $0x7FFFFFFF  }
tec
execute0_lowered:
.L_overlay_start_1:
0x0: {  	(tag) =	ssettag $0x1  }
0x1: {  	s1 =	rddreg [dreg:$0x0]  }
0x2: {  	s8 =	rddreg [dreg:$0x1]  }
0x3: {  	s2 =	rddreg [dreg:$0x2];
	s3 =	srdreg.scid  }
0x4: {  	s0 =	rddreg [dreg:$0x3];
	s4 =	simm.s32 $0x0;
	s9 =	sand.u32 $0x1, s3  }
0x5: {  	s15 =	simm.s32 $0x100;
	s3 =	stileid.u32;
	s10 =	smul.u32 $0x140000, s9  }
0x6: {  	s16 =	simm.s32 $0x1;
	s17 =	simm.s32 $0x0;
	s11 =	smul.u32 $0x14000, s3  }
0x7: {  	[smem:$0x7FF] =	sst s4;
	s5 =	sadd.s32 $0x62200, s8;
	s12 =	smul.u32 $0x50000, s3  }
0x8: {  	s6 =	sadd.s32 $0x6A00, s8;
	s30 =	ssub.s32 $0x2, s9;
	s9 =	smul.u32 $0x2C000, s9  }
0x9: {  	s7 =	sadd.s32 $0x94400, s8;
	_ =	strace $0x80000062;
	s14 =	smul.u32 $0x2C00, s3  }
0xa: {  	s13 =	sshll.u32 s3, $0x6;
	s31 =	sshrl.u32 s30, $0x1;
	s10 =	sadd.s32 s11, s10  }
0xb: {  	s12 =	sshrl.u32 s12, $0x2;
	s11 =	ssub.s32 s30, s31;
	s9 =	sadd.s32 s14, s9  }
0xc: {  	s14 =	simm.s32 $0x80;
	s10 =	sshrl.u32 s10, $0x3;
	s12 =	sadd.s32 s12, s2  }
0xd: {  	s11 =	smax.u32 s11, $0x1;
	s10 =	sadd.s32 s10, s8;
	s8 =	sor.u32 $0x1C02, s13  }
0xe: {  	s12 =	sshrl.u32 s12, $0x3;
	s13 =	simm.s32 $0x2;
	s10 =	sadd.s32 $0x96C00, s10  }
.LBB2_1:
0xf: {  	[spmem:s12], [sflag:s8] =	dma.local [hbm:s7], $0x2800  }
0x10: {  	s18 =	sand.u32 $0x3C00, s4  }
0x11: {  	s19 =	sand.u32 $0x380, s4;
	_ =	swait.ge [sflag:s13], $0x2800;
	s18 =	sadd.s32 s18, s9  }
0x12: {  	[sflag:s13] =	ssyncset.done $0x0;
	s18 =	sor.u32 s19, s18  }
0x13: {  	[sflag:s13] =	ssyncadd.s32 $0xFFFFD800;
	s18 =	sshrl.u32 s18, $0x3  }
0x14: {  	[bflag:$0x0] =	sbarrier.arrive $0xFFFF;
	s29 =	sadd.s32 s5, s18  }
0x15: {  	[tilespmem:s4], [sflag:$0x2] =	stream.linear.gather [hbm4b:s29+s4], $0x80, $0x38;
	[tilespmem:$0x18100] =	vst v63  }
0x16: {  	_ =	swait.ge [sflag:s13], $0x80  }
0x17: {  	[sflag:s13] =	ssyncset.done $0x0  }
0x18: {  	[sflag:s13] =	ssyncadd.s32 $0xFFFFFF80  }
0x19: {  	[tilespmem:s15], [sflag:$0x1] =	stream.indirect.gather [hbm4b:s1+s14], $0x80, s4, s14, $0xb8;
	[tilespmem:$0x18100] =	vst v63  }
0x1a: {  	s18 =	sadd.s32 s6, s18  }
0x1b: {  	[tilespmem:s14], [sflag:$0x2] =	stream.linear.gather [hbm4b:s18+s4], $0x80, $0x38;
	[tilespmem:$0x18100] =	vst v63  }
0x1c: {  	_ =	swait.ge [sflag:s13], $0x80  }
0x1d: {  	s30 =	simm.s32 $0x80;
	[sflag:s13] =	ssyncset.done $0x0  }
0x1e: {  	s31 =	sand.u32 $0x3C00, s30;
	[sflag:s13] =	ssyncadd.s32 $0xFFFFFF80  }
0x1f: {  	s19 =	sadd.s32 s31, s9;
	s18 =	sand.u32 $0x380, s30;
	_ =	swait.ge [sflag:s16], $0x4000  }
0x20: {  	s19 =	sor.u32 s18, s19;
	[sflag:s16] =	ssyncset.done $0x0  }
0x21: {  	s18 =	simm.s32 $0x100;
	s19 =	sshrl.u32 s19, $0x3;
	[sflag:s16] =	ssyncadd.s32 $0xFFFFC000  }
.LBB2_2:
0x22: {  	[spmem:s2] =	stream.indirect.scatter.add.f32 [tilespmem:s15], [sflag:$0x2], $0x80, s14, s14, $0xb8;
	[tilespmem:$0x18100] =	vst v63  }
0x23: {  	s20 =	smov.u32 s18  }
0x24: {  	p0 =	sne.s32 s18, $0x2800;
	s18 =	sadd.s32 $0x80, s18;
	_ =	swait.ge [sflag:s13], $0x4000  }
0x25: {  	[sflag:s13] =	ssyncset.done $0x0  }
0x26: {  	s21 =	sadd.s32 s5, s19;
	[sflag:s13] =	ssyncadd.s32 $0xFFFFC000  }
0x27: {  	[tilespmem:s4], [sflag:$0x2] =	stream.linear.gather [hbm4b:s21+s4], $0x80, $0x38;
	[tilespmem:$0x18100] =	vst v63  }
0x28: {  	_ =	swait.ge [sflag:s13], $0x80  }
0x29: {  	[sflag:s13] =	ssyncset.done $0x0  }
0x2a: {  	[sflag:s13] =	ssyncadd.s32 $0xFFFFFF80  }
0x2b: {  	[tilespmem:s15], [sflag:$0x1] =	stream.indirect.gather [hbm4b:s1+s14], $0x80, s4, s14, $0xb8;
	[tilespmem:$0x18100] =	vst v63  }
0x2c: {  	s19 =	sadd.s32 s6, s19  }
0x2d: {  	[tilespmem:s14], [sflag:$0x2] =	stream.linear.gather [hbm4b:s19+s4], $0x80, $0x38;
	[tilespmem:$0x18100] =	vst v63  }
0x2e: {  	_ =	swait.ge [sflag:s13], $0x80  }
.Ltmp0:
0x2f: {  	[sflag:s13] =	ssyncset.done $0x0;
	(pc) =	sbr.rel @p0 .LBB2_2-.Ltmp0, $4  }
0x30: {  	s19 =	sand.u32 $0x3C00, s20;
	[sflag:s13] =	ssyncadd.s32 $0xFFFFFF80  }
0x31: {  	s20 =	sand.u32 $0x380, s20;
	s19 =	sadd.s32 s19, s9;
	_ =	swait.ge [sflag:s16], $0x4000  }
0x32: {  	s19 =	sor.u32 s20, s19;
	[sflag:s16] =	ssyncset.done $0x0  }
0x33: {  	s19 =	sshrl.u32 s19, $0x3;
	[sflag:s16] =	ssyncadd.s32 $0xFFFFC000  }
0x34: {  	[spmem:s2] =	stream.indirect.scatter.add.f32 [tilespmem:s15], [sflag:$0x2], $0x80, s14, s14, $0xb8;
	[tilespmem:$0x18100] =	vst v63  }
0x35: {  	_ =	swait.ge [sflag:s13], $0x4000  }
0x36: {  	[sflag:s13] =	ssyncset.done $0x0  }
0x37: {  	s18 =	sadd.s32 s5, s19;
	[sflag:s13] =	ssyncadd.s32 $0xFFFFC000  }
0x38: {  	[tilespmem:s4], [sflag:$0x2] =	stream.linear.gather [hbm4b:s18+s4], $0x80, $0x38;
	[tilespmem:$0x18100] =	vst v63  }
0x39: {  	_ =	swait.ge [sflag:s13], $0x80  }
0x3a: {  	[sflag:s13] =	ssyncset.done $0x0  }
0x3b: {  	[sflag:s13] =	ssyncadd.s32 $0xFFFFFF80  }
0x3c: {  	[tilespmem:s15], [sflag:$0x1] =	stream.indirect.gather [hbm4b:s1+s14], $0x80, s4, s14, $0xb8;
	[tilespmem:$0x18100] =	vst v63  }
0x3d: {  	s31 =	sadd.s32 s6, s19  }
0x3e: {  	[tilespmem:s14], [sflag:$0x2] =	stream.linear.gather [hbm4b:s31+s4], $0x80, $0x38;
	[tilespmem:$0x18100] =	vst v63  }
0x3f: {  	_ =	swait.ge [sflag:s13], $0x80  }
0x40: {  	[sflag:s13] =	ssyncset.done $0x0  }
0x41: {  	[sflag:s13] =	ssyncadd.s32 $0xFFFFFF80  }
0x42: {  	_ =	swait.ge [sflag:s16], $0x4000  }
0x43: {  	[sflag:s16] =	ssyncset.done $0x0  }
0x44: {  	[sflag:s16] =	ssyncadd.s32 $0xFFFFC000  }
0x45: {  	[spmem:s2] =	stream.indirect.scatter.add.f32 [tilespmem:s15], [sflag:$0x2], $0x80, s14, s14, $0xb8;
	[tilespmem:$0x18100] =	vst v63  }
0x46: {  	_ =	swait.ge [sflag:s13], $0x4000  }
0x47: {  	s17 =	sadd.s32 $0x1, s17;
	[sflag:s13] =	ssyncset.done $0x0  }
0x48: {  	p0 =	sne.s32 s17, s11;
	[sflag:s13] =	ssyncadd.s32 $0xFFFFC000  }
.Ltmp1:
0x49: {  	[bflag:$0x0] =	sbarrier.arrive $0xFFFF;
	(pc) =	sbr.rel @p0 .LBB2_1-.Ltmp1, $4  }
0x4a: {  	[hbm:s10], [sflag:s8] =	dma.local [spmem:s12], $0x2800  }
0x4b: {  	_ =	swait.ge [sflag:s13], $0x2800  }
0x4c: {  	[sflag:s13] =	ssyncset.done $0x0  }
0x4d: {  	[sflag:s13] =	ssyncadd.s32 $0xFFFFD800  }
0x4e: {  	_ =	sfence.sel $0x180000  }
0x4f: {  	[bflag:$0x0] =	sbarrier.arrive $0xFFFF  }
0x50: {  	p0 =	sne.s32 s3, $0x0;
	_ =	strace $0x90000062  }
0x51: {  	s0 =	sadd.s32 @!p0 $0x100000, s0;
	[bflag:$0x2] =	sbarrier.arrive $0xFFFF  }
0x52: {  	[sflag:s0] =	ssyncadd.tile.s32 @!p0 $0x1;
	_ =	shalt  }
.Lfunc_end2:
_tile_overlayer_lowered:
.L_overlay_start_2:
0x53: {  	(tag) =	ssettag $0x2  }
0x54: {  	s0 =	rddreg [dreg:$0x0];
	s2 =	stileid.u32  }
0x55: {  	s1 =	rddreg [dreg:$0x1];
	p0 =	sne.s32 s2, $0x0  }
0x56: {  	s3 =	rddreg [dreg:$0x2];
	[bflag:$0x3] =	sbarrier.arrive $0xFFFF;
	s2 =	simm.s32 @!p0 $0x1C02  }
0x57: {  	[timem:s3], [sflag:s2] =	dma.local @!p0 [hbm:s0], s1  }
0x58: {  	s0 =	simm.s32 @!p0 $0x2  }
0x59: {  	_ =	swait.ge @!p0 [sflag:s0], s1  }
0x5a: {  	s1 =	ssub.s32 @!p0 $0x0, s1;
	[sflag:s0] =	ssyncset.done @!p0 $0x0  }
0x5b: {  	[sflag:s0] =	ssyncadd.s32 @!p0 s1  }
0x5c: {  	[bflag:$0x3] =	sbarrier.arrive $0xFFFF  }
0x5d: {  	_ =	shalt  }

// kernel: kernel.54.cloned.1.call-start
scs
__scs_entry_jumppad:
0x0: {  	(pc) =	sbr.rel $0x88, $3  }
0x1: {  	(tag) =	ssettag $0x0;
	lr =	simm.s32 $0x1  }
0x2: {  	[smem:$0x3F9B] =	sst lr;
	_ =	strace $0xD0000000  }
0x3: {  	_ = 	snop  }
0x4: {  	_ = 	snop  }
0x5: {  	_ = 	snop  }
0x6: {  	_ = 	snop  }
0x7: {  	_ = 	snop  }
__scs_overlays_trampoline_lowered:
0x8: {  	[smem:$0x3FAA] =	sst s0  }
0x9: {  	[smem:$0x3FAB] =	sst s1  }
0xa: {  	[smem:$0x3FAC] =	sst s2  }
0xb: {  	[smem:$0x3FAD] =	sst s3  }
0xc: {  	[smem:$0x3FAE] =	sst s4  }
0xd: {  	[smem:$0x3FAF] =	sst s5  }
0xe: {  	[smem:$0x3FB0] =	sst s6  }
0xf: {  	[smem:$0x3FB1] =	sst s7  }
0x10: {  	[smem:$0x3FB2] =	sst s8  }
0x11: {  	[smem:$0x3FB3] =	sst s9;
	s0 =	simm.s32 @!p0 $0x0  }
0x12: {  	s1 =	sld [smem:$0x3F99];
	s0 =	simm.s32 @p0 $0x1  }
0x13: {  	[smem:$0x3FB4] =	sst s0;
	s0 =	simm.s32 @!p1 $0x0  }
0x14: {  	s2 =	sld [smem:$0x3F98];
	s0 =	simm.s32 @p1 $0x1  }
0x15: {  	[smem:$0x3FB5] =	sst s0;
	s0 =	simm.s32 @!p2 $0x0  }
0x16: {  	s3 =	sld [smem:$0x3FDB];
	s0 =	simm.s32 @p2 $0x1  }
0x17: {  	s4 =	simm.s32 $0x1BF5;
	[smem:$0x3FB7] =	sst s0  }
0x18: {  	s0 =	sld [smem:$0x3F9A];
	_ =	swait.ge [sflag:s4], $0x0  }
0x19: {  	s7 =	sld [smem:$0x3F9B]  }
0x1a: {  	s8 =	sadd.s32 $0xFFFFE003, lr  }
0x1b: {  	s9 =	sadd.s32 $0xFFFFFEF7, lr;
	s5 =	simm.s32 $0xFFFFFFFF;
	p2 =	slt.u32 s8, $0xFFFFF086  }
0x1c: {  	p1 =	slt.u32 s9, $0xF7A;
	s5 =	simm.s32 @!p2 $0x0  }
0x1d: {  	s5 =	simm.s32 @p1 $0x1;
	p0 =	seq.s32 s7, s2  }
0x1e: {  	s7 =	smul.u32 @!p0 $0xF7A, s2;
	p2 =	seq.s32 @!p0 s5, $0x0  }
0x1f: {  	s9 =	smul.u32 $0xF7A, s1;
	s8 =	simm.s32 @!p0 $0x1BF5;
	p2 =	por !p2, p0  }
0x20: {  	[sflag:s8] =	ssyncset.s32 @!p0 $0xFFFFF086;
	s6 =	sadd.s32 @!p0 s3, s7;
	s7 =	simm.s32 @!p0 $0x108  }
0x21: {  	s3 =	sadd.s32 s3, s9;
	s6 =	sadd.s32 @!p0 $0x88, s6;
	s7 =	simm.s32 @p2 $0x1082  }
0x22: {  	[simem:s7], [sflag:s8] =	dma.local @!p0 [hbm:s6], $0xF7A  }
0x23: {  	s9 =	sor.u32 $0xD0000000, s2;
	s6 =	simm.s32 $0x108;
	_ =	swait.ge @!p0 [sflag:s8], $0x0  }
0x24: {  	s3 =	sadd.s32 $0x88, s3;
	s6 =	simm.s32 @!p1 $0x1082;
	[sflag:s4] =	ssyncset.s32 $0xFFFFF086  }
0x25: {  	[simem:s6], [sflag:s4] =	dma.local [hbm:s3], $0xF7A  }
0x26: {  	[smem:$0x3F9B] =	sst s1;
	(tag) =	ssettag s2;
	_ =	strace s9  }
0x27: {  	s1 =	sld [smem:$0x3FAB]  }
0x28: {  	s2 =	sld [smem:$0x3FAC]  }
0x29: {  	s4 =	sld [smem:$0x3FAE]  }
0x2a: {  	p0 =	seq.s32 s5, $0x0;
	s5 =	sld [smem:$0x3FAF]  }
0x2b: {  	s6 =	sld [smem:$0x3FB0]  }
0x2c: {  	s7 =	sld [smem:$0x3FB1]  }
0x2d: {  	s3 =	simm.s32 $0x108;
	s8 =	sld [smem:$0x3FB2]  }
0x2e: {  	s3 =	simm.s32 @!p0 $0x1082;
	s9 =	sld [smem:$0x3FB3]  }
0x2f: {  	lr =	sadd.s32 s0, s3;
	s0 =	sld [smem:$0x3FAA]  }
0x30: {  	s3 =	sld [smem:$0x3FAD]  }
0x31: {  	[smem:$0x3FB6] =	sst s10  }
0x32: {  	s10 =	sld [smem:$0x3FB4];
	_ =	sdelay $0x3  }
0x33: {  	p0 =	seq.s32 s10, $0x1;
	s10 =	sld [smem:$0x3FB6];
	_ =	sdelay $0x3  }
0x34: {  	[smem:$0x3FB6] =	sst s10  }
0x35: {  	s10 =	sld [smem:$0x3FB5];
	_ =	sdelay $0x3  }
0x36: {  	p1 =	seq.s32 s10, $0x1;
	s10 =	sld [smem:$0x3FB6];
	_ =	sdelay $0x3  }
0x37: {  	[smem:$0x3FB6] =	sst s10  }
0x38: {  	s10 =	sld [smem:$0x3FB7]  }
0x39: {  	_ = 	snop;
	(pc) =	sbr.ind lr, $3  }
0x3a: {  	_ = 	snop  }
0x3b: {  	_ = 	snop  }
0x3c: {  	p2 =	seq.s32 s10, $0x1;
	s10 =	sld [smem:$0x3FB6]  }
0x3d: {  	_ =	shalt  }
0x3e: {  	_ =	shalt  }
0x3f: {  	_ =	shalt  }
0x40: {  	_ =	shalt  }
0x41: {  	_ =	shalt  }
0x42: {  	_ =	shalt  }
0x43: {  	_ =	shalt  }
0x44: {  	_ =	shalt  }
0x45: {  	_ =	shalt  }
0x46: {  	_ =	shalt  }
0x47: {  	_ =	shalt  }
0x48: {  	_ =	shalt  }
0x49: {  	_ =	shalt  }
0x4a: {  	_ =	shalt  }
0x4b: {  	_ =	shalt  }
0x4c: {  	_ =	shalt  }
0x4d: {  	_ =	shalt  }
0x4e: {  	_ =	shalt  }
0x4f: {  	_ =	shalt  }
0x50: {  	_ =	shalt  }
0x51: {  	_ =	shalt  }
0x52: {  	_ =	shalt  }
0x53: {  	_ =	shalt  }
0x54: {  	_ =	shalt  }
0x55: {  	_ =	shalt  }
0x56: {  	_ =	shalt  }
0x57: {  	_ =	shalt  }
0x58: {  	_ =	shalt  }
0x59: {  	_ =	shalt  }
0x5a: {  	_ =	shalt  }
0x5b: {  	_ =	shalt  }
0x5c: {  	_ =	shalt  }
0x5d: {  	_ =	shalt  }
0x5e: {  	_ =	shalt  }
0x5f: {  	_ =	shalt  }
0x60: {  	_ =	shalt  }
0x61: {  	_ =	shalt  }
0x62: {  	_ =	shalt  }
0x63: {  	_ =	shalt  }
0x64: {  	_ =	shalt  }
0x65: {  	_ =	shalt  }
0x66: {  	_ =	shalt  }
0x67: {  	_ =	shalt  }
0x68: {  	_ =	shalt  }
0x69: {  	_ =	shalt  }
0x6a: {  	_ =	shalt  }
0x6b: {  	_ =	shalt  }
0x6c: {  	_ =	shalt  }
0x6d: {  	_ =	shalt  }
0x6e: {  	_ =	shalt  }
0x6f: {  	_ =	shalt  }
0x70: {  	_ =	shalt  }
0x71: {  	_ =	shalt  }
0x72: {  	_ =	shalt  }
0x73: {  	_ =	shalt  }
0x74: {  	_ =	shalt  }
0x75: {  	_ =	shalt  }
0x76: {  	_ =	shalt  }
0x77: {  	_ =	shalt  }
0x78: {  	_ =	shalt  }
0x79: {  	_ =	shalt  }
0x7a: {  	_ =	shalt  }
0x7b: {  	_ =	shalt  }
0x7c: {  	_ =	shalt  }
0x7d: {  	_ =	shalt  }
0x7e: {  	_ =	shalt  }
0x7f: {  	_ =	shalt  }
0x80: {  	_ =	shalt  }
0x81: {  	_ =	shalt  }
0x82: {  	_ =	shalt  }
0x83: {  	_ =	shalt  }
0x84: {  	_ =	shalt  }
0x85: {  	_ =	shalt  }
0x86: {  	_ =	shalt  }
0x87: {  	_ =	shalt  }
.Lfunc_end0:
.L_simem_size_0:
called_computation.10_lowered:
.L_overlay_start_0:
0x88: {  	s2 =	sld [smem:$0x3FD9]  }
0x89: {  	s3 =	sld [smem:$0x3FFE];
	_ =	sdelay $0x1  }
0x8a: {  	s1 =	srdreg.scid  }
0x8b: {  	s0 =	sand.u32 $0x1, s1  }
0x8c: {  	s17 =	sshll.u32 s0, $0xA;
	s2 =	sadd.s32 s3, s2  }
0x8d: {  	s2 =	sadd.s32 s2, s17  }
0x8e: {  	[smem:$0x3FC2] =	sst s2  }
0x8f: {  	_ = 	snop  }
0x90: {  	s2 =	sld [smem:$0x3FD0];
	(tm) =	ssettm $0x1  }
0x91: {  	s18 =	sld [smem:$0x3FFB];
	_ =	sdelay $0x3  }
0x92: {  	_ =	strace s18  }
0x93: {  	s3 =	sld [smem:$0x3FFC];
	_ =	sdelay $0x3  }
0x94: {  	_ =	strace s3  }
0x95: {  	s3 =	sld [smem:$0x3FFD];
	_ =	sdelay $0x3  }
0x96: {  	_ =	strace s3  }
0x97: {  	_ =	strace $0x8FFFFFFF  }
0x98: {  	s19 =	sld [smem:$0x3FDB];
	_ =	sdelay $0x1  }
0x99: {  	s4 =	simm.s32 $_scs_section_size  }
0x9a: {  	s5 =	simm.s32 $_size__tile_overlayer_lowered;
	s6 =	simm.s32 $_tile_overlayer_lowered  }
0x9b: {  	s22 =	simm.s32 $0x1BFF;
	s21 =	sshll.u32 s6, $0x1;
	s3 =	sadd.s32 s4, s19  }
0x9c: {  	s7 =	simm.s32 $0x0;
	s20 =	sshll.u32 s5, $0x1;
	s5 =	sadd.s32 s21, s3  }
0x9d: {  	[timem:s7], [sflag:s22] =	dma.local [hbm:s5], s20  }
0x9e: {  	_ =	swait.ge [sflag:s22], s20  }
0x9f: {  	s4 =	ssub.s32 $0x0, s20;
	[sflag:s22] =	ssyncset.done $0x0  }
0xa0: {  	[sflag:s22] =	ssyncadd.s32 s4;
	_ =	sdelay $0x1  }
0xa1: {  	s23 =	simm.s32 $0x1B8B  }
0xa2: {  	_ =	swait.ge [sflag:s23], $0x1  }
0xa3: {  	[sflag:s23] =	ssyncset.done $0x0  }
0xa4: {  	s25 =	simm.s32 $0x1B8E;
	s24 =	sld [smem:$0x3FFE];
	[sflag:s23] =	ssyncadd.s32 $0xFFFFFFFF  }
0xa5: {  	s26 =	simm.s32 $execute0_lowered;
	[smem:$0x3FD2] =	sst s25  }
0xa6: {  	s5 =	sshll.u32 s26, $0x1;
	_ =	strace $0x80000064;
	[dreg:$0x1] =	wrdreg $0xFFFFFFFF  }
0xa7: {  	s28 =	simm.s32 $_size_execute0_lowered;
	s3 =	sadd.s32 s3, s5;
	[dreg:$0x0] =	wrdreg $0x0  }
0xa8: {  	s5 =	sshll.u32 s28, $0x1;
	[dreg:$0x2] =	wrdreg s3  }
0xa9: {  	[dreg:$0x3] =	wrdreg s5  }
0xaa: {  	[dreg:$0x4] =	wrdreg $0xC0  }
0xab: {  	_ =	task [dreg:s7], $0x5FFFF  }
0xac: {  	[dreg:$0x1] =	wrdreg $0xFFFFFFFF  }
0xad: {  	[dreg:$0x0] =	wrdreg $0x60  }
0xae: {  	[dreg:$0x2] =	wrdreg s2  }
0xaf: {  	[dreg:$0x3] =	wrdreg s24  }
0xb0: {  	[dreg:$0x4] =	wrdreg $0x41000  }
0xb1: {  	[dreg:$0x5] =	wrdreg $0x9  }
0xb2: {  	_ =	task.clear_ibuf [dreg:s7], $0x6FFFF;
	_ =	strace $0x90000064  }
0xb3: {  	s29 =	simm.s32 $0x9;
	_ =	strace $0x80000066  }
0xb4: {  	_ =	swait.ge [sflag:s29], $0x1  }
0xb5: {  	[sflag:s29] =	ssyncadd.s32 $0xFFFFFFFF  }
0xb6: {  	_ =	strace $0x90000066  }
0xb7: {  	_ =	sfence  }
0xb8: {  	s30 =	sld [smem:$0x0];
	_ =	sdelay $0x2  }
0xb9: {  	s31 =	sshll.u32 s1, $0xD;
	s1 =	sshrl.u32 s1, $0x2  }
0xba: {  	s3 =	sand.u32 $0x4000, s31;
	s1 =	sadd.s32 s1, s30  }
0xbb: {  	s0 =	sor.u32 s3, s0;
	s1 =	sshll.u32 s1, $0x11  }
0xbc: {  	s0 =	sor.u32 s1, s0  }
0xbd: {  	s0 =	sadd.s32 $0x8F2B, s0  }
0xbe: {  	[sflag:s0] =	ssyncadd.remote.s32 $0x1  }
0xbf: {  	_ =	sfence.sel $0xFFFF  }
0xc0: {  	[dreg:$0x0] =	wrdreg $0xFFFFFFFF;
	(pc) =	sbr.abs _section_cstart, $3  }
0xc1: {  	[dreg:$0x1] =	wrdreg $0xFFFFFFFF  }
0xc2: {  	_ =	task.clear_ibuf [dreg:s7], $0x2FFFF;
	_ =	strace $0x9FFFFFFF  }
0xc3: {  	(tm) =	ssettm $0x7FFFFFFF  }
tec
execute0_lowered:
.L_overlay_start_1:
0x0: {  	(tag) =	ssettag $0x1  }
0x1: {  	s1 =	rddreg [dreg:$0x0]  }
0x2: {  	s8 =	rddreg [dreg:$0x1]  }
0x3: {  	s2 =	rddreg [dreg:$0x2];
	s3 =	srdreg.scid  }
0x4: {  	s0 =	rddreg [dreg:$0x3];
	s4 =	simm.s32 $0x0;
	s9 =	sand.u32 $0x1, s3  }
0x5: {  	s15 =	simm.s32 $0x100;
	s3 =	stileid.u32;
	s10 =	smul.u32 $0x140000, s9  }
0x6: {  	s16 =	simm.s32 $0x1;
	s17 =	simm.s32 $0x0;
	s11 =	smul.u32 $0x14000, s3  }
0x7: {  	[smem:$0x7FF] =	sst s4;
	s5 =	sadd.s32 $0x62200, s8;
	s12 =	smul.u32 $0x50000, s3  }
0x8: {  	s6 =	sadd.s32 $0x6A00, s8;
	s30 =	ssub.s32 $0x2, s9;
	s9 =	smul.u32 $0x2C000, s9  }
0x9: {  	s7 =	sadd.s32 $0x94400, s8;
	_ =	strace $0x80000065;
	s14 =	smul.u32 $0x2C00, s3  }
0xa: {  	s13 =	sshll.u32 s3, $0x6;
	s31 =	sshrl.u32 s30, $0x1;
	s10 =	sadd.s32 s11, s10  }
0xb: {  	s12 =	sshrl.u32 s12, $0x2;
	s11 =	ssub.s32 s30, s31;
	s9 =	sadd.s32 s14, s9  }
0xc: {  	s14 =	simm.s32 $0x80;
	s10 =	sshrl.u32 s10, $0x3;
	s12 =	sadd.s32 s12, s2  }
0xd: {  	s11 =	smax.u32 s11, $0x1;
	s10 =	sadd.s32 s10, s8;
	s8 =	sor.u32 $0x1C02, s13  }
0xe: {  	s12 =	sshrl.u32 s12, $0x3;
	s13 =	simm.s32 $0x2;
	s10 =	sadd.s32 $0x96C00, s10  }
.LBB2_1:
0xf: {  	[spmem:s12], [sflag:s8] =	dma.local [hbm:s7], $0x2800  }
0x10: {  	s18 =	sand.u32 $0x3C00, s4  }
0x11: {  	s19 =	sand.u32 $0x380, s4;
	_ =	swait.ge [sflag:s13], $0x2800;
	s18 =	sadd.s32 s18, s9  }
0x12: {  	[sflag:s13] =	ssyncset.done $0x0;
	s18 =	sor.u32 s19, s18  }
0x13: {  	[sflag:s13] =	ssyncadd.s32 $0xFFFFD800;
	s18 =	sshrl.u32 s18, $0x3  }
0x14: {  	[bflag:$0x0] =	sbarrier.arrive $0xFFFF;
	s29 =	sadd.s32 s5, s18  }
0x15: {  	[tilespmem:s4], [sflag:$0x2] =	stream.linear.gather [hbm4b:s29+s4], $0x80, $0x38;
	[tilespmem:$0x18100] =	vst v63  }
0x16: {  	_ =	swait.ge [sflag:s13], $0x80  }
0x17: {  	[sflag:s13] =	ssyncset.done $0x0  }
0x18: {  	[sflag:s13] =	ssyncadd.s32 $0xFFFFFF80  }
0x19: {  	[tilespmem:s15], [sflag:$0x1] =	stream.indirect.gather [hbm4b:s1+s14], $0x80, s4, s14, $0xb8;
	[tilespmem:$0x18100] =	vst v63  }
0x1a: {  	s18 =	sadd.s32 s6, s18  }
0x1b: {  	[tilespmem:s14], [sflag:$0x2] =	stream.linear.gather [hbm4b:s18+s4], $0x80, $0x38;
	[tilespmem:$0x18100] =	vst v63  }
0x1c: {  	_ =	swait.ge [sflag:s13], $0x80  }
0x1d: {  	s30 =	simm.s32 $0x80;
	[sflag:s13] =	ssyncset.done $0x0  }
0x1e: {  	s31 =	sand.u32 $0x3C00, s30;
	[sflag:s13] =	ssyncadd.s32 $0xFFFFFF80  }
0x1f: {  	s19 =	sadd.s32 s31, s9;
	s18 =	sand.u32 $0x380, s30;
	_ =	swait.ge [sflag:s16], $0x4000  }
0x20: {  	s19 =	sor.u32 s18, s19;
	[sflag:s16] =	ssyncset.done $0x0  }
0x21: {  	s18 =	simm.s32 $0x100;
	s19 =	sshrl.u32 s19, $0x3;
	[sflag:s16] =	ssyncadd.s32 $0xFFFFC000  }
.LBB2_2:
0x22: {  	[spmem:s2] =	stream.indirect.scatter.add.f32 [tilespmem:s15], [sflag:$0x2], $0x80, s14, s14, $0xb8;
	[tilespmem:$0x18100] =	vst v63  }
0x23: {  	s20 =	smov.u32 s18  }
0x24: {  	p0 =	sne.s32 s18, $0x2800;
	s18 =	sadd.s32 $0x80, s18;
	_ =	swait.ge [sflag:s13], $0x4000  }
0x25: {  	[sflag:s13] =	ssyncset.done $0x0  }
0x26: {  	s21 =	sadd.s32 s5, s19;
	[sflag:s13] =	ssyncadd.s32 $0xFFFFC000  }
0x27: {  	[tilespmem:s4], [sflag:$0x2] =	stream.linear.gather [hbm4b:s21+s4], $0x80, $0x38;
	[tilespmem:$0x18100] =	vst v63  }
0x28: {  	_ =	swait.ge [sflag:s13], $0x80  }
0x29: {  	[sflag:s13] =	ssyncset.done $0x0  }
0x2a: {  	[sflag:s13] =	ssyncadd.s32 $0xFFFFFF80  }
0x2b: {  	[tilespmem:s15], [sflag:$0x1] =	stream.indirect.gather [hbm4b:s1+s14], $0x80, s4, s14, $0xb8;
	[tilespmem:$0x18100] =	vst v63  }
0x2c: {  	s19 =	sadd.s32 s6, s19  }
0x2d: {  	[tilespmem:s14], [sflag:$0x2] =	stream.linear.gather [hbm4b:s19+s4], $0x80, $0x38;
	[tilespmem:$0x18100] =	vst v63  }
0x2e: {  	_ =	swait.ge [sflag:s13], $0x80  }
.Ltmp0:
0x2f: {  	[sflag:s13] =	ssyncset.done $0x0;
	(pc) =	sbr.rel @p0 .LBB2_2-.Ltmp0, $4  }
0x30: {  	s19 =	sand.u32 $0x3C00, s20;
	[sflag:s13] =	ssyncadd.s32 $0xFFFFFF80  }
0x31: {  	s20 =	sand.u32 $0x380, s20;
	s19 =	sadd.s32 s19, s9;
	_ =	swait.ge [sflag:s16], $0x4000  }
0x32: {  	s19 =	sor.u32 s20, s19;
	[sflag:s16] =	ssyncset.done $0x0  }
0x33: {  	s19 =	sshrl.u32 s19, $0x3;
	[sflag:s16] =	ssyncadd.s32 $0xFFFFC000  }
0x34: {  	[spmem:s2] =	stream.indirect.scatter.add.f32 [tilespmem:s15], [sflag:$0x2], $0x80, s14, s14, $0xb8;
	[tilespmem:$0x18100] =	vst v63  }
0x35: {  	_ =	swait.ge [sflag:s13], $0x4000  }
0x36: {  	[sflag:s13] =	ssyncset.done $0x0  }
0x37: {  	s18 =	sadd.s32 s5, s19;
	[sflag:s13] =	ssyncadd.s32 $0xFFFFC000  }
0x38: {  	[tilespmem:s4], [sflag:$0x2] =	stream.linear.gather [hbm4b:s18+s4], $0x80, $0x38;
	[tilespmem:$0x18100] =	vst v63  }
0x39: {  	_ =	swait.ge [sflag:s13], $0x80  }
0x3a: {  	[sflag:s13] =	ssyncset.done $0x0  }
0x3b: {  	[sflag:s13] =	ssyncadd.s32 $0xFFFFFF80  }
0x3c: {  	[tilespmem:s15], [sflag:$0x1] =	stream.indirect.gather [hbm4b:s1+s14], $0x80, s4, s14, $0xb8;
	[tilespmem:$0x18100] =	vst v63  }
0x3d: {  	s31 =	sadd.s32 s6, s19  }
0x3e: {  	[tilespmem:s14], [sflag:$0x2] =	stream.linear.gather [hbm4b:s31+s4], $0x80, $0x38;
	[tilespmem:$0x18100] =	vst v63  }
0x3f: {  	_ =	swait.ge [sflag:s13], $0x80  }
0x40: {  	[sflag:s13] =	ssyncset.done $0x0  }
0x41: {  	[sflag:s13] =	ssyncadd.s32 $0xFFFFFF80  }
0x42: {  	_ =	swait.ge [sflag:s16], $0x4000  }
0x43: {  	[sflag:s16] =	ssyncset.done $0x0  }
0x44: {  	[sflag:s16] =	ssyncadd.s32 $0xFFFFC000  }
0x45: {  	[spmem:s2] =	stream.indirect.scatter.add.f32 [tilespmem:s15], [sflag:$0x2], $0x80, s14, s14, $0xb8;
	[tilespmem:$0x18100] =	vst v63  }
0x46: {  	_ =	swait.ge [sflag:s13], $0x4000  }
0x47: {  	s17 =	sadd.s32 $0x1, s17;
	[sflag:s13] =	ssyncset.done $0x0  }
0x48: {  	p0 =	sne.s32 s17, s11;
	[sflag:s13] =	ssyncadd.s32 $0xFFFFC000  }
.Ltmp1:
0x49: {  	[bflag:$0x0] =	sbarrier.arrive $0xFFFF;
	(pc) =	sbr.rel @p0 .LBB2_1-.Ltmp1, $4  }
0x4a: {  	[hbm:s10], [sflag:s8] =	dma.local [spmem:s12], $0x2800  }
0x4b: {  	_ =	swait.ge [sflag:s13], $0x2800  }
0x4c: {  	[sflag:s13] =	ssyncset.done $0x0  }
0x4d: {  	[sflag:s13] =	ssyncadd.s32 $0xFFFFD800  }
0x4e: {  	_ =	sfence.sel $0x180000  }
0x4f: {  	[bflag:$0x0] =	sbarrier.arrive $0xFFFF  }
0x50: {  	p0 =	sne.s32 s3, $0x0;
	_ =	strace $0x90000065  }
0x51: {  	s0 =	sadd.s32 @!p0 $0x100000, s0;
	[bflag:$0x2] =	sbarrier.arrive $0xFFFF  }
0x52: {  	[sflag:s0] =	ssyncadd.tile.s32 @!p0 $0x1;
	_ =	shalt  }
.Lfunc_end2:
_tile_overlayer_lowered:
.L_overlay_start_2:
0x53: {  	(tag) =	ssettag $0x2  }
0x54: {  	s0 =	rddreg [dreg:$0x0];
	s2 =	stileid.u32  }
0x55: {  	s1 =	rddreg [dreg:$0x1];
	p0 =	sne.s32 s2, $0x0  }
0x56: {  	s3 =	rddreg [dreg:$0x2];
	[bflag:$0x3] =	sbarrier.arrive $0xFFFF;
	s2 =	simm.s32 @!p0 $0x1C02  }
0x57: {  	[timem:s3], [sflag:s2] =	dma.local @!p0 [hbm:s0], s1  }
0x58: {  	s0 =	simm.s32 @!p0 $0x2  }
0x59: {  	_ =	swait.ge @!p0 [sflag:s0], s1  }
0x5a: {  	s1 =	ssub.s32 @!p0 $0x0, s1;
	[sflag:s0] =	ssyncset.done @!p0 $0x0  }
0x5b: {  	[sflag:s0] =	ssyncadd.s32 @!p0 s1  }
0x5c: {  	[bflag:$0x3] =	sbarrier.arrive $0xFFFF  }
0x5d: {  	_ =	shalt  }

</sc_bundles>
